<compile_context>
chip_gen: v7x
topology: tpu7x:2x2x1
jax: 0.10.2.dev20260603
libtpu: 0.0.44.dev20260713+nightly
codegen_flags: <defaults>
</compile_context>

<pallas_src>
import functools

import jax
import jax.numpy as jnp
from jax import lax
from jax.experimental import pallas as pl
from jax.experimental.pallas import tpu as pltpu
from jax.experimental.pallas import tpu_sc as plsc

N = 50000
K = 16
CIN = 4
C = 64
H = 64
NBLK = 4

NW = 32
NP = 51200
M = N * K
MPAD = NP * K
CE = 2560
E0 = 48640
E1 = 2560
CH = 80
F0 = 3120
F1 = 80
KCH = K * CH

@functools.lru_cache(maxsize=None)
def _sc_kernels():
    mesh = plsc.VectorSubcoreMesh(core_axis_name="c", subcore_axis_name="s")

    @functools.partial(
        pl.kernel,
        out_type=jax.ShapeDtypeStruct((MPAD, 8), jnp.float32),
        mesh=mesh,
        scratch_types=[
            pltpu.VMEM((2, CE), jnp.int32),
            pltpu.VMEM((2, CE, 8), jnp.float32),
            pltpu.SemaphoreType.DMA,
            pltpu.SemaphoreType.DMA,
            pltpu.SemaphoreType.DMA,
        ],
        compiler_params=pltpu.CompilerParams(use_tc_tiling_on_sc=False),
    )
    def sc_head_gather(idx_hbm, pf_hbm, out_hbm, idx_v, buf_v, gsem, isem, osem):
        cid = lax.axis_index("c")
        sid = lax.axis_index("s")
        base = jnp.where(cid == 0, sid * E0, 16 * E0 + sid * E1)
        nch = jnp.where(cid == 0, E0 // CE, E1 // CE)

        def islice(c):
            return idx_hbm.at[pl.ds(base + c * CE, CE)]

        def oslice(c):
            return out_hbm.at[pl.ds(base + c * CE, CE)]

        @pl.when(nch >= 1)
        def _():
            pltpu.sync_copy(islice(0), idx_v.at[0])
            pltpu.async_copy(pf_hbm.at[idx_v.at[0]], buf_v.at[0], gsem)

        @pl.when(nch >= 2)
        def _():
            pltpu.async_copy(islice(1), idx_v.at[1], isem)

        @pl.loop(0, nch)
        def _chunk(c):
            p = c % 2
            pltpu.make_async_copy(pf_hbm.at[idx_v.at[p]], buf_v.at[p],
                                  gsem).wait()

            @pl.when(c >= 1)
            def _():
                pltpu.make_async_copy(buf_v.at[1 - p], oslice(c - 1),
                                      osem).wait()

            @pl.when(c + 1 < nch)
            def _():
                pltpu.make_async_copy(islice(c + 1), idx_v.at[1 - p],
                                      isem).wait()
                pltpu.async_copy(pf_hbm.at[idx_v.at[1 - p]], buf_v.at[1 - p],
                                 gsem)

            @pl.when(c + 2 < nch)
            def _():
                pltpu.async_copy(islice(c + 2), idx_v.at[p], isem)

            pltpu.async_copy(buf_v.at[p], oslice(c), osem)

        @pl.when(nch >= 1)
        def _():
            pltpu.make_async_copy(buf_v.at[(nch - 1) % 2], oslice(nch - 1),
                                  osem).wait()

    @functools.partial(
        pl.kernel,
        out_type=jax.ShapeDtypeStruct((NP, C), jnp.bfloat16),
        mesh=mesh,
        scratch_types=[
            pltpu.VMEM((2, KCH), jnp.int32),
            pltpu.VMEM((2, KCH, C), jnp.bfloat16),
            pltpu.VMEM((2, CH, C), jnp.bfloat16),
            pltpu.SemaphoreType.DMA,
            pltpu.SemaphoreType.DMA,
            pltpu.SemaphoreType.DMA,
        ],
        compiler_params=pltpu.CompilerParams(use_tc_tiling_on_sc=False),
    )
    def sc_gathermax(idx_hbm, h_hbm, out_hbm, idx_v, buf_v, gm_v,
                     gsem, isem, osem):
        cid = lax.axis_index("c")
        sid = lax.axis_index("s")
        nbase = jnp.where(cid == 0, sid * F0, 16 * F0 + sid * F1)
        nch = jnp.where(cid == 0, F0 // CH, F1 // CH)

        def islice(c):
            return idx_hbm.at[pl.ds((nbase + c * CH) * K, KCH)]

        def oslice(c):
            return out_hbm.at[pl.ds(nbase + c * CH, CH)]

        @pl.when(nch >= 1)
        def _():
            pltpu.sync_copy(islice(0), idx_v.at[0])
            pltpu.async_copy(h_hbm.at[idx_v.at[0]], buf_v.at[0], gsem)

        @pl.when(nch >= 2)
        def _():
            pltpu.async_copy(islice(1), idx_v.at[1], isem)

        @pl.loop(0, nch)
        def _chunk(c):
            p = c % 2
            pltpu.make_async_copy(h_hbm.at[idx_v.at[p]], buf_v.at[p],
                                  gsem).wait()

            @pl.when(c + 1 < nch)
            def _():
                pltpu.make_async_copy(islice(c + 1), idx_v.at[1 - p],
                                      isem).wait()
                pltpu.async_copy(h_hbm.at[idx_v.at[1 - p]], buf_v.at[1 - p],
                                 gsem)

            @pl.when(c + 2 < nch)
            def _():
                pltpu.async_copy(islice(c + 2), idx_v.at[p], isem)

            @pl.when(c >= 1)
            def _():
                pltpu.make_async_copy(gm_v.at[1 - p], oslice(c - 1),
                                      osem).wait()

            def body(r, _):
                for cc in range(C // 32):
                    sl = pl.ds(cc * 32, 32)
                    v = buf_v[p, r * K, sl]
                    for k in range(1, K):
                        v = jnp.maximum(v, buf_v[p, r * K + k, sl])
                    gm_v[p, r, sl] = v
                return 0

            lax.fori_loop(0, CH, body, 0)
            pltpu.async_copy(gm_v.at[p], oslice(c), osem)

        @pl.when(nch >= 1)
        def _():
            pltpu.make_async_copy(gm_v.at[(nch - 1) % 2], oslice(nch - 1),
                                  osem).wait()

    return sc_head_gather, sc_gathermax


def _sc_head_gather(idx_flat, pf):
    return _sc_kernels()[0](idx_flat, pf)


def _sc_gathermax(idx_flat, h):
    return _sc_kernels()[1](idx_flat, h)


BN = 2048
BE4 = BN * 4


def _tc_head_body(xe_ref, p32_ref, w1_ref, g1_ref, b1_ref, w2_ref, g2_ref,
                  b2_ref, w3_ref, gg_ref, gb_ref, fe_ref):
    a = jnp.dot(xe_ref[...], w1_ref[...],
                preferred_element_type=jnp.float32)
    b = jnp.dot(p32_ref[...], w1_ref[...],
                preferred_element_type=jnp.float32)
    b4 = jnp.broadcast_to(b[:, None, :], (BN, 4, 128)).reshape(BE4, 128)
    y = jax.nn.gelu((a - b4) * g1_ref[...] + b1_ref[...])
    y = jnp.dot(y, w2_ref[...], preferred_element_type=jnp.float32)
    y = jax.nn.gelu(y * g2_ref[...] + b2_ref[...])
    y = jnp.dot(y, w3_ref[...], preferred_element_type=jnp.float32)
    y = jnp.max(y.reshape(BN, 4, 256), axis=1)
    m = jnp.maximum(jnp.maximum(y[:, 0:64], y[:, 64:128]),
                    jnp.maximum(y[:, 128:192], y[:, 192:256]))
    fe_ref[...] = m * gg_ref[...] + gb_ref[...]


def _tc_head(xe4, p32, w1bd, g1t, b1t, w2bd, g2t, b2t, w3bd, gg, gb):
    nblocks = NP // BN
    full = lambda shape: pl.BlockSpec(shape, lambda i: (0, 0))
    return pl.pallas_call(
        _tc_head_body,
        grid=(nblocks,),
        in_specs=[
            pl.BlockSpec((BE4, 32), lambda i: (i, 0)),
            pl.BlockSpec((BN, 32), lambda i: (i, 0)),
            full((32, 128)), full((1, 128)), full((1, 128)),
            full((128, 256)), full((1, 256)), full((1, 256)),
            full((256, 256)), full((1, 64)), full((1, 64)),
        ],
        out_specs=pl.BlockSpec((BN, C), lambda i: (i, 0)),
        out_shape=jax.ShapeDtypeStruct((NP, C), jnp.float32),
    )(xe4, p32, w1bd, g1t, b1t, w2bd, g2t, b2t, w3bd, gg, gb)


BM = 2048


def _tc_mlp_body(x_ref, g_ref, rg_ref, rb_ref, wa_ref, wb_ref,
                 fe_ref, h_ref):
    fe = x_ref[...] + g_ref[...].astype(jnp.float32)
    fe_ref[...] = fe
    x = fe * rg_ref[...] + rb_ref[...]
    y = jnp.dot(x, wa_ref[...], preferred_element_type=jnp.float32)
    y = jax.nn.gelu(y)
    h = jnp.dot(y, wb_ref[...], preferred_element_type=jnp.float32)
    h_ref[...] = h.astype(jnp.bfloat16)


def _tc_mlp(fe, g, rg1, rb1, wa, wb):
    nblocks = NP // BM
    full = lambda shape: pl.BlockSpec(shape, lambda i: (0, 0))
    return pl.pallas_call(
        _tc_mlp_body,
        grid=(nblocks,),
        in_specs=[
            pl.BlockSpec((BM, C), lambda i: (i, 0)),
            pl.BlockSpec((BM, C), lambda i: (i, 0)),
            full((1, C)), full((1, C)),
            full((C, 128)), full((128, C)),
        ],
        out_specs=[
            pl.BlockSpec((BM, C), lambda i: (i, 0)),
            pl.BlockSpec((BM, C), lambda i: (i, 0)),
        ],
        out_shape=[
            jax.ShapeDtypeStruct((NP, C), jnp.float32),
            jax.ShapeDtypeStruct((NP, C), jnp.bfloat16),
        ],
    )(fe, g, rg1, rb1, wa, wb)


def _tc_add_body(x_ref, g_ref, o_ref):
    o_ref[...] = x_ref[...] + g_ref[...].astype(jnp.float32)


def _tc_add(fe, g):
    nblocks = NP // BM
    return pl.pallas_call(
        _tc_add_body,
        grid=(nblocks,),
        in_specs=[
            pl.BlockSpec((BM, C), lambda i: (i, 0)),
            pl.BlockSpec((BM, C), lambda i: (i, 0)),
        ],
        out_specs=pl.BlockSpec((BM, C), lambda i: (i, 0)),
        out_shape=jax.ShapeDtypeStruct((NP, C), jnp.float32),
    )(fe, g)


def _block_diag(*ms):
    rows = sum(m.shape[0] for m in ms)
    cols = sum(m.shape[1] for m in ms)
    out = jnp.zeros((rows, cols), ms[0].dtype)
    r = c = 0
    for m in ms:
        out = out.at[r:r + m.shape[0], c:c + m.shape[1]].set(m)
        r += m.shape[0]
        c += m.shape[1]
    return out


def kernel(p, p_gs, f, group_idx, W1, g1, b1, W2, g2, b2, W3,
           gnb_g, gnb_b, Wa, Wb, rg, rb):
    del p_gs
    idx32 = group_idx.astype(jnp.int32)
    idx_flat = jnp.concatenate(
        [idx32.reshape(-1), jnp.zeros((MPAD - M,), jnp.int32)])

    pf = jnp.concatenate([p, f, jnp.zeros((N, 1), jnp.float32)], axis=1)
    ps8 = jnp.concatenate([p, jnp.zeros((N, 5), jnp.float32)], axis=1)
    ps8 = jnp.concatenate([ps8, jnp.zeros((NP - N, 8), jnp.float32)], axis=0)
    p32 = jnp.tile(ps8, (1, 4))

    w1p = jnp.concatenate([W1, jnp.zeros((1, 32), jnp.float32)], axis=0)
    w1bd = _block_diag(w1p, w1p, w1p, w1p)
    g1t = jnp.tile(g1, 4)[None, :]
    b1t = jnp.tile(b1, 4)[None, :]
    w2bd = _block_diag(W2, W2, W2, W2)
    g2t = jnp.tile(g2, 4)[None, :]
    b2t = jnp.tile(b2, 4)[None, :]
    w3bd = _block_diag(W3, W3, W3, W3)

    xe = _sc_head_gather(idx_flat, pf)
    fe = _tc_head(xe.reshape(MPAD // 4, 32), p32,
                  w1bd, g1t, b1t, w2bd, g2t, b2t, w3bd,
                  gnb_g[None, :], gnb_b[None, :])

    g = jnp.zeros((NP, C), jnp.bfloat16)
    for i in range(NBLK):
        fe, h = _tc_mlp(fe, g, rg[i][None, :], rb[i][None, :], Wa[i], Wb[i])
        g = _sc_gathermax(idx_flat, h)

    return _tc_add(fe, g)[:N]

# --- scband reference (transcript-rebuilt; emitter-appended) ---
"""Pipeline reference for scband-stage-49873160241240 (READ-ONLY COPY).

The authoritative reference and input builder live on the scoring server;
editing this copy changes nothing except your own understanding.
"""

import jax, jax.numpy as jnp
import numpy as np

N = 50000   # n_nodes
K = 16      # neighbors per node (avg_degree)
CIN = 4     # in_channels
C = 64      # out_channels (channel_list[0])
H = 64      # nbr hidden channels (channel_list[0])
NBLK = 4    # res_blocks[0]
MLP_RATIO = 2

def setup_inputs(seed: int = 0) -> dict:
    key = jax.random.key(seed)
    ks = jax.random.split(key, 16)
    p = jax.random.normal(ks[0], (N, 3), dtype=jnp.float32)
    p_gs = jax.random.normal(ks[1], (N, 3), dtype=jnp.float32)
    f = jax.random.normal(ks[2], (N, CIN), dtype=jnp.float32)
    group_idx = jax.random.randint(ks[3], (N, K), 0, N, dtype=jnp.int64)
    # nbr_embed params: Linear(3+CIN -> H//2) + BN + GELU + Linear(H//2 -> H) + BN + GELU + Linear(H -> C)
    W1 = jax.random.normal(ks[4], (3 + CIN, H // 2), dtype=jnp.float32) * 0.1
    g1 = jnp.ones((H // 2,), dtype=jnp.float32)
    b1 = jnp.zeros((H // 2,), dtype=jnp.float32)
    W2 = jax.random.normal(ks[5], (H // 2, H), dtype=jnp.float32) * 0.1
    g2 = jnp.ones((H,), dtype=jnp.float32)
    b2 = jnp.zeros((H,), dtype=jnp.float32)
    W3 = jax.random.normal(ks[6], (H, C), dtype=jnp.float32) * 0.1
    # nbr_bn (init weight 0.8 per module)
    gnb_g = jnp.ones((C,), dtype=jnp.float32) * 0.8
    gnb_b = jnp.zeros((C,), dtype=jnp.float32)
    # InvResMLP blocks: per-block BN-affine, Linear(C -> mlp_ratio*C), GELU, Linear(mlp_ratio*C -> C), local max-agg, residual
    Wa = jax.random.normal(ks[7], (NBLK, C, MLP_RATIO * C), dtype=jnp.float32) * 0.05
    Wb = jax.random.normal(ks[8], (NBLK, MLP_RATIO * C, C), dtype=jnp.float32) * 0.05
    rg = jnp.ones((NBLK, C), dtype=jnp.float32)
    rb = jnp.zeros((NBLK, C), dtype=jnp.float32)
    return {"p": p, "p_gs": p_gs, "f": f, "group_idx": group_idx,
            "W1": W1, "g1": g1, "b1": b1, "W2": W2, "g2": g2, "b2": b2, "W3": W3,
            "gnb_g": gnb_g, "gnb_b": gnb_b, "Wa": Wa, "Wb": Wb, "rg": rg, "rb": rb}

def reference(p, p_gs, f, group_idx, W1, g1, b1, W2, g2, b2, W3, gnb_g, gnb_b, Wa, Wb, rg, rb):
    # head stage (layer_index=0): group neighbors, relative positions, concat features
    p_group = jnp.take(p, group_idx, axis=0) - p[:, None, :]          # [N, K, 3]
    f_group = jnp.take(f, group_idx, axis=0)                           # [N, K, CIN]
    x = jnp.concatenate([p_group, f_group], axis=-1).reshape(-1, 3 + CIN)
    # nbr_embed (BN in eval mode == per-feature affine with fresh running stats)
    x = jax.nn.gelu((x @ W1) * g1 + b1)
    x = jax.nn.gelu((x @ W2) * g2 + b2)
    x = x @ W3
    x = x.reshape(N, K, C).max(axis=1)                                 # max over K neighbors
    fe = x * gnb_g + gnb_b                                             # nbr_bn (weight init 0.8)
    # InvResMLP: residual inverted MLP blocks with local neighbor max-aggregation
    for i in range(NBLK):
        h = fe * rg[i] + rb[i]
        h = jax.nn.gelu(h @ Wa[i]) @ Wb[i]
        h = jnp.take(h, group_idx, axis=0).max(axis=1)                 # local aggregation gather+max
        fe = fe + h
    return fe

if __name__ == "__main__":
    import jax
    _d = setup_inputs()
    print(jax.jit(kernel)(*tuple(_d.values())))

</pallas_src>

<mosaic_0001>
#map = affine_map<(d0, d1) -> (0)>
#map1 = affine_map<(d0, d1) -> (0, 0)>
module attributes {stable_mosaic.version = 14 : i64} {
  func.func @sc_gathermax(%arg0: i32, %arg1: i32, %arg2: memref<819200xi32, #tpu.memory_space<hbm>>, %arg3: memref<51200x64xbf16, #tpu.memory_space<hbm>>, %arg4: memref<51200x64xbf16, #tpu.memory_space<hbm>>, %arg5: memref<2x1280xi32, #tpu.memory_space<vmem>>, %arg6: memref<2x1280x64xbf16, #tpu.memory_space<vmem>>, %arg7: memref<2x80x64xbf16, #tpu.memory_space<vmem>>, %arg8: memref<!tpu.dma_semaphore, #tpu.memory_space<semaphore_mem>>, %arg9: memref<!tpu.dma_semaphore, #tpu.memory_space<semaphore_mem>>, %arg10: memref<!tpu.dma_semaphore, #tpu.memory_space<semaphore_mem>>) attributes {dimension_semantics = [#tpu.dimension_semantics<core_parallel>, #tpu.dimension_semantics<subcore_parallel>], iteration_bounds = array<i64: 2, 16>, scalar_prefetch = 0 : i64, scratch_operands = 6 : i64, tpu.core_type = #tpu.core_type<sc_vector_subcore>, window_params = [{transform_indices = #map}, {transform_indices = #map1}, {transform_indices = #map1}]} {
    %eq3A = arith.constant 0 : i32
    %eq3A_0 = arith.cmpi eq, %arg0, %eq3A : i32
    %mul3A = arith.constant 3120 : i32
    %mul3A_1 = arith.muli %arg1, %mul3A : i32
    %mul3A_2 = arith.constant 80 : i32
    %mul3A_3 = arith.muli %arg1, %mul3A_2 : i32
    %add3A = arith.constant 49920 : i32
    %add3A_4 = arith.addi %add3A, %mul3A_3 : i32
    %select_n3A = arith.select %eq3A_0, %mul3A_1, %add3A_4 : i32
    %eq3A_5 = arith.constant 0 : i32
    %eq3A_6 = arith.cmpi eq, %arg0, %eq3A_5 : i32
    %jit3A = arith.constant 39 : i32
    %jit3A_7 = arith.constant 1 : i32
    %select_n3A_8 = arith.select %eq3A_6, %jit3A, %jit3A_7 : i32
    %ge3A = arith.constant 1 : i32
    %ge3A_9 = arith.cmpi sge, %select_n3A_8, %ge3A : i32
    %convert_element_type3A = arith.extui %ge3A_9 : i1 to i32
    %cond3A = arith.constant 0 : i32
    %cond3A_10 = arith.cmpi ne, %convert_element_type3A, %cond3A : i32
    scf.if %cond3A_10 {
      %add3A_37 = arith.constant 0 : i32
      %add3A_38 = arith.addi %select_n3A, %add3A_37 : i32
      %mul3A_39 = arith.constant 16 : i32
      %mul3A_40 = arith.muli %add3A_38, %mul3A_39 : i32
      %run_scoped3A = arith.constant 0 : i32
      "tpu.region"() ({
        %run_scoped3A_52 = tpu.sem_alloc : memref<!tpu.dma_semaphore, #tpu.memory_space<semaphore_mem>>
        %dma_start3A_53 = arith.constant 0 : i32
        %dma_start3A_54 = tpu.memref_slice %arg5[%run_scoped3A, %dma_start3A_53] : memref<2x1280xi32, #tpu.memory_space<vmem>> -> memref<1x1280xi32, #tpu.memory_space<vmem>>
        %dma_start3A_55 = tpu.memref_squeeze %dma_start3A_54 : memref<1x1280xi32, #tpu.memory_space<vmem>> -> memref<1280xi32, #tpu.memory_space<vmem>>
        %dma_start3A_56 = tpu.memref_slice %arg2[%mul3A_40] : memref<819200xi32, #tpu.memory_space<hbm>> -> memref<1280xi32, #tpu.memory_space<hbm>>
        %dma_start3A_57 = arith.constant 0 : i32
        %dma_start3A_58 = tpu.memref_slice %arg5[%run_scoped3A, %dma_start3A_57] : memref<2x1280xi32, #tpu.memory_space<vmem>> -> memref<1x1280xi32, #tpu.memory_space<vmem>>
        %dma_start3A_59 = tpu.memref_squeeze %dma_start3A_58 : memref<1x1280xi32, #tpu.memory_space<vmem>> -> memref<1280xi32, #tpu.memory_space<vmem>>
        %dma_start3A_60 = tpu.memref_slice %arg2[%mul3A_40] : memref<819200xi32, #tpu.memory_space<hbm>> -> memref<1280xi32, #tpu.memory_space<hbm>>
        tpu.enqueue_dma source(%dma_start3A_60 : memref<1280xi32, #tpu.memory_space<hbm>>) target(%dma_start3A_59 : memref<1280xi32, #tpu.memory_space<vmem>>) target_semaphore(%run_scoped3A_52 : memref<!tpu.dma_semaphore, #tpu.memory_space<semaphore_mem>>)
        %dma_wait3A = arith.constant 0 : i32
        %dma_wait3A_61 = tpu.memref_slice %arg5[%run_scoped3A, %dma_wait3A] : memref<2x1280xi32, #tpu.memory_space<vmem>> -> memref<1x1280xi32, #tpu.memory_space<vmem>>
        %dma_wait3A_62 = tpu.memref_squeeze %dma_wait3A_61 : memref<1x1280xi32, #tpu.memory_space<vmem>> -> memref<1280xi32, #tpu.memory_space<vmem>>
        %dma_wait3A_63 = tpu.memref_slice %arg2[%mul3A_40] : memref<819200xi32, #tpu.memory_space<hbm>> -> memref<1280xi32, #tpu.memory_space<hbm>>
        %dma_wait3A_64 = arith.constant 0 : i32
        %dma_wait3A_65 = tpu.memref_slice %arg5[%run_scoped3A, %dma_wait3A_64] : memref<2x1280xi32, #tpu.memory_space<vmem>> -> memref<1x1280xi32, #tpu.memory_space<vmem>>
        %dma_wait3A_66 = tpu.memref_squeeze %dma_wait3A_65 : memref<1x1280xi32, #tpu.memory_space<vmem>> -> memref<1280xi32, #tpu.memory_space<vmem>>
        %dma_wait3A_67 = tpu.memref_slice %arg2[%mul3A_40] : memref<819200xi32, #tpu.memory_space<hbm>> -> memref<1280xi32, #tpu.memory_space<hbm>>
        tpu.wait_dma2 semaphore(%run_scoped3A_52 : memref<!tpu.dma_semaphore, #tpu.memory_space<semaphore_mem>>) src(%dma_wait3A_67 : memref<1280xi32, #tpu.memory_space<hbm>>) dst(%dma_wait3A_66 : memref<1280xi32, #tpu.memory_space<vmem>>)
        tpu.yield
      }) : () -> ()
      %dma_start3A = arith.constant 0 : i32
      %dma_start3A_41 = arith.constant 0 : i32
      %dma_start3A_42 = arith.constant 0 : i32
      %dma_start3A_43 = arith.constant 0 : i32
      %dma_start3A_44 = tpu.memref_slice %arg6[%dma_start3A_41, %dma_start3A_42, %dma_start3A_43] : memref<2x1280x64xbf16, #tpu.memory_space<vmem>> -> memref<1x1280x64xbf16, #tpu.memory_space<vmem>>
      %dma_start3A_45 = tpu.memref_squeeze %dma_start3A_44 : memref<1x1280x64xbf16, #tpu.memory_space<vmem>> -> memref<1280x64xbf16, #tpu.memory_space<vmem>>
      %dma_start3A_46 = arith.constant 0 : i32
      %dma_start3A_47 = tpu.memref_slice %arg5[%dma_start3A, %dma_start3A_46] : memref<2x1280xi32, #tpu.memory_space<vmem>> -> memref<1x1280xi32, #tpu.memory_space<vmem>>
      %dma_start3A_48 = tpu.memref_squeeze %dma_start3A_47 : memref<1x1280xi32, #tpu.memory_space<vmem>> -> memref<1280xi32, #tpu.memory_space<vmem>>
      %dma_start3A_49 = arith.constant 0 : i32
      %dma_start3A_50 = arith.constant 0 : i32
      %dma_start3A_51 = tpu.memref_slice %arg3[%dma_start3A_49, %dma_start3A_50] : memref<51200x64xbf16, #tpu.memory_space<hbm>> -> memref<51200x64xbf16, #tpu.memory_space<hbm>>
      tpu.enqueue_indirect_dma source(%dma_start3A_51 : memref<51200x64xbf16, #tpu.memory_space<hbm>>) target(%dma_start3A_45 : memref<1280x64xbf16, #tpu.memory_space<vmem>>) offsets(%dma_start3A_48 : memref<1280xi32, #tpu.memory_space<vmem>>) semaphore(%arg8 : memref<!tpu.dma_semaphore, #tpu.memory_space<semaphore_mem>>)
    } else {
    }
    %ge3A_11 = arith.constant 2 : i32
    %ge3A_12 = arith.cmpi sge, %select_n3A_8, %ge3A_11 : i32
    %convert_element_type3A_13 = arith.extui %ge3A_12 : i1 to i32
    %cond3A_14 = arith.constant 0 : i32
    %cond3A_15 = arith.cmpi ne, %convert_element_type3A_13, %cond3A_14 : i32
    scf.if %cond3A_15 {
      %add3A_37 = arith.constant 80 : i32
      %add3A_38 = arith.addi %select_n3A, %add3A_37 : i32
      %mul3A_39 = arith.constant 16 : i32
      %mul3A_40 = arith.muli %add3A_38, %mul3A_39 : i32
      %dma_start3A = arith.constant 1 : i32
      %dma_start3A_41 = arith.constant 0 : i32
      %dma_start3A_42 = tpu.memref_slice %arg5[%dma_start3A, %dma_start3A_41] : memref<2x1280xi32, #tpu.memory_space<vmem>> -> memref<1x1280xi32, #tpu.memory_space<vmem>>
      %dma_start3A_43 = tpu.memref_squeeze %dma_start3A_42 : memref<1x1280xi32, #tpu.memory_space<vmem>> -> memref<1280xi32, #tpu.memory_space<vmem>>
      %dma_start3A_44 = tpu.memref_slice %arg2[%mul3A_40] : memref<819200xi32, #tpu.memory_space<hbm>> -> memref<1280xi32, #tpu.memory_space<hbm>>
      %dma_start3A_45 = arith.constant 0 : i32
      %dma_start3A_46 = tpu.memref_slice %arg5[%dma_start3A, %dma_start3A_45] : memref<2x1280xi32, #tpu.memory_space<vmem>> -> memref<1x1280xi32, #tpu.memory_space<vmem>>
      %dma_start3A_47 = tpu.memref_squeeze %dma_start3A_46 : memref<1x1280xi32, #tpu.memory_space<vmem>> -> memref<1280xi32, #tpu.memory_space<vmem>>
      %dma_start3A_48 = tpu.memref_slice %arg2[%mul3A_40] : memref<819200xi32, #tpu.memory_space<hbm>> -> memref<1280xi32, #tpu.memory_space<hbm>>
      tpu.enqueue_dma source(%dma_start3A_48 : memref<1280xi32, #tpu.memory_space<hbm>>) target(%dma_start3A_47 : memref<1280xi32, #tpu.memory_space<vmem>>) target_semaphore(%arg9 : memref<!tpu.dma_semaphore, #tpu.memory_space<semaphore_mem>>)
    } else {
    }
    %sub3A = arith.constant 0 : i32
    %sub3A_16 = arith.subi %select_n3A_8, %sub3A : i32
    %sub3A_17 = arith.constant 1 : i32
    %sub3A_18 = arith.constant 1 : i32
    %sub3A_19 = arith.subi %sub3A_17, %sub3A_18 : i32
    %add3A_20 = arith.addi %sub3A_16, %sub3A_19 : i32
    %div3A = arith.constant 1 : i32
    %div3A_21 = arith.divsi %add3A_20, %div3A : i32
    %while3A = arith.constant 1 : i32
    %while3A_22 = arith.constant 0 : i32
    %while3A_23 = arith.constant 0 : i32
    %while3A_24 = arith.subi %div3A_21, %while3A_23 : i32
    %while3A_25 = arith.addi %while3A_23, %while3A_24 : i32
    %while3A_26 = arith.constant 1 : i32
    %while3A_27 = arith.divsi %while3A_24, %while3A_26 : i32
    %while3A_28 = arith.muli %while3A_27, %while3A_26 : i32
    %while3A_29 = arith.addi %while3A_23, %while3A_28 : i32
    %while3A_30 = arith.constant 1 : i32
    scf.for %while3A_37 = %while3A_23 to %while3A_29 step %while3A_30  : i32 {
      %mul3A_38 = arith.muli %while3A_37, %while3A : i32
      %add3A_39 = arith.addi %while3A_22, %mul3A_38 : i32
      %jit3A_40 = arith.constant 2 : i32
      %eq3A_41 = arith.constant 0 : i32
      %eq3A_42 = arith.cmpi eq, %jit3A_40, %eq3A_41 : i32
      %jit3A_43 = arith.constant 1 : i32
      %select_n3A_44 = arith.select %eq3A_42, %jit3A_43, %jit3A_40 : i32
      %rem3A = arith.remsi %add3A_39, %select_n3A_44 : i32
      %ne3A = arith.constant 0 : i32
      %ne3A_45 = arith.cmpi ne, %rem3A, %ne3A : i32
      %lt3A = arith.constant 0 : i32
      %lt3A_46 = arith.cmpi slt, %rem3A, %lt3A : i32
      %lt3A_47 = arith.constant 0 : i32
      %lt3A_48 = arith.cmpi slt, %select_n3A_44, %lt3A_47 : i32
      %ne3A_49 = arith.xori %lt3A_46, %lt3A_48 : i1
      %and3A = arith.andi %ne3A_49, %ne3A_45 : i1
      %add3A_50 = arith.addi %rem3A, %select_n3A_44 : i32
      %select_n3A_51 = arith.select %and3A, %add3A_50, %rem3A : i32
      %dma_wait3A = arith.constant 0 : i32
      %dma_wait3A_52 = arith.constant 0 : i32
      %dma_wait3A_53 = tpu.memref_slice %arg6[%select_n3A_51, %dma_wait3A, %dma_wait3A_52] : memref<2x1280x64xbf16, #tpu.memory_space<vmem>> -> memref<1x1280x64xbf16, #tpu.memory_space<vmem>>
      %dma_wait3A_54 = tpu.memref_squeeze %dma_wait3A_53 : memref<1x1280x64xbf16, #tpu.memory_space<vmem>> -> memref<1280x64xbf16, #tpu.memory_space<vmem>>
      %dma_wait3A_55 = arith.constant 0 : i32
      %dma_wait3A_56 = tpu.memref_slice %arg5[%select_n3A_51, %dma_wait3A_55] : memref<2x1280xi32, #tpu.memory_space<vmem>> -> memref<1x1280xi32, #tpu.memory_space<vmem>>
      %dma_wait3A_57 = tpu.memref_squeeze %dma_wait3A_56 : memref<1x1280xi32, #tpu.memory_space<vmem>> -> memref<1280xi32, #tpu.memory_space<vmem>>
      %dma_wait3A_58 = arith.constant 0 : i32
      %dma_wait3A_59 = arith.constant 0 : i32
      %dma_wait3A_60 = tpu.memref_slice %arg3[%dma_wait3A_58, %dma_wait3A_59] : memref<51200x64xbf16, #tpu.memory_space<hbm>> -> memref<51200x64xbf16, #tpu.memory_space<hbm>>
      tpu.wait_indirect_dma semaphore(%arg8 : memref<!tpu.dma_semaphore, #tpu.memory_space<semaphore_mem>>) src(%dma_wait3A_60 : memref<51200x64xbf16, #tpu.memory_space<hbm>>) dst(%dma_wait3A_54 : memref<1280x64xbf16, #tpu.memory_space<vmem>>)
      %add3A_61 = arith.constant 1 : i32
      %add3A_62 = arith.addi %add3A_39, %add3A_61 : i32
      %lt3A_63 = arith.cmpi slt, %add3A_62, %select_n3A_8 : i32
      %convert_element_type3A_64 = arith.extui %lt3A_63 : i1 to i32
      %cond3A_65 = arith.constant 0 : i32
      %cond3A_66 = arith.cmpi ne, %convert_element_type3A_64, %cond3A_65 : i32
      scf.if %cond3A_66 {
        %add3A_98 = arith.constant 1 : i32
        %add3A_99 = arith.addi %add3A_39, %add3A_98 : i32
        %mul3A_100 = arith.constant 80 : i32
        %mul3A_101 = arith.muli %add3A_99, %mul3A_100 : i32
        %add3A_102 = arith.addi %select_n3A, %mul3A_101 : i32
        %mul3A_103 = arith.constant 16 : i32
        %mul3A_104 = arith.muli %add3A_102, %mul3A_103 : i32
        %sub3A_105 = arith.constant 1 : i32
        %sub3A_106 = arith.subi %sub3A_105, %select_n3A_51 : i32
        %dma_wait3A_107 = arith.constant 0 : i32
        %dma_wait3A_108 = tpu.memref_slice %arg5[%sub3A_106, %dma_wait3A_107] : memref<2x1280xi32, #tpu.memory_space<vmem>> -> memref<1x1280xi32, #tpu.memory_space<vmem>>
        %dma_wait3A_109 = tpu.memref_squeeze %dma_wait3A_108 : memref<1x1280xi32, #tpu.memory_space<vmem>> -> memref<1280xi32, #tpu.memory_space<vmem>>
        %dma_wait3A_110 = tpu.memref_slice %arg2[%mul3A_104] : memref<819200xi32, #tpu.memory_space<hbm>> -> memref<1280xi32, #tpu.memory_space<hbm>>
        %dma_wait3A_111 = arith.constant 0 : i32
        %dma_wait3A_112 = tpu.memref_slice %arg5[%sub3A_106, %dma_wait3A_111] : memref<2x1280xi32, #tpu.memory_space<vmem>> -> memref<1x1280xi32, #tpu.memory_space<vmem>>
        %dma_wait3A_113 = tpu.memref_squeeze %dma_wait3A_112 : memref<1x1280xi32, #tpu.memory_space<vmem>> -> memref<1280xi32, #tpu.memory_space<vmem>>
        %dma_wait3A_114 = tpu.memref_slice %arg2[%mul3A_104] : memref<819200xi32, #tpu.memory_space<hbm>> -> memref<1280xi32, #tpu.memory_space<hbm>>
        tpu.wait_dma2 semaphore(%arg9 : memref<!tpu.dma_semaphore, #tpu.memory_space<semaphore_mem>>) src(%dma_wait3A_114 : memref<1280xi32, #tpu.memory_space<hbm>>) dst(%dma_wait3A_113 : memref<1280xi32, #tpu.memory_space<vmem>>)
        %sub3A_115 = arith.constant 1 : i32
        %sub3A_116 = arith.subi %sub3A_115, %select_n3A_51 : i32
        %sub3A_117 = arith.constant 1 : i32
        %sub3A_118 = arith.subi %sub3A_117, %select_n3A_51 : i32
        %dma_start3A_119 = arith.constant 0 : i32
        %dma_start3A_120 = arith.constant 0 : i32
        %dma_start3A_121 = tpu.memref_slice %arg6[%sub3A_118, %dma_start3A_119, %dma_start3A_120] : memref<2x1280x64xbf16, #tpu.memory_space<vmem>> -> memref<1x1280x64xbf16, #tpu.memory_space<vmem>>
        %dma_start3A_122 = tpu.memref_squeeze %dma_start3A_121 : memref<1x1280x64xbf16, #tpu.memory_space<vmem>> -> memref<1280x64xbf16, #tpu.memory_space<vmem>>
        %dma_start3A_123 = arith.constant 0 : i32
        %dma_start3A_124 = tpu.memref_slice %arg5[%sub3A_116, %dma_start3A_123] : memref<2x1280xi32, #tpu.memory_space<vmem>> -> memref<1x1280xi32, #tpu.memory_space<vmem>>
        %dma_start3A_125 = tpu.memref_squeeze %dma_start3A_124 : memref<1x1280xi32, #tpu.memory_space<vmem>> -> memref<1280xi32, #tpu.memory_space<vmem>>
        %dma_start3A_126 = arith.constant 0 : i32
        %dma_start3A_127 = arith.constant 0 : i32
        %dma_start3A_128 = tpu.memref_slice %arg3[%dma_start3A_126, %dma_start3A_127] : memref<51200x64xbf16, #tpu.memory_space<hbm>> -> memref<51200x64xbf16, #tpu.memory_space<hbm>>
        tpu.enqueue_indirect_dma source(%dma_start3A_128 : memref<51200x64xbf16, #tpu.memory_space<hbm>>) target(%dma_start3A_122 : memref<1280x64xbf16, #tpu.memory_space<vmem>>) offsets(%dma_start3A_125 : memref<1280xi32, #tpu.memory_space<vmem>>) semaphore(%arg8 : memref<!tpu.dma_semaphore, #tpu.memory_space<semaphore_mem>>)
      } else {
      }
      %add3A_67 = arith.constant 2 : i32
      %add3A_68 = arith.addi %add3A_39, %add3A_67 : i32
      %lt3A_69 = arith.cmpi slt, %add3A_68, %select_n3A_8 : i32
      %convert_element_type3A_70 = arith.extui %lt3A_69 : i1 to i32
      %cond3A_71 = arith.constant 0 : i32
      %cond3A_72 = arith.cmpi ne, %convert_element_type3A_70, %cond3A_71 : i32
      scf.if %cond3A_72 {
        %add3A_98 = arith.constant 2 : i32
        %add3A_99 = arith.addi %add3A_39, %add3A_98 : i32
        %mul3A_100 = arith.constant 80 : i32
        %mul3A_101 = arith.muli %add3A_99, %mul3A_100 : i32
        %add3A_102 = arith.addi %select_n3A, %mul3A_101 : i32
        %mul3A_103 = arith.constant 16 : i32
        %mul3A_104 = arith.muli %add3A_102, %mul3A_103 : i32
        %dma_start3A_105 = arith.constant 0 : i32
        %dma_start3A_106 = tpu.memref_slice %arg5[%select_n3A_51, %dma_start3A_105] : memref<2x1280xi32, #tpu.memory_space<vmem>> -> memref<1x1280xi32, #tpu.memory_space<vmem>>
        %dma_start3A_107 = tpu.memref_squeeze %dma_start3A_106 : memref<1x1280xi32, #tpu.memory_space<vmem>> -> memref<1280xi32, #tpu.memory_space<vmem>>
        %dma_start3A_108 = tpu.memref_slice %arg2[%mul3A_104] : memref<819200xi32, #tpu.memory_space<hbm>> -> memref<1280xi32, #tpu.memory_space<hbm>>
        %dma_start3A_109 = arith.constant 0 : i32
        %dma_start3A_110 = tpu.memref_slice %arg5[%select_n3A_51, %dma_start3A_109] : memref<2x1280xi32, #tpu.memory_space<vmem>> -> memref<1x1280xi32, #tpu.memory_space<vmem>>
        %dma_start3A_111 = tpu.memref_squeeze %dma_start3A_110 : memref<1x1280xi32, #tpu.memory_space<vmem>> -> memref<1280xi32, #tpu.memory_space<vmem>>
        %dma_start3A_112 = tpu.memref_slice %arg2[%mul3A_104] : memref<819200xi32, #tpu.memory_space<hbm>> -> memref<1280xi32, #tpu.memory_space<hbm>>
        tpu.enqueue_dma source(%dma_start3A_112 : memref<1280xi32, #tpu.memory_space<hbm>>) target(%dma_start3A_111 : memref<1280xi32, #tpu.memory_space<vmem>>) target_semaphore(%arg9 : memref<!tpu.dma_semaphore, #tpu.memory_space<semaphore_mem>>)
      } else {
      }
      %ge3A_73 = arith.constant 1 : i32
      %ge3A_74 = arith.cmpi sge, %add3A_39, %ge3A_73 : i32
      %convert_element_type3A_75 = arith.extui %ge3A_74 : i1 to i32
      %cond3A_76 = arith.constant 0 : i32
      %cond3A_77 = arith.cmpi ne, %convert_element_type3A_75, %cond3A_76 : i32
      scf.if %cond3A_77 {
        %sub3A_98 = arith.constant 1 : i32
        %sub3A_99 = arith.subi %sub3A_98, %select_n3A_51 : i32
        %sub3A_100 = arith.constant 1 : i32
        %sub3A_101 = arith.subi %add3A_39, %sub3A_100 : i32
        %mul3A_102 = arith.constant 80 : i32
        %mul3A_103 = arith.muli %sub3A_101, %mul3A_102 : i32
        %add3A_104 = arith.addi %select_n3A, %mul3A_103 : i32
        %dma_wait3A_105 = arith.constant 0 : i32
        %dma_wait3A_106 = arith.constant 0 : i32
        %dma_wait3A_107 = tpu.memref_slice %arg7[%sub3A_99, %dma_wait3A_105, %dma_wait3A_106] : memref<2x80x64xbf16, #tpu.memory_space<vmem>> -> memref<1x80x64xbf16, #tpu.memory_space<vmem>>
        %dma_wait3A_108 = tpu.memref_squeeze %dma_wait3A_107 : memref<1x80x64xbf16, #tpu.memory_space<vmem>> -> memref<80x64xbf16, #tpu.memory_space<vmem>>
        %dma_wait3A_109 = arith.constant 0 : i32
        %dma_wait3A_110 = tpu.memref_slice %arg4[%add3A_104, %dma_wait3A_109] : memref<51200x64xbf16, #tpu.memory_space<hbm>> -> memref<80x64xbf16, #tpu.memory_space<hbm>>
        %dma_wait3A_111 = arith.constant 0 : i32
        %dma_wait3A_112 = tpu.memref_slice %arg4[%add3A_104, %dma_wait3A_111] : memref<51200x64xbf16, #tpu.memory_space<hbm>> -> memref<80x64xbf16, #tpu.memory_space<hbm>>
        %dma_wait3A_113 = arith.constant 0 : i32
        %dma_wait3A_114 = arith.constant 0 : i32
        %dma_wait3A_115 = tpu.memref_slice %arg7[%sub3A_99, %dma_wait3A_113, %dma_wait3A_114] : memref<2x80x64xbf16, #tpu.memory_space<vmem>> -> memref<1x80x64xbf16, #tpu.memory_space<vmem>>
        %dma_wait3A_116 = tpu.memref_squeeze %dma_wait3A_115 : memref<1x80x64xbf16, #tpu.memory_space<vmem>> -> memref<80x64xbf16, #tpu.memory_space<vmem>>
        tpu.wait_dma2 semaphore(%arg10 : memref<!tpu.dma_semaphore, #tpu.memory_space<semaphore_mem>>) src(%dma_wait3A_116 : memref<80x64xbf16, #tpu.memory_space<vmem>>) dst(%dma_wait3A_112 : memref<80x64xbf16, #tpu.memory_space<hbm>>)
      } else {
      }
      %scan3A = arith.constant 0 : i32
      %scan3A_78 = arith.constant 0 : i32
      %scan3A_79 = arith.constant 80 : i32
      %scan3A_80 = arith.addi %scan3A_78, %scan3A_79 : i32
      %scan3A_81 = arith.constant 1 : i32
      %scan3A_82 = scf.for %scan3A_98 = %scan3A_78 to %scan3A_80 step %scan3A_81 iter_args(%scan3A_99 = %scan3A) -> (i32)  : i32 {
        %mul3A_100 = arith.constant 16 : i32
        %mul3A_101 = arith.muli %scan3A_98, %mul3A_100 : i32
        %get3A = arith.index_cast %select_n3A_51 : i32 to index
        %get3A_102 = arith.index_cast %mul3A_101 : i32 to index
        %get3A_103 = arith.constant 0 : index
        %get3A_104 = tpu.vector_load %arg6[%get3A, %get3A_102, %get3A_103] {strides = array<i32>} : memref<2x1280x64xbf16, #tpu.memory_space<vmem>>, vector<1x1x32xbf16>,
        %get3A_105 = vector.shape_cast %get3A_104 : vector<1x1x32xbf16> to vector<32xbf16>
        %mul3A_106 = arith.constant 16 : i32
        %mul3A_107 = arith.muli %scan3A_98, %mul3A_106 : i32
        %add3A_108 = arith.constant 1 : i32
        %add3A_109 = arith.addi %mul3A_107, %add3A_108 : i32
        %get3A_110 = arith.index_cast %select_n3A_51 : i32 to index
        %get3A_111 = arith.index_cast %add3A_109 : i32 to index
        %get3A_112 = arith.constant 0 : index
        %get3A_113 = tpu.vector_load %arg6[%get3A_110, %get3A_111, %get3A_112] {strides = array<i32>} : memref<2x1280x64xbf16, #tpu.memory_space<vmem>>, vector<1x1x32xbf16>,
        %get3A_114 = vector.shape_cast %get3A_113 : vector<1x1x32xbf16> to vector<32xbf16>
        %max3A = arith.maximumf %get3A_105, %get3A_114 : vector<32xbf16>
        %mul3A_115 = arith.constant 16 : i32
        %mul3A_116 = arith.muli %scan3A_98, %mul3A_115 : i32
        %add3A_117 = arith.constant 2 : i32
        %add3A_118 = arith.addi %mul3A_116, %add3A_117 : i32
        %get3A_119 = arith.index_cast %select_n3A_51 : i32 to index
        %get3A_120 = arith.index_cast %add3A_118 : i32 to index
        %get3A_121 = arith.constant 0 : index
        %get3A_122 = tpu.vector_load %arg6[%get3A_119, %get3A_120, %get3A_121] {strides = array<i32>} : memref<2x1280x64xbf16, #tpu.memory_space<vmem>>, vector<1x1x32xbf16>,
        %get3A_123 = vector.shape_cast %get3A_122 : vector<1x1x32xbf16> to vector<32xbf16>
        %max3A_124 = arith.maximumf %max3A, %get3A_123 : vector<32xbf16>
        %mul3A_125 = arith.constant 16 : i32
        %mul3A_126 = arith.muli %scan3A_98, %mul3A_125 : i32
        %add3A_127 = arith.constant 3 : i32
        %add3A_128 = arith.addi %mul3A_126, %add3A_127 : i32
        %get3A_129 = arith.index_cast %select_n3A_51 : i32 to index
        %get3A_130 = arith.index_cast %add3A_128 : i32 to index
        %get3A_131 = arith.constant 0 : index
        %get3A_132 = tpu.vector_load %arg6[%get3A_129, %get3A_130, %get3A_131] {strides = array<i32>} : memref<2x1280x64xbf16, #tpu.memory_space<vmem>>, vector<1x1x32xbf16>,
        %get3A_133 = vector.shape_cast %get3A_132 : vector<1x1x32xbf16> to vector<32xbf16>
        %max3A_134 = arith.maximumf %max3A_124, %get3A_133 : vector<32xbf16>
        %mul3A_135 = arith.constant 16 : i32
        %mul3A_136 = arith.muli %scan3A_98, %mul3A_135 : i32
        %add3A_137 = arith.constant 4 : i32
        %add3A_138 = arith.addi %mul3A_136, %add3A_137 : i32
        %get3A_139 = arith.index_cast %select_n3A_51 : i32 to index
        %get3A_140 = arith.index_cast %add3A_138 : i32 to index
        %get3A_141 = arith.constant 0 : index
        %get3A_142 = tpu.vector_load %arg6[%get3A_139, %get3A_140, %get3A_141] {strides = array<i32>} : memref<2x1280x64xbf16, #tpu.memory_space<vmem>>, vector<1x1x32xbf16>,
        %get3A_143 = vector.shape_cast %get3A_142 : vector<1x1x32xbf16> to vector<32xbf16>
        %max3A_144 = arith.maximumf %max3A_134, %get3A_143 : vector<32xbf16>
        %mul3A_145 = arith.constant 16 : i32
        %mul3A_146 = arith.muli %scan3A_98, %mul3A_145 : i32
        %add3A_147 = arith.constant 5 : i32
        %add3A_148 = arith.addi %mul3A_146, %add3A_147 : i32
        %get3A_149 = arith.index_cast %select_n3A_51 : i32 to index
        %get3A_150 = arith.index_cast %add3A_148 : i32 to index
        %get3A_151 = arith.constant 0 : index
        %get3A_152 = tpu.vector_load %arg6[%get3A_149, %get3A_150, %get3A_151] {strides = array<i32>} : memref<2x1280x64xbf16, #tpu.memory_space<vmem>>, vector<1x1x32xbf16>,
        %get3A_153 = vector.shape_cast %get3A_152 : vector<1x1x32xbf16> to vector<32xbf16>
        %max3A_154 = arith.maximumf %max3A_144, %get3A_153 : vector<32xbf16>
        %mul3A_155 = arith.constant 16 : i32
        %mul3A_156 = arith.muli %scan3A_98, %mul3A_155 : i32
        %add3A_157 = arith.constant 6 : i32
        %add3A_158 = arith.addi %mul3A_156, %add3A_157 : i32
        %get3A_159 = arith.index_cast %select_n3A_51 : i32 to index
        %get3A_160 = arith.index_cast %add3A_158 : i32 to index
        %get3A_161 = arith.constant 0 : index
        %get3A_162 = tpu.vector_load %arg6[%get3A_159, %get3A_160, %get3A_161] {strides = array<i32>} : memref<2x1280x64xbf16, #tpu.memory_space<vmem>>, vector<1x1x32xbf16>,
        %get3A_163 = vector.shape_cast %get3A_162 : vector<1x1x32xbf16> to vector<32xbf16>
        %max3A_164 = arith.maximumf %max3A_154, %get3A_163 : vector<32xbf16>
        %mul3A_165 = arith.constant 16 : i32
        %mul3A_166 = arith.muli %scan3A_98, %mul3A_165 : i32
        %add3A_167 = arith.constant 7 : i32
        %add3A_168 = arith.addi %mul3A_166, %add3A_167 : i32
        %get3A_169 = arith.index_cast %select_n3A_51 : i32 to index
        %get3A_170 = arith.index_cast %add3A_168 : i32 to index
        %get3A_171 = arith.constant 0 : index
        %get3A_172 = tpu.vector_load %arg6[%get3A_169, %get3A_170, %get3A_171] {strides = array<i32>} : memref<2x1280x64xbf16, #tpu.memory_space<vmem>>, vector<1x1x32xbf16>,
        %get3A_173 = vector.shape_cast %get3A_172 : vector<1x1x32xbf16> to vector<32xbf16>
        %max3A_174 = arith.maximumf %max3A_164, %get3A_173 : vector<32xbf16>
        %mul3A_175 = arith.constant 16 : i32
        %mul3A_176 = arith.muli %scan3A_98, %mul3A_175 : i32
        %add3A_177 = arith.constant 8 : i32
        %add3A_178 = arith.addi %mul3A_176, %add3A_177 : i32
        %get3A_179 = arith.index_cast %select_n3A_51 : i32 to index
        %get3A_180 = arith.index_cast %add3A_178 : i32 to index
        %get3A_181 = arith.constant 0 : index
        %get3A_182 = tpu.vector_load %arg6[%get3A_179, %get3A_180, %get3A_181] {strides = array<i32>} : memref<2x1280x64xbf16, #tpu.memory_space<vmem>>, vector<1x1x32xbf16>,
        %get3A_183 = vector.shape_cast %get3A_182 : vector<1x1x32xbf16> to vector<32xbf16>
        %max3A_184 = arith.maximumf %max3A_174, %get3A_183 : vector<32xbf16>
        %mul3A_185 = arith.constant 16 : i32
        %mul3A_186 = arith.muli %scan3A_98, %mul3A_185 : i32
        %add3A_187 = arith.constant 9 : i32
        %add3A_188 = arith.addi %mul3A_186, %add3A_187 : i32
        %get3A_189 = arith.index_cast %select_n3A_51 : i32 to index
        %get3A_190 = arith.index_cast %add3A_188 : i32 to index
        %get3A_191 = arith.constant 0 : index
        %get3A_192 = tpu.vector_load %arg6[%get3A_189, %get3A_190, %get3A_191] {strides = array<i32>} : memref<2x1280x64xbf16, #tpu.memory_space<vmem>>, vector<1x1x32xbf16>,
        %get3A_193 = vector.shape_cast %get3A_192 : vector<1x1x32xbf16> to vector<32xbf16>
        %max3A_194 = arith.maximumf %max3A_184, %get3A_193 : vector<32xbf16>
        %mul3A_195 = arith.constant 16 : i32
        %mul3A_196 = arith.muli %scan3A_98, %mul3A_195 : i32
        %add3A_197 = arith.constant 10 : i32
        %add3A_198 = arith.addi %mul3A_196, %add3A_197 : i32
        %get3A_199 = arith.index_cast %select_n3A_51 : i32 to index
        %get3A_200 = arith.index_cast %add3A_198 : i32 to index
        %get3A_201 = arith.constant 0 : index
        %get3A_202 = tpu.vector_load %arg6[%get3A_199, %get3A_200, %get3A_201] {strides = array<i32>} : memref<2x1280x64xbf16, #tpu.memory_space<vmem>>, vector<1x1x32xbf16>,
        %get3A_203 = vector.shape_cast %get3A_202 : vector<1x1x32xbf16> to vector<32xbf16>
        %max3A_204 = arith.maximumf %max3A_194, %get3A_203 : vector<32xbf16>
        %mul3A_205 = arith.constant 16 : i32
        %mul3A_206 = arith.muli %scan3A_98, %mul3A_205 : i32
        %add3A_207 = arith.constant 11 : i32
        %add3A_208 = arith.addi %mul3A_206, %add3A_207 : i32
        %get3A_209 = arith.index_cast %select_n3A_51 : i32 to index
        %get3A_210 = arith.index_cast %add3A_208 : i32 to index
        %get3A_211 = arith.constant 0 : index
        %get3A_212 = tpu.vector_load %arg6[%get3A_209, %get3A_210, %get3A_211] {strides = array<i32>} : memref<2x1280x64xbf16, #tpu.memory_space<vmem>>, vector<1x1x32xbf16>,
        %get3A_213 = vector.shape_cast %get3A_212 : vector<1x1x32xbf16> to vector<32xbf16>
        %max3A_214 = arith.maximumf %max3A_204, %get3A_213 : vector<32xbf16>
        %mul3A_215 = arith.constant 16 : i32
        %mul3A_216 = arith.muli %scan3A_98, %mul3A_215 : i32
        %add3A_217 = arith.constant 12 : i32
        %add3A_218 = arith.addi %mul3A_216, %add3A_217 : i32
        %get3A_219 = arith.index_cast %select_n3A_51 : i32 to index
        %get3A_220 = arith.index_cast %add3A_218 : i32 to index
        %get3A_221 = arith.constant 0 : index
        %get3A_222 = tpu.vector_load %arg6[%get3A_219, %get3A_220, %get3A_221] {strides = array<i32>} : memref<2x1280x64xbf16, #tpu.memory_space<vmem>>, vector<1x1x32xbf16>,
        %get3A_223 = vector.shape_cast %get3A_222 : vector<1x1x32xbf16> to vector<32xbf16>
        %max3A_224 = arith.maximumf %max3A_214, %get3A_223 : vector<32xbf16>
        %mul3A_225 = arith.constant 16 : i32
        %mul3A_226 = arith.muli %scan3A_98, %mul3A_225 : i32
        %add3A_227 = arith.constant 13 : i32
        %add3A_228 = arith.addi %mul3A_226, %add3A_227 : i32
        %get3A_229 = arith.index_cast %select_n3A_51 : i32 to index
        %get3A_230 = arith.index_cast %add3A_228 : i32 to index
        %get3A_231 = arith.constant 0 : index
        %get3A_232 = tpu.vector_load %arg6[%get3A_229, %get3A_230, %get3A_231] {strides = array<i32>} : memref<2x1280x64xbf16, #tpu.memory_space<vmem>>, vector<1x1x32xbf16>,
        %get3A_233 = vector.shape_cast %get3A_232 : vector<1x1x32xbf16> to vector<32xbf16>
        %max3A_234 = arith.maximumf %max3A_224, %get3A_233 : vector<32xbf16>
        %mul3A_235 = arith.constant 16 : i32
        %mul3A_236 = arith.muli %scan3A_98, %mul3A_235 : i32
        %add3A_237 = arith.constant 14 : i32
        %add3A_238 = arith.addi %mul3A_236, %add3A_237 : i32
        %get3A_239 = arith.index_cast %select_n3A_51 : i32 to index
        %get3A_240 = arith.index_cast %add3A_238 : i32 to index
        %get3A_241 = arith.constant 0 : index
        %get3A_242 = tpu.vector_load %arg6[%get3A_239, %get3A_240, %get3A_241] {strides = array<i32>} : memref<2x1280x64xbf16, #tpu.memory_space<vmem>>, vector<1x1x32xbf16>,
        %get3A_243 = vector.shape_cast %get3A_242 : vector<1x1x32xbf16> to vector<32xbf16>
        %max3A_244 = arith.maximumf %max3A_234, %get3A_243 : vector<32xbf16>
        %mul3A_245 = arith.constant 16 : i32
        %mul3A_246 = arith.muli %scan3A_98, %mul3A_245 : i32
        %add3A_247 = arith.constant 15 : i32
        %add3A_248 = arith.addi %mul3A_246, %add3A_247 : i32
        %get3A_249 = arith.index_cast %select_n3A_51 : i32 to index
        %get3A_250 = arith.index_cast %add3A_248 : i32 to index
        %get3A_251 = arith.constant 0 : index
        %get3A_252 = tpu.vector_load %arg6[%get3A_249, %get3A_250, %get3A_251] {strides = array<i32>} : memref<2x1280x64xbf16, #tpu.memory_space<vmem>>, vector<1x1x32xbf16>,
        %get3A_253 = vector.shape_cast %get3A_252 : vector<1x1x32xbf16> to vector<32xbf16>
        %max3A_254 = arith.maximumf %max3A_244, %get3A_253 : vector<32xbf16>
        %swap3A = arith.index_cast %select_n3A_51 : i32 to index
        %swap3A_255 = arith.index_cast %scan3A_98 : i32 to index
        %swap3A_256 = arith.constant 0 : index
        %swap3A_257 = tpu.vector_load %arg7[%swap3A, %swap3A_255, %swap3A_256] {strides = array<i32>} : memref<2x80x64xbf16, #tpu.memory_space<vmem>>, vector<1x1x32xbf16>,
        %swap3A_258 = vector.shape_cast %swap3A_257 : vector<1x1x32xbf16> to vector<32xbf16>
        %swap3A_259 = vector.shape_cast %max3A_254 : vector<32xbf16> to vector<1x1x32xbf16>
        tpu.vector_store %arg7[%swap3A, %swap3A_255, %swap3A_256], %swap3A_259 {strides = array<i32>} : memref<2x80x64xbf16, #tpu.memory_space<vmem>>, vector<1x1x32xbf16>,
        %mul3A_260 = arith.constant 16 : i32
        %mul3A_261 = arith.muli %scan3A_98, %mul3A_260 : i32
        %get3A_262 = arith.index_cast %select_n3A_51 : i32 to index
        %get3A_263 = arith.index_cast %mul3A_261 : i32 to index
        %get3A_264 = arith.constant 32 : index
        %get3A_265 = tpu.vector_load %arg6[%get3A_262, %get3A_263, %get3A_264] {strides = array<i32>} : memref<2x1280x64xbf16, #tpu.memory_space<vmem>>, vector<1x1x32xbf16>,
        %get3A_266 = vector.shape_cast %get3A_265 : vector<1x1x32xbf16> to vector<32xbf16>
        %mul3A_267 = arith.constant 16 : i32
        %mul3A_268 = arith.muli %scan3A_98, %mul3A_267 : i32
        %add3A_269 = arith.constant 1 : i32
        %add3A_270 = arith.addi %mul3A_268, %add3A_269 : i32
        %get3A_271 = arith.index_cast %select_n3A_51 : i32 to index
        %get3A_272 = arith.index_cast %add3A_270 : i32 to index
        %get3A_273 = arith.constant 32 : index
        %get3A_274 = tpu.vector_load %arg6[%get3A_271, %get3A_272, %get3A_273] {strides = array<i32>} : memref<2x1280x64xbf16, #tpu.memory_space<vmem>>, vector<1x1x32xbf16>,
        %get3A_275 = vector.shape_cast %get3A_274 : vector<1x1x32xbf16> to vector<32xbf16>
        %max3A_276 = arith.maximumf %get3A_266, %get3A_275 : vector<32xbf16>
        %mul3A_277 = arith.constant 16 : i32
        %mul3A_278 = arith.muli %scan3A_98, %mul3A_277 : i32
        %add3A_279 = arith.constant 2 : i32
        %add3A_280 = arith.addi %mul3A_278, %add3A_279 : i32
        %get3A_281 = arith.index_cast %select_n3A_51 : i32 to index
        %get3A_282 = arith.index_cast %add3A_280 : i32 to index
        %get3A_283 = arith.constant 32 : index
        %get3A_284 = tpu.vector_load %arg6[%get3A_281, %get3A_282, %get3A_283] {strides = array<i32>} : memref<2x1280x64xbf16, #tpu.memory_space<vmem>>, vector<1x1x32xbf16>,
        %get3A_285 = vector.shape_cast %get3A_284 : vector<1x1x32xbf16> to vector<32xbf16>
        %max3A_286 = arith.maximumf %max3A_276, %get3A_285 : vector<32xbf16>
        %mul3A_287 = arith.constant 16 : i32
        %mul3A_288 = arith.muli %scan3A_98, %mul3A_287 : i32
        %add3A_289 = arith.constant 3 : i32
        %add3A_290 = arith.addi %mul3A_288, %add3A_289 : i32
        %get3A_291 = arith.index_cast %select_n3A_51 : i32 to index
        %get3A_292 = arith.index_cast %add3A_290 : i32 to index
        %get3A_293 = arith.constant 32 : index
        %get3A_294 = tpu.vector_load %arg6[%get3A_291, %get3A_292, %get3A_293] {strides = array<i32>} : memref<2x1280x64xbf16, #tpu.memory_space<vmem>>, vector<1x1x32xbf16>,
        %get3A_295 = vector.shape_cast %get3A_294 : vector<1x1x32xbf16> to vector<32xbf16>
        %max3A_296 = arith.maximumf %max3A_286, %get3A_295 : vector<32xbf16>
        %mul3A_297 = arith.constant 16 : i32
        %mul3A_298 = arith.muli %scan3A_98, %mul3A_297 : i32
        %add3A_299 = arith.constant 4 : i32
        %add3A_300 = arith.addi %mul3A_298, %add3A_299 : i32
        %get3A_301 = arith.index_cast %select_n3A_51 : i32 to index
        %get3A_302 = arith.index_cast %add3A_300 : i32 to index
        %get3A_303 = arith.constant 32 : index
        %get3A_304 = tpu.vector_load %arg6[%get3A_301, %get3A_302, %get3A_303] {strides = array<i32>} : memref<2x1280x64xbf16, #tpu.memory_space<vmem>>, vector<1x1x32xbf16>,
        %get3A_305 = vector.shape_cast %get3A_304 : vector<1x1x32xbf16> to vector<32xbf16>
        %max3A_306 = arith.maximumf %max3A_296, %get3A_305 : vector<32xbf16>
        %mul3A_307 = arith.constant 16 : i32
        %mul3A_308 = arith.muli %scan3A_98, %mul3A_307 : i32
        %add3A_309 = arith.constant 5 : i32
        %add3A_310 = arith.addi %mul3A_308, %add3A_309 : i32
        %get3A_311 = arith.index_cast %select_n3A_51 : i32 to index
        %get3A_312 = arith.index_cast %add3A_310 : i32 to index
        %get3A_313 = arith.constant 32 : index
        %get3A_314 = tpu.vector_load %arg6[%get3A_311, %get3A_312, %get3A_313] {strides = array<i32>} : memref<2x1280x64xbf16, #tpu.memory_space<vmem>>, vector<1x1x32xbf16>,
        %get3A_315 = vector.shape_cast %get3A_314 : vector<1x1x32xbf16> to vector<32xbf16>
        %max3A_316 = arith.maximumf %max3A_306, %get3A_315 : vector<32xbf16>
        %mul3A_317 = arith.constant 16 : i32
        %mul3A_318 = arith.muli %scan3A_98, %mul3A_317 : i32
        %add3A_319 = arith.constant 6 : i32
        %add3A_320 = arith.addi %mul3A_318, %add3A_319 : i32
        %get3A_321 = arith.index_cast %select_n3A_51 : i32 to index
        %get3A_322 = arith.index_cast %add3A_320 : i32 to index
        %get3A_323 = arith.constant 32 : index
        %get3A_324 = tpu.vector_load %arg6[%get3A_321, %get3A_322, %get3A_323] {strides = array<i32>} : memref<2x1280x64xbf16, #tpu.memory_space<vmem>>, vector<1x1x32xbf16>,
        %get3A_325 = vector.shape_cast %get3A_324 : vector<1x1x32xbf16> to vector<32xbf16>
        %max3A_326 = arith.maximumf %max3A_316, %get3A_325 : vector<32xbf16>
        %mul3A_327 = arith.constant 16 : i32
        %mul3A_328 = arith.muli %scan3A_98, %mul3A_327 : i32
        %add3A_329 = arith.constant 7 : i32
        %add3A_330 = arith.addi %mul3A_328, %add3A_329 : i32
        %get3A_331 = arith.index_cast %select_n3A_51 : i32 to index
        %get3A_332 = arith.index_cast %add3A_330 : i32 to index
        %get3A_333 = arith.constant 32 : index
        %get3A_334 = tpu.vector_load %arg6[%get3A_331, %get3A_332, %get3A_333] {strides = array<i32>} : memref<2x1280x64xbf16, #tpu.memory_space<vmem>>, vector<1x1x32xbf16>,
        %get3A_335 = vector.shape_cast %get3A_334 : vector<1x1x32xbf16> to vector<32xbf16>
        %max3A_336 = arith.maximumf %max3A_326, %get3A_335 : vector<32xbf16>
        %mul3A_337 = arith.constant 16 : i32
        %mul3A_338 = arith.muli %scan3A_98, %mul3A_337 : i32
        %add3A_339 = arith.constant 8 : i32
        %add3A_340 = arith.addi %mul3A_338, %add3A_339 : i32
        %get3A_341 = arith.index_cast %select_n3A_51 : i32 to index
        %get3A_342 = arith.index_cast %add3A_340 : i32 to index
        %get3A_343 = arith.constant 32 : index
        %get3A_344 = tpu.vector_load %arg6[%get3A_341, %get3A_342, %get3A_343] {strides = array<i32>} : memref<2x1280x64xbf16, #tpu.memory_space<vmem>>, vector<1x1x32xbf16>,
        %get3A_345 = vector.shape_cast %get3A_344 : vector<1x1x32xbf16> to vector<32xbf16>
        %max3A_346 = arith.maximumf %max3A_336, %get3A_345 : vector<32xbf16>
        %mul3A_347 = arith.constant 16 : i32
        %mul3A_348 = arith.muli %scan3A_98, %mul3A_347 : i32
        %add3A_349 = arith.constant 9 : i32
        %add3A_350 = arith.addi %mul3A_348, %add3A_349 : i32
        %get3A_351 = arith.index_cast %select_n3A_51 : i32 to index
        %get3A_352 = arith.index_cast %add3A_350 : i32 to index
        %get3A_353 = arith.constant 32 : index
        %get3A_354 = tpu.vector_load %arg6[%get3A_351, %get3A_352, %get3A_353] {strides = array<i32>} : memref<2x1280x64xbf16, #tpu.memory_space<vmem>>, vector<1x1x32xbf16>,
        %get3A_355 = vector.shape_cast %get3A_354 : vector<1x1x32xbf16> to vector<32xbf16>
        %max3A_356 = arith.maximumf %max3A_346, %get3A_355 : vector<32xbf16>
        %mul3A_357 = arith.constant 16 : i32
        %mul3A_358 = arith.muli %scan3A_98, %mul3A_357 : i32
        %add3A_359 = arith.constant 10 : i32
        %add3A_360 = arith.addi %mul3A_358, %add3A_359 : i32
        %get3A_361 = arith.index_cast %select_n3A_51 : i32 to index
        %get3A_362 = arith.index_cast %add3A_360 : i32 to index
        %get3A_363 = arith.constant 32 : index
        %get3A_364 = tpu.vector_load %arg6[%get3A_361, %get3A_362, %get3A_363] {strides = array<i32>} : memref<2x1280x64xbf16, #tpu.memory_space<vmem>>, vector<1x1x32xbf16>,
        %get3A_365 = vector.shape_cast %get3A_364 : vector<1x1x32xbf16> to vector<32xbf16>
        %max3A_366 = arith.maximumf %max3A_356, %get3A_365 : vector<32xbf16>
        %mul3A_367 = arith.constant 16 : i32
        %mul3A_368 = arith.muli %scan3A_98, %mul3A_367 : i32
        %add3A_369 = arith.constant 11 : i32
        %add3A_370 = arith.addi %mul3A_368, %add3A_369 : i32
        %get3A_371 = arith.index_cast %select_n3A_51 : i32 to index
        %get3A_372 = arith.index_cast %add3A_370 : i32 to index
        %get3A_373 = arith.constant 32 : index
        %get3A_374 = tpu.vector_load %arg6[%get3A_371, %get3A_372, %get3A_373] {strides = array<i32>} : memref<2x1280x64xbf16, #tpu.memory_space<vmem>>, vector<1x1x32xbf16>,
        %get3A_375 = vector.shape_cast %get3A_374 : vector<1x1x32xbf16> to vector<32xbf16>
        %max3A_376 = arith.maximumf %max3A_366, %get3A_375 : vector<32xbf16>
        %mul3A_377 = arith.constant 16 : i32
        %mul3A_378 = arith.muli %scan3A_98, %mul3A_377 : i32
        %add3A_379 = arith.constant 12 : i32
        %add3A_380 = arith.addi %mul3A_378, %add3A_379 : i32
        %get3A_381 = arith.index_cast %select_n3A_51 : i32 to index
        %get3A_382 = arith.index_cast %add3A_380 : i32 to index
        %get3A_383 = arith.constant 32 : index
        %get3A_384 = tpu.vector_load %arg6[%get3A_381, %get3A_382, %get3A_383] {strides = array<i32>} : memref<2x1280x64xbf16, #tpu.memory_space<vmem>>, vector<1x1x32xbf16>,
        %get3A_385 = vector.shape_cast %get3A_384 : vector<1x1x32xbf16> to vector<32xbf16>
        %max3A_386 = arith.maximumf %max3A_376, %get3A_385 : vector<32xbf16>
        %mul3A_387 = arith.constant 16 : i32
        %mul3A_388 = arith.muli %scan3A_98, %mul3A_387 : i32
        %add3A_389 = arith.constant 13 : i32
        %add3A_390 = arith.addi %mul3A_388, %add3A_389 : i32
        %get3A_391 = arith.index_cast %select_n3A_51 : i32 to index
        %get3A_392 = arith.index_cast %add3A_390 : i32 to index
        %get3A_393 = arith.constant 32 : index
        %get3A_394 = tpu.vector_load %arg6[%get3A_391, %get3A_392, %get3A_393] {strides = array<i32>} : memref<2x1280x64xbf16, #tpu.memory_space<vmem>>, vector<1x1x32xbf16>,
        %get3A_395 = vector.shape_cast %get3A_394 : vector<1x1x32xbf16> to vector<32xbf16>
        %max3A_396 = arith.maximumf %max3A_386, %get3A_395 : vector<32xbf16>
        %mul3A_397 = arith.constant 16 : i32
        %mul3A_398 = arith.muli %scan3A_98, %mul3A_397 : i32
        %add3A_399 = arith.constant 14 : i32
        %add3A_400 = arith.addi %mul3A_398, %add3A_399 : i32
        %get3A_401 = arith.index_cast %select_n3A_51 : i32 to index
        %get3A_402 = arith.index_cast %add3A_400 : i32 to index
        %get3A_403 = arith.constant 32 : index
        %get3A_404 = tpu.vector_load %arg6[%get3A_401, %get3A_402, %get3A_403] {strides = array<i32>} : memref<2x1280x64xbf16, #tpu.memory_space<vmem>>, vector<1x1x32xbf16>,
        %get3A_405 = vector.shape_cast %get3A_404 : vector<1x1x32xbf16> to vector<32xbf16>
        %max3A_406 = arith.maximumf %max3A_396, %get3A_405 : vector<32xbf16>
        %mul3A_407 = arith.constant 16 : i32
        %mul3A_408 = arith.muli %scan3A_98, %mul3A_407 : i32
        %add3A_409 = arith.constant 15 : i32
        %add3A_410 = arith.addi %mul3A_408, %add3A_409 : i32
        %get3A_411 = arith.index_cast %select_n3A_51 : i32 to index
        %get3A_412 = arith.index_cast %add3A_410 : i32 to index
        %get3A_413 = arith.constant 32 : index
        %get3A_414 = tpu.vector_load %arg6[%get3A_411, %get3A_412, %get3A_413] {strides = array<i32>} : memref<2x1280x64xbf16, #tpu.memory_space<vmem>>, vector<1x1x32xbf16>,
        %get3A_415 = vector.shape_cast %get3A_414 : vector<1x1x32xbf16> to vector<32xbf16>
        %max3A_416 = arith.maximumf %max3A_406, %get3A_415 : vector<32xbf16>
        %swap3A_417 = arith.index_cast %select_n3A_51 : i32 to index
        %swap3A_418 = arith.index_cast %scan3A_98 : i32 to index
        %swap3A_419 = arith.constant 32 : index
        %swap3A_420 = tpu.vector_load %arg7[%swap3A_417, %swap3A_418, %swap3A_419] {strides = array<i32>} : memref<2x80x64xbf16, #tpu.memory_space<vmem>>, vector<1x1x32xbf16>,
        %swap3A_421 = vector.shape_cast %swap3A_420 : vector<1x1x32xbf16> to vector<32xbf16>
        %swap3A_422 = vector.shape_cast %max3A_416 : vector<32xbf16> to vector<1x1x32xbf16>
        tpu.vector_store %arg7[%swap3A_417, %swap3A_418, %swap3A_419], %swap3A_422 {strides = array<i32>} : memref<2x80x64xbf16, #tpu.memory_space<vmem>>, vector<1x1x32xbf16>,
        %scan3A_423 = arith.constant 0 : i32
        scf.yield %scan3A_423 : i32
      }
      %scan3A_83 = arith.constant 80 : i32
      %mul3A_84 = arith.constant 80 : i32
      %mul3A_85 = arith.muli %add3A_39, %mul3A_84 : i32
      %add3A_86 = arith.addi %select_n3A, %mul3A_85 : i32
      %dma_start3A = arith.constant 0 : i32
      %dma_start3A_87 = arith.constant 0 : i32
      %dma_start3A_88 = tpu.memref_slice %arg7[%select_n3A_51, %dma_start3A, %dma_start3A_87] : memref<2x80x64xbf16, #tpu.memory_space<vmem>> -> memref<1x80x64xbf16, #tpu.memory_space<vmem>>
      %dma_start3A_89 = tpu.memref_squeeze %dma_start3A_88 : memref<1x80x64xbf16, #tpu.memory_space<vmem>> -> memref<80x64xbf16, #tpu.memory_space<vmem>>
      %dma_start3A_90 = arith.constant 0 : i32
      %dma_start3A_91 = tpu.memref_slice %arg4[%add3A_86, %dma_start3A_90] : memref<51200x64xbf16, #tpu.memory_space<hbm>> -> memref<80x64xbf16, #tpu.memory_space<hbm>>
      %dma_start3A_92 = arith.constant 0 : i32
      %dma_start3A_93 = tpu.memref_slice %arg4[%add3A_86, %dma_start3A_92] : memref<51200x64xbf16, #tpu.memory_space<hbm>> -> memref<80x64xbf16, #tpu.memory_space<hbm>>
      %dma_start3A_94 = arith.constant 0 : i32
      %dma_start3A_95 = arith.constant 0 : i32
      %dma_start3A_96 = tpu.memref_slice %arg7[%select_n3A_51, %dma_start3A_94, %dma_start3A_95] : memref<2x80x64xbf16, #tpu.memory_space<vmem>> -> memref<1x80x64xbf16, #tpu.memory_space<vmem>>
      %dma_start3A_97 = tpu.memref_squeeze %dma_start3A_96 : memref<1x80x64xbf16, #tpu.memory_space<vmem>> -> memref<80x64xbf16, #tpu.memory_space<vmem>>
      tpu.enqueue_dma source(%dma_start3A_97 : memref<80x64xbf16, #tpu.memory_space<vmem>>) target(%dma_start3A_93 : memref<80x64xbf16, #tpu.memory_space<hbm>>) target_semaphore(%arg10 : memref<!tpu.dma_semaphore, #tpu.memory_space<semaphore_mem>>)
    }
    %while3A_31 = arith.constant 1 : i32
    scf.for %while3A_37 = %while3A_29 to %while3A_25 step %while3A_31  : i32 {
      %mul3A_38 = arith.muli %while3A_37, %while3A : i32
      %add3A_39 = arith.addi %while3A_22, %mul3A_38 : i32
      %jit3A_40 = arith.constant 2 : i32
      %eq3A_41 = arith.constant 0 : i32
      %eq3A_42 = arith.cmpi eq, %jit3A_40, %eq3A_41 : i32
      %jit3A_43 = arith.constant 1 : i32
      %select_n3A_44 = arith.select %eq3A_42, %jit3A_43, %jit3A_40 : i32
      %rem3A = arith.remsi %add3A_39, %select_n3A_44 : i32
      %ne3A = arith.constant 0 : i32
      %ne3A_45 = arith.cmpi ne, %rem3A, %ne3A : i32
      %lt3A = arith.constant 0 : i32
      %lt3A_46 = arith.cmpi slt, %rem3A, %lt3A : i32
      %lt3A_47 = arith.constant 0 : i32
      %lt3A_48 = arith.cmpi slt, %select_n3A_44, %lt3A_47 : i32
      %ne3A_49 = arith.xori %lt3A_46, %lt3A_48 : i1
      %and3A = arith.andi %ne3A_49, %ne3A_45 : i1
      %add3A_50 = arith.addi %rem3A, %select_n3A_44 : i32
      %select_n3A_51 = arith.select %and3A, %add3A_50, %rem3A : i32
      %dma_wait3A = arith.constant 0 : i32
      %dma_wait3A_52 = arith.constant 0 : i32
      %dma_wait3A_53 = tpu.memref_slice %arg6[%select_n3A_51, %dma_wait3A, %dma_wait3A_52] : memref<2x1280x64xbf16, #tpu.memory_space<vmem>> -> memref<1x1280x64xbf16, #tpu.memory_space<vmem>>
      %dma_wait3A_54 = tpu.memref_squeeze %dma_wait3A_53 : memref<1x1280x64xbf16, #tpu.memory_space<vmem>> -> memref<1280x64xbf16, #tpu.memory_space<vmem>>
      %dma_wait3A_55 = arith.constant 0 : i32
      %dma_wait3A_56 = tpu.memref_slice %arg5[%select_n3A_51, %dma_wait3A_55] : memref<2x1280xi32, #tpu.memory_space<vmem>> -> memref<1x1280xi32, #tpu.memory_space<vmem>>
      %dma_wait3A_57 = tpu.memref_squeeze %dma_wait3A_56 : memref<1x1280xi32, #tpu.memory_space<vmem>> -> memref<1280xi32, #tpu.memory_space<vmem>>
      %dma_wait3A_58 = arith.constant 0 : i32
      %dma_wait3A_59 = arith.constant 0 : i32
      %dma_wait3A_60 = tpu.memref_slice %arg3[%dma_wait3A_58, %dma_wait3A_59] : memref<51200x64xbf16, #tpu.memory_space<hbm>> -> memref<51200x64xbf16, #tpu.memory_space<hbm>>
      tpu.wait_indirect_dma semaphore(%arg8 : memref<!tpu.dma_semaphore, #tpu.memory_space<semaphore_mem>>) src(%dma_wait3A_60 : memref<51200x64xbf16, #tpu.memory_space<hbm>>) dst(%dma_wait3A_54 : memref<1280x64xbf16, #tpu.memory_space<vmem>>)
      %add3A_61 = arith.constant 1 : i32
      %add3A_62 = arith.addi %add3A_39, %add3A_61 : i32
      %lt3A_63 = arith.cmpi slt, %add3A_62, %select_n3A_8 : i32
      %convert_element_type3A_64 = arith.extui %lt3A_63 : i1 to i32
      %cond3A_65 = arith.constant 0 : i32
      %cond3A_66 = arith.cmpi ne, %convert_element_type3A_64, %cond3A_65 : i32
      scf.if %cond3A_66 {
        %add3A_98 = arith.constant 1 : i32
        %add3A_99 = arith.addi %add3A_39, %add3A_98 : i32
        %mul3A_100 = arith.constant 80 : i32
        %mul3A_101 = arith.muli %add3A_99, %mul3A_100 : i32
        %add3A_102 = arith.addi %select_n3A, %mul3A_101 : i32
        %mul3A_103 = arith.constant 16 : i32
        %mul3A_104 = arith.muli %add3A_102, %mul3A_103 : i32
        %sub3A_105 = arith.constant 1 : i32
        %sub3A_106 = arith.subi %sub3A_105, %select_n3A_51 : i32
        %dma_wait3A_107 = arith.constant 0 : i32
        %dma_wait3A_108 = tpu.memref_slice %arg5[%sub3A_106, %dma_wait3A_107] : memref<2x1280xi32, #tpu.memory_space<vmem>> -> memref<1x1280xi32, #tpu.memory_space<vmem>>
        %dma_wait3A_109 = tpu.memref_squeeze %dma_wait3A_108 : memref<1x1280xi32, #tpu.memory_space<vmem>> -> memref<1280xi32, #tpu.memory_space<vmem>>
        %dma_wait3A_110 = tpu.memref_slice %arg2[%mul3A_104] : memref<819200xi32, #tpu.memory_space<hbm>> -> memref<1280xi32, #tpu.memory_space<hbm>>
        %dma_wait3A_111 = arith.constant 0 : i32
        %dma_wait3A_112 = tpu.memref_slice %arg5[%sub3A_106, %dma_wait3A_111] : memref<2x1280xi32, #tpu.memory_space<vmem>> -> memref<1x1280xi32, #tpu.memory_space<vmem>>
        %dma_wait3A_113 = tpu.memref_squeeze %dma_wait3A_112 : memref<1x1280xi32, #tpu.memory_space<vmem>> -> memref<1280xi32, #tpu.memory_space<vmem>>
        %dma_wait3A_114 = tpu.memref_slice %arg2[%mul3A_104] : memref<819200xi32, #tpu.memory_space<hbm>> -> memref<1280xi32, #tpu.memory_space<hbm>>
        tpu.wait_dma2 semaphore(%arg9 : memref<!tpu.dma_semaphore, #tpu.memory_space<semaphore_mem>>) src(%dma_wait3A_114 : memref<1280xi32, #tpu.memory_space<hbm>>) dst(%dma_wait3A_113 : memref<1280xi32, #tpu.memory_space<vmem>>)
        %sub3A_115 = arith.constant 1 : i32
        %sub3A_116 = arith.subi %sub3A_115, %select_n3A_51 : i32
        %sub3A_117 = arith.constant 1 : i32
        %sub3A_118 = arith.subi %sub3A_117, %select_n3A_51 : i32
        %dma_start3A_119 = arith.constant 0 : i32
        %dma_start3A_120 = arith.constant 0 : i32
        %dma_start3A_121 = tpu.memref_slice %arg6[%sub3A_118, %dma_start3A_119, %dma_start3A_120] : memref<2x1280x64xbf16, #tpu.memory_space<vmem>> -> memref<1x1280x64xbf16, #tpu.memory_space<vmem>>
        %dma_start3A_122 = tpu.memref_squeeze %dma_start3A_121 : memref<1x1280x64xbf16, #tpu.memory_space<vmem>> -> memref<1280x64xbf16, #tpu.memory_space<vmem>>
        %dma_start3A_123 = arith.constant 0 : i32
        %dma_start3A_124 = tpu.memref_slice %arg5[%sub3A_116, %dma_start3A_123] : memref<2x1280xi32, #tpu.memory_space<vmem>> -> memref<1x1280xi32, #tpu.memory_space<vmem>>
        %dma_start3A_125 = tpu.memref_squeeze %dma_start3A_124 : memref<1x1280xi32, #tpu.memory_space<vmem>> -> memref<1280xi32, #tpu.memory_space<vmem>>
        %dma_start3A_126 = arith.constant 0 : i32
        %dma_start3A_127 = arith.constant 0 : i32
        %dma_start3A_128 = tpu.memref_slice %arg3[%dma_start3A_126, %dma_start3A_127] : memref<51200x64xbf16, #tpu.memory_space<hbm>> -> memref<51200x64xbf16, #tpu.memory_space<hbm>>
        tpu.enqueue_indirect_dma source(%dma_start3A_128 : memref<51200x64xbf16, #tpu.memory_space<hbm>>) target(%dma_start3A_122 : memref<1280x64xbf16, #tpu.memory_space<vmem>>) offsets(%dma_start3A_125 : memref<1280xi32, #tpu.memory_space<vmem>>) semaphore(%arg8 : memref<!tpu.dma_semaphore, #tpu.memory_space<semaphore_mem>>)
      } else {
      }
      %add3A_67 = arith.constant 2 : i32
      %add3A_68 = arith.addi %add3A_39, %add3A_67 : i32
      %lt3A_69 = arith.cmpi slt, %add3A_68, %select_n3A_8 : i32
      %convert_element_type3A_70 = arith.extui %lt3A_69 : i1 to i32
      %cond3A_71 = arith.constant 0 : i32
      %cond3A_72 = arith.cmpi ne, %convert_element_type3A_70, %cond3A_71 : i32
      scf.if %cond3A_72 {
        %add3A_98 = arith.constant 2 : i32
        %add3A_99 = arith.addi %add3A_39, %add3A_98 : i32
        %mul3A_100 = arith.constant 80 : i32
        %mul3A_101 = arith.muli %add3A_99, %mul3A_100 : i32
        %add3A_102 = arith.addi %select_n3A, %mul3A_101 : i32
        %mul3A_103 = arith.constant 16 : i32
        %mul3A_104 = arith.muli %add3A_102, %mul3A_103 : i32
        %dma_start3A_105 = arith.constant 0 : i32
        %dma_start3A_106 = tpu.memref_slice %arg5[%select_n3A_51, %dma_start3A_105] : memref<2x1280xi32, #tpu.memory_space<vmem>> -> memref<1x1280xi32, #tpu.memory_space<vmem>>
        %dma_start3A_107 = tpu.memref_squeeze %dma_start3A_106 : memref<1x1280xi32, #tpu.memory_space<vmem>> -> memref<1280xi32, #tpu.memory_space<vmem>>
        %dma_start3A_108 = tpu.memref_slice %arg2[%mul3A_104] : memref<819200xi32, #tpu.memory_space<hbm>> -> memref<1280xi32, #tpu.memory_space<hbm>>
        %dma_start3A_109 = arith.constant 0 : i32
        %dma_start3A_110 = tpu.memref_slice %arg5[%select_n3A_51, %dma_start3A_109] : memref<2x1280xi32, #tpu.memory_space<vmem>> -> memref<1x1280xi32, #tpu.memory_space<vmem>>
        %dma_start3A_111 = tpu.memref_squeeze %dma_start3A_110 : memref<1x1280xi32, #tpu.memory_space<vmem>> -> memref<1280xi32, #tpu.memory_space<vmem>>
        %dma_start3A_112 = tpu.memref_slice %arg2[%mul3A_104] : memref<819200xi32, #tpu.memory_space<hbm>> -> memref<1280xi32, #tpu.memory_space<hbm>>
        tpu.enqueue_dma source(%dma_start3A_112 : memref<1280xi32, #tpu.memory_space<hbm>>) target(%dma_start3A_111 : memref<1280xi32, #tpu.memory_space<vmem>>) target_semaphore(%arg9 : memref<!tpu.dma_semaphore, #tpu.memory_space<semaphore_mem>>)
      } else {
      }
      %ge3A_73 = arith.constant 1 : i32
      %ge3A_74 = arith.cmpi sge, %add3A_39, %ge3A_73 : i32
      %convert_element_type3A_75 = arith.extui %ge3A_74 : i1 to i32
      %cond3A_76 = arith.constant 0 : i32
      %cond3A_77 = arith.cmpi ne, %convert_element_type3A_75, %cond3A_76 : i32
      scf.if %cond3A_77 {
        %sub3A_98 = arith.constant 1 : i32
        %sub3A_99 = arith.subi %sub3A_98, %select_n3A_51 : i32
        %sub3A_100 = arith.constant 1 : i32
        %sub3A_101 = arith.subi %add3A_39, %sub3A_100 : i32
        %mul3A_102 = arith.constant 80 : i32
        %mul3A_103 = arith.muli %sub3A_101, %mul3A_102 : i32
        %add3A_104 = arith.addi %select_n3A, %mul3A_103 : i32
        %dma_wait3A_105 = arith.constant 0 : i32
        %dma_wait3A_106 = arith.constant 0 : i32
        %dma_wait3A_107 = tpu.memref_slice %arg7[%sub3A_99, %dma_wait3A_105, %dma_wait3A_106] : memref<2x80x64xbf16, #tpu.memory_space<vmem>> -> memref<1x80x64xbf16, #tpu.memory_space<vmem>>
        %dma_wait3A_108 = tpu.memref_squeeze %dma_wait3A_107 : memref<1x80x64xbf16, #tpu.memory_space<vmem>> -> memref<80x64xbf16, #tpu.memory_space<vmem>>
        %dma_wait3A_109 = arith.constant 0 : i32
        %dma_wait3A_110 = tpu.memref_slice %arg4[%add3A_104, %dma_wait3A_109] : memref<51200x64xbf16, #tpu.memory_space<hbm>> -> memref<80x64xbf16, #tpu.memory_space<hbm>>
        %dma_wait3A_111 = arith.constant 0 : i32
        %dma_wait3A_112 = tpu.memref_slice %arg4[%add3A_104, %dma_wait3A_111] : memref<51200x64xbf16, #tpu.memory_space<hbm>> -> memref<80x64xbf16, #tpu.memory_space<hbm>>
        %dma_wait3A_113 = arith.constant 0 : i32
        %dma_wait3A_114 = arith.constant 0 : i32
        %dma_wait3A_115 = tpu.memref_slice %arg7[%sub3A_99, %dma_wait3A_113, %dma_wait3A_114] : memref<2x80x64xbf16, #tpu.memory_space<vmem>> -> memref<1x80x64xbf16, #tpu.memory_space<vmem>>
        %dma_wait3A_116 = tpu.memref_squeeze %dma_wait3A_115 : memref<1x80x64xbf16, #tpu.memory_space<vmem>> -> memref<80x64xbf16, #tpu.memory_space<vmem>>
        tpu.wait_dma2 semaphore(%arg10 : memref<!tpu.dma_semaphore, #tpu.memory_space<semaphore_mem>>) src(%dma_wait3A_116 : memref<80x64xbf16, #tpu.memory_space<vmem>>) dst(%dma_wait3A_112 : memref<80x64xbf16, #tpu.memory_space<hbm>>)
      } else {
      }
      %scan3A = arith.constant 0 : i32
      %scan3A_78 = arith.constant 0 : i32
      %scan3A_79 = arith.constant 80 : i32
      %scan3A_80 = arith.addi %scan3A_78, %scan3A_79 : i32
      %scan3A_81 = arith.constant 1 : i32
      %scan3A_82 = scf.for %scan3A_98 = %scan3A_78 to %scan3A_80 step %scan3A_81 iter_args(%scan3A_99 = %scan3A) -> (i32)  : i32 {
        %mul3A_100 = arith.constant 16 : i32
        %mul3A_101 = arith.muli %scan3A_98, %mul3A_100 : i32
        %get3A = arith.index_cast %select_n3A_51 : i32 to index
        %get3A_102 = arith.index_cast %mul3A_101 : i32 to index
        %get3A_103 = arith.constant 0 : index
        %get3A_104 = tpu.vector_load %arg6[%get3A, %get3A_102, %get3A_103] {strides = array<i32>} : memref<2x1280x64xbf16, #tpu.memory_space<vmem>>, vector<1x1x32xbf16>,
        %get3A_105 = vector.shape_cast %get3A_104 : vector<1x1x32xbf16> to vector<32xbf16>
        %mul3A_106 = arith.constant 16 : i32
        %mul3A_107 = arith.muli %scan3A_98, %mul3A_106 : i32
        %add3A_108 = arith.constant 1 : i32
        %add3A_109 = arith.addi %mul3A_107, %add3A_108 : i32
        %get3A_110 = arith.index_cast %select_n3A_51 : i32 to index
        %get3A_111 = arith.index_cast %add3A_109 : i32 to index
        %get3A_112 = arith.constant 0 : index
        %get3A_113 = tpu.vector_load %arg6[%get3A_110, %get3A_111, %get3A_112] {strides = array<i32>} : memref<2x1280x64xbf16, #tpu.memory_space<vmem>>, vector<1x1x32xbf16>,
        %get3A_114 = vector.shape_cast %get3A_113 : vector<1x1x32xbf16> to vector<32xbf16>
        %max3A = arith.maximumf %get3A_105, %get3A_114 : vector<32xbf16>
        %mul3A_115 = arith.constant 16 : i32
        %mul3A_116 = arith.muli %scan3A_98, %mul3A_115 : i32
        %add3A_117 = arith.constant 2 : i32
        %add3A_118 = arith.addi %mul3A_116, %add3A_117 : i32
        %get3A_119 = arith.index_cast %select_n3A_51 : i32 to index
        %get3A_120 = arith.index_cast %add3A_118 : i32 to index
        %get3A_121 = arith.constant 0 : index
        %get3A_122 = tpu.vector_load %arg6[%get3A_119, %get3A_120, %get3A_121] {strides = array<i32>} : memref<2x1280x64xbf16, #tpu.memory_space<vmem>>, vector<1x1x32xbf16>,
        %get3A_123 = vector.shape_cast %get3A_122 : vector<1x1x32xbf16> to vector<32xbf16>
        %max3A_124 = arith.maximumf %max3A, %get3A_123 : vector<32xbf16>
        %mul3A_125 = arith.constant 16 : i32
        %mul3A_126 = arith.muli %scan3A_98, %mul3A_125 : i32
        %add3A_127 = arith.constant 3 : i32
        %add3A_128 = arith.addi %mul3A_126, %add3A_127 : i32
        %get3A_129 = arith.index_cast %select_n3A_51 : i32 to index
        %get3A_130 = arith.index_cast %add3A_128 : i32 to index
        %get3A_131 = arith.constant 0 : index
        %get3A_132 = tpu.vector_load %arg6[%get3A_129, %get3A_130, %get3A_131] {strides = array<i32>} : memref<2x1280x64xbf16, #tpu.memory_space<vmem>>, vector<1x1x32xbf16>,
        %get3A_133 = vector.shape_cast %get3A_132 : vector<1x1x32xbf16> to vector<32xbf16>
        %max3A_134 = arith.maximumf %max3A_124, %get3A_133 : vector<32xbf16>
        %mul3A_135 = arith.constant 16 : i32
        %mul3A_136 = arith.muli %scan3A_98, %mul3A_135 : i32
        %add3A_137 = arith.constant 4 : i32
        %add3A_138 = arith.addi %mul3A_136, %add3A_137 : i32
        %get3A_139 = arith.index_cast %select_n3A_51 : i32 to index
        %get3A_140 = arith.index_cast %add3A_138 : i32 to index
        %get3A_141 = arith.constant 0 : index
        %get3A_142 = tpu.vector_load %arg6[%get3A_139, %get3A_140, %get3A_141] {strides = array<i32>} : memref<2x1280x64xbf16, #tpu.memory_space<vmem>>, vector<1x1x32xbf16>,
        %get3A_143 = vector.shape_cast %get3A_142 : vector<1x1x32xbf16> to vector<32xbf16>
        %max3A_144 = arith.maximumf %max3A_134, %get3A_143 : vector<32xbf16>
        %mul3A_145 = arith.constant 16 : i32
        %mul3A_146 = arith.muli %scan3A_98, %mul3A_145 : i32
        %add3A_147 = arith.constant 5 : i32
        %add3A_148 = arith.addi %mul3A_146, %add3A_147 : i32
        %get3A_149 = arith.index_cast %select_n3A_51 : i32 to index
        %get3A_150 = arith.index_cast %add3A_148 : i32 to index
        %get3A_151 = arith.constant 0 : index
        %get3A_152 = tpu.vector_load %arg6[%get3A_149, %get3A_150, %get3A_151] {strides = array<i32>} : memref<2x1280x64xbf16, #tpu.memory_space<vmem>>, vector<1x1x32xbf16>,
        %get3A_153 = vector.shape_cast %get3A_152 : vector<1x1x32xbf16> to vector<32xbf16>
        %max3A_154 = arith.maximumf %max3A_144, %get3A_153 : vector<32xbf16>
        %mul3A_155 = arith.constant 16 : i32
        %mul3A_156 = arith.muli %scan3A_98, %mul3A_155 : i32
        %add3A_157 = arith.constant 6 : i32
        %add3A_158 = arith.addi %mul3A_156, %add3A_157 : i32
        %get3A_159 = arith.index_cast %select_n3A_51 : i32 to index
        %get3A_160 = arith.index_cast %add3A_158 : i32 to index
        %get3A_161 = arith.constant 0 : index
        %get3A_162 = tpu.vector_load %arg6[%get3A_159, %get3A_160, %get3A_161] {strides = array<i32>} : memref<2x1280x64xbf16, #tpu.memory_space<vmem>>, vector<1x1x32xbf16>,
        %get3A_163 = vector.shape_cast %get3A_162 : vector<1x1x32xbf16> to vector<32xbf16>
        %max3A_164 = arith.maximumf %max3A_154, %get3A_163 : vector<32xbf16>
        %mul3A_165 = arith.constant 16 : i32
        %mul3A_166 = arith.muli %scan3A_98, %mul3A_165 : i32
        %add3A_167 = arith.constant 7 : i32
        %add3A_168 = arith.addi %mul3A_166, %add3A_167 : i32
        %get3A_169 = arith.index_cast %select_n3A_51 : i32 to index
        %get3A_170 = arith.index_cast %add3A_168 : i32 to index
        %get3A_171 = arith.constant 0 : index
        %get3A_172 = tpu.vector_load %arg6[%get3A_169, %get3A_170, %get3A_171] {strides = array<i32>} : memref<2x1280x64xbf16, #tpu.memory_space<vmem>>, vector<1x1x32xbf16>,
        %get3A_173 = vector.shape_cast %get3A_172 : vector<1x1x32xbf16> to vector<32xbf16>
        %max3A_174 = arith.maximumf %max3A_164, %get3A_173 : vector<32xbf16>
        %mul3A_175 = arith.constant 16 : i32
        %mul3A_176 = arith.muli %scan3A_98, %mul3A_175 : i32
        %add3A_177 = arith.constant 8 : i32
        %add3A_178 = arith.addi %mul3A_176, %add3A_177 : i32
        %get3A_179 = arith.index_cast %select_n3A_51 : i32 to index
        %get3A_180 = arith.index_cast %add3A_178 : i32 to index
        %get3A_181 = arith.constant 0 : index
        %get3A_182 = tpu.vector_load %arg6[%get3A_179, %get3A_180, %get3A_181] {strides = array<i32>} : memref<2x1280x64xbf16, #tpu.memory_space<vmem>>, vector<1x1x32xbf16>,
        %get3A_183 = vector.shape_cast %get3A_182 : vector<1x1x32xbf16> to vector<32xbf16>
        %max3A_184 = arith.maximumf %max3A_174, %get3A_183 : vector<32xbf16>
        %mul3A_185 = arith.constant 16 : i32
        %mul3A_186 = arith.muli %scan3A_98, %mul3A_185 : i32
        %add3A_187 = arith.constant 9 : i32
        %add3A_188 = arith.addi %mul3A_186, %add3A_187 : i32
        %get3A_189 = arith.index_cast %select_n3A_51 : i32 to index
        %get3A_190 = arith.index_cast %add3A_188 : i32 to index
        %get3A_191 = arith.constant 0 : index
        %get3A_192 = tpu.vector_load %arg6[%get3A_189, %get3A_190, %get3A_191] {strides = array<i32>} : memref<2x1280x64xbf16, #tpu.memory_space<vmem>>, vector<1x1x32xbf16>,
        %get3A_193 = vector.shape_cast %get3A_192 : vector<1x1x32xbf16> to vector<32xbf16>
        %max3A_194 = arith.maximumf %max3A_184, %get3A_193 : vector<32xbf16>
        %mul3A_195 = arith.constant 16 : i32
        %mul3A_196 = arith.muli %scan3A_98, %mul3A_195 : i32
        %add3A_197 = arith.constant 10 : i32
        %add3A_198 = arith.addi %mul3A_196, %add3A_197 : i32
        %get3A_199 = arith.index_cast %select_n3A_51 : i32 to index
        %get3A_200 = arith.index_cast %add3A_198 : i32 to index
        %get3A_201 = arith.constant 0 : index
        %get3A_202 = tpu.vector_load %arg6[%get3A_199, %get3A_200, %get3A_201] {strides = array<i32>} : memref<2x1280x64xbf16, #tpu.memory_space<vmem>>, vector<1x1x32xbf16>,
        %get3A_203 = vector.shape_cast %get3A_202 : vector<1x1x32xbf16> to vector<32xbf16>
        %max3A_204 = arith.maximumf %max3A_194, %get3A_203 : vector<32xbf16>
        %mul3A_205 = arith.constant 16 : i32
        %mul3A_206 = arith.muli %scan3A_98, %mul3A_205 : i32
        %add3A_207 = arith.constant 11 : i32
        %add3A_208 = arith.addi %mul3A_206, %add3A_207 : i32
        %get3A_209 = arith.index_cast %select_n3A_51 : i32 to index
        %get3A_210 = arith.index_cast %add3A_208 : i32 to index
        %get3A_211 = arith.constant 0 : index
        %get3A_212 = tpu.vector_load %arg6[%get3A_209, %get3A_210, %get3A_211] {strides = array<i32>} : memref<2x1280x64xbf16, #tpu.memory_space<vmem>>, vector<1x1x32xbf16>,
        %get3A_213 = vector.shape_cast %get3A_212 : vector<1x1x32xbf16> to vector<32xbf16>
        %max3A_214 = arith.maximumf %max3A_204, %get3A_213 : vector<32xbf16>
        %mul3A_215 = arith.constant 16 : i32
        %mul3A_216 = arith.muli %scan3A_98, %mul3A_215 : i32
        %add3A_217 = arith.constant 12 : i32
        %add3A_218 = arith.addi %mul3A_216, %add3A_217 : i32
        %get3A_219 = arith.index_cast %select_n3A_51 : i32 to index
        %get3A_220 = arith.index_cast %add3A_218 : i32 to index
        %get3A_221 = arith.constant 0 : index
        %get3A_222 = tpu.vector_load %arg6[%get3A_219, %get3A_220, %get3A_221] {strides = array<i32>} : memref<2x1280x64xbf16, #tpu.memory_space<vmem>>, vector<1x1x32xbf16>,
        %get3A_223 = vector.shape_cast %get3A_222 : vector<1x1x32xbf16> to vector<32xbf16>
        %max3A_224 = arith.maximumf %max3A_214, %get3A_223 : vector<32xbf16>
        %mul3A_225 = arith.constant 16 : i32
        %mul3A_226 = arith.muli %scan3A_98, %mul3A_225 : i32
        %add3A_227 = arith.constant 13 : i32
        %add3A_228 = arith.addi %mul3A_226, %add3A_227 : i32
        %get3A_229 = arith.index_cast %select_n3A_51 : i32 to index
        %get3A_230 = arith.index_cast %add3A_228 : i32 to index
        %get3A_231 = arith.constant 0 : index
        %get3A_232 = tpu.vector_load %arg6[%get3A_229, %get3A_230, %get3A_231] {strides = array<i32>} : memref<2x1280x64xbf16, #tpu.memory_space<vmem>>, vector<1x1x32xbf16>,
        %get3A_233 = vector.shape_cast %get3A_232 : vector<1x1x32xbf16> to vector<32xbf16>
        %max3A_234 = arith.maximumf %max3A_224, %get3A_233 : vector<32xbf16>
        %mul3A_235 = arith.constant 16 : i32
        %mul3A_236 = arith.muli %scan3A_98, %mul3A_235 : i32
        %add3A_237 = arith.constant 14 : i32
        %add3A_238 = arith.addi %mul3A_236, %add3A_237 : i32
        %get3A_239 = arith.index_cast %select_n3A_51 : i32 to index
        %get3A_240 = arith.index_cast %add3A_238 : i32 to index
        %get3A_241 = arith.constant 0 : index
        %get3A_242 = tpu.vector_load %arg6[%get3A_239, %get3A_240, %get3A_241] {strides = array<i32>} : memref<2x1280x64xbf16, #tpu.memory_space<vmem>>, vector<1x1x32xbf16>,
        %get3A_243 = vector.shape_cast %get3A_242 : vector<1x1x32xbf16> to vector<32xbf16>
        %max3A_244 = arith.maximumf %max3A_234, %get3A_243 : vector<32xbf16>
        %mul3A_245 = arith.constant 16 : i32
        %mul3A_246 = arith.muli %scan3A_98, %mul3A_245 : i32
        %add3A_247 = arith.constant 15 : i32
        %add3A_248 = arith.addi %mul3A_246, %add3A_247 : i32
        %get3A_249 = arith.index_cast %select_n3A_51 : i32 to index
        %get3A_250 = arith.index_cast %add3A_248 : i32 to index
        %get3A_251 = arith.constant 0 : index
        %get3A_252 = tpu.vector_load %arg6[%get3A_249, %get3A_250, %get3A_251] {strides = array<i32>} : memref<2x1280x64xbf16, #tpu.memory_space<vmem>>, vector<1x1x32xbf16>,
        %get3A_253 = vector.shape_cast %get3A_252 : vector<1x1x32xbf16> to vector<32xbf16>
        %max3A_254 = arith.maximumf %max3A_244, %get3A_253 : vector<32xbf16>
        %swap3A = arith.index_cast %select_n3A_51 : i32 to index
        %swap3A_255 = arith.index_cast %scan3A_98 : i32 to index
        %swap3A_256 = arith.constant 0 : index
        %swap3A_257 = tpu.vector_load %arg7[%swap3A, %swap3A_255, %swap3A_256] {strides = array<i32>} : memref<2x80x64xbf16, #tpu.memory_space<vmem>>, vector<1x1x32xbf16>,
        %swap3A_258 = vector.shape_cast %swap3A_257 : vector<1x1x32xbf16> to vector<32xbf16>
        %swap3A_259 = vector.shape_cast %max3A_254 : vector<32xbf16> to vector<1x1x32xbf16>
        tpu.vector_store %arg7[%swap3A, %swap3A_255, %swap3A_256], %swap3A_259 {strides = array<i32>} : memref<2x80x64xbf16, #tpu.memory_space<vmem>>, vector<1x1x32xbf16>,
        %mul3A_260 = arith.constant 16 : i32
        %mul3A_261 = arith.muli %scan3A_98, %mul3A_260 : i32
        %get3A_262 = arith.index_cast %select_n3A_51 : i32 to index
        %get3A_263 = arith.index_cast %mul3A_261 : i32 to index
        %get3A_264 = arith.constant 32 : index
        %get3A_265 = tpu.vector_load %arg6[%get3A_262, %get3A_263, %get3A_264] {strides = array<i32>} : memref<2x1280x64xbf16, #tpu.memory_space<vmem>>, vector<1x1x32xbf16>,
        %get3A_266 = vector.shape_cast %get3A_265 : vector<1x1x32xbf16> to vector<32xbf16>
        %mul3A_267 = arith.constant 16 : i32
        %mul3A_268 = arith.muli %scan3A_98, %mul3A_267 : i32
        %add3A_269 = arith.constant 1 : i32
        %add3A_270 = arith.addi %mul3A_268, %add3A_269 : i32
        %get3A_271 = arith.index_cast %select_n3A_51 : i32 to index
        %get3A_272 = arith.index_cast %add3A_270 : i32 to index
        %get3A_273 = arith.constant 32 : index
        %get3A_274 = tpu.vector_load %arg6[%get3A_271, %get3A_272, %get3A_273] {strides = array<i32>} : memref<2x1280x64xbf16, #tpu.memory_space<vmem>>, vector<1x1x32xbf16>,
        %get3A_275 = vector.shape_cast %get3A_274 : vector<1x1x32xbf16> to vector<32xbf16>
        %max3A_276 = arith.maximumf %get3A_266, %get3A_275 : vector<32xbf16>
        %mul3A_277 = arith.constant 16 : i32
        %mul3A_278 = arith.muli %scan3A_98, %mul3A_277 : i32
        %add3A_279 = arith.constant 2 : i32
        %add3A_280 = arith.addi %mul3A_278, %add3A_279 : i32
        %get3A_281 = arith.index_cast %select_n3A_51 : i32 to index
        %get3A_282 = arith.index_cast %add3A_280 : i32 to index
        %get3A_283 = arith.constant 32 : index
        %get3A_284 = tpu.vector_load %arg6[%get3A_281, %get3A_282, %get3A_283] {strides = array<i32>} : memref<2x1280x64xbf16, #tpu.memory_space<vmem>>, vector<1x1x32xbf16>,
        %get3A_285 = vector.shape_cast %get3A_284 : vector<1x1x32xbf16> to vector<32xbf16>
        %max3A_286 = arith.maximumf %max3A_276, %get3A_285 : vector<32xbf16>
        %mul3A_287 = arith.constant 16 : i32
        %mul3A_288 = arith.muli %scan3A_98, %mul3A_287 : i32
        %add3A_289 = arith.constant 3 : i32
        %add3A_290 = arith.addi %mul3A_288, %add3A_289 : i32
        %get3A_291 = arith.index_cast %select_n3A_51 : i32 to index
        %get3A_292 = arith.index_cast %add3A_290 : i32 to index
        %get3A_293 = arith.constant 32 : index
        %get3A_294 = tpu.vector_load %arg6[%get3A_291, %get3A_292, %get3A_293] {strides = array<i32>} : memref<2x1280x64xbf16, #tpu.memory_space<vmem>>, vector<1x1x32xbf16>,
        %get3A_295 = vector.shape_cast %get3A_294 : vector<1x1x32xbf16> to vector<32xbf16>
        %max3A_296 = arith.maximumf %max3A_286, %get3A_295 : vector<32xbf16>
        %mul3A_297 = arith.constant 16 : i32
        %mul3A_298 = arith.muli %scan3A_98, %mul3A_297 : i32
        %add3A_299 = arith.constant 4 : i32
        %add3A_300 = arith.addi %mul3A_298, %add3A_299 : i32
        %get3A_301 = arith.index_cast %select_n3A_51 : i32 to index
        %get3A_302 = arith.index_cast %add3A_300 : i32 to index
        %get3A_303 = arith.constant 32 : index
        %get3A_304 = tpu.vector_load %arg6[%get3A_301, %get3A_302, %get3A_303] {strides = array<i32>} : memref<2x1280x64xbf16, #tpu.memory_space<vmem>>, vector<1x1x32xbf16>,
        %get3A_305 = vector.shape_cast %get3A_304 : vector<1x1x32xbf16> to vector<32xbf16>
        %max3A_306 = arith.maximumf %max3A_296, %get3A_305 : vector<32xbf16>
        %mul3A_307 = arith.constant 16 : i32
        %mul3A_308 = arith.muli %scan3A_98, %mul3A_307 : i32
        %add3A_309 = arith.constant 5 : i32
        %add3A_310 = arith.addi %mul3A_308, %add3A_309 : i32
        %get3A_311 = arith.index_cast %select_n3A_51 : i32 to index
        %get3A_312 = arith.index_cast %add3A_310 : i32 to index
        %get3A_313 = arith.constant 32 : index
        %get3A_314 = tpu.vector_load %arg6[%get3A_311, %get3A_312, %get3A_313] {strides = array<i32>} : memref<2x1280x64xbf16, #tpu.memory_space<vmem>>, vector<1x1x32xbf16>,
        %get3A_315 = vector.shape_cast %get3A_314 : vector<1x1x32xbf16> to vector<32xbf16>
        %max3A_316 = arith.maximumf %max3A_306, %get3A_315 : vector<32xbf16>
        %mul3A_317 = arith.constant 16 : i32
        %mul3A_318 = arith.muli %scan3A_98, %mul3A_317 : i32
        %add3A_319 = arith.constant 6 : i32
        %add3A_320 = arith.addi %mul3A_318, %add3A_319 : i32
        %get3A_321 = arith.index_cast %select_n3A_51 : i32 to index
        %get3A_322 = arith.index_cast %add3A_320 : i32 to index
        %get3A_323 = arith.constant 32 : index
        %get3A_324 = tpu.vector_load %arg6[%get3A_321, %get3A_322, %get3A_323] {strides = array<i32>} : memref<2x1280x64xbf16, #tpu.memory_space<vmem>>, vector<1x1x32xbf16>,
        %get3A_325 = vector.shape_cast %get3A_324 : vector<1x1x32xbf16> to vector<32xbf16>
        %max3A_326 = arith.maximumf %max3A_316, %get3A_325 : vector<32xbf16>
        %mul3A_327 = arith.constant 16 : i32
        %mul3A_328 = arith.muli %scan3A_98, %mul3A_327 : i32
        %add3A_329 = arith.constant 7 : i32
        %add3A_330 = arith.addi %mul3A_328, %add3A_329 : i32
        %get3A_331 = arith.index_cast %select_n3A_51 : i32 to index
        %get3A_332 = arith.index_cast %add3A_330 : i32 to index
        %get3A_333 = arith.constant 32 : index
        %get3A_334 = tpu.vector_load %arg6[%get3A_331, %get3A_332, %get3A_333] {strides = array<i32>} : memref<2x1280x64xbf16, #tpu.memory_space<vmem>>, vector<1x1x32xbf16>,
        %get3A_335 = vector.shape_cast %get3A_334 : vector<1x1x32xbf16> to vector<32xbf16>
        %max3A_336 = arith.maximumf %max3A_326, %get3A_335 : vector<32xbf16>
        %mul3A_337 = arith.constant 16 : i32
        %mul3A_338 = arith.muli %scan3A_98, %mul3A_337 : i32
        %add3A_339 = arith.constant 8 : i32
        %add3A_340 = arith.addi %mul3A_338, %add3A_339 : i32
        %get3A_341 = arith.index_cast %select_n3A_51 : i32 to index
        %get3A_342 = arith.index_cast %add3A_340 : i32 to index
        %get3A_343 = arith.constant 32 : index
        %get3A_344 = tpu.vector_load %arg6[%get3A_341, %get3A_342, %get3A_343] {strides = array<i32>} : memref<2x1280x64xbf16, #tpu.memory_space<vmem>>, vector<1x1x32xbf16>,
        %get3A_345 = vector.shape_cast %get3A_344 : vector<1x1x32xbf16> to vector<32xbf16>
        %max3A_346 = arith.maximumf %max3A_336, %get3A_345 : vector<32xbf16>
        %mul3A_347 = arith.constant 16 : i32
        %mul3A_348 = arith.muli %scan3A_98, %mul3A_347 : i32
        %add3A_349 = arith.constant 9 : i32
        %add3A_350 = arith.addi %mul3A_348, %add3A_349 : i32
        %get3A_351 = arith.index_cast %select_n3A_51 : i32 to index
        %get3A_352 = arith.index_cast %add3A_350 : i32 to index
        %get3A_353 = arith.constant 32 : index
        %get3A_354 = tpu.vector_load %arg6[%get3A_351, %get3A_352, %get3A_353] {strides = array<i32>} : memref<2x1280x64xbf16, #tpu.memory_space<vmem>>, vector<1x1x32xbf16>,
        %get3A_355 = vector.shape_cast %get3A_354 : vector<1x1x32xbf16> to vector<32xbf16>
        %max3A_356 = arith.maximumf %max3A_346, %get3A_355 : vector<32xbf16>
        %mul3A_357 = arith.constant 16 : i32
        %mul3A_358 = arith.muli %scan3A_98, %mul3A_357 : i32
        %add3A_359 = arith.constant 10 : i32
        %add3A_360 = arith.addi %mul3A_358, %add3A_359 : i32
        %get3A_361 = arith.index_cast %select_n3A_51 : i32 to index
        %get3A_362 = arith.index_cast %add3A_360 : i32 to index
        %get3A_363 = arith.constant 32 : index
        %get3A_364 = tpu.vector_load %arg6[%get3A_361, %get3A_362, %get3A_363] {strides = array<i32>} : memref<2x1280x64xbf16, #tpu.memory_space<vmem>>, vector<1x1x32xbf16>,
        %get3A_365 = vector.shape_cast %get3A_364 : vector<1x1x32xbf16> to vector<32xbf16>
        %max3A_366 = arith.maximumf %max3A_356, %get3A_365 : vector<32xbf16>
        %mul3A_367 = arith.constant 16 : i32
        %mul3A_368 = arith.muli %scan3A_98, %mul3A_367 : i32
        %add3A_369 = arith.constant 11 : i32
        %add3A_370 = arith.addi %mul3A_368, %add3A_369 : i32
        %get3A_371 = arith.index_cast %select_n3A_51 : i32 to index
        %get3A_372 = arith.index_cast %add3A_370 : i32 to index
        %get3A_373 = arith.constant 32 : index
        %get3A_374 = tpu.vector_load %arg6[%get3A_371, %get3A_372, %get3A_373] {strides = array<i32>} : memref<2x1280x64xbf16, #tpu.memory_space<vmem>>, vector<1x1x32xbf16>,
        %get3A_375 = vector.shape_cast %get3A_374 : vector<1x1x32xbf16> to vector<32xbf16>
        %max3A_376 = arith.maximumf %max3A_366, %get3A_375 : vector<32xbf16>
        %mul3A_377 = arith.constant 16 : i32
        %mul3A_378 = arith.muli %scan3A_98, %mul3A_377 : i32
        %add3A_379 = arith.constant 12 : i32
        %add3A_380 = arith.addi %mul3A_378, %add3A_379 : i32
        %get3A_381 = arith.index_cast %select_n3A_51 : i32 to index
        %get3A_382 = arith.index_cast %add3A_380 : i32 to index
        %get3A_383 = arith.constant 32 : index
        %get3A_384 = tpu.vector_load %arg6[%get3A_381, %get3A_382, %get3A_383] {strides = array<i32>} : memref<2x1280x64xbf16, #tpu.memory_space<vmem>>, vector<1x1x32xbf16>,
        %get3A_385 = vector.shape_cast %get3A_384 : vector<1x1x32xbf16> to vector<32xbf16>
        %max3A_386 = arith.maximumf %max3A_376, %get3A_385 : vector<32xbf16>
        %mul3A_387 = arith.constant 16 : i32
        %mul3A_388 = arith.muli %scan3A_98, %mul3A_387 : i32
        %add3A_389 = arith.constant 13 : i32
        %add3A_390 = arith.addi %mul3A_388, %add3A_389 : i32
        %get3A_391 = arith.index_cast %select_n3A_51 : i32 to index
        %get3A_392 = arith.index_cast %add3A_390 : i32 to index
        %get3A_393 = arith.constant 32 : index
        %get3A_394 = tpu.vector_load %arg6[%get3A_391, %get3A_392, %get3A_393] {strides = array<i32>} : memref<2x1280x64xbf16, #tpu.memory_space<vmem>>, vector<1x1x32xbf16>,
        %get3A_395 = vector.shape_cast %get3A_394 : vector<1x1x32xbf16> to vector<32xbf16>
        %max3A_396 = arith.maximumf %max3A_386, %get3A_395 : vector<32xbf16>
        %mul3A_397 = arith.constant 16 : i32
        %mul3A_398 = arith.muli %scan3A_98, %mul3A_397 : i32
        %add3A_399 = arith.constant 14 : i32
        %add3A_400 = arith.addi %mul3A_398, %add3A_399 : i32
        %get3A_401 = arith.index_cast %select_n3A_51 : i32 to index
        %get3A_402 = arith.index_cast %add3A_400 : i32 to index
        %get3A_403 = arith.constant 32 : index
        %get3A_404 = tpu.vector_load %arg6[%get3A_401, %get3A_402, %get3A_403] {strides = array<i32>} : memref<2x1280x64xbf16, #tpu.memory_space<vmem>>, vector<1x1x32xbf16>,
        %get3A_405 = vector.shape_cast %get3A_404 : vector<1x1x32xbf16> to vector<32xbf16>
        %max3A_406 = arith.maximumf %max3A_396, %get3A_405 : vector<32xbf16>
        %mul3A_407 = arith.constant 16 : i32
        %mul3A_408 = arith.muli %scan3A_98, %mul3A_407 : i32
        %add3A_409 = arith.constant 15 : i32
        %add3A_410 = arith.addi %mul3A_408, %add3A_409 : i32
        %get3A_411 = arith.index_cast %select_n3A_51 : i32 to index
        %get3A_412 = arith.index_cast %add3A_410 : i32 to index
        %get3A_413 = arith.constant 32 : index
        %get3A_414 = tpu.vector_load %arg6[%get3A_411, %get3A_412, %get3A_413] {strides = array<i32>} : memref<2x1280x64xbf16, #tpu.memory_space<vmem>>, vector<1x1x32xbf16>,
        %get3A_415 = vector.shape_cast %get3A_414 : vector<1x1x32xbf16> to vector<32xbf16>
        %max3A_416 = arith.maximumf %max3A_406, %get3A_415 : vector<32xbf16>
        %swap3A_417 = arith.index_cast %select_n3A_51 : i32 to index
        %swap3A_418 = arith.index_cast %scan3A_98 : i32 to index
        %swap3A_419 = arith.constant 32 : index
        %swap3A_420 = tpu.vector_load %arg7[%swap3A_417, %swap3A_418, %swap3A_419] {strides = array<i32>} : memref<2x80x64xbf16, #tpu.memory_space<vmem>>, vector<1x1x32xbf16>,
        %swap3A_421 = vector.shape_cast %swap3A_420 : vector<1x1x32xbf16> to vector<32xbf16>
        %swap3A_422 = vector.shape_cast %max3A_416 : vector<32xbf16> to vector<1x1x32xbf16>
        tpu.vector_store %arg7[%swap3A_417, %swap3A_418, %swap3A_419], %swap3A_422 {strides = array<i32>} : memref<2x80x64xbf16, #tpu.memory_space<vmem>>, vector<1x1x32xbf16>,
        %scan3A_423 = arith.constant 0 : i32
        scf.yield %scan3A_423 : i32
      }
      %scan3A_83 = arith.constant 80 : i32
      %mul3A_84 = arith.constant 80 : i32
      %mul3A_85 = arith.muli %add3A_39, %mul3A_84 : i32
      %add3A_86 = arith.addi %select_n3A, %mul3A_85 : i32
      %dma_start3A = arith.constant 0 : i32
      %dma_start3A_87 = arith.constant 0 : i32
      %dma_start3A_88 = tpu.memref_slice %arg7[%select_n3A_51, %dma_start3A, %dma_start3A_87] : memref<2x80x64xbf16, #tpu.memory_space<vmem>> -> memref<1x80x64xbf16, #tpu.memory_space<vmem>>
      %dma_start3A_89 = tpu.memref_squeeze %dma_start3A_88 : memref<1x80x64xbf16, #tpu.memory_space<vmem>> -> memref<80x64xbf16, #tpu.memory_space<vmem>>
      %dma_start3A_90 = arith.constant 0 : i32
      %dma_start3A_91 = tpu.memref_slice %arg4[%add3A_86, %dma_start3A_90] : memref<51200x64xbf16, #tpu.memory_space<hbm>> -> memref<80x64xbf16, #tpu.memory_space<hbm>>
      %dma_start3A_92 = arith.constant 0 : i32
      %dma_start3A_93 = tpu.memref_slice %arg4[%add3A_86, %dma_start3A_92] : memref<51200x64xbf16, #tpu.memory_space<hbm>> -> memref<80x64xbf16, #tpu.memory_space<hbm>>
      %dma_start3A_94 = arith.constant 0 : i32
      %dma_start3A_95 = arith.constant 0 : i32
      %dma_start3A_96 = tpu.memref_slice %arg7[%select_n3A_51, %dma_start3A_94, %dma_start3A_95] : memref<2x80x64xbf16, #tpu.memory_space<vmem>> -> memref<1x80x64xbf16, #tpu.memory_space<vmem>>
      %dma_start3A_97 = tpu.memref_squeeze %dma_start3A_96 : memref<1x80x64xbf16, #tpu.memory_space<vmem>> -> memref<80x64xbf16, #tpu.memory_space<vmem>>
      tpu.enqueue_dma source(%dma_start3A_97 : memref<80x64xbf16, #tpu.memory_space<vmem>>) target(%dma_start3A_93 : memref<80x64xbf16, #tpu.memory_space<hbm>>) target_semaphore(%arg10 : memref<!tpu.dma_semaphore, #tpu.memory_space<semaphore_mem>>)
    }
    %ge3A_32 = arith.constant 1 : i32
    %ge3A_33 = arith.cmpi sge, %select_n3A_8, %ge3A_32 : i32
    %convert_element_type3A_34 = arith.extui %ge3A_33 : i1 to i32
    %cond3A_35 = arith.constant 0 : i32
    %cond3A_36 = arith.cmpi ne, %convert_element_type3A_34, %cond3A_35 : i32
    scf.if %cond3A_36 {
      %sub3A_37 = arith.constant 1 : i32
      %sub3A_38 = arith.subi %select_n3A_8, %sub3A_37 : i32
      %jit3A_39 = arith.constant 2 : i32
      %eq3A_40 = arith.constant 0 : i32
      %eq3A_41 = arith.cmpi eq, %jit3A_39, %eq3A_40 : i32
      %jit3A_42 = arith.constant 1 : i32
      %select_n3A_43 = arith.select %eq3A_41, %jit3A_42, %jit3A_39 : i32
      %rem3A = arith.remsi %sub3A_38, %select_n3A_43 : i32
      %ne3A = arith.constant 0 : i32
      %ne3A_44 = arith.cmpi ne, %rem3A, %ne3A : i32
      %lt3A = arith.constant 0 : i32
      %lt3A_45 = arith.cmpi slt, %rem3A, %lt3A : i32
      %lt3A_46 = arith.constant 0 : i32
      %lt3A_47 = arith.cmpi slt, %select_n3A_43, %lt3A_46 : i32
      %ne3A_48 = arith.xori %lt3A_45, %lt3A_47 : i1
      %and3A = arith.andi %ne3A_48, %ne3A_44 : i1
      %add3A_49 = arith.addi %rem3A, %select_n3A_43 : i32
      %select_n3A_50 = arith.select %and3A, %add3A_49, %rem3A : i32
      %sub3A_51 = arith.constant 1 : i32
      %sub3A_52 = arith.subi %select_n3A_8, %sub3A_51 : i32
      %mul3A_53 = arith.constant 80 : i32
      %mul3A_54 = arith.muli %sub3A_52, %mul3A_53 : i32
      %add3A_55 = arith.addi %select_n3A, %mul3A_54 : i32
      %dma_wait3A = arith.constant 0 : i32
      %dma_wait3A_56 = arith.constant 0 : i32
      %dma_wait3A_57 = tpu.memref_slice %arg7[%select_n3A_50, %dma_wait3A, %dma_wait3A_56] : memref<2x80x64xbf16, #tpu.memory_space<vmem>> -> memref<1x80x64xbf16, #tpu.memory_space<vmem>>
      %dma_wait3A_58 = tpu.memref_squeeze %dma_wait3A_57 : memref<1x80x64xbf16, #tpu.memory_space<vmem>> -> memref<80x64xbf16, #tpu.memory_space<vmem>>
      %dma_wait3A_59 = arith.constant 0 : i32
      %dma_wait3A_60 = tpu.memref_slice %arg4[%add3A_55, %dma_wait3A_59] : memref<51200x64xbf16, #tpu.memory_space<hbm>> -> memref<80x64xbf16, #tpu.memory_space<hbm>>
      %dma_wait3A_61 = arith.constant 0 : i32
      %dma_wait3A_62 = tpu.memref_slice %arg4[%add3A_55, %dma_wait3A_61] : memref<51200x64xbf16, #tpu.memory_space<hbm>> -> memref<80x64xbf16, #tpu.memory_space<hbm>>
      %dma_wait3A_63 = arith.constant 0 : i32
      %dma_wait3A_64 = arith.constant 0 : i32
      %dma_wait3A_65 = tpu.memref_slice %arg7[%select_n3A_50, %dma_wait3A_63, %dma_wait3A_64] : memref<2x80x64xbf16, #tpu.memory_space<vmem>> -> memref<1x80x64xbf16, #tpu.memory_space<vmem>>
      %dma_wait3A_66 = tpu.memref_squeeze %dma_wait3A_65 : memref<1x80x64xbf16, #tpu.memory_space<vmem>> -> memref<80x64xbf16, #tpu.memory_space<vmem>>
      tpu.wait_dma2 semaphore(%arg10 : memref<!tpu.dma_semaphore, #tpu.memory_space<semaphore_mem>>) src(%dma_wait3A_66 : memref<80x64xbf16, #tpu.memory_space<vmem>>) dst(%dma_wait3A_62 : memref<80x64xbf16, #tpu.memory_space<hbm>>)
    } else {
    }
    return
  }
}

#map = affine_map<(d0, d1) -> (0)>
#map1 = affine_map<(d0, d1) -> (0, 0)>
module attributes {stable_mosaic.version = 14 : i64} {
  func.func @sc_gathermax(%arg0: i32, %arg1: i32, %arg2: memref<819200xi32, #tpu.memory_space<hbm>>, %arg3: memref<51200x64xbf16, #tpu.memory_space<hbm>>, %arg4: memref<51200x64xbf16, #tpu.memory_space<hbm>>, %arg5: memref<2x1280xi32, #tpu.memory_space<vmem>>, %arg6: memref<2x1280x64xbf16, #tpu.memory_space<vmem>>, %arg7: memref<2x80x64xbf16, #tpu.memory_space<vmem>>, %arg8: memref<!tpu.dma_semaphore, #tpu.memory_space<semaphore_mem>>, %arg9: memref<!tpu.dma_semaphore, #tpu.memory_space<semaphore_mem>>, %arg10: memref<!tpu.dma_semaphore, #tpu.memory_space<semaphore_mem>>) attributes {dimension_semantics = [#tpu.dimension_semantics<core_parallel>, #tpu.dimension_semantics<subcore_parallel>], iteration_bounds = array<i64: 2, 16>, scalar_prefetch = 0 : i64, scratch_operands = 6 : i64, tpu.core_type = #tpu.core_type<sc_vector_subcore>, window_params = [{transform_indices = #map}, {transform_indices = #map1}, {transform_indices = #map1}]} {
    %eq3A = arith.constant 0 : i32
    %eq3A_0 = arith.cmpi eq, %arg0, %eq3A : i32
    %mul3A = arith.constant 3120 : i32
    %mul3A_1 = arith.muli %arg1, %mul3A : i32
    %mul3A_2 = arith.constant 80 : i32
    %mul3A_3 = arith.muli %arg1, %mul3A_2 : i32
    %add3A = arith.constant 49920 : i32
    %add3A_4 = arith.addi %add3A, %mul3A_3 : i32
    %select_n3A = arith.select %eq3A_0, %mul3A_1, %add3A_4 : i32
    %eq3A_5 = arith.constant 0 : i32
    %eq3A_6 = arith.cmpi eq, %arg0, %eq3A_5 : i32
    %jit3A = arith.constant 39 : i32
    %jit3A_7 = arith.constant 1 : i32
    %select_n3A_8 = arith.select %eq3A_6, %jit3A, %jit3A_7 : i32
    %ge3A = arith.constant 1 : i32
    %ge3A_9 = arith.cmpi sge, %select_n3A_8, %ge3A : i32
    %convert_element_type3A = arith.extui %ge3A_9 : i1 to i32
    %cond3A = arith.constant 0 : i32
    %cond3A_10 = arith.cmpi ne, %convert_element_type3A, %cond3A : i32
    scf.if %cond3A_10 {
      %add3A_37 = arith.constant 0 : i32
      %add3A_38 = arith.addi %select_n3A, %add3A_37 : i32
      %mul3A_39 = arith.constant 16 : i32
      %mul3A_40 = arith.muli %add3A_38, %mul3A_39 : i32
      %run_scoped3A = arith.constant 0 : i32
      "tpu.region"() ({
        %run_scoped3A_52 = tpu.sem_alloc : memref<!tpu.dma_semaphore, #tpu.memory_space<semaphore_mem>>
        %dma_start3A_53 = arith.constant 0 : i32
        %dma_start3A_54 = tpu.memref_slice %arg5[%run_scoped3A, %dma_start3A_53] : memref<2x1280xi32, #tpu.memory_space<vmem>> -> memref<1x1280xi32, #tpu.memory_space<vmem>>
        %dma_start3A_55 = tpu.memref_squeeze %dma_start3A_54 : memref<1x1280xi32, #tpu.memory_space<vmem>> -> memref<1280xi32, #tpu.memory_space<vmem>>
        %dma_start3A_56 = tpu.memref_slice %arg2[%mul3A_40] : memref<819200xi32, #tpu.memory_space<hbm>> -> memref<1280xi32, #tpu.memory_space<hbm>>
        %dma_start3A_57 = arith.constant 0 : i32
        %dma_start3A_58 = tpu.memref_slice %arg5[%run_scoped3A, %dma_start3A_57] : memref<2x1280xi32, #tpu.memory_space<vmem>> -> memref<1x1280xi32, #tpu.memory_space<vmem>>
        %dma_start3A_59 = tpu.memref_squeeze %dma_start3A_58 : memref<1x1280xi32, #tpu.memory_space<vmem>> -> memref<1280xi32, #tpu.memory_space<vmem>>
        %dma_start3A_60 = tpu.memref_slice %arg2[%mul3A_40] : memref<819200xi32, #tpu.memory_space<hbm>> -> memref<1280xi32, #tpu.memory_space<hbm>>
        tpu.enqueue_dma source(%dma_start3A_60 : memref<1280xi32, #tpu.memory_space<hbm>>) target(%dma_start3A_59 : memref<1280xi32, #tpu.memory_space<vmem>>) target_semaphore(%run_scoped3A_52 : memref<!tpu.dma_semaphore, #tpu.memory_space<semaphore_mem>>)
        %dma_wait3A = arith.constant 0 : i32
        %dma_wait3A_61 = tpu.memref_slice %arg5[%run_scoped3A, %dma_wait3A] : memref<2x1280xi32, #tpu.memory_space<vmem>> -> memref<1x1280xi32, #tpu.memory_space<vmem>>
        %dma_wait3A_62 = tpu.memref_squeeze %dma_wait3A_61 : memref<1x1280xi32, #tpu.memory_space<vmem>> -> memref<1280xi32, #tpu.memory_space<vmem>>
        %dma_wait3A_63 = tpu.memref_slice %arg2[%mul3A_40] : memref<819200xi32, #tpu.memory_space<hbm>> -> memref<1280xi32, #tpu.memory_space<hbm>>
        %dma_wait3A_64 = arith.constant 0 : i32
        %dma_wait3A_65 = tpu.memref_slice %arg5[%run_scoped3A, %dma_wait3A_64] : memref<2x1280xi32, #tpu.memory_space<vmem>> -> memref<1x1280xi32, #tpu.memory_space<vmem>>
        %dma_wait3A_66 = tpu.memref_squeeze %dma_wait3A_65 : memref<1x1280xi32, #tpu.memory_space<vmem>> -> memref<1280xi32, #tpu.memory_space<vmem>>
        %dma_wait3A_67 = tpu.memref_slice %arg2[%mul3A_40] : memref<819200xi32, #tpu.memory_space<hbm>> -> memref<1280xi32, #tpu.memory_space<hbm>>
        tpu.wait_dma2 semaphore(%run_scoped3A_52 : memref<!tpu.dma_semaphore, #tpu.memory_space<semaphore_mem>>) src(%dma_wait3A_67 : memref<1280xi32, #tpu.memory_space<hbm>>) dst(%dma_wait3A_66 : memref<1280xi32, #tpu.memory_space<vmem>>)
        tpu.yield
      }) : () -> ()
      %dma_start3A = arith.constant 0 : i32
      %dma_start3A_41 = arith.constant 0 : i32
      %dma_start3A_42 = arith.constant 0 : i32
      %dma_start3A_43 = arith.constant 0 : i32
      %dma_start3A_44 = tpu.memref_slice %arg6[%dma_start3A_41, %dma_start3A_42, %dma_start3A_43] : memref<2x1280x64xbf16, #tpu.memory_space<vmem>> -> memref<1x1280x64xbf16, #tpu.memory_space<vmem>>
      %dma_start3A_45 = tpu.memref_squeeze %dma_start3A_44 : memref<1x1280x64xbf16, #tpu.memory_space<vmem>> -> memref<1280x64xbf16, #tpu.memory_space<vmem>>
      %dma_start3A_46 = arith.constant 0 : i32
      %dma_start3A_47 = tpu.memref_slice %arg5[%dma_start3A, %dma_start3A_46] : memref<2x1280xi32, #tpu.memory_space<vmem>> -> memref<1x1280xi32, #tpu.memory_space<vmem>>
      %dma_start3A_48 = tpu.memref_squeeze %dma_start3A_47 : memref<1x1280xi32, #tpu.memory_space<vmem>> -> memref<1280xi32, #tpu.memory_space<vmem>>
      %dma_start3A_49 = arith.constant 0 : i32
      %dma_start3A_50 = arith.constant 0 : i32
      %dma_start3A_51 = tpu.memref_slice %arg3[%dma_start3A_49, %dma_start3A_50] : memref<51200x64xbf16, #tpu.memory_space<hbm>> -> memref<51200x64xbf16, #tpu.memory_space<hbm>>
      tpu.enqueue_indirect_dma source(%dma_start3A_51 : memref<51200x64xbf16, #tpu.memory_space<hbm>>) target(%dma_start3A_45 : memref<1280x64xbf16, #tpu.memory_space<vmem>>) offsets(%dma_start3A_48 : memref<1280xi32, #tpu.memory_space<vmem>>) semaphore(%arg8 : memref<!tpu.dma_semaphore, #tpu.memory_space<semaphore_mem>>)
    } else {
    }
    %ge3A_11 = arith.constant 2 : i32
    %ge3A_12 = arith.cmpi sge, %select_n3A_8, %ge3A_11 : i32
    %convert_element_type3A_13 = arith.extui %ge3A_12 : i1 to i32
    %cond3A_14 = arith.constant 0 : i32
    %cond3A_15 = arith.cmpi ne, %convert_element_type3A_13, %cond3A_14 : i32
    scf.if %cond3A_15 {
      %add3A_37 = arith.constant 80 : i32
      %add3A_38 = arith.addi %select_n3A, %add3A_37 : i32
      %mul3A_39 = arith.constant 16 : i32
      %mul3A_40 = arith.muli %add3A_38, %mul3A_39 : i32
      %dma_start3A = arith.constant 1 : i32
      %dma_start3A_41 = arith.constant 0 : i32
      %dma_start3A_42 = tpu.memref_slice %arg5[%dma_start3A, %dma_start3A_41] : memref<2x1280xi32, #tpu.memory_space<vmem>> -> memref<1x1280xi32, #tpu.memory_space<vmem>>
      %dma_start3A_43 = tpu.memref_squeeze %dma_start3A_42 : memref<1x1280xi32, #tpu.memory_space<vmem>> -> memref<1280xi32, #tpu.memory_space<vmem>>
      %dma_start3A_44 = tpu.memref_slice %arg2[%mul3A_40] : memref<819200xi32, #tpu.memory_space<hbm>> -> memref<1280xi32, #tpu.memory_space<hbm>>
      %dma_start3A_45 = arith.constant 0 : i32
      %dma_start3A_46 = tpu.memref_slice %arg5[%dma_start3A, %dma_start3A_45] : memref<2x1280xi32, #tpu.memory_space<vmem>> -> memref<1x1280xi32, #tpu.memory_space<vmem>>
      %dma_start3A_47 = tpu.memref_squeeze %dma_start3A_46 : memref<1x1280xi32, #tpu.memory_space<vmem>> -> memref<1280xi32, #tpu.memory_space<vmem>>
      %dma_start3A_48 = tpu.memref_slice %arg2[%mul3A_40] : memref<819200xi32, #tpu.memory_space<hbm>> -> memref<1280xi32, #tpu.memory_space<hbm>>
      tpu.enqueue_dma source(%dma_start3A_48 : memref<1280xi32, #tpu.memory_space<hbm>>) target(%dma_start3A_47 : memref<1280xi32, #tpu.memory_space<vmem>>) target_semaphore(%arg9 : memref<!tpu.dma_semaphore, #tpu.memory_space<semaphore_mem>>)
    } else {
    }
    %sub3A = arith.constant 0 : i32
    %sub3A_16 = arith.subi %select_n3A_8, %sub3A : i32
    %sub3A_17 = arith.constant 1 : i32
    %sub3A_18 = arith.constant 1 : i32
    %sub3A_19 = arith.subi %sub3A_17, %sub3A_18 : i32
    %add3A_20 = arith.addi %sub3A_16, %sub3A_19 : i32
    %div3A = arith.constant 1 : i32
    %div3A_21 = arith.divsi %add3A_20, %div3A : i32
    %while3A = arith.constant 1 : i32
    %while3A_22 = arith.constant 0 : i32
    %while3A_23 = arith.constant 0 : i32
    %while3A_24 = arith.subi %div3A_21, %while3A_23 : i32
    %while3A_25 = arith.addi %while3A_23, %while3A_24 : i32
    %while3A_26 = arith.constant 1 : i32
    %while3A_27 = arith.divsi %while3A_24, %while3A_26 : i32
    %while3A_28 = arith.muli %while3A_27, %while3A_26 : i32
    %while3A_29 = arith.addi %while3A_23, %while3A_28 : i32
    %while3A_30 = arith.constant 1 : i32
    scf.for %while3A_37 = %while3A_23 to %while3A_29 step %while3A_30  : i32 {
      %mul3A_38 = arith.muli %while3A_37, %while3A : i32
      %add3A_39 = arith.addi %while3A_22, %mul3A_38 : i32
      %jit3A_40 = arith.constant 2 : i32
      %eq3A_41 = arith.constant 0 : i32
      %eq3A_42 = arith.cmpi eq, %jit3A_40, %eq3A_41 : i32
      %jit3A_43 = arith.constant 1 : i32
      %select_n3A_44 = arith.select %eq3A_42, %jit3A_43, %jit3A_40 : i32
      %rem3A = arith.remsi %add3A_39, %select_n3A_44 : i32
      %ne3A = arith.constant 0 : i32
      %ne3A_45 = arith.cmpi ne, %rem3A, %ne3A : i32
      %lt3A = arith.constant 0 : i32
      %lt3A_46 = arith.cmpi slt, %rem3A, %lt3A : i32
      %lt3A_47 = arith.constant 0 : i32
      %lt3A_48 = arith.cmpi slt, %select_n3A_44, %lt3A_47 : i32
      %ne3A_49 = arith.xori %lt3A_46, %lt3A_48 : i1
      %and3A = arith.andi %ne3A_49, %ne3A_45 : i1
      %add3A_50 = arith.addi %rem3A, %select_n3A_44 : i32
      %select_n3A_51 = arith.select %and3A, %add3A_50, %rem3A : i32
      %dma_wait3A = arith.constant 0 : i32
      %dma_wait3A_52 = arith.constant 0 : i32
      %dma_wait3A_53 = tpu.memref_slice %arg6[%select_n3A_51, %dma_wait3A, %dma_wait3A_52] : memref<2x1280x64xbf16, #tpu.memory_space<vmem>> -> memref<1x1280x64xbf16, #tpu.memory_space<vmem>>
      %dma_wait3A_54 = tpu.memref_squeeze %dma_wait3A_53 : memref<1x1280x64xbf16, #tpu.memory_space<vmem>> -> memref<1280x64xbf16, #tpu.memory_space<vmem>>
      %dma_wait3A_55 = arith.constant 0 : i32
      %dma_wait3A_56 = tpu.memref_slice %arg5[%select_n3A_51, %dma_wait3A_55] : memref<2x1280xi32, #tpu.memory_space<vmem>> -> memref<1x1280xi32, #tpu.memory_space<vmem>>
      %dma_wait3A_57 = tpu.memref_squeeze %dma_wait3A_56 : memref<1x1280xi32, #tpu.memory_space<vmem>> -> memref<1280xi32, #tpu.memory_space<vmem>>
      %dma_wait3A_58 = arith.constant 0 : i32
      %dma_wait3A_59 = arith.constant 0 : i32
      %dma_wait3A_60 = tpu.memref_slice %arg3[%dma_wait3A_58, %dma_wait3A_59] : memref<51200x64xbf16, #tpu.memory_space<hbm>> -> memref<51200x64xbf16, #tpu.memory_space<hbm>>
      tpu.wait_indirect_dma semaphore(%arg8 : memref<!tpu.dma_semaphore, #tpu.memory_space<semaphore_mem>>) src(%dma_wait3A_60 : memref<51200x64xbf16, #tpu.memory_space<hbm>>) dst(%dma_wait3A_54 : memref<1280x64xbf16, #tpu.memory_space<vmem>>)
      %add3A_61 = arith.constant 1 : i32
      %add3A_62 = arith.addi %add3A_39, %add3A_61 : i32
      %lt3A_63 = arith.cmpi slt, %add3A_62, %select_n3A_8 : i32
      %convert_element_type3A_64 = arith.extui %lt3A_63 : i1 to i32
      %cond3A_65 = arith.constant 0 : i32
      %cond3A_66 = arith.cmpi ne, %convert_element_type3A_64, %cond3A_65 : i32
      scf.if %cond3A_66 {
        %add3A_98 = arith.constant 1 : i32
        %add3A_99 = arith.addi %add3A_39, %add3A_98 : i32
        %mul3A_100 = arith.constant 80 : i32
        %mul3A_101 = arith.muli %add3A_99, %mul3A_100 : i32
        %add3A_102 = arith.addi %select_n3A, %mul3A_101 : i32
        %mul3A_103 = arith.constant 16 : i32
        %mul3A_104 = arith.muli %add3A_102, %mul3A_103 : i32
        %sub3A_105 = arith.constant 1 : i32
        %sub3A_106 = arith.subi %sub3A_105, %select_n3A_51 : i32
        %dma_wait3A_107 = arith.constant 0 : i32
        %dma_wait3A_108 = tpu.memref_slice %arg5[%sub3A_106, %dma_wait3A_107] : memref<2x1280xi32, #tpu.memory_space<vmem>> -> memref<1x1280xi32, #tpu.memory_space<vmem>>
        %dma_wait3A_109 = tpu.memref_squeeze %dma_wait3A_108 : memref<1x1280xi32, #tpu.memory_space<vmem>> -> memref<1280xi32, #tpu.memory_space<vmem>>
        %dma_wait3A_110 = tpu.memref_slice %arg2[%mul3A_104] : memref<819200xi32, #tpu.memory_space<hbm>> -> memref<1280xi32, #tpu.memory_space<hbm>>
        %dma_wait3A_111 = arith.constant 0 : i32
        %dma_wait3A_112 = tpu.memref_slice %arg5[%sub3A_106, %dma_wait3A_111] : memref<2x1280xi32, #tpu.memory_space<vmem>> -> memref<1x1280xi32, #tpu.memory_space<vmem>>
        %dma_wait3A_113 = tpu.memref_squeeze %dma_wait3A_112 : memref<1x1280xi32, #tpu.memory_space<vmem>> -> memref<1280xi32, #tpu.memory_space<vmem>>
        %dma_wait3A_114 = tpu.memref_slice %arg2[%mul3A_104] : memref<819200xi32, #tpu.memory_space<hbm>> -> memref<1280xi32, #tpu.memory_space<hbm>>
        tpu.wait_dma2 semaphore(%arg9 : memref<!tpu.dma_semaphore, #tpu.memory_space<semaphore_mem>>) src(%dma_wait3A_114 : memref<1280xi32, #tpu.memory_space<hbm>>) dst(%dma_wait3A_113 : memref<1280xi32, #tpu.memory_space<vmem>>)
        %sub3A_115 = arith.constant 1 : i32
        %sub3A_116 = arith.subi %sub3A_115, %select_n3A_51 : i32
        %sub3A_117 = arith.constant 1 : i32
        %sub3A_118 = arith.subi %sub3A_117, %select_n3A_51 : i32
        %dma_start3A_119 = arith.constant 0 : i32
        %dma_start3A_120 = arith.constant 0 : i32
        %dma_start3A_121 = tpu.memref_slice %arg6[%sub3A_118, %dma_start3A_119, %dma_start3A_120] : memref<2x1280x64xbf16, #tpu.memory_space<vmem>> -> memref<1x1280x64xbf16, #tpu.memory_space<vmem>>
        %dma_start3A_122 = tpu.memref_squeeze %dma_start3A_121 : memref<1x1280x64xbf16, #tpu.memory_space<vmem>> -> memref<1280x64xbf16, #tpu.memory_space<vmem>>
        %dma_start3A_123 = arith.constant 0 : i32
        %dma_start3A_124 = tpu.memref_slice %arg5[%sub3A_116, %dma_start3A_123] : memref<2x1280xi32, #tpu.memory_space<vmem>> -> memref<1x1280xi32, #tpu.memory_space<vmem>>
        %dma_start3A_125 = tpu.memref_squeeze %dma_start3A_124 : memref<1x1280xi32, #tpu.memory_space<vmem>> -> memref<1280xi32, #tpu.memory_space<vmem>>
        %dma_start3A_126 = arith.constant 0 : i32
        %dma_start3A_127 = arith.constant 0 : i32
        %dma_start3A_128 = tpu.memref_slice %arg3[%dma_start3A_126, %dma_start3A_127] : memref<51200x64xbf16, #tpu.memory_space<hbm>> -> memref<51200x64xbf16, #tpu.memory_space<hbm>>
        tpu.enqueue_indirect_dma source(%dma_start3A_128 : memref<51200x64xbf16, #tpu.memory_space<hbm>>) target(%dma_start3A_122 : memref<1280x64xbf16, #tpu.memory_space<vmem>>) offsets(%dma_start3A_125 : memref<1280xi32, #tpu.memory_space<vmem>>) semaphore(%arg8 : memref<!tpu.dma_semaphore, #tpu.memory_space<semaphore_mem>>)
      } else {
      }
      %add3A_67 = arith.constant 2 : i32
      %add3A_68 = arith.addi %add3A_39, %add3A_67 : i32
      %lt3A_69 = arith.cmpi slt, %add3A_68, %select_n3A_8 : i32
      %convert_element_type3A_70 = arith.extui %lt3A_69 : i1 to i32
      %cond3A_71 = arith.constant 0 : i32
      %cond3A_72 = arith.cmpi ne, %convert_element_type3A_70, %cond3A_71 : i32
      scf.if %cond3A_72 {
        %add3A_98 = arith.constant 2 : i32
        %add3A_99 = arith.addi %add3A_39, %add3A_98 : i32
        %mul3A_100 = arith.constant 80 : i32
        %mul3A_101 = arith.muli %add3A_99, %mul3A_100 : i32
        %add3A_102 = arith.addi %select_n3A, %mul3A_101 : i32
        %mul3A_103 = arith.constant 16 : i32
        %mul3A_104 = arith.muli %add3A_102, %mul3A_103 : i32
        %dma_start3A_105 = arith.constant 0 : i32
        %dma_start3A_106 = tpu.memref_slice %arg5[%select_n3A_51, %dma_start3A_105] : memref<2x1280xi32, #tpu.memory_space<vmem>> -> memref<1x1280xi32, #tpu.memory_space<vmem>>
        %dma_start3A_107 = tpu.memref_squeeze %dma_start3A_106 : memref<1x1280xi32, #tpu.memory_space<vmem>> -> memref<1280xi32, #tpu.memory_space<vmem>>
        %dma_start3A_108 = tpu.memref_slice %arg2[%mul3A_104] : memref<819200xi32, #tpu.memory_space<hbm>> -> memref<1280xi32, #tpu.memory_space<hbm>>
        %dma_start3A_109 = arith.constant 0 : i32
        %dma_start3A_110 = tpu.memref_slice %arg5[%select_n3A_51, %dma_start3A_109] : memref<2x1280xi32, #tpu.memory_space<vmem>> -> memref<1x1280xi32, #tpu.memory_space<vmem>>
        %dma_start3A_111 = tpu.memref_squeeze %dma_start3A_110 : memref<1x1280xi32, #tpu.memory_space<vmem>> -> memref<1280xi32, #tpu.memory_space<vmem>>
        %dma_start3A_112 = tpu.memref_slice %arg2[%mul3A_104] : memref<819200xi32, #tpu.memory_space<hbm>> -> memref<1280xi32, #tpu.memory_space<hbm>>
        tpu.enqueue_dma source(%dma_start3A_112 : memref<1280xi32, #tpu.memory_space<hbm>>) target(%dma_start3A_111 : memref<1280xi32, #tpu.memory_space<vmem>>) target_semaphore(%arg9 : memref<!tpu.dma_semaphore, #tpu.memory_space<semaphore_mem>>)
      } else {
      }
      %ge3A_73 = arith.constant 1 : i32
      %ge3A_74 = arith.cmpi sge, %add3A_39, %ge3A_73 : i32
      %convert_element_type3A_75 = arith.extui %ge3A_74 : i1 to i32
      %cond3A_76 = arith.constant 0 : i32
      %cond3A_77 = arith.cmpi ne, %convert_element_type3A_75, %cond3A_76 : i32
      scf.if %cond3A_77 {
        %sub3A_98 = arith.constant 1 : i32
        %sub3A_99 = arith.subi %sub3A_98, %select_n3A_51 : i32
        %sub3A_100 = arith.constant 1 : i32
        %sub3A_101 = arith.subi %add3A_39, %sub3A_100 : i32
        %mul3A_102 = arith.constant 80 : i32
        %mul3A_103 = arith.muli %sub3A_101, %mul3A_102 : i32
        %add3A_104 = arith.addi %select_n3A, %mul3A_103 : i32
        %dma_wait3A_105 = arith.constant 0 : i32
        %dma_wait3A_106 = arith.constant 0 : i32
        %dma_wait3A_107 = tpu.memref_slice %arg7[%sub3A_99, %dma_wait3A_105, %dma_wait3A_106] : memref<2x80x64xbf16, #tpu.memory_space<vmem>> -> memref<1x80x64xbf16, #tpu.memory_space<vmem>>
        %dma_wait3A_108 = tpu.memref_squeeze %dma_wait3A_107 : memref<1x80x64xbf16, #tpu.memory_space<vmem>> -> memref<80x64xbf16, #tpu.memory_space<vmem>>
        %dma_wait3A_109 = arith.constant 0 : i32
        %dma_wait3A_110 = tpu.memref_slice %arg4[%add3A_104, %dma_wait3A_109] : memref<51200x64xbf16, #tpu.memory_space<hbm>> -> memref<80x64xbf16, #tpu.memory_space<hbm>>
        %dma_wait3A_111 = arith.constant 0 : i32
        %dma_wait3A_112 = tpu.memref_slice %arg4[%add3A_104, %dma_wait3A_111] : memref<51200x64xbf16, #tpu.memory_space<hbm>> -> memref<80x64xbf16, #tpu.memory_space<hbm>>
        %dma_wait3A_113 = arith.constant 0 : i32
        %dma_wait3A_114 = arith.constant 0 : i32
        %dma_wait3A_115 = tpu.memref_slice %arg7[%sub3A_99, %dma_wait3A_113, %dma_wait3A_114] : memref<2x80x64xbf16, #tpu.memory_space<vmem>> -> memref<1x80x64xbf16, #tpu.memory_space<vmem>>
        %dma_wait3A_116 = tpu.memref_squeeze %dma_wait3A_115 : memref<1x80x64xbf16, #tpu.memory_space<vmem>> -> memref<80x64xbf16, #tpu.memory_space<vmem>>
        tpu.wait_dma2 semaphore(%arg10 : memref<!tpu.dma_semaphore, #tpu.memory_space<semaphore_mem>>) src(%dma_wait3A_116 : memref<80x64xbf16, #tpu.memory_space<vmem>>) dst(%dma_wait3A_112 : memref<80x64xbf16, #tpu.memory_space<hbm>>)
      } else {
      }
      %scan3A = arith.constant 0 : i32
      %scan3A_78 = arith.constant 0 : i32
      %scan3A_79 = arith.constant 80 : i32
      %scan3A_80 = arith.addi %scan3A_78, %scan3A_79 : i32
      %scan3A_81 = arith.constant 1 : i32
      %scan3A_82 = scf.for %scan3A_98 = %scan3A_78 to %scan3A_80 step %scan3A_81 iter_args(%scan3A_99 = %scan3A) -> (i32)  : i32 {
        %mul3A_100 = arith.constant 16 : i32
        %mul3A_101 = arith.muli %scan3A_98, %mul3A_100 : i32
        %get3A = arith.index_cast %select_n3A_51 : i32 to index
        %get3A_102 = arith.index_cast %mul3A_101 : i32 to index
        %get3A_103 = arith.constant 0 : index
        %get3A_104 = tpu.vector_load %arg6[%get3A, %get3A_102, %get3A_103] {strides = array<i32>} : memref<2x1280x64xbf16, #tpu.memory_space<vmem>>, vector<1x1x32xbf16>,
        %get3A_105 = vector.shape_cast %get3A_104 : vector<1x1x32xbf16> to vector<32xbf16>
        %mul3A_106 = arith.constant 16 : i32
        %mul3A_107 = arith.muli %scan3A_98, %mul3A_106 : i32
        %add3A_108 = arith.constant 1 : i32
        %add3A_109 = arith.addi %mul3A_107, %add3A_108 : i32
        %get3A_110 = arith.index_cast %select_n3A_51 : i32 to index
        %get3A_111 = arith.index_cast %add3A_109 : i32 to index
        %get3A_112 = arith.constant 0 : index
        %get3A_113 = tpu.vector_load %arg6[%get3A_110, %get3A_111, %get3A_112] {strides = array<i32>} : memref<2x1280x64xbf16, #tpu.memory_space<vmem>>, vector<1x1x32xbf16>,
        %get3A_114 = vector.shape_cast %get3A_113 : vector<1x1x32xbf16> to vector<32xbf16>
        %max3A = arith.maximumf %get3A_105, %get3A_114 : vector<32xbf16>
        %mul3A_115 = arith.constant 16 : i32
        %mul3A_116 = arith.muli %scan3A_98, %mul3A_115 : i32
        %add3A_117 = arith.constant 2 : i32
        %add3A_118 = arith.addi %mul3A_116, %add3A_117 : i32
        %get3A_119 = arith.index_cast %select_n3A_51 : i32 to index
        %get3A_120 = arith.index_cast %add3A_118 : i32 to index
        %get3A_121 = arith.constant 0 : index
        %get3A_122 = tpu.vector_load %arg6[%get3A_119, %get3A_120, %get3A_121] {strides = array<i32>} : memref<2x1280x64xbf16, #tpu.memory_space<vmem>>, vector<1x1x32xbf16>,
        %get3A_123 = vector.shape_cast %get3A_122 : vector<1x1x32xbf16> to vector<32xbf16>
        %max3A_124 = arith.maximumf %max3A, %get3A_123 : vector<32xbf16>
        %mul3A_125 = arith.constant 16 : i32
        %mul3A_126 = arith.muli %scan3A_98, %mul3A_125 : i32
        %add3A_127 = arith.constant 3 : i32
        %add3A_128 = arith.addi %mul3A_126, %add3A_127 : i32
        %get3A_129 = arith.index_cast %select_n3A_51 : i32 to index
        %get3A_130 = arith.index_cast %add3A_128 : i32 to index
        %get3A_131 = arith.constant 0 : index
        %get3A_132 = tpu.vector_load %arg6[%get3A_129, %get3A_130, %get3A_131] {strides = array<i32>} : memref<2x1280x64xbf16, #tpu.memory_space<vmem>>, vector<1x1x32xbf16>,
        %get3A_133 = vector.shape_cast %get3A_132 : vector<1x1x32xbf16> to vector<32xbf16>
        %max3A_134 = arith.maximumf %max3A_124, %get3A_133 : vector<32xbf16>
        %mul3A_135 = arith.constant 16 : i32
        %mul3A_136 = arith.muli %scan3A_98, %mul3A_135 : i32
        %add3A_137 = arith.constant 4 : i32
        %add3A_138 = arith.addi %mul3A_136, %add3A_137 : i32
        %get3A_139 = arith.index_cast %select_n3A_51 : i32 to index
        %get3A_140 = arith.index_cast %add3A_138 : i32 to index
        %get3A_141 = arith.constant 0 : index
        %get3A_142 = tpu.vector_load %arg6[%get3A_139, %get3A_140, %get3A_141] {strides = array<i32>} : memref<2x1280x64xbf16, #tpu.memory_space<vmem>>, vector<1x1x32xbf16>,
        %get3A_143 = vector.shape_cast %get3A_142 : vector<1x1x32xbf16> to vector<32xbf16>
        %max3A_144 = arith.maximumf %max3A_134, %get3A_143 : vector<32xbf16>
        %mul3A_145 = arith.constant 16 : i32
        %mul3A_146 = arith.muli %scan3A_98, %mul3A_145 : i32
        %add3A_147 = arith.constant 5 : i32
        %add3A_148 = arith.addi %mul3A_146, %add3A_147 : i32
        %get3A_149 = arith.index_cast %select_n3A_51 : i32 to index
        %get3A_150 = arith.index_cast %add3A_148 : i32 to index
        %get3A_151 = arith.constant 0 : index
        %get3A_152 = tpu.vector_load %arg6[%get3A_149, %get3A_150, %get3A_151] {strides = array<i32>} : memref<2x1280x64xbf16, #tpu.memory_space<vmem>>, vector<1x1x32xbf16>,
        %get3A_153 = vector.shape_cast %get3A_152 : vector<1x1x32xbf16> to vector<32xbf16>
        %max3A_154 = arith.maximumf %max3A_144, %get3A_153 : vector<32xbf16>
        %mul3A_155 = arith.constant 16 : i32
        %mul3A_156 = arith.muli %scan3A_98, %mul3A_155 : i32
        %add3A_157 = arith.constant 6 : i32
        %add3A_158 = arith.addi %mul3A_156, %add3A_157 : i32
        %get3A_159 = arith.index_cast %select_n3A_51 : i32 to index
        %get3A_160 = arith.index_cast %add3A_158 : i32 to index
        %get3A_161 = arith.constant 0 : index
        %get3A_162 = tpu.vector_load %arg6[%get3A_159, %get3A_160, %get3A_161] {strides = array<i32>} : memref<2x1280x64xbf16, #tpu.memory_space<vmem>>, vector<1x1x32xbf16>,
        %get3A_163 = vector.shape_cast %get3A_162 : vector<1x1x32xbf16> to vector<32xbf16>
        %max3A_164 = arith.maximumf %max3A_154, %get3A_163 : vector<32xbf16>
        %mul3A_165 = arith.constant 16 : i32
        %mul3A_166 = arith.muli %scan3A_98, %mul3A_165 : i32
        %add3A_167 = arith.constant 7 : i32
        %add3A_168 = arith.addi %mul3A_166, %add3A_167 : i32
        %get3A_169 = arith.index_cast %select_n3A_51 : i32 to index
        %get3A_170 = arith.index_cast %add3A_168 : i32 to index
        %get3A_171 = arith.constant 0 : index
        %get3A_172 = tpu.vector_load %arg6[%get3A_169, %get3A_170, %get3A_171] {strides = array<i32>} : memref<2x1280x64xbf16, #tpu.memory_space<vmem>>, vector<1x1x32xbf16>,
        %get3A_173 = vector.shape_cast %get3A_172 : vector<1x1x32xbf16> to vector<32xbf16>
        %max3A_174 = arith.maximumf %max3A_164, %get3A_173 : vector<32xbf16>
        %mul3A_175 = arith.constant 16 : i32
        %mul3A_176 = arith.muli %scan3A_98, %mul3A_175 : i32
        %add3A_177 = arith.constant 8 : i32
        %add3A_178 = arith.addi %mul3A_176, %add3A_177 : i32
        %get3A_179 = arith.index_cast %select_n3A_51 : i32 to index
        %get3A_180 = arith.index_cast %add3A_178 : i32 to index
        %get3A_181 = arith.constant 0 : index
        %get3A_182 = tpu.vector_load %arg6[%get3A_179, %get3A_180, %get3A_181] {strides = array<i32>} : memref<2x1280x64xbf16, #tpu.memory_space<vmem>>, vector<1x1x32xbf16>,
        %get3A_183 = vector.shape_cast %get3A_182 : vector<1x1x32xbf16> to vector<32xbf16>
        %max3A_184 = arith.maximumf %max3A_174, %get3A_183 : vector<32xbf16>
        %mul3A_185 = arith.constant 16 : i32
        %mul3A_186 = arith.muli %scan3A_98, %mul3A_185 : i32
        %add3A_187 = arith.constant 9 : i32
        %add3A_188 = arith.addi %mul3A_186, %add3A_187 : i32
        %get3A_189 = arith.index_cast %select_n3A_51 : i32 to index
        %get3A_190 = arith.index_cast %add3A_188 : i32 to index
        %get3A_191 = arith.constant 0 : index
        %get3A_192 = tpu.vector_load %arg6[%get3A_189, %get3A_190, %get3A_191] {strides = array<i32>} : memref<2x1280x64xbf16, #tpu.memory_space<vmem>>, vector<1x1x32xbf16>,
        %get3A_193 = vector.shape_cast %get3A_192 : vector<1x1x32xbf16> to vector<32xbf16>
        %max3A_194 = arith.maximumf %max3A_184, %get3A_193 : vector<32xbf16>
        %mul3A_195 = arith.constant 16 : i32
        %mul3A_196 = arith.muli %scan3A_98, %mul3A_195 : i32
        %add3A_197 = arith.constant 10 : i32
        %add3A_198 = arith.addi %mul3A_196, %add3A_197 : i32
        %get3A_199 = arith.index_cast %select_n3A_51 : i32 to index
        %get3A_200 = arith.index_cast %add3A_198 : i32 to index
        %get3A_201 = arith.constant 0 : index
        %get3A_202 = tpu.vector_load %arg6[%get3A_199, %get3A_200, %get3A_201] {strides = array<i32>} : memref<2x1280x64xbf16, #tpu.memory_space<vmem>>, vector<1x1x32xbf16>,
        %get3A_203 = vector.shape_cast %get3A_202 : vector<1x1x32xbf16> to vector<32xbf16>
        %max3A_204 = arith.maximumf %max3A_194, %get3A_203 : vector<32xbf16>
        %mul3A_205 = arith.constant 16 : i32
        %mul3A_206 = arith.muli %scan3A_98, %mul3A_205 : i32
        %add3A_207 = arith.constant 11 : i32
        %add3A_208 = arith.addi %mul3A_206, %add3A_207 : i32
        %get3A_209 = arith.index_cast %select_n3A_51 : i32 to index
        %get3A_210 = arith.index_cast %add3A_208 : i32 to index
        %get3A_211 = arith.constant 0 : index
        %get3A_212 = tpu.vector_load %arg6[%get3A_209, %get3A_210, %get3A_211] {strides = array<i32>} : memref<2x1280x64xbf16, #tpu.memory_space<vmem>>, vector<1x1x32xbf16>,
        %get3A_213 = vector.shape_cast %get3A_212 : vector<1x1x32xbf16> to vector<32xbf16>
        %max3A_214 = arith.maximumf %max3A_204, %get3A_213 : vector<32xbf16>
        %mul3A_215 = arith.constant 16 : i32
        %mul3A_216 = arith.muli %scan3A_98, %mul3A_215 : i32
        %add3A_217 = arith.constant 12 : i32
        %add3A_218 = arith.addi %mul3A_216, %add3A_217 : i32
        %get3A_219 = arith.index_cast %select_n3A_51 : i32 to index
        %get3A_220 = arith.index_cast %add3A_218 : i32 to index
        %get3A_221 = arith.constant 0 : index
        %get3A_222 = tpu.vector_load %arg6[%get3A_219, %get3A_220, %get3A_221] {strides = array<i32>} : memref<2x1280x64xbf16, #tpu.memory_space<vmem>>, vector<1x1x32xbf16>,
        %get3A_223 = vector.shape_cast %get3A_222 : vector<1x1x32xbf16> to vector<32xbf16>
        %max3A_224 = arith.maximumf %max3A_214, %get3A_223 : vector<32xbf16>
        %mul3A_225 = arith.constant 16 : i32
        %mul3A_226 = arith.muli %scan3A_98, %mul3A_225 : i32
        %add3A_227 = arith.constant 13 : i32
        %add3A_228 = arith.addi %mul3A_226, %add3A_227 : i32
        %get3A_229 = arith.index_cast %select_n3A_51 : i32 to index
        %get3A_230 = arith.index_cast %add3A_228 : i32 to index
        %get3A_231 = arith.constant 0 : index
        %get3A_232 = tpu.vector_load %arg6[%get3A_229, %get3A_230, %get3A_231] {strides = array<i32>} : memref<2x1280x64xbf16, #tpu.memory_space<vmem>>, vector<1x1x32xbf16>,
        %get3A_233 = vector.shape_cast %get3A_232 : vector<1x1x32xbf16> to vector<32xbf16>
        %max3A_234 = arith.maximumf %max3A_224, %get3A_233 : vector<32xbf16>
        %mul3A_235 = arith.constant 16 : i32
        %mul3A_236 = arith.muli %scan3A_98, %mul3A_235 : i32
        %add3A_237 = arith.constant 14 : i32
        %add3A_238 = arith.addi %mul3A_236, %add3A_237 : i32
        %get3A_239 = arith.index_cast %select_n3A_51 : i32 to index
        %get3A_240 = arith.index_cast %add3A_238 : i32 to index
        %get3A_241 = arith.constant 0 : index
        %get3A_242 = tpu.vector_load %arg6[%get3A_239, %get3A_240, %get3A_241] {strides = array<i32>} : memref<2x1280x64xbf16, #tpu.memory_space<vmem>>, vector<1x1x32xbf16>,
        %get3A_243 = vector.shape_cast %get3A_242 : vector<1x1x32xbf16> to vector<32xbf16>
        %max3A_244 = arith.maximumf %max3A_234, %get3A_243 : vector<32xbf16>
        %mul3A_245 = arith.constant 16 : i32
        %mul3A_246 = arith.muli %scan3A_98, %mul3A_245 : i32
        %add3A_247 = arith.constant 15 : i32
        %add3A_248 = arith.addi %mul3A_246, %add3A_247 : i32
        %get3A_249 = arith.index_cast %select_n3A_51 : i32 to index
        %get3A_250 = arith.index_cast %add3A_248 : i32 to index
        %get3A_251 = arith.constant 0 : index
        %get3A_252 = tpu.vector_load %arg6[%get3A_249, %get3A_250, %get3A_251] {strides = array<i32>} : memref<2x1280x64xbf16, #tpu.memory_space<vmem>>, vector<1x1x32xbf16>,
        %get3A_253 = vector.shape_cast %get3A_252 : vector<1x1x32xbf16> to vector<32xbf16>
        %max3A_254 = arith.maximumf %max3A_244, %get3A_253 : vector<32xbf16>
        %swap3A = arith.index_cast %select_n3A_51 : i32 to index
        %swap3A_255 = arith.index_cast %scan3A_98 : i32 to index
        %swap3A_256 = arith.constant 0 : index
        %swap3A_257 = tpu.vector_load %arg7[%swap3A, %swap3A_255, %swap3A_256] {strides = array<i32>} : memref<2x80x64xbf16, #tpu.memory_space<vmem>>, vector<1x1x32xbf16>,
        %swap3A_258 = vector.shape_cast %swap3A_257 : vector<1x1x32xbf16> to vector<32xbf16>
        %swap3A_259 = vector.shape_cast %max3A_254 : vector<32xbf16> to vector<1x1x32xbf16>
        tpu.vector_store %arg7[%swap3A, %swap3A_255, %swap3A_256], %swap3A_259 {strides = array<i32>} : memref<2x80x64xbf16, #tpu.memory_space<vmem>>, vector<1x1x32xbf16>,
        %mul3A_260 = arith.constant 16 : i32
        %mul3A_261 = arith.muli %scan3A_98, %mul3A_260 : i32
        %get3A_262 = arith.index_cast %select_n3A_51 : i32 to index
        %get3A_263 = arith.index_cast %mul3A_261 : i32 to index
        %get3A_264 = arith.constant 32 : index
        %get3A_265 = tpu.vector_load %arg6[%get3A_262, %get3A_263, %get3A_264] {strides = array<i32>} : memref<2x1280x64xbf16, #tpu.memory_space<vmem>>, vector<1x1x32xbf16>,
        %get3A_266 = vector.shape_cast %get3A_265 : vector<1x1x32xbf16> to vector<32xbf16>
        %mul3A_267 = arith.constant 16 : i32
        %mul3A_268 = arith.muli %scan3A_98, %mul3A_267 : i32
        %add3A_269 = arith.constant 1 : i32
        %add3A_270 = arith.addi %mul3A_268, %add3A_269 : i32
        %get3A_271 = arith.index_cast %select_n3A_51 : i32 to index
        %get3A_272 = arith.index_cast %add3A_270 : i32 to index
        %get3A_273 = arith.constant 32 : index
        %get3A_274 = tpu.vector_load %arg6[%get3A_271, %get3A_272, %get3A_273] {strides = array<i32>} : memref<2x1280x64xbf16, #tpu.memory_space<vmem>>, vector<1x1x32xbf16>,
        %get3A_275 = vector.shape_cast %get3A_274 : vector<1x1x32xbf16> to vector<32xbf16>
        %max3A_276 = arith.maximumf %get3A_266, %get3A_275 : vector<32xbf16>
        %mul3A_277 = arith.constant 16 : i32
        %mul3A_278 = arith.muli %scan3A_98, %mul3A_277 : i32
        %add3A_279 = arith.constant 2 : i32
        %add3A_280 = arith.addi %mul3A_278, %add3A_279 : i32
        %get3A_281 = arith.index_cast %select_n3A_51 : i32 to index
        %get3A_282 = arith.index_cast %add3A_280 : i32 to index
        %get3A_283 = arith.constant 32 : index
        %get3A_284 = tpu.vector_load %arg6[%get3A_281, %get3A_282, %get3A_283] {strides = array<i32>} : memref<2x1280x64xbf16, #tpu.memory_space<vmem>>, vector<1x1x32xbf16>,
        %get3A_285 = vector.shape_cast %get3A_284 : vector<1x1x32xbf16> to vector<32xbf16>
        %max3A_286 = arith.maximumf %max3A_276, %get3A_285 : vector<32xbf16>
        %mul3A_287 = arith.constant 16 : i32
        %mul3A_288 = arith.muli %scan3A_98, %mul3A_287 : i32
        %add3A_289 = arith.constant 3 : i32
        %add3A_290 = arith.addi %mul3A_288, %add3A_289 : i32
        %get3A_291 = arith.index_cast %select_n3A_51 : i32 to index
        %get3A_292 = arith.index_cast %add3A_290 : i32 to index
        %get3A_293 = arith.constant 32 : index
        %get3A_294 = tpu.vector_load %arg6[%get3A_291, %get3A_292, %get3A_293] {strides = array<i32>} : memref<2x1280x64xbf16, #tpu.memory_space<vmem>>, vector<1x1x32xbf16>,
        %get3A_295 = vector.shape_cast %get3A_294 : vector<1x1x32xbf16> to vector<32xbf16>
        %max3A_296 = arith.maximumf %max3A_286, %get3A_295 : vector<32xbf16>
        %mul3A_297 = arith.constant 16 : i32
        %mul3A_298 = arith.muli %scan3A_98, %mul3A_297 : i32
        %add3A_299 = arith.constant 4 : i32
        %add3A_300 = arith.addi %mul3A_298, %add3A_299 : i32
        %get3A_301 = arith.index_cast %select_n3A_51 : i32 to index
        %get3A_302 = arith.index_cast %add3A_300 : i32 to index
        %get3A_303 = arith.constant 32 : index
        %get3A_304 = tpu.vector_load %arg6[%get3A_301, %get3A_302, %get3A_303] {strides = array<i32>} : memref<2x1280x64xbf16, #tpu.memory_space<vmem>>, vector<1x1x32xbf16>,
        %get3A_305 = vector.shape_cast %get3A_304 : vector<1x1x32xbf16> to vector<32xbf16>
        %max3A_306 = arith.maximumf %max3A_296, %get3A_305 : vector<32xbf16>
        %mul3A_307 = arith.constant 16 : i32
        %mul3A_308 = arith.muli %scan3A_98, %mul3A_307 : i32
        %add3A_309 = arith.constant 5 : i32
        %add3A_310 = arith.addi %mul3A_308, %add3A_309 : i32
        %get3A_311 = arith.index_cast %select_n3A_51 : i32 to index
        %get3A_312 = arith.index_cast %add3A_310 : i32 to index
        %get3A_313 = arith.constant 32 : index
        %get3A_314 = tpu.vector_load %arg6[%get3A_311, %get3A_312, %get3A_313] {strides = array<i32>} : memref<2x1280x64xbf16, #tpu.memory_space<vmem>>, vector<1x1x32xbf16>,
        %get3A_315 = vector.shape_cast %get3A_314 : vector<1x1x32xbf16> to vector<32xbf16>
        %max3A_316 = arith.maximumf %max3A_306, %get3A_315 : vector<32xbf16>
        %mul3A_317 = arith.constant 16 : i32
        %mul3A_318 = arith.muli %scan3A_98, %mul3A_317 : i32
        %add3A_319 = arith.constant 6 : i32
        %add3A_320 = arith.addi %mul3A_318, %add3A_319 : i32
        %get3A_321 = arith.index_cast %select_n3A_51 : i32 to index
        %get3A_322 = arith.index_cast %add3A_320 : i32 to index
        %get3A_323 = arith.constant 32 : index
        %get3A_324 = tpu.vector_load %arg6[%get3A_321, %get3A_322, %get3A_323] {strides = array<i32>} : memref<2x1280x64xbf16, #tpu.memory_space<vmem>>, vector<1x1x32xbf16>,
        %get3A_325 = vector.shape_cast %get3A_324 : vector<1x1x32xbf16> to vector<32xbf16>
        %max3A_326 = arith.maximumf %max3A_316, %get3A_325 : vector<32xbf16>
        %mul3A_327 = arith.constant 16 : i32
        %mul3A_328 = arith.muli %scan3A_98, %mul3A_327 : i32
        %add3A_329 = arith.constant 7 : i32
        %add3A_330 = arith.addi %mul3A_328, %add3A_329 : i32
        %get3A_331 = arith.index_cast %select_n3A_51 : i32 to index
        %get3A_332 = arith.index_cast %add3A_330 : i32 to index
        %get3A_333 = arith.constant 32 : index
        %get3A_334 = tpu.vector_load %arg6[%get3A_331, %get3A_332, %get3A_333] {strides = array<i32>} : memref<2x1280x64xbf16, #tpu.memory_space<vmem>>, vector<1x1x32xbf16>,
        %get3A_335 = vector.shape_cast %get3A_334 : vector<1x1x32xbf16> to vector<32xbf16>
        %max3A_336 = arith.maximumf %max3A_326, %get3A_335 : vector<32xbf16>
        %mul3A_337 = arith.constant 16 : i32
        %mul3A_338 = arith.muli %scan3A_98, %mul3A_337 : i32
        %add3A_339 = arith.constant 8 : i32
        %add3A_340 = arith.addi %mul3A_338, %add3A_339 : i32
        %get3A_341 = arith.index_cast %select_n3A_51 : i32 to index
        %get3A_342 = arith.index_cast %add3A_340 : i32 to index
        %get3A_343 = arith.constant 32 : index
        %get3A_344 = tpu.vector_load %arg6[%get3A_341, %get3A_342, %get3A_343] {strides = array<i32>} : memref<2x1280x64xbf16, #tpu.memory_space<vmem>>, vector<1x1x32xbf16>,
        %get3A_345 = vector.shape_cast %get3A_344 : vector<1x1x32xbf16> to vector<32xbf16>
        %max3A_346 = arith.maximumf %max3A_336, %get3A_345 : vector<32xbf16>
        %mul3A_347 = arith.constant 16 : i32
        %mul3A_348 = arith.muli %scan3A_98, %mul3A_347 : i32
        %add3A_349 = arith.constant 9 : i32
        %add3A_350 = arith.addi %mul3A_348, %add3A_349 : i32
        %get3A_351 = arith.index_cast %select_n3A_51 : i32 to index
        %get3A_352 = arith.index_cast %add3A_350 : i32 to index
        %get3A_353 = arith.constant 32 : index
        %get3A_354 = tpu.vector_load %arg6[%get3A_351, %get3A_352, %get3A_353] {strides = array<i32>} : memref<2x1280x64xbf16, #tpu.memory_space<vmem>>, vector<1x1x32xbf16>,
        %get3A_355 = vector.shape_cast %get3A_354 : vector<1x1x32xbf16> to vector<32xbf16>
        %max3A_356 = arith.maximumf %max3A_346, %get3A_355 : vector<32xbf16>
        %mul3A_357 = arith.constant 16 : i32
        %mul3A_358 = arith.muli %scan3A_98, %mul3A_357 : i32
        %add3A_359 = arith.constant 10 : i32
        %add3A_360 = arith.addi %mul3A_358, %add3A_359 : i32
        %get3A_361 = arith.index_cast %select_n3A_51 : i32 to index
        %get3A_362 = arith.index_cast %add3A_360 : i32 to index
        %get3A_363 = arith.constant 32 : index
        %get3A_364 = tpu.vector_load %arg6[%get3A_361, %get3A_362, %get3A_363] {strides = array<i32>} : memref<2x1280x64xbf16, #tpu.memory_space<vmem>>, vector<1x1x32xbf16>,
        %get3A_365 = vector.shape_cast %get3A_364 : vector<1x1x32xbf16> to vector<32xbf16>
        %max3A_366 = arith.maximumf %max3A_356, %get3A_365 : vector<32xbf16>
        %mul3A_367 = arith.constant 16 : i32
        %mul3A_368 = arith.muli %scan3A_98, %mul3A_367 : i32
        %add3A_369 = arith.constant 11 : i32
        %add3A_370 = arith.addi %mul3A_368, %add3A_369 : i32
        %get3A_371 = arith.index_cast %select_n3A_51 : i32 to index
        %get3A_372 = arith.index_cast %add3A_370 : i32 to index
        %get3A_373 = arith.constant 32 : index
        %get3A_374 = tpu.vector_load %arg6[%get3A_371, %get3A_372, %get3A_373] {strides = array<i32>} : memref<2x1280x64xbf16, #tpu.memory_space<vmem>>, vector<1x1x32xbf16>,
        %get3A_375 = vector.shape_cast %get3A_374 : vector<1x1x32xbf16> to vector<32xbf16>
        %max3A_376 = arith.maximumf %max3A_366, %get3A_375 : vector<32xbf16>
        %mul3A_377 = arith.constant 16 : i32
        %mul3A_378 = arith.muli %scan3A_98, %mul3A_377 : i32
        %add3A_379 = arith.constant 12 : i32
        %add3A_380 = arith.addi %mul3A_378, %add3A_379 : i32
        %get3A_381 = arith.index_cast %select_n3A_51 : i32 to index
        %get3A_382 = arith.index_cast %add3A_380 : i32 to index
        %get3A_383 = arith.constant 32 : index
        %get3A_384 = tpu.vector_load %arg6[%get3A_381, %get3A_382, %get3A_383] {strides = array<i32>} : memref<2x1280x64xbf16, #tpu.memory_space<vmem>>, vector<1x1x32xbf16>,
        %get3A_385 = vector.shape_cast %get3A_384 : vector<1x1x32xbf16> to vector<32xbf16>
        %max3A_386 = arith.maximumf %max3A_376, %get3A_385 : vector<32xbf16>
        %mul3A_387 = arith.constant 16 : i32
        %mul3A_388 = arith.muli %scan3A_98, %mul3A_387 : i32
        %add3A_389 = arith.constant 13 : i32
        %add3A_390 = arith.addi %mul3A_388, %add3A_389 : i32
        %get3A_391 = arith.index_cast %select_n3A_51 : i32 to index
        %get3A_392 = arith.index_cast %add3A_390 : i32 to index
        %get3A_393 = arith.constant 32 : index
        %get3A_394 = tpu.vector_load %arg6[%get3A_391, %get3A_392, %get3A_393] {strides = array<i32>} : memref<2x1280x64xbf16, #tpu.memory_space<vmem>>, vector<1x1x32xbf16>,
        %get3A_395 = vector.shape_cast %get3A_394 : vector<1x1x32xbf16> to vector<32xbf16>
        %max3A_396 = arith.maximumf %max3A_386, %get3A_395 : vector<32xbf16>
        %mul3A_397 = arith.constant 16 : i32
        %mul3A_398 = arith.muli %scan3A_98, %mul3A_397 : i32
        %add3A_399 = arith.constant 14 : i32
        %add3A_400 = arith.addi %mul3A_398, %add3A_399 : i32
        %get3A_401 = arith.index_cast %select_n3A_51 : i32 to index
        %get3A_402 = arith.index_cast %add3A_400 : i32 to index
        %get3A_403 = arith.constant 32 : index
        %get3A_404 = tpu.vector_load %arg6[%get3A_401, %get3A_402, %get3A_403] {strides = array<i32>} : memref<2x1280x64xbf16, #tpu.memory_space<vmem>>, vector<1x1x32xbf16>,
        %get3A_405 = vector.shape_cast %get3A_404 : vector<1x1x32xbf16> to vector<32xbf16>
        %max3A_406 = arith.maximumf %max3A_396, %get3A_405 : vector<32xbf16>
        %mul3A_407 = arith.constant 16 : i32
        %mul3A_408 = arith.muli %scan3A_98, %mul3A_407 : i32
        %add3A_409 = arith.constant 15 : i32
        %add3A_410 = arith.addi %mul3A_408, %add3A_409 : i32
        %get3A_411 = arith.index_cast %select_n3A_51 : i32 to index
        %get3A_412 = arith.index_cast %add3A_410 : i32 to index
        %get3A_413 = arith.constant 32 : index
        %get3A_414 = tpu.vector_load %arg6[%get3A_411, %get3A_412, %get3A_413] {strides = array<i32>} : memref<2x1280x64xbf16, #tpu.memory_space<vmem>>, vector<1x1x32xbf16>,
        %get3A_415 = vector.shape_cast %get3A_414 : vector<1x1x32xbf16> to vector<32xbf16>
        %max3A_416 = arith.maximumf %max3A_406, %get3A_415 : vector<32xbf16>
        %swap3A_417 = arith.index_cast %select_n3A_51 : i32 to index
        %swap3A_418 = arith.index_cast %scan3A_98 : i32 to index
        %swap3A_419 = arith.constant 32 : index
        %swap3A_420 = tpu.vector_load %arg7[%swap3A_417, %swap3A_418, %swap3A_419] {strides = array<i32>} : memref<2x80x64xbf16, #tpu.memory_space<vmem>>, vector<1x1x32xbf16>,
        %swap3A_421 = vector.shape_cast %swap3A_420 : vector<1x1x32xbf16> to vector<32xbf16>
        %swap3A_422 = vector.shape_cast %max3A_416 : vector<32xbf16> to vector<1x1x32xbf16>
        tpu.vector_store %arg7[%swap3A_417, %swap3A_418, %swap3A_419], %swap3A_422 {strides = array<i32>} : memref<2x80x64xbf16, #tpu.memory_space<vmem>>, vector<1x1x32xbf16>,
        %scan3A_423 = arith.constant 0 : i32
        scf.yield %scan3A_423 : i32
      }
      %scan3A_83 = arith.constant 80 : i32
      %mul3A_84 = arith.constant 80 : i32
      %mul3A_85 = arith.muli %add3A_39, %mul3A_84 : i32
      %add3A_86 = arith.addi %select_n3A, %mul3A_85 : i32
      %dma_start3A = arith.constant 0 : i32
      %dma_start3A_87 = arith.constant 0 : i32
      %dma_start3A_88 = tpu.memref_slice %arg7[%select_n3A_51, %dma_start3A, %dma_start3A_87] : memref<2x80x64xbf16, #tpu.memory_space<vmem>> -> memref<1x80x64xbf16, #tpu.memory_space<vmem>>
      %dma_start3A_89 = tpu.memref_squeeze %dma_start3A_88 : memref<1x80x64xbf16, #tpu.memory_space<vmem>> -> memref<80x64xbf16, #tpu.memory_space<vmem>>
      %dma_start3A_90 = arith.constant 0 : i32
      %dma_start3A_91 = tpu.memref_slice %arg4[%add3A_86, %dma_start3A_90] : memref<51200x64xbf16, #tpu.memory_space<hbm>> -> memref<80x64xbf16, #tpu.memory_space<hbm>>
      %dma_start3A_92 = arith.constant 0 : i32
      %dma_start3A_93 = tpu.memref_slice %arg4[%add3A_86, %dma_start3A_92] : memref<51200x64xbf16, #tpu.memory_space<hbm>> -> memref<80x64xbf16, #tpu.memory_space<hbm>>
      %dma_start3A_94 = arith.constant 0 : i32
      %dma_start3A_95 = arith.constant 0 : i32
      %dma_start3A_96 = tpu.memref_slice %arg7[%select_n3A_51, %dma_start3A_94, %dma_start3A_95] : memref<2x80x64xbf16, #tpu.memory_space<vmem>> -> memref<1x80x64xbf16, #tpu.memory_space<vmem>>
      %dma_start3A_97 = tpu.memref_squeeze %dma_start3A_96 : memref<1x80x64xbf16, #tpu.memory_space<vmem>> -> memref<80x64xbf16, #tpu.memory_space<vmem>>
      tpu.enqueue_dma source(%dma_start3A_97 : memref<80x64xbf16, #tpu.memory_space<vmem>>) target(%dma_start3A_93 : memref<80x64xbf16, #tpu.memory_space<hbm>>) target_semaphore(%arg10 : memref<!tpu.dma_semaphore, #tpu.memory_space<semaphore_mem>>)
    }
    %while3A_31 = arith.constant 1 : i32
    scf.for %while3A_37 = %while3A_29 to %while3A_25 step %while3A_31  : i32 {
      %mul3A_38 = arith.muli %while3A_37, %while3A : i32
      %add3A_39 = arith.addi %while3A_22, %mul3A_38 : i32
      %jit3A_40 = arith.constant 2 : i32
      %eq3A_41 = arith.constant 0 : i32
      %eq3A_42 = arith.cmpi eq, %jit3A_40, %eq3A_41 : i32
      %jit3A_43 = arith.constant 1 : i32
      %select_n3A_44 = arith.select %eq3A_42, %jit3A_43, %jit3A_40 : i32
      %rem3A = arith.remsi %add3A_39, %select_n3A_44 : i32
      %ne3A = arith.constant 0 : i32
      %ne3A_45 = arith.cmpi ne, %rem3A, %ne3A : i32
      %lt3A = arith.constant 0 : i32
      %lt3A_46 = arith.cmpi slt, %rem3A, %lt3A : i32
      %lt3A_47 = arith.constant 0 : i32
      %lt3A_48 = arith.cmpi slt, %select_n3A_44, %lt3A_47 : i32
      %ne3A_49 = arith.xori %lt3A_46, %lt3A_48 : i1
      %and3A = arith.andi %ne3A_49, %ne3A_45 : i1
      %add3A_50 = arith.addi %rem3A, %select_n3A_44 : i32
      %select_n3A_51 = arith.select %and3A, %add3A_50, %rem3A : i32
      %dma_wait3A = arith.constant 0 : i32
      %dma_wait3A_52 = arith.constant 0 : i32
      %dma_wait3A_53 = tpu.memref_slice %arg6[%select_n3A_51, %dma_wait3A, %dma_wait3A_52] : memref<2x1280x64xbf16, #tpu.memory_space<vmem>> -> memref<1x1280x64xbf16, #tpu.memory_space<vmem>>
      %dma_wait3A_54 = tpu.memref_squeeze %dma_wait3A_53 : memref<1x1280x64xbf16, #tpu.memory_space<vmem>> -> memref<1280x64xbf16, #tpu.memory_space<vmem>>
      %dma_wait3A_55 = arith.constant 0 : i32
      %dma_wait3A_56 = tpu.memref_slice %arg5[%select_n3A_51, %dma_wait3A_55] : memref<2x1280xi32, #tpu.memory_space<vmem>> -> memref<1x1280xi32, #tpu.memory_space<vmem>>
      %dma_wait3A_57 = tpu.memref_squeeze %dma_wait3A_56 : memref<1x1280xi32, #tpu.memory_space<vmem>> -> memref<1280xi32, #tpu.memory_space<vmem>>
      %dma_wait3A_58 = arith.constant 0 : i32
      %dma_wait3A_59 = arith.constant 0 : i32
      %dma_wait3A_60 = tpu.memref_slice %arg3[%dma_wait3A_58, %dma_wait3A_59] : memref<51200x64xbf16, #tpu.memory_space<hbm>> -> memref<51200x64xbf16, #tpu.memory_space<hbm>>
      tpu.wait_indirect_dma semaphore(%arg8 : memref<!tpu.dma_semaphore, #tpu.memory_space<semaphore_mem>>) src(%dma_wait3A_60 : memref<51200x64xbf16, #tpu.memory_space<hbm>>) dst(%dma_wait3A_54 : memref<1280x64xbf16, #tpu.memory_space<vmem>>)
      %add3A_61 = arith.constant 1 : i32
      %add3A_62 = arith.addi %add3A_39, %add3A_61 : i32
      %lt3A_63 = arith.cmpi slt, %add3A_62, %select_n3A_8 : i32
      %convert_element_type3A_64 = arith.extui %lt3A_63 : i1 to i32
      %cond3A_65 = arith.constant 0 : i32
      %cond3A_66 = arith.cmpi ne, %convert_element_type3A_64, %cond3A_65 : i32
      scf.if %cond3A_66 {
        %add3A_98 = arith.constant 1 : i32
        %add3A_99 = arith.addi %add3A_39, %add3A_98 : i32
        %mul3A_100 = arith.constant 80 : i32
        %mul3A_101 = arith.muli %add3A_99, %mul3A_100 : i32
        %add3A_102 = arith.addi %select_n3A, %mul3A_101 : i32
        %mul3A_103 = arith.constant 16 : i32
        %mul3A_104 = arith.muli %add3A_102, %mul3A_103 : i32
        %sub3A_105 = arith.constant 1 : i32
        %sub3A_106 = arith.subi %sub3A_105, %select_n3A_51 : i32
        %dma_wait3A_107 = arith.constant 0 : i32
        %dma_wait3A_108 = tpu.memref_slice %arg5[%sub3A_106, %dma_wait3A_107] : memref<2x1280xi32, #tpu.memory_space<vmem>> -> memref<1x1280xi32, #tpu.memory_space<vmem>>
        %dma_wait3A_109 = tpu.memref_squeeze %dma_wait3A_108 : memref<1x1280xi32, #tpu.memory_space<vmem>> -> memref<1280xi32, #tpu.memory_space<vmem>>
        %dma_wait3A_110 = tpu.memref_slice %arg2[%mul3A_104] : memref<819200xi32, #tpu.memory_space<hbm>> -> memref<1280xi32, #tpu.memory_space<hbm>>
        %dma_wait3A_111 = arith.constant 0 : i32
        %dma_wait3A_112 = tpu.memref_slice %arg5[%sub3A_106, %dma_wait3A_111] : memref<2x1280xi32, #tpu.memory_space<vmem>> -> memref<1x1280xi32, #tpu.memory_space<vmem>>
        %dma_wait3A_113 = tpu.memref_squeeze %dma_wait3A_112 : memref<1x1280xi32, #tpu.memory_space<vmem>> -> memref<1280xi32, #tpu.memory_space<vmem>>
        %dma_wait3A_114 = tpu.memref_slice %arg2[%mul3A_104] : memref<819200xi32, #tpu.memory_space<hbm>> -> memref<1280xi32, #tpu.memory_space<hbm>>
        tpu.wait_dma2 semaphore(%arg9 : memref<!tpu.dma_semaphore, #tpu.memory_space<semaphore_mem>>) src(%dma_wait3A_114 : memref<1280xi32, #tpu.memory_space<hbm>>) dst(%dma_wait3A_113 : memref<1280xi32, #tpu.memory_space<vmem>>)
        %sub3A_115 = arith.constant 1 : i32
        %sub3A_116 = arith.subi %sub3A_115, %select_n3A_51 : i32
        %sub3A_117 = arith.constant 1 : i32
        %sub3A_118 = arith.subi %sub3A_117, %select_n3A_51 : i32
        %dma_start3A_119 = arith.constant 0 : i32
        %dma_start3A_120 = arith.constant 0 : i32
        %dma_start3A_121 = tpu.memref_slice %arg6[%sub3A_118, %dma_start3A_119, %dma_start3A_120] : memref<2x1280x64xbf16, #tpu.memory_space<vmem>> -> memref<1x1280x64xbf16, #tpu.memory_space<vmem>>
        %dma_start3A_122 = tpu.memref_squeeze %dma_start3A_121 : memref<1x1280x64xbf16, #tpu.memory_space<vmem>> -> memref<1280x64xbf16, #tpu.memory_space<vmem>>
        %dma_start3A_123 = arith.constant 0 : i32
        %dma_start3A_124 = tpu.memref_slice %arg5[%sub3A_116, %dma_start3A_123] : memref<2x1280xi32, #tpu.memory_space<vmem>> -> memref<1x1280xi32, #tpu.memory_space<vmem>>
        %dma_start3A_125 = tpu.memref_squeeze %dma_start3A_124 : memref<1x1280xi32, #tpu.memory_space<vmem>> -> memref<1280xi32, #tpu.memory_space<vmem>>
        %dma_start3A_126 = arith.constant 0 : i32
        %dma_start3A_127 = arith.constant 0 : i32
        %dma_start3A_128 = tpu.memref_slice %arg3[%dma_start3A_126, %dma_start3A_127] : memref<51200x64xbf16, #tpu.memory_space<hbm>> -> memref<51200x64xbf16, #tpu.memory_space<hbm>>
        tpu.enqueue_indirect_dma source(%dma_start3A_128 : memref<51200x64xbf16, #tpu.memory_space<hbm>>) target(%dma_start3A_122 : memref<1280x64xbf16, #tpu.memory_space<vmem>>) offsets(%dma_start3A_125 : memref<1280xi32, #tpu.memory_space<vmem>>) semaphore(%arg8 : memref<!tpu.dma_semaphore, #tpu.memory_space<semaphore_mem>>)
      } else {
      }
      %add3A_67 = arith.constant 2 : i32
      %add3A_68 = arith.addi %add3A_39, %add3A_67 : i32
      %lt3A_69 = arith.cmpi slt, %add3A_68, %select_n3A_8 : i32
      %convert_element_type3A_70 = arith.extui %lt3A_69 : i1 to i32
      %cond3A_71 = arith.constant 0 : i32
      %cond3A_72 = arith.cmpi ne, %convert_element_type3A_70, %cond3A_71 : i32
      scf.if %cond3A_72 {
        %add3A_98 = arith.constant 2 : i32
        %add3A_99 = arith.addi %add3A_39, %add3A_98 : i32
        %mul3A_100 = arith.constant 80 : i32
        %mul3A_101 = arith.muli %add3A_99, %mul3A_100 : i32
        %add3A_102 = arith.addi %select_n3A, %mul3A_101 : i32
        %mul3A_103 = arith.constant 16 : i32
        %mul3A_104 = arith.muli %add3A_102, %mul3A_103 : i32
        %dma_start3A_105 = arith.constant 0 : i32
        %dma_start3A_106 = tpu.memref_slice %arg5[%select_n3A_51, %dma_start3A_105] : memref<2x1280xi32, #tpu.memory_space<vmem>> -> memref<1x1280xi32, #tpu.memory_space<vmem>>
        %dma_start3A_107 = tpu.memref_squeeze %dma_start3A_106 : memref<1x1280xi32, #tpu.memory_space<vmem>> -> memref<1280xi32, #tpu.memory_space<vmem>>
        %dma_start3A_108 = tpu.memref_slice %arg2[%mul3A_104] : memref<819200xi32, #tpu.memory_space<hbm>> -> memref<1280xi32, #tpu.memory_space<hbm>>
        %dma_start3A_109 = arith.constant 0 : i32
        %dma_start3A_110 = tpu.memref_slice %arg5[%select_n3A_51, %dma_start3A_109] : memref<2x1280xi32, #tpu.memory_space<vmem>> -> memref<1x1280xi32, #tpu.memory_space<vmem>>
        %dma_start3A_111 = tpu.memref_squeeze %dma_start3A_110 : memref<1x1280xi32, #tpu.memory_space<vmem>> -> memref<1280xi32, #tpu.memory_space<vmem>>
        %dma_start3A_112 = tpu.memref_slice %arg2[%mul3A_104] : memref<819200xi32, #tpu.memory_space<hbm>> -> memref<1280xi32, #tpu.memory_space<hbm>>
        tpu.enqueue_dma source(%dma_start3A_112 : memref<1280xi32, #tpu.memory_space<hbm>>) target(%dma_start3A_111 : memref<1280xi32, #tpu.memory_space<vmem>>) target_semaphore(%arg9 : memref<!tpu.dma_semaphore, #tpu.memory_space<semaphore_mem>>)
      } else {
      }
      %ge3A_73 = arith.constant 1 : i32
      %ge3A_74 = arith.cmpi sge, %add3A_39, %ge3A_73 : i32
      %convert_element_type3A_75 = arith.extui %ge3A_74 : i1 to i32
      %cond3A_76 = arith.constant 0 : i32
      %cond3A_77 = arith.cmpi ne, %convert_element_type3A_75, %cond3A_76 : i32
      scf.if %cond3A_77 {
        %sub3A_98 = arith.constant 1 : i32
        %sub3A_99 = arith.subi %sub3A_98, %select_n3A_51 : i32
        %sub3A_100 = arith.constant 1 : i32
        %sub3A_101 = arith.subi %add3A_39, %sub3A_100 : i32
        %mul3A_102 = arith.constant 80 : i32
        %mul3A_103 = arith.muli %sub3A_101, %mul3A_102 : i32
        %add3A_104 = arith.addi %select_n3A, %mul3A_103 : i32
        %dma_wait3A_105 = arith.constant 0 : i32
        %dma_wait3A_106 = arith.constant 0 : i32
        %dma_wait3A_107 = tpu.memref_slice %arg7[%sub3A_99, %dma_wait3A_105, %dma_wait3A_106] : memref<2x80x64xbf16, #tpu.memory_space<vmem>> -> memref<1x80x64xbf16, #tpu.memory_space<vmem>>
        %dma_wait3A_108 = tpu.memref_squeeze %dma_wait3A_107 : memref<1x80x64xbf16, #tpu.memory_space<vmem>> -> memref<80x64xbf16, #tpu.memory_space<vmem>>
        %dma_wait3A_109 = arith.constant 0 : i32
        %dma_wait3A_110 = tpu.memref_slice %arg4[%add3A_104, %dma_wait3A_109] : memref<51200x64xbf16, #tpu.memory_space<hbm>> -> memref<80x64xbf16, #tpu.memory_space<hbm>>
        %dma_wait3A_111 = arith.constant 0 : i32
        %dma_wait3A_112 = tpu.memref_slice %arg4[%add3A_104, %dma_wait3A_111] : memref<51200x64xbf16, #tpu.memory_space<hbm>> -> memref<80x64xbf16, #tpu.memory_space<hbm>>
        %dma_wait3A_113 = arith.constant 0 : i32
        %dma_wait3A_114 = arith.constant 0 : i32
        %dma_wait3A_115 = tpu.memref_slice %arg7[%sub3A_99, %dma_wait3A_113, %dma_wait3A_114] : memref<2x80x64xbf16, #tpu.memory_space<vmem>> -> memref<1x80x64xbf16, #tpu.memory_space<vmem>>
        %dma_wait3A_116 = tpu.memref_squeeze %dma_wait3A_115 : memref<1x80x64xbf16, #tpu.memory_space<vmem>> -> memref<80x64xbf16, #tpu.memory_space<vmem>>
        tpu.wait_dma2 semaphore(%arg10 : memref<!tpu.dma_semaphore, #tpu.memory_space<semaphore_mem>>) src(%dma_wait3A_116 : memref<80x64xbf16, #tpu.memory_space<vmem>>) dst(%dma_wait3A_112 : memref<80x64xbf16, #tpu.memory_space<hbm>>)
      } else {
      }
      %scan3A = arith.constant 0 : i32
      %scan3A_78 = arith.constant 0 : i32
      %scan3A_79 = arith.constant 80 : i32
      %scan3A_80 = arith.addi %scan3A_78, %scan3A_79 : i32
      %scan3A_81 = arith.constant 1 : i32
      %scan3A_82 = scf.for %scan3A_98 = %scan3A_78 to %scan3A_80 step %scan3A_81 iter_args(%scan3A_99 = %scan3A) -> (i32)  : i32 {
        %mul3A_100 = arith.constant 16 : i32
        %mul3A_101 = arith.muli %scan3A_98, %mul3A_100 : i32
        %get3A = arith.index_cast %select_n3A_51 : i32 to index
        %get3A_102 = arith.index_cast %mul3A_101 : i32 to index
        %get3A_103 = arith.constant 0 : index
        %get3A_104 = tpu.vector_load %arg6[%get3A, %get3A_102, %get3A_103] {strides = array<i32>} : memref<2x1280x64xbf16, #tpu.memory_space<vmem>>, vector<1x1x32xbf16>,
        %get3A_105 = vector.shape_cast %get3A_104 : vector<1x1x32xbf16> to vector<32xbf16>
        %mul3A_106 = arith.constant 16 : i32
        %mul3A_107 = arith.muli %scan3A_98, %mul3A_106 : i32
        %add3A_108 = arith.constant 1 : i32
        %add3A_109 = arith.addi %mul3A_107, %add3A_108 : i32
        %get3A_110 = arith.index_cast %select_n3A_51 : i32 to index
        %get3A_111 = arith.index_cast %add3A_109 : i32 to index
        %get3A_112 = arith.constant 0 : index
        %get3A_113 = tpu.vector_load %arg6[%get3A_110, %get3A_111, %get3A_112] {strides = array<i32>} : memref<2x1280x64xbf16, #tpu.memory_space<vmem>>, vector<1x1x32xbf16>,
        %get3A_114 = vector.shape_cast %get3A_113 : vector<1x1x32xbf16> to vector<32xbf16>
        %max3A = arith.maximumf %get3A_105, %get3A_114 : vector<32xbf16>
        %mul3A_115 = arith.constant 16 : i32
        %mul3A_116 = arith.muli %scan3A_98, %mul3A_115 : i32
        %add3A_117 = arith.constant 2 : i32
        %add3A_118 = arith.addi %mul3A_116, %add3A_117 : i32
        %get3A_119 = arith.index_cast %select_n3A_51 : i32 to index
        %get3A_120 = arith.index_cast %add3A_118 : i32 to index
        %get3A_121 = arith.constant 0 : index
        %get3A_122 = tpu.vector_load %arg6[%get3A_119, %get3A_120, %get3A_121] {strides = array<i32>} : memref<2x1280x64xbf16, #tpu.memory_space<vmem>>, vector<1x1x32xbf16>,
        %get3A_123 = vector.shape_cast %get3A_122 : vector<1x1x32xbf16> to vector<32xbf16>
        %max3A_124 = arith.maximumf %max3A, %get3A_123 : vector<32xbf16>
        %mul3A_125 = arith.constant 16 : i32
        %mul3A_126 = arith.muli %scan3A_98, %mul3A_125 : i32
        %add3A_127 = arith.constant 3 : i32
        %add3A_128 = arith.addi %mul3A_126, %add3A_127 : i32
        %get3A_129 = arith.index_cast %select_n3A_51 : i32 to index
        %get3A_130 = arith.index_cast %add3A_128 : i32 to index
        %get3A_131 = arith.constant 0 : index
        %get3A_132 = tpu.vector_load %arg6[%get3A_129, %get3A_130, %get3A_131] {strides = array<i32>} : memref<2x1280x64xbf16, #tpu.memory_space<vmem>>, vector<1x1x32xbf16>,
        %get3A_133 = vector.shape_cast %get3A_132 : vector<1x1x32xbf16> to vector<32xbf16>
        %max3A_134 = arith.maximumf %max3A_124, %get3A_133 : vector<32xbf16>
        %mul3A_135 = arith.constant 16 : i32
        %mul3A_136 = arith.muli %scan3A_98, %mul3A_135 : i32
        %add3A_137 = arith.constant 4 : i32
        %add3A_138 = arith.addi %mul3A_136, %add3A_137 : i32
        %get3A_139 = arith.index_cast %select_n3A_51 : i32 to index
        %get3A_140 = arith.index_cast %add3A_138 : i32 to index
        %get3A_141 = arith.constant 0 : index
        %get3A_142 = tpu.vector_load %arg6[%get3A_139, %get3A_140, %get3A_141] {strides = array<i32>} : memref<2x1280x64xbf16, #tpu.memory_space<vmem>>, vector<1x1x32xbf16>,
        %get3A_143 = vector.shape_cast %get3A_142 : vector<1x1x32xbf16> to vector<32xbf16>
        %max3A_144 = arith.maximumf %max3A_134, %get3A_143 : vector<32xbf16>
        %mul3A_145 = arith.constant 16 : i32
        %mul3A_146 = arith.muli %scan3A_98, %mul3A_145 : i32
        %add3A_147 = arith.constant 5 : i32
        %add3A_148 = arith.addi %mul3A_146, %add3A_147 : i32
        %get3A_149 = arith.index_cast %select_n3A_51 : i32 to index
        %get3A_150 = arith.index_cast %add3A_148 : i32 to index
        %get3A_151 = arith.constant 0 : index
        %get3A_152 = tpu.vector_load %arg6[%get3A_149, %get3A_150, %get3A_151] {strides = array<i32>} : memref<2x1280x64xbf16, #tpu.memory_space<vmem>>, vector<1x1x32xbf16>,
        %get3A_153 = vector.shape_cast %get3A_152 : vector<1x1x32xbf16> to vector<32xbf16>
        %max3A_154 = arith.maximumf %max3A_144, %get3A_153 : vector<32xbf16>
        %mul3A_155 = arith.constant 16 : i32
        %mul3A_156 = arith.muli %scan3A_98, %mul3A_155 : i32
        %add3A_157 = arith.constant 6 : i32
        %add3A_158 = arith.addi %mul3A_156, %add3A_157 : i32
        %get3A_159 = arith.index_cast %select_n3A_51 : i32 to index
        %get3A_160 = arith.index_cast %add3A_158 : i32 to index
        %get3A_161 = arith.constant 0 : index
        %get3A_162 = tpu.vector_load %arg6[%get3A_159, %get3A_160, %get3A_161] {strides = array<i32>} : memref<2x1280x64xbf16, #tpu.memory_space<vmem>>, vector<1x1x32xbf16>,
        %get3A_163 = vector.shape_cast %get3A_162 : vector<1x1x32xbf16> to vector<32xbf16>
        %max3A_164 = arith.maximumf %max3A_154, %get3A_163 : vector<32xbf16>
        %mul3A_165 = arith.constant 16 : i32
        %mul3A_166 = arith.muli %scan3A_98, %mul3A_165 : i32
        %add3A_167 = arith.constant 7 : i32
        %add3A_168 = arith.addi %mul3A_166, %add3A_167 : i32
        %get3A_169 = arith.index_cast %select_n3A_51 : i32 to index
        %get3A_170 = arith.index_cast %add3A_168 : i32 to index
        %get3A_171 = arith.constant 0 : index
        %get3A_172 = tpu.vector_load %arg6[%get3A_169, %get3A_170, %get3A_171] {strides = array<i32>} : memref<2x1280x64xbf16, #tpu.memory_space<vmem>>, vector<1x1x32xbf16>,
        %get3A_173 = vector.shape_cast %get3A_172 : vector<1x1x32xbf16> to vector<32xbf16>
        %max3A_174 = arith.maximumf %max3A_164, %get3A_173 : vector<32xbf16>
        %mul3A_175 = arith.constant 16 : i32
        %mul3A_176 = arith.muli %scan3A_98, %mul3A_175 : i32
        %add3A_177 = arith.constant 8 : i32
        %add3A_178 = arith.addi %mul3A_176, %add3A_177 : i32
        %get3A_179 = arith.index_cast %select_n3A_51 : i32 to index
        %get3A_180 = arith.index_cast %add3A_178 : i32 to index
        %get3A_181 = arith.constant 0 : index
        %get3A_182 = tpu.vector_load %arg6[%get3A_179, %get3A_180, %get3A_181] {strides = array<i32>} : memref<2x1280x64xbf16, #tpu.memory_space<vmem>>, vector<1x1x32xbf16>,
        %get3A_183 = vector.shape_cast %get3A_182 : vector<1x1x32xbf16> to vector<32xbf16>
        %max3A_184 = arith.maximumf %max3A_174, %get3A_183 : vector<32xbf16>
        %mul3A_185 = arith.constant 16 : i32
        %mul3A_186 = arith.muli %scan3A_98, %mul3A_185 : i32
        %add3A_187 = arith.constant 9 : i32
        %add3A_188 = arith.addi %mul3A_186, %add3A_187 : i32
        %get3A_189 = arith.index_cast %select_n3A_51 : i32 to index
        %get3A_190 = arith.index_cast %add3A_188 : i32 to index
        %get3A_191 = arith.constant 0 : index
        %get3A_192 = tpu.vector_load %arg6[%get3A_189, %get3A_190, %get3A_191] {strides = array<i32>} : memref<2x1280x64xbf16, #tpu.memory_space<vmem>>, vector<1x1x32xbf16>,
        %get3A_193 = vector.shape_cast %get3A_192 : vector<1x1x32xbf16> to vector<32xbf16>
        %max3A_194 = arith.maximumf %max3A_184, %get3A_193 : vector<32xbf16>
        %mul3A_195 = arith.constant 16 : i32
        %mul3A_196 = arith.muli %scan3A_98, %mul3A_195 : i32
        %add3A_197 = arith.constant 10 : i32
        %add3A_198 = arith.addi %mul3A_196, %add3A_197 : i32
        %get3A_199 = arith.index_cast %select_n3A_51 : i32 to index
        %get3A_200 = arith.index_cast %add3A_198 : i32 to index
        %get3A_201 = arith.constant 0 : index
        %get3A_202 = tpu.vector_load %arg6[%get3A_199, %get3A_200, %get3A_201] {strides = array<i32>} : memref<2x1280x64xbf16, #tpu.memory_space<vmem>>, vector<1x1x32xbf16>,
        %get3A_203 = vector.shape_cast %get3A_202 : vector<1x1x32xbf16> to vector<32xbf16>
        %max3A_204 = arith.maximumf %max3A_194, %get3A_203 : vector<32xbf16>
        %mul3A_205 = arith.constant 16 : i32
        %mul3A_206 = arith.muli %scan3A_98, %mul3A_205 : i32
        %add3A_207 = arith.constant 11 : i32
        %add3A_208 = arith.addi %mul3A_206, %add3A_207 : i32
        %get3A_209 = arith.index_cast %select_n3A_51 : i32 to index
        %get3A_210 = arith.index_cast %add3A_208 : i32 to index
        %get3A_211 = arith.constant 0 : index
        %get3A_212 = tpu.vector_load %arg6[%get3A_209, %get3A_210, %get3A_211] {strides = array<i32>} : memref<2x1280x64xbf16, #tpu.memory_space<vmem>>, vector<1x1x32xbf16>,
        %get3A_213 = vector.shape_cast %get3A_212 : vector<1x1x32xbf16> to vector<32xbf16>
        %max3A_214 = arith.maximumf %max3A_204, %get3A_213 : vector<32xbf16>
        %mul3A_215 = arith.constant 16 : i32
        %mul3A_216 = arith.muli %scan3A_98, %mul3A_215 : i32
        %add3A_217 = arith.constant 12 : i32
        %add3A_218 = arith.addi %mul3A_216, %add3A_217 : i32
        %get3A_219 = arith.index_cast %select_n3A_51 : i32 to index
        %get3A_220 = arith.index_cast %add3A_218 : i32 to index
        %get3A_221 = arith.constant 0 : index
        %get3A_222 = tpu.vector_load %arg6[%get3A_219, %get3A_220, %get3A_221] {strides = array<i32>} : memref<2x1280x64xbf16, #tpu.memory_space<vmem>>, vector<1x1x32xbf16>,
        %get3A_223 = vector.shape_cast %get3A_222 : vector<1x1x32xbf16> to vector<32xbf16>
        %max3A_224 = arith.maximumf %max3A_214, %get3A_223 : vector<32xbf16>
        %mul3A_225 = arith.constant 16 : i32
        %mul3A_226 = arith.muli %scan3A_98, %mul3A_225 : i32
        %add3A_227 = arith.constant 13 : i32
        %add3A_228 = arith.addi %mul3A_226, %add3A_227 : i32
        %get3A_229 = arith.index_cast %select_n3A_51 : i32 to index
        %get3A_230 = arith.index_cast %add3A_228 : i32 to index
        %get3A_231 = arith.constant 0 : index
        %get3A_232 = tpu.vector_load %arg6[%get3A_229, %get3A_230, %get3A_231] {strides = array<i32>} : memref<2x1280x64xbf16, #tpu.memory_space<vmem>>, vector<1x1x32xbf16>,
        %get3A_233 = vector.shape_cast %get3A_232 : vector<1x1x32xbf16> to vector<32xbf16>
        %max3A_234 = arith.maximumf %max3A_224, %get3A_233 : vector<32xbf16>
        %mul3A_235 = arith.constant 16 : i32
        %mul3A_236 = arith.muli %scan3A_98, %mul3A_235 : i32
        %add3A_237 = arith.constant 14 : i32
        %add3A_238 = arith.addi %mul3A_236, %add3A_237 : i32
        %get3A_239 = arith.index_cast %select_n3A_51 : i32 to index
        %get3A_240 = arith.index_cast %add3A_238 : i32 to index
        %get3A_241 = arith.constant 0 : index
        %get3A_242 = tpu.vector_load %arg6[%get3A_239, %get3A_240, %get3A_241] {strides = array<i32>} : memref<2x1280x64xbf16, #tpu.memory_space<vmem>>, vector<1x1x32xbf16>,
        %get3A_243 = vector.shape_cast %get3A_242 : vector<1x1x32xbf16> to vector<32xbf16>
        %max3A_244 = arith.maximumf %max3A_234, %get3A_243 : vector<32xbf16>
        %mul3A_245 = arith.constant 16 : i32
        %mul3A_246 = arith.muli %scan3A_98, %mul3A_245 : i32
        %add3A_247 = arith.constant 15 : i32
        %add3A_248 = arith.addi %mul3A_246, %add3A_247 : i32
        %get3A_249 = arith.index_cast %select_n3A_51 : i32 to index
        %get3A_250 = arith.index_cast %add3A_248 : i32 to index
        %get3A_251 = arith.constant 0 : index
        %get3A_252 = tpu.vector_load %arg6[%get3A_249, %get3A_250, %get3A_251] {strides = array<i32>} : memref<2x1280x64xbf16, #tpu.memory_space<vmem>>, vector<1x1x32xbf16>,
        %get3A_253 = vector.shape_cast %get3A_252 : vector<1x1x32xbf16> to vector<32xbf16>
        %max3A_254 = arith.maximumf %max3A_244, %get3A_253 : vector<32xbf16>
        %swap3A = arith.index_cast %select_n3A_51 : i32 to index
        %swap3A_255 = arith.index_cast %scan3A_98 : i32 to index
        %swap3A_256 = arith.constant 0 : index
        %swap3A_257 = tpu.vector_load %arg7[%swap3A, %swap3A_255, %swap3A_256] {strides = array<i32>} : memref<2x80x64xbf16, #tpu.memory_space<vmem>>, vector<1x1x32xbf16>,
        %swap3A_258 = vector.shape_cast %swap3A_257 : vector<1x1x32xbf16> to vector<32xbf16>
        %swap3A_259 = vector.shape_cast %max3A_254 : vector<32xbf16> to vector<1x1x32xbf16>
        tpu.vector_store %arg7[%swap3A, %swap3A_255, %swap3A_256], %swap3A_259 {strides = array<i32>} : memref<2x80x64xbf16, #tpu.memory_space<vmem>>, vector<1x1x32xbf16>,
        %mul3A_260 = arith.constant 16 : i32
        %mul3A_261 = arith.muli %scan3A_98, %mul3A_260 : i32
        %get3A_262 = arith.index_cast %select_n3A_51 : i32 to index
        %get3A_263 = arith.index_cast %mul3A_261 : i32 to index
        %get3A_264 = arith.constant 32 : index
        %get3A_265 = tpu.vector_load %arg6[%get3A_262, %get3A_263, %get3A_264] {strides = array<i32>} : memref<2x1280x64xbf16, #tpu.memory_space<vmem>>, vector<1x1x32xbf16>,
        %get3A_266 = vector.shape_cast %get3A_265 : vector<1x1x32xbf16> to vector<32xbf16>
        %mul3A_267 = arith.constant 16 : i32
        %mul3A_268 = arith.muli %scan3A_98, %mul3A_267 : i32
        %add3A_269 = arith.constant 1 : i32
        %add3A_270 = arith.addi %mul3A_268, %add3A_269 : i32
        %get3A_271 = arith.index_cast %select_n3A_51 : i32 to index
        %get3A_272 = arith.index_cast %add3A_270 : i32 to index
        %get3A_273 = arith.constant 32 : index
        %get3A_274 = tpu.vector_load %arg6[%get3A_271, %get3A_272, %get3A_273] {strides = array<i32>} : memref<2x1280x64xbf16, #tpu.memory_space<vmem>>, vector<1x1x32xbf16>,
        %get3A_275 = vector.shape_cast %get3A_274 : vector<1x1x32xbf16> to vector<32xbf16>
        %max3A_276 = arith.maximumf %get3A_266, %get3A_275 : vector<32xbf16>
        %mul3A_277 = arith.constant 16 : i32
        %mul3A_278 = arith.muli %scan3A_98, %mul3A_277 : i32
        %add3A_279 = arith.constant 2 : i32
        %add3A_280 = arith.addi %mul3A_278, %add3A_279 : i32
        %get3A_281 = arith.index_cast %select_n3A_51 : i32 to index
        %get3A_282 = arith.index_cast %add3A_280 : i32 to index
        %get3A_283 = arith.constant 32 : index
        %get3A_284 = tpu.vector_load %arg6[%get3A_281, %get3A_282, %get3A_283] {strides = array<i32>} : memref<2x1280x64xbf16, #tpu.memory_space<vmem>>, vector<1x1x32xbf16>,
        %get3A_285 = vector.shape_cast %get3A_284 : vector<1x1x32xbf16> to vector<32xbf16>
        %max3A_286 = arith.maximumf %max3A_276, %get3A_285 : vector<32xbf16>
        %mul3A_287 = arith.constant 16 : i32
        %mul3A_288 = arith.muli %scan3A_98, %mul3A_287 : i32
        %add3A_289 = arith.constant 3 : i32
        %add3A_290 = arith.addi %mul3A_288, %add3A_289 : i32
        %get3A_291 = arith.index_cast %select_n3A_51 : i32 to index
        %get3A_292 = arith.index_cast %add3A_290 : i32 to index
        %get3A_293 = arith.constant 32 : index
        %get3A_294 = tpu.vector_load %arg6[%get3A_291, %get3A_292, %get3A_293] {strides = array<i32>} : memref<2x1280x64xbf16, #tpu.memory_space<vmem>>, vector<1x1x32xbf16>,
        %get3A_295 = vector.shape_cast %get3A_294 : vector<1x1x32xbf16> to vector<32xbf16>
        %max3A_296 = arith.maximumf %max3A_286, %get3A_295 : vector<32xbf16>
        %mul3A_297 = arith.constant 16 : i32
        %mul3A_298 = arith.muli %scan3A_98, %mul3A_297 : i32
        %add3A_299 = arith.constant 4 : i32
        %add3A_300 = arith.addi %mul3A_298, %add3A_299 : i32
        %get3A_301 = arith.index_cast %select_n3A_51 : i32 to index
        %get3A_302 = arith.index_cast %add3A_300 : i32 to index
        %get3A_303 = arith.constant 32 : index
        %get3A_304 = tpu.vector_load %arg6[%get3A_301, %get3A_302, %get3A_303] {strides = array<i32>} : memref<2x1280x64xbf16, #tpu.memory_space<vmem>>, vector<1x1x32xbf16>,
        %get3A_305 = vector.shape_cast %get3A_304 : vector<1x1x32xbf16> to vector<32xbf16>
        %max3A_306 = arith.maximumf %max3A_296, %get3A_305 : vector<32xbf16>
        %mul3A_307 = arith.constant 16 : i32
        %mul3A_308 = arith.muli %scan3A_98, %mul3A_307 : i32
        %add3A_309 = arith.constant 5 : i32
        %add3A_310 = arith.addi %mul3A_308, %add3A_309 : i32
        %get3A_311 = arith.index_cast %select_n3A_51 : i32 to index
        %get3A_312 = arith.index_cast %add3A_310 : i32 to index
        %get3A_313 = arith.constant 32 : index
        %get3A_314 = tpu.vector_load %arg6[%get3A_311, %get3A_312, %get3A_313] {strides = array<i32>} : memref<2x1280x64xbf16, #tpu.memory_space<vmem>>, vector<1x1x32xbf16>,
        %get3A_315 = vector.shape_cast %get3A_314 : vector<1x1x32xbf16> to vector<32xbf16>
        %max3A_316 = arith.maximumf %max3A_306, %get3A_315 : vector<32xbf16>
        %mul3A_317 = arith.constant 16 : i32
        %mul3A_318 = arith.muli %scan3A_98, %mul3A_317 : i32
        %add3A_319 = arith.constant 6 : i32
        %add3A_320 = arith.addi %mul3A_318, %add3A_319 : i32
        %get3A_321 = arith.index_cast %select_n3A_51 : i32 to index
        %get3A_322 = arith.index_cast %add3A_320 : i32 to index
        %get3A_323 = arith.constant 32 : index
        %get3A_324 = tpu.vector_load %arg6[%get3A_321, %get3A_322, %get3A_323] {strides = array<i32>} : memref<2x1280x64xbf16, #tpu.memory_space<vmem>>, vector<1x1x32xbf16>,
        %get3A_325 = vector.shape_cast %get3A_324 : vector<1x1x32xbf16> to vector<32xbf16>
        %max3A_326 = arith.maximumf %max3A_316, %get3A_325 : vector<32xbf16>
        %mul3A_327 = arith.constant 16 : i32
        %mul3A_328 = arith.muli %scan3A_98, %mul3A_327 : i32
        %add3A_329 = arith.constant 7 : i32
        %add3A_330 = arith.addi %mul3A_328, %add3A_329 : i32
        %get3A_331 = arith.index_cast %select_n3A_51 : i32 to index
        %get3A_332 = arith.index_cast %add3A_330 : i32 to index
        %get3A_333 = arith.constant 32 : index
        %get3A_334 = tpu.vector_load %arg6[%get3A_331, %get3A_332, %get3A_333] {strides = array<i32>} : memref<2x1280x64xbf16, #tpu.memory_space<vmem>>, vector<1x1x32xbf16>,
        %get3A_335 = vector.shape_cast %get3A_334 : vector<1x1x32xbf16> to vector<32xbf16>
        %max3A_336 = arith.maximumf %max3A_326, %get3A_335 : vector<32xbf16>
        %mul3A_337 = arith.constant 16 : i32
        %mul3A_338 = arith.muli %scan3A_98, %mul3A_337 : i32
        %add3A_339 = arith.constant 8 : i32
        %add3A_340 = arith.addi %mul3A_338, %add3A_339 : i32
        %get3A_341 = arith.index_cast %select_n3A_51 : i32 to index
        %get3A_342 = arith.index_cast %add3A_340 : i32 to index
        %get3A_343 = arith.constant 32 : index
        %get3A_344 = tpu.vector_load %arg6[%get3A_341, %get3A_342, %get3A_343] {strides = array<i32>} : memref<2x1280x64xbf16, #tpu.memory_space<vmem>>, vector<1x1x32xbf16>,
        %get3A_345 = vector.shape_cast %get3A_344 : vector<1x1x32xbf16> to vector<32xbf16>
        %max3A_346 = arith.maximumf %max3A_336, %get3A_345 : vector<32xbf16>
        %mul3A_347 = arith.constant 16 : i32
        %mul3A_348 = arith.muli %scan3A_98, %mul3A_347 : i32
        %add3A_349 = arith.constant 9 : i32
        %add3A_350 = arith.addi %mul3A_348, %add3A_349 : i32
        %get3A_351 = arith.index_cast %select_n3A_51 : i32 to index
        %get3A_352 = arith.index_cast %add3A_350 : i32 to index
        %get3A_353 = arith.constant 32 : index
        %get3A_354 = tpu.vector_load %arg6[%get3A_351, %get3A_352, %get3A_353] {strides = array<i32>} : memref<2x1280x64xbf16, #tpu.memory_space<vmem>>, vector<1x1x32xbf16>,
        %get3A_355 = vector.shape_cast %get3A_354 : vector<1x1x32xbf16> to vector<32xbf16>
        %max3A_356 = arith.maximumf %max3A_346, %get3A_355 : vector<32xbf16>
        %mul3A_357 = arith.constant 16 : i32
        %mul3A_358 = arith.muli %scan3A_98, %mul3A_357 : i32
        %add3A_359 = arith.constant 10 : i32
        %add3A_360 = arith.addi %mul3A_358, %add3A_359 : i32
        %get3A_361 = arith.index_cast %select_n3A_51 : i32 to index
        %get3A_362 = arith.index_cast %add3A_360 : i32 to index
        %get3A_363 = arith.constant 32 : index
        %get3A_364 = tpu.vector_load %arg6[%get3A_361, %get3A_362, %get3A_363] {strides = array<i32>} : memref<2x1280x64xbf16, #tpu.memory_space<vmem>>, vector<1x1x32xbf16>,
        %get3A_365 = vector.shape_cast %get3A_364 : vector<1x1x32xbf16> to vector<32xbf16>
        %max3A_366 = arith.maximumf %max3A_356, %get3A_365 : vector<32xbf16>
        %mul3A_367 = arith.constant 16 : i32
        %mul3A_368 = arith.muli %scan3A_98, %mul3A_367 : i32
        %add3A_369 = arith.constant 11 : i32
        %add3A_370 = arith.addi %mul3A_368, %add3A_369 : i32
        %get3A_371 = arith.index_cast %select_n3A_51 : i32 to index
        %get3A_372 = arith.index_cast %add3A_370 : i32 to index
        %get3A_373 = arith.constant 32 : index
        %get3A_374 = tpu.vector_load %arg6[%get3A_371, %get3A_372, %get3A_373] {strides = array<i32>} : memref<2x1280x64xbf16, #tpu.memory_space<vmem>>, vector<1x1x32xbf16>,
        %get3A_375 = vector.shape_cast %get3A_374 : vector<1x1x32xbf16> to vector<32xbf16>
        %max3A_376 = arith.maximumf %max3A_366, %get3A_375 : vector<32xbf16>
        %mul3A_377 = arith.constant 16 : i32
        %mul3A_378 = arith.muli %scan3A_98, %mul3A_377 : i32
        %add3A_379 = arith.constant 12 : i32
        %add3A_380 = arith.addi %mul3A_378, %add3A_379 : i32
        %get3A_381 = arith.index_cast %select_n3A_51 : i32 to index
        %get3A_382 = arith.index_cast %add3A_380 : i32 to index
        %get3A_383 = arith.constant 32 : index
        %get3A_384 = tpu.vector_load %arg6[%get3A_381, %get3A_382, %get3A_383] {strides = array<i32>} : memref<2x1280x64xbf16, #tpu.memory_space<vmem>>, vector<1x1x32xbf16>,
        %get3A_385 = vector.shape_cast %get3A_384 : vector<1x1x32xbf16> to vector<32xbf16>
        %max3A_386 = arith.maximumf %max3A_376, %get3A_385 : vector<32xbf16>
        %mul3A_387 = arith.constant 16 : i32
        %mul3A_388 = arith.muli %scan3A_98, %mul3A_387 : i32
        %add3A_389 = arith.constant 13 : i32
        %add3A_390 = arith.addi %mul3A_388, %add3A_389 : i32
        %get3A_391 = arith.index_cast %select_n3A_51 : i32 to index
        %get3A_392 = arith.index_cast %add3A_390 : i32 to index
        %get3A_393 = arith.constant 32 : index
        %get3A_394 = tpu.vector_load %arg6[%get3A_391, %get3A_392, %get3A_393] {strides = array<i32>} : memref<2x1280x64xbf16, #tpu.memory_space<vmem>>, vector<1x1x32xbf16>,
        %get3A_395 = vector.shape_cast %get3A_394 : vector<1x1x32xbf16> to vector<32xbf16>
        %max3A_396 = arith.maximumf %max3A_386, %get3A_395 : vector<32xbf16>
        %mul3A_397 = arith.constant 16 : i32
        %mul3A_398 = arith.muli %scan3A_98, %mul3A_397 : i32
        %add3A_399 = arith.constant 14 : i32
        %add3A_400 = arith.addi %mul3A_398, %add3A_399 : i32
        %get3A_401 = arith.index_cast %select_n3A_51 : i32 to index
        %get3A_402 = arith.index_cast %add3A_400 : i32 to index
        %get3A_403 = arith.constant 32 : index
        %get3A_404 = tpu.vector_load %arg6[%get3A_401, %get3A_402, %get3A_403] {strides = array<i32>} : memref<2x1280x64xbf16, #tpu.memory_space<vmem>>, vector<1x1x32xbf16>,
        %get3A_405 = vector.shape_cast %get3A_404 : vector<1x1x32xbf16> to vector<32xbf16>
        %max3A_406 = arith.maximumf %max3A_396, %get3A_405 : vector<32xbf16>
        %mul3A_407 = arith.constant 16 : i32
        %mul3A_408 = arith.muli %scan3A_98, %mul3A_407 : i32
        %add3A_409 = arith.constant 15 : i32
        %add3A_410 = arith.addi %mul3A_408, %add3A_409 : i32
        %get3A_411 = arith.index_cast %select_n3A_51 : i32 to index
        %get3A_412 = arith.index_cast %add3A_410 : i32 to index
        %get3A_413 = arith.constant 32 : index
        %get3A_414 = tpu.vector_load %arg6[%get3A_411, %get3A_412, %get3A_413] {strides = array<i32>} : memref<2x1280x64xbf16, #tpu.memory_space<vmem>>, vector<1x1x32xbf16>,
        %get3A_415 = vector.shape_cast %get3A_414 : vector<1x1x32xbf16> to vector<32xbf16>
        %max3A_416 = arith.maximumf %max3A_406, %get3A_415 : vector<32xbf16>
        %swap3A_417 = arith.index_cast %select_n3A_51 : i32 to index
        %swap3A_418 = arith.index_cast %scan3A_98 : i32 to index
        %swap3A_419 = arith.constant 32 : index
        %swap3A_420 = tpu.vector_load %arg7[%swap3A_417, %swap3A_418, %swap3A_419] {strides = array<i32>} : memref<2x80x64xbf16, #tpu.memory_space<vmem>>, vector<1x1x32xbf16>,
        %swap3A_421 = vector.shape_cast %swap3A_420 : vector<1x1x32xbf16> to vector<32xbf16>
        %swap3A_422 = vector.shape_cast %max3A_416 : vector<32xbf16> to vector<1x1x32xbf16>
        tpu.vector_store %arg7[%swap3A_417, %swap3A_418, %swap3A_419], %swap3A_422 {strides = array<i32>} : memref<2x80x64xbf16, #tpu.memory_space<vmem>>, vector<1x1x32xbf16>,
        %scan3A_423 = arith.constant 0 : i32
        scf.yield %scan3A_423 : i32
      }
      %scan3A_83 = arith.constant 80 : i32
      %mul3A_84 = arith.constant 80 : i32
      %mul3A_85 = arith.muli %add3A_39, %mul3A_84 : i32
      %add3A_86 = arith.addi %select_n3A, %mul3A_85 : i32
      %dma_start3A = arith.constant 0 : i32
      %dma_start3A_87 = arith.constant 0 : i32
      %dma_start3A_88 = tpu.memref_slice %arg7[%select_n3A_51, %dma_start3A, %dma_start3A_87] : memref<2x80x64xbf16, #tpu.memory_space<vmem>> -> memref<1x80x64xbf16, #tpu.memory_space<vmem>>
      %dma_start3A_89 = tpu.memref_squeeze %dma_start3A_88 : memref<1x80x64xbf16, #tpu.memory_space<vmem>> -> memref<80x64xbf16, #tpu.memory_space<vmem>>
      %dma_start3A_90 = arith.constant 0 : i32
      %dma_start3A_91 = tpu.memref_slice %arg4[%add3A_86, %dma_start3A_90] : memref<51200x64xbf16, #tpu.memory_space<hbm>> -> memref<80x64xbf16, #tpu.memory_space<hbm>>
      %dma_start3A_92 = arith.constant 0 : i32
      %dma_start3A_93 = tpu.memref_slice %arg4[%add3A_86, %dma_start3A_92] : memref<51200x64xbf16, #tpu.memory_space<hbm>> -> memref<80x64xbf16, #tpu.memory_space<hbm>>
      %dma_start3A_94 = arith.constant 0 : i32
      %dma_start3A_95 = arith.constant 0 : i32
      %dma_start3A_96 = tpu.memref_slice %arg7[%select_n3A_51, %dma_start3A_94, %dma_start3A_95] : memref<2x80x64xbf16, #tpu.memory_space<vmem>> -> memref<1x80x64xbf16, #tpu.memory_space<vmem>>
      %dma_start3A_97 = tpu.memref_squeeze %dma_start3A_96 : memref<1x80x64xbf16, #tpu.memory_space<vmem>> -> memref<80x64xbf16, #tpu.memory_space<vmem>>
      tpu.enqueue_dma source(%dma_start3A_97 : memref<80x64xbf16, #tpu.memory_space<vmem>>) target(%dma_start3A_93 : memref<80x64xbf16, #tpu.memory_space<hbm>>) target_semaphore(%arg10 : memref<!tpu.dma_semaphore, #tpu.memory_space<semaphore_mem>>)
    }
    %ge3A_32 = arith.constant 1 : i32
    %ge3A_33 = arith.cmpi sge, %select_n3A_8, %ge3A_32 : i32
    %convert_element_type3A_34 = arith.extui %ge3A_33 : i1 to i32
    %cond3A_35 = arith.constant 0 : i32
    %cond3A_36 = arith.cmpi ne, %convert_element_type3A_34, %cond3A_35 : i32
    scf.if %cond3A_36 {
      %sub3A_37 = arith.constant 1 : i32
      %sub3A_38 = arith.subi %select_n3A_8, %sub3A_37 : i32
      %jit3A_39 = arith.constant 2 : i32
      %eq3A_40 = arith.constant 0 : i32
      %eq3A_41 = arith.cmpi eq, %jit3A_39, %eq3A_40 : i32
      %jit3A_42 = arith.constant 1 : i32
      %select_n3A_43 = arith.select %eq3A_41, %jit3A_42, %jit3A_39 : i32
      %rem3A = arith.remsi %sub3A_38, %select_n3A_43 : i32
      %ne3A = arith.constant 0 : i32
      %ne3A_44 = arith.cmpi ne, %rem3A, %ne3A : i32
      %lt3A = arith.constant 0 : i32
      %lt3A_45 = arith.cmpi slt, %rem3A, %lt3A : i32
      %lt3A_46 = arith.constant 0 : i32
      %lt3A_47 = arith.cmpi slt, %select_n3A_43, %lt3A_46 : i32
      %ne3A_48 = arith.xori %lt3A_45, %lt3A_47 : i1
      %and3A = arith.andi %ne3A_48, %ne3A_44 : i1
      %add3A_49 = arith.addi %rem3A, %select_n3A_43 : i32
      %select_n3A_50 = arith.select %and3A, %add3A_49, %rem3A : i32
      %sub3A_51 = arith.constant 1 : i32
      %sub3A_52 = arith.subi %select_n3A_8, %sub3A_51 : i32
      %mul3A_53 = arith.constant 80 : i32
      %mul3A_54 = arith.muli %sub3A_52, %mul3A_53 : i32
      %add3A_55 = arith.addi %select_n3A, %mul3A_54 : i32
      %dma_wait3A = arith.constant 0 : i32
      %dma_wait3A_56 = arith.constant 0 : i32
      %dma_wait3A_57 = tpu.memref_slice %arg7[%select_n3A_50, %dma_wait3A, %dma_wait3A_56] : memref<2x80x64xbf16, #tpu.memory_space<vmem>> -> memref<1x80x64xbf16, #tpu.memory_space<vmem>>
      %dma_wait3A_58 = tpu.memref_squeeze %dma_wait3A_57 : memref<1x80x64xbf16, #tpu.memory_space<vmem>> -> memref<80x64xbf16, #tpu.memory_space<vmem>>
      %dma_wait3A_59 = arith.constant 0 : i32
      %dma_wait3A_60 = tpu.memref_slice %arg4[%add3A_55, %dma_wait3A_59] : memref<51200x64xbf16, #tpu.memory_space<hbm>> -> memref<80x64xbf16, #tpu.memory_space<hbm>>
      %dma_wait3A_61 = arith.constant 0 : i32
      %dma_wait3A_62 = tpu.memref_slice %arg4[%add3A_55, %dma_wait3A_61] : memref<51200x64xbf16, #tpu.memory_space<hbm>> -> memref<80x64xbf16, #tpu.memory_space<hbm>>
      %dma_wait3A_63 = arith.constant 0 : i32
      %dma_wait3A_64 = arith.constant 0 : i32
      %dma_wait3A_65 = tpu.memref_slice %arg7[%select_n3A_50, %dma_wait3A_63, %dma_wait3A_64] : memref<2x80x64xbf16, #tpu.memory_space<vmem>> -> memref<1x80x64xbf16, #tpu.memory_space<vmem>>
      %dma_wait3A_66 = tpu.memref_squeeze %dma_wait3A_65 : memref<1x80x64xbf16, #tpu.memory_space<vmem>> -> memref<80x64xbf16, #tpu.memory_space<vmem>>
      tpu.wait_dma2 semaphore(%arg10 : memref<!tpu.dma_semaphore, #tpu.memory_space<semaphore_mem>>) src(%dma_wait3A_66 : memref<80x64xbf16, #tpu.memory_space<vmem>>) dst(%dma_wait3A_62 : memref<80x64xbf16, #tpu.memory_space<hbm>>)
    } else {
    }
    return
  }
}

#map = affine_map<(d0, d1) -> (0)>
#map1 = affine_map<(d0, d1) -> (0, 0)>
module attributes {stable_mosaic.version = 14 : i64} {
  func.func @sc_head_gather(%arg0: i32, %arg1: i32, %arg2: memref<819200xi32, #tpu.memory_space<hbm>>, %arg3: memref<50000x8xf32, #tpu.memory_space<hbm>>, %arg4: memref<819200x8xf32, #tpu.memory_space<hbm>>, %arg5: memref<2x2560xi32, #tpu.memory_space<vmem>>, %arg6: memref<2x2560x8xf32, #tpu.memory_space<vmem>>, %arg7: memref<!tpu.dma_semaphore, #tpu.memory_space<semaphore_mem>>, %arg8: memref<!tpu.dma_semaphore, #tpu.memory_space<semaphore_mem>>, %arg9: memref<!tpu.dma_semaphore, #tpu.memory_space<semaphore_mem>>) attributes {dimension_semantics = [#tpu.dimension_semantics<core_parallel>, #tpu.dimension_semantics<subcore_parallel>], iteration_bounds = array<i64: 2, 16>, scalar_prefetch = 0 : i64, scratch_operands = 5 : i64, tpu.core_type = #tpu.core_type<sc_vector_subcore>, window_params = [{transform_indices = #map}, {transform_indices = #map1}, {transform_indices = #map1}]} {
    %eq3A = arith.constant 0 : i32
    %eq3A_0 = arith.cmpi eq, %arg0, %eq3A : i32
    %mul3A = arith.constant 48640 : i32
    %mul3A_1 = arith.muli %arg1, %mul3A : i32
    %mul3A_2 = arith.constant 2560 : i32
    %mul3A_3 = arith.muli %arg1, %mul3A_2 : i32
    %add3A = arith.constant 778240 : i32
    %add3A_4 = arith.addi %add3A, %mul3A_3 : i32
    %select_n3A = arith.select %eq3A_0, %mul3A_1, %add3A_4 : i32
    %eq3A_5 = arith.constant 0 : i32
    %eq3A_6 = arith.cmpi eq, %arg0, %eq3A_5 : i32
    %jit3A = arith.constant 19 : i32
    %jit3A_7 = arith.constant 1 : i32
    %select_n3A_8 = arith.select %eq3A_6, %jit3A, %jit3A_7 : i32
    %ge3A = arith.constant 1 : i32
    %ge3A_9 = arith.cmpi sge, %select_n3A_8, %ge3A : i32
    %convert_element_type3A = arith.extui %ge3A_9 : i1 to i32
    %cond3A = arith.constant 0 : i32
    %cond3A_10 = arith.cmpi ne, %convert_element_type3A, %cond3A : i32
    scf.if %cond3A_10 {
      %add3A_37 = arith.constant 0 : i32
      %add3A_38 = arith.addi %select_n3A, %add3A_37 : i32
      %run_scoped3A = arith.constant 0 : i32
      "tpu.region"() ({
        %run_scoped3A_50 = tpu.sem_alloc : memref<!tpu.dma_semaphore, #tpu.memory_space<semaphore_mem>>
        %dma_start3A_51 = arith.constant 0 : i32
        %dma_start3A_52 = tpu.memref_slice %arg5[%run_scoped3A, %dma_start3A_51] : memref<2x2560xi32, #tpu.memory_space<vmem>> -> memref<1x2560xi32, #tpu.memory_space<vmem>>
        %dma_start3A_53 = tpu.memref_squeeze %dma_start3A_52 : memref<1x2560xi32, #tpu.memory_space<vmem>> -> memref<2560xi32, #tpu.memory_space<vmem>>
        %dma_start3A_54 = tpu.memref_slice %arg2[%add3A_38] : memref<819200xi32, #tpu.memory_space<hbm>> -> memref<2560xi32, #tpu.memory_space<hbm>>
        %dma_start3A_55 = arith.constant 0 : i32
        %dma_start3A_56 = tpu.memref_slice %arg5[%run_scoped3A, %dma_start3A_55] : memref<2x2560xi32, #tpu.memory_space<vmem>> -> memref<1x2560xi32, #tpu.memory_space<vmem>>
        %dma_start3A_57 = tpu.memref_squeeze %dma_start3A_56 : memref<1x2560xi32, #tpu.memory_space<vmem>> -> memref<2560xi32, #tpu.memory_space<vmem>>
        %dma_start3A_58 = tpu.memref_slice %arg2[%add3A_38] : memref<819200xi32, #tpu.memory_space<hbm>> -> memref<2560xi32, #tpu.memory_space<hbm>>
        tpu.enqueue_dma source(%dma_start3A_58 : memref<2560xi32, #tpu.memory_space<hbm>>) target(%dma_start3A_57 : memref<2560xi32, #tpu.memory_space<vmem>>) target_semaphore(%run_scoped3A_50 : memref<!tpu.dma_semaphore, #tpu.memory_space<semaphore_mem>>)
        %dma_wait3A = arith.constant 0 : i32
        %dma_wait3A_59 = tpu.memref_slice %arg5[%run_scoped3A, %dma_wait3A] : memref<2x2560xi32, #tpu.memory_space<vmem>> -> memref<1x2560xi32, #tpu.memory_space<vmem>>
        %dma_wait3A_60 = tpu.memref_squeeze %dma_wait3A_59 : memref<1x2560xi32, #tpu.memory_space<vmem>> -> memref<2560xi32, #tpu.memory_space<vmem>>
        %dma_wait3A_61 = tpu.memref_slice %arg2[%add3A_38] : memref<819200xi32, #tpu.memory_space<hbm>> -> memref<2560xi32, #tpu.memory_space<hbm>>
        %dma_wait3A_62 = arith.constant 0 : i32
        %dma_wait3A_63 = tpu.memref_slice %arg5[%run_scoped3A, %dma_wait3A_62] : memref<2x2560xi32, #tpu.memory_space<vmem>> -> memref<1x2560xi32, #tpu.memory_space<vmem>>
        %dma_wait3A_64 = tpu.memref_squeeze %dma_wait3A_63 : memref<1x2560xi32, #tpu.memory_space<vmem>> -> memref<2560xi32, #tpu.memory_space<vmem>>
        %dma_wait3A_65 = tpu.memref_slice %arg2[%add3A_38] : memref<819200xi32, #tpu.memory_space<hbm>> -> memref<2560xi32, #tpu.memory_space<hbm>>
        tpu.wait_dma2 semaphore(%run_scoped3A_50 : memref<!tpu.dma_semaphore, #tpu.memory_space<semaphore_mem>>) src(%dma_wait3A_65 : memref<2560xi32, #tpu.memory_space<hbm>>) dst(%dma_wait3A_64 : memref<2560xi32, #tpu.memory_space<vmem>>)
        tpu.yield
      }) : () -> ()
      %dma_start3A = arith.constant 0 : i32
      %dma_start3A_39 = arith.constant 0 : i32
      %dma_start3A_40 = arith.constant 0 : i32
      %dma_start3A_41 = arith.constant 0 : i32
      %dma_start3A_42 = tpu.memref_slice %arg6[%dma_start3A_39, %dma_start3A_40, %dma_start3A_41] : memref<2x2560x8xf32, #tpu.memory_space<vmem>> -> memref<1x2560x8xf32, #tpu.memory_space<vmem>>
      %dma_start3A_43 = tpu.memref_squeeze %dma_start3A_42 : memref<1x2560x8xf32, #tpu.memory_space<vmem>> -> memref<2560x8xf32, #tpu.memory_space<vmem>>
      %dma_start3A_44 = arith.constant 0 : i32
      %dma_start3A_45 = tpu.memref_slice %arg5[%dma_start3A, %dma_start3A_44] : memref<2x2560xi32, #tpu.memory_space<vmem>> -> memref<1x2560xi32, #tpu.memory_space<vmem>>
      %dma_start3A_46 = tpu.memref_squeeze %dma_start3A_45 : memref<1x2560xi32, #tpu.memory_space<vmem>> -> memref<2560xi32, #tpu.memory_space<vmem>>
      %dma_start3A_47 = arith.constant 0 : i32
      %dma_start3A_48 = arith.constant 0 : i32
      %dma_start3A_49 = tpu.memref_slice %arg3[%dma_start3A_47, %dma_start3A_48] : memref<50000x8xf32, #tpu.memory_space<hbm>> -> memref<50000x8xf32, #tpu.memory_space<hbm>>
      tpu.enqueue_indirect_dma source(%dma_start3A_49 : memref<50000x8xf32, #tpu.memory_space<hbm>>) target(%dma_start3A_43 : memref<2560x8xf32, #tpu.memory_space<vmem>>) offsets(%dma_start3A_46 : memref<2560xi32, #tpu.memory_space<vmem>>) semaphore(%arg7 : memref<!tpu.dma_semaphore, #tpu.memory_space<semaphore_mem>>)
    } else {
    }
    %ge3A_11 = arith.constant 2 : i32
    %ge3A_12 = arith.cmpi sge, %select_n3A_8, %ge3A_11 : i32
    %convert_element_type3A_13 = arith.extui %ge3A_12 : i1 to i32
    %cond3A_14 = arith.constant 0 : i32
    %cond3A_15 = arith.cmpi ne, %convert_element_type3A_13, %cond3A_14 : i32
    scf.if %cond3A_15 {
      %add3A_37 = arith.constant 2560 : i32
      %add3A_38 = arith.addi %select_n3A, %add3A_37 : i32
      %dma_start3A = arith.constant 1 : i32
      %dma_start3A_39 = arith.constant 0 : i32
      %dma_start3A_40 = tpu.memref_slice %arg5[%dma_start3A, %dma_start3A_39] : memref<2x2560xi32, #tpu.memory_space<vmem>> -> memref<1x2560xi32, #tpu.memory_space<vmem>>
      %dma_start3A_41 = tpu.memref_squeeze %dma_start3A_40 : memref<1x2560xi32, #tpu.memory_space<vmem>> -> memref<2560xi32, #tpu.memory_space<vmem>>
      %dma_start3A_42 = tpu.memref_slice %arg2[%add3A_38] : memref<819200xi32, #tpu.memory_space<hbm>> -> memref<2560xi32, #tpu.memory_space<hbm>>
      %dma_start3A_43 = arith.constant 0 : i32
      %dma_start3A_44 = tpu.memref_slice %arg5[%dma_start3A, %dma_start3A_43] : memref<2x2560xi32, #tpu.memory_space<vmem>> -> memref<1x2560xi32, #tpu.memory_space<vmem>>
      %dma_start3A_45 = tpu.memref_squeeze %dma_start3A_44 : memref<1x2560xi32, #tpu.memory_space<vmem>> -> memref<2560xi32, #tpu.memory_space<vmem>>
      %dma_start3A_46 = tpu.memref_slice %arg2[%add3A_38] : memref<819200xi32, #tpu.memory_space<hbm>> -> memref<2560xi32, #tpu.memory_space<hbm>>
      tpu.enqueue_dma source(%dma_start3A_46 : memref<2560xi32, #tpu.memory_space<hbm>>) target(%dma_start3A_45 : memref<2560xi32, #tpu.memory_space<vmem>>) target_semaphore(%arg8 : memref<!tpu.dma_semaphore, #tpu.memory_space<semaphore_mem>>)
    } else {
    }
    %sub3A = arith.constant 0 : i32
    %sub3A_16 = arith.subi %select_n3A_8, %sub3A : i32
    %sub3A_17 = arith.constant 1 : i32
    %sub3A_18 = arith.constant 1 : i32
    %sub3A_19 = arith.subi %sub3A_17, %sub3A_18 : i32
    %add3A_20 = arith.addi %sub3A_16, %sub3A_19 : i32
    %div3A = arith.constant 1 : i32
    %div3A_21 = arith.divsi %add3A_20, %div3A : i32
    %while3A = arith.constant 1 : i32
    %while3A_22 = arith.constant 0 : i32
    %while3A_23 = arith.constant 0 : i32
    %while3A_24 = arith.subi %div3A_21, %while3A_23 : i32
    %while3A_25 = arith.addi %while3A_23, %while3A_24 : i32
    %while3A_26 = arith.constant 1 : i32
    %while3A_27 = arith.divsi %while3A_24, %while3A_26 : i32
    %while3A_28 = arith.muli %while3A_27, %while3A_26 : i32
    %while3A_29 = arith.addi %while3A_23, %while3A_28 : i32
    %while3A_30 = arith.constant 1 : i32
    scf.for %while3A_37 = %while3A_23 to %while3A_29 step %while3A_30  : i32 {
      %mul3A_38 = arith.muli %while3A_37, %while3A : i32
      %add3A_39 = arith.addi %while3A_22, %mul3A_38 : i32
      %jit3A_40 = arith.constant 2 : i32
      %eq3A_41 = arith.constant 0 : i32
      %eq3A_42 = arith.cmpi eq, %jit3A_40, %eq3A_41 : i32
      %jit3A_43 = arith.constant 1 : i32
      %select_n3A_44 = arith.select %eq3A_42, %jit3A_43, %jit3A_40 : i32
      %rem3A = arith.remsi %add3A_39, %select_n3A_44 : i32
      %ne3A = arith.constant 0 : i32
      %ne3A_45 = arith.cmpi ne, %rem3A, %ne3A : i32
      %lt3A = arith.constant 0 : i32
      %lt3A_46 = arith.cmpi slt, %rem3A, %lt3A : i32
      %lt3A_47 = arith.constant 0 : i32
      %lt3A_48 = arith.cmpi slt, %select_n3A_44, %lt3A_47 : i32
      %ne3A_49 = arith.xori %lt3A_46, %lt3A_48 : i1
      %and3A = arith.andi %ne3A_49, %ne3A_45 : i1
      %add3A_50 = arith.addi %rem3A, %select_n3A_44 : i32
      %select_n3A_51 = arith.select %and3A, %add3A_50, %rem3A : i32
      %dma_wait3A = arith.constant 0 : i32
      %dma_wait3A_52 = arith.constant 0 : i32
      %dma_wait3A_53 = tpu.memref_slice %arg6[%select_n3A_51, %dma_wait3A, %dma_wait3A_52] : memref<2x2560x8xf32, #tpu.memory_space<vmem>> -> memref<1x2560x8xf32, #tpu.memory_space<vmem>>
      %dma_wait3A_54 = tpu.memref_squeeze %dma_wait3A_53 : memref<1x2560x8xf32, #tpu.memory_space<vmem>> -> memref<2560x8xf32, #tpu.memory_space<vmem>>
      %dma_wait3A_55 = arith.constant 0 : i32
      %dma_wait3A_56 = tpu.memref_slice %arg5[%select_n3A_51, %dma_wait3A_55] : memref<2x2560xi32, #tpu.memory_space<vmem>> -> memref<1x2560xi32, #tpu.memory_space<vmem>>
      %dma_wait3A_57 = tpu.memref_squeeze %dma_wait3A_56 : memref<1x2560xi32, #tpu.memory_space<vmem>> -> memref<2560xi32, #tpu.memory_space<vmem>>
      %dma_wait3A_58 = arith.constant 0 : i32
      %dma_wait3A_59 = arith.constant 0 : i32
      %dma_wait3A_60 = tpu.memref_slice %arg3[%dma_wait3A_58, %dma_wait3A_59] : memref<50000x8xf32, #tpu.memory_space<hbm>> -> memref<50000x8xf32, #tpu.memory_space<hbm>>
      tpu.wait_indirect_dma semaphore(%arg7 : memref<!tpu.dma_semaphore, #tpu.memory_space<semaphore_mem>>) src(%dma_wait3A_60 : memref<50000x8xf32, #tpu.memory_space<hbm>>) dst(%dma_wait3A_54 : memref<2560x8xf32, #tpu.memory_space<vmem>>)
      %ge3A_61 = arith.constant 1 : i32
      %ge3A_62 = arith.cmpi sge, %add3A_39, %ge3A_61 : i32
      %convert_element_type3A_63 = arith.extui %ge3A_62 : i1 to i32
      %cond3A_64 = arith.constant 0 : i32
      %cond3A_65 = arith.cmpi ne, %convert_element_type3A_63, %cond3A_64 : i32
      scf.if %cond3A_65 {
        %sub3A_92 = arith.constant 1 : i32
        %sub3A_93 = arith.subi %sub3A_92, %select_n3A_51 : i32
        %sub3A_94 = arith.constant 1 : i32
        %sub3A_95 = arith.subi %add3A_39, %sub3A_94 : i32
        %mul3A_96 = arith.constant 2560 : i32
        %mul3A_97 = arith.muli %sub3A_95, %mul3A_96 : i32
        %add3A_98 = arith.addi %select_n3A, %mul3A_97 : i32
        %dma_wait3A_99 = arith.constant 0 : i32
        %dma_wait3A_100 = arith.constant 0 : i32
        %dma_wait3A_101 = tpu.memref_slice %arg6[%sub3A_93, %dma_wait3A_99, %dma_wait3A_100] : memref<2x2560x8xf32, #tpu.memory_space<vmem>> -> memref<1x2560x8xf32, #tpu.memory_space<vmem>>
        %dma_wait3A_102 = tpu.memref_squeeze %dma_wait3A_101 : memref<1x2560x8xf32, #tpu.memory_space<vmem>> -> memref<2560x8xf32, #tpu.memory_space<vmem>>
        %dma_wait3A_103 = arith.constant 0 : i32
        %dma_wait3A_104 = tpu.memref_slice %arg4[%add3A_98, %dma_wait3A_103] : memref<819200x8xf32, #tpu.memory_space<hbm>> -> memref<2560x8xf32, #tpu.memory_space<hbm>>
        %dma_wait3A_105 = arith.constant 0 : i32
        %dma_wait3A_106 = tpu.memref_slice %arg4[%add3A_98, %dma_wait3A_105] : memref<819200x8xf32, #tpu.memory_space<hbm>> -> memref<2560x8xf32, #tpu.memory_space<hbm>>
        %dma_wait3A_107 = arith.constant 0 : i32
        %dma_wait3A_108 = arith.constant 0 : i32
        %dma_wait3A_109 = tpu.memref_slice %arg6[%sub3A_93, %dma_wait3A_107, %dma_wait3A_108] : memref<2x2560x8xf32, #tpu.memory_space<vmem>> -> memref<1x2560x8xf32, #tpu.memory_space<vmem>>
        %dma_wait3A_110 = tpu.memref_squeeze %dma_wait3A_109 : memref<1x2560x8xf32, #tpu.memory_space<vmem>> -> memref<2560x8xf32, #tpu.memory_space<vmem>>
        tpu.wait_dma2 semaphore(%arg9 : memref<!tpu.dma_semaphore, #tpu.memory_space<semaphore_mem>>) src(%dma_wait3A_110 : memref<2560x8xf32, #tpu.memory_space<vmem>>) dst(%dma_wait3A_106 : memref<2560x8xf32, #tpu.memory_space<hbm>>)
      } else {
      }
      %add3A_66 = arith.constant 1 : i32
      %add3A_67 = arith.addi %add3A_39, %add3A_66 : i32
      %lt3A_68 = arith.cmpi slt, %add3A_67, %select_n3A_8 : i32
      %convert_element_type3A_69 = arith.extui %lt3A_68 : i1 to i32
      %cond3A_70 = arith.constant 0 : i32
      %cond3A_71 = arith.cmpi ne, %convert_element_type3A_69, %cond3A_70 : i32
      scf.if %cond3A_71 {
        %add3A_92 = arith.constant 1 : i32
        %add3A_93 = arith.addi %add3A_39, %add3A_92 : i32
        %mul3A_94 = arith.constant 2560 : i32
        %mul3A_95 = arith.muli %add3A_93, %mul3A_94 : i32
        %add3A_96 = arith.addi %select_n3A, %mul3A_95 : i32
        %sub3A_97 = arith.constant 1 : i32
        %sub3A_98 = arith.subi %sub3A_97, %select_n3A_51 : i32
        %dma_wait3A_99 = arith.constant 0 : i32
        %dma_wait3A_100 = tpu.memref_slice %arg5[%sub3A_98, %dma_wait3A_99] : memref<2x2560xi32, #tpu.memory_space<vmem>> -> memref<1x2560xi32, #tpu.memory_space<vmem>>
        %dma_wait3A_101 = tpu.memref_squeeze %dma_wait3A_100 : memref<1x2560xi32, #tpu.memory_space<vmem>> -> memref<2560xi32, #tpu.memory_space<vmem>>
        %dma_wait3A_102 = tpu.memref_slice %arg2[%add3A_96] : memref<819200xi32, #tpu.memory_space<hbm>> -> memref<2560xi32, #tpu.memory_space<hbm>>
        %dma_wait3A_103 = arith.constant 0 : i32
        %dma_wait3A_104 = tpu.memref_slice %arg5[%sub3A_98, %dma_wait3A_103] : memref<2x2560xi32, #tpu.memory_space<vmem>> -> memref<1x2560xi32, #tpu.memory_space<vmem>>
        %dma_wait3A_105 = tpu.memref_squeeze %dma_wait3A_104 : memref<1x2560xi32, #tpu.memory_space<vmem>> -> memref<2560xi32, #tpu.memory_space<vmem>>
        %dma_wait3A_106 = tpu.memref_slice %arg2[%add3A_96] : memref<819200xi32, #tpu.memory_space<hbm>> -> memref<2560xi32, #tpu.memory_space<hbm>>
        tpu.wait_dma2 semaphore(%arg8 : memref<!tpu.dma_semaphore, #tpu.memory_space<semaphore_mem>>) src(%dma_wait3A_106 : memref<2560xi32, #tpu.memory_space<hbm>>) dst(%dma_wait3A_105 : memref<2560xi32, #tpu.memory_space<vmem>>)
        %sub3A_107 = arith.constant 1 : i32
        %sub3A_108 = arith.subi %sub3A_107, %select_n3A_51 : i32
        %sub3A_109 = arith.constant 1 : i32
        %sub3A_110 = arith.subi %sub3A_109, %select_n3A_51 : i32
        %dma_start3A_111 = arith.constant 0 : i32
        %dma_start3A_112 = arith.constant 0 : i32
        %dma_start3A_113 = tpu.memref_slice %arg6[%sub3A_110, %dma_start3A_111, %dma_start3A_112] : memref<2x2560x8xf32, #tpu.memory_space<vmem>> -> memref<1x2560x8xf32, #tpu.memory_space<vmem>>
        %dma_start3A_114 = tpu.memref_squeeze %dma_start3A_113 : memref<1x2560x8xf32, #tpu.memory_space<vmem>> -> memref<2560x8xf32, #tpu.memory_space<vmem>>
        %dma_start3A_115 = arith.constant 0 : i32
        %dma_start3A_116 = tpu.memref_slice %arg5[%sub3A_108, %dma_start3A_115] : memref<2x2560xi32, #tpu.memory_space<vmem>> -> memref<1x2560xi32, #tpu.memory_space<vmem>>
        %dma_start3A_117 = tpu.memref_squeeze %dma_start3A_116 : memref<1x2560xi32, #tpu.memory_space<vmem>> -> memref<2560xi32, #tpu.memory_space<vmem>>
        %dma_start3A_118 = arith.constant 0 : i32
        %dma_start3A_119 = arith.constant 0 : i32
        %dma_start3A_120 = tpu.memref_slice %arg3[%dma_start3A_118, %dma_start3A_119] : memref<50000x8xf32, #tpu.memory_space<hbm>> -> memref<50000x8xf32, #tpu.memory_space<hbm>>
        tpu.enqueue_indirect_dma source(%dma_start3A_120 : memref<50000x8xf32, #tpu.memory_space<hbm>>) target(%dma_start3A_114 : memref<2560x8xf32, #tpu.memory_space<vmem>>) offsets(%dma_start3A_117 : memref<2560xi32, #tpu.memory_space<vmem>>) semaphore(%arg7 : memref<!tpu.dma_semaphore, #tpu.memory_space<semaphore_mem>>)
      } else {
      }
      %add3A_72 = arith.constant 2 : i32
      %add3A_73 = arith.addi %add3A_39, %add3A_72 : i32
      %lt3A_74 = arith.cmpi slt, %add3A_73, %select_n3A_8 : i32
      %convert_element_type3A_75 = arith.extui %lt3A_74 : i1 to i32
      %cond3A_76 = arith.constant 0 : i32
      %cond3A_77 = arith.cmpi ne, %convert_element_type3A_75, %cond3A_76 : i32
      scf.if %cond3A_77 {
        %add3A_92 = arith.constant 2 : i32
        %add3A_93 = arith.addi %add3A_39, %add3A_92 : i32
        %mul3A_94 = arith.constant 2560 : i32
        %mul3A_95 = arith.muli %add3A_93, %mul3A_94 : i32
        %add3A_96 = arith.addi %select_n3A, %mul3A_95 : i32
        %dma_start3A_97 = arith.constant 0 : i32
        %dma_start3A_98 = tpu.memref_slice %arg5[%select_n3A_51, %dma_start3A_97] : memref<2x2560xi32, #tpu.memory_space<vmem>> -> memref<1x2560xi32, #tpu.memory_space<vmem>>
        %dma_start3A_99 = tpu.memref_squeeze %dma_start3A_98 : memref<1x2560xi32, #tpu.memory_space<vmem>> -> memref<2560xi32, #tpu.memory_space<vmem>>
        %dma_start3A_100 = tpu.memref_slice %arg2[%add3A_96] : memref<819200xi32, #tpu.memory_space<hbm>> -> memref<2560xi32, #tpu.memory_space<hbm>>
        %dma_start3A_101 = arith.constant 0 : i32
        %dma_start3A_102 = tpu.memref_slice %arg5[%select_n3A_51, %dma_start3A_101] : memref<2x2560xi32, #tpu.memory_space<vmem>> -> memref<1x2560xi32, #tpu.memory_space<vmem>>
        %dma_start3A_103 = tpu.memref_squeeze %dma_start3A_102 : memref<1x2560xi32, #tpu.memory_space<vmem>> -> memref<2560xi32, #tpu.memory_space<vmem>>
        %dma_start3A_104 = tpu.memref_slice %arg2[%add3A_96] : memref<819200xi32, #tpu.memory_space<hbm>> -> memref<2560xi32, #tpu.memory_space<hbm>>
        tpu.enqueue_dma source(%dma_start3A_104 : memref<2560xi32, #tpu.memory_space<hbm>>) target(%dma_start3A_103 : memref<2560xi32, #tpu.memory_space<vmem>>) target_semaphore(%arg8 : memref<!tpu.dma_semaphore, #tpu.memory_space<semaphore_mem>>)
      } else {
      }
      %mul3A_78 = arith.constant 2560 : i32
      %mul3A_79 = arith.muli %add3A_39, %mul3A_78 : i32
      %add3A_80 = arith.addi %select_n3A, %mul3A_79 : i32
      %dma_start3A = arith.constant 0 : i32
      %dma_start3A_81 = arith.constant 0 : i32
      %dma_start3A_82 = tpu.memref_slice %arg6[%select_n3A_51, %dma_start3A, %dma_start3A_81] : memref<2x2560x8xf32, #tpu.memory_space<vmem>> -> memref<1x2560x8xf32, #tpu.memory_space<vmem>>
      %dma_start3A_83 = tpu.memref_squeeze %dma_start3A_82 : memref<1x2560x8xf32, #tpu.memory_space<vmem>> -> memref<2560x8xf32, #tpu.memory_space<vmem>>
      %dma_start3A_84 = arith.constant 0 : i32
      %dma_start3A_85 = tpu.memref_slice %arg4[%add3A_80, %dma_start3A_84] : memref<819200x8xf32, #tpu.memory_space<hbm>> -> memref<2560x8xf32, #tpu.memory_space<hbm>>
      %dma_start3A_86 = arith.constant 0 : i32
      %dma_start3A_87 = tpu.memref_slice %arg4[%add3A_80, %dma_start3A_86] : memref<819200x8xf32, #tpu.memory_space<hbm>> -> memref<2560x8xf32, #tpu.memory_space<hbm>>
      %dma_start3A_88 = arith.constant 0 : i32
      %dma_start3A_89 = arith.constant 0 : i32
      %dma_start3A_90 = tpu.memref_slice %arg6[%select_n3A_51, %dma_start3A_88, %dma_start3A_89] : memref<2x2560x8xf32, #tpu.memory_space<vmem>> -> memref<1x2560x8xf32, #tpu.memory_space<vmem>>
      %dma_start3A_91 = tpu.memref_squeeze %dma_start3A_90 : memref<1x2560x8xf32, #tpu.memory_space<vmem>> -> memref<2560x8xf32, #tpu.memory_space<vmem>>
      tpu.enqueue_dma source(%dma_start3A_91 : memref<2560x8xf32, #tpu.memory_space<vmem>>) target(%dma_start3A_87 : memref<2560x8xf32, #tpu.memory_space<hbm>>) target_semaphore(%arg9 : memref<!tpu.dma_semaphore, #tpu.memory_space<semaphore_mem>>)
    }
    %while3A_31 = arith.constant 1 : i32
    scf.for %while3A_37 = %while3A_29 to %while3A_25 step %while3A_31  : i32 {
      %mul3A_38 = arith.muli %while3A_37, %while3A : i32
      %add3A_39 = arith.addi %while3A_22, %mul3A_38 : i32
      %jit3A_40 = arith.constant 2 : i32
      %eq3A_41 = arith.constant 0 : i32
      %eq3A_42 = arith.cmpi eq, %jit3A_40, %eq3A_41 : i32
      %jit3A_43 = arith.constant 1 : i32
      %select_n3A_44 = arith.select %eq3A_42, %jit3A_43, %jit3A_40 : i32
      %rem3A = arith.remsi %add3A_39, %select_n3A_44 : i32
      %ne3A = arith.constant 0 : i32
      %ne3A_45 = arith.cmpi ne, %rem3A, %ne3A : i32
      %lt3A = arith.constant 0 : i32
      %lt3A_46 = arith.cmpi slt, %rem3A, %lt3A : i32
      %lt3A_47 = arith.constant 0 : i32
      %lt3A_48 = arith.cmpi slt, %select_n3A_44, %lt3A_47 : i32
      %ne3A_49 = arith.xori %lt3A_46, %lt3A_48 : i1
      %and3A = arith.andi %ne3A_49, %ne3A_45 : i1
      %add3A_50 = arith.addi %rem3A, %select_n3A_44 : i32
      %select_n3A_51 = arith.select %and3A, %add3A_50, %rem3A : i32
      %dma_wait3A = arith.constant 0 : i32
      %dma_wait3A_52 = arith.constant 0 : i32
      %dma_wait3A_53 = tpu.memref_slice %arg6[%select_n3A_51, %dma_wait3A, %dma_wait3A_52] : memref<2x2560x8xf32, #tpu.memory_space<vmem>> -> memref<1x2560x8xf32, #tpu.memory_space<vmem>>
      %dma_wait3A_54 = tpu.memref_squeeze %dma_wait3A_53 : memref<1x2560x8xf32, #tpu.memory_space<vmem>> -> memref<2560x8xf32, #tpu.memory_space<vmem>>
      %dma_wait3A_55 = arith.constant 0 : i32
      %dma_wait3A_56 = tpu.memref_slice %arg5[%select_n3A_51, %dma_wait3A_55] : memref<2x2560xi32, #tpu.memory_space<vmem>> -> memref<1x2560xi32, #tpu.memory_space<vmem>>
      %dma_wait3A_57 = tpu.memref_squeeze %dma_wait3A_56 : memref<1x2560xi32, #tpu.memory_space<vmem>> -> memref<2560xi32, #tpu.memory_space<vmem>>
      %dma_wait3A_58 = arith.constant 0 : i32
      %dma_wait3A_59 = arith.constant 0 : i32
      %dma_wait3A_60 = tpu.memref_slice %arg3[%dma_wait3A_58, %dma_wait3A_59] : memref<50000x8xf32, #tpu.memory_space<hbm>> -> memref<50000x8xf32, #tpu.memory_space<hbm>>
      tpu.wait_indirect_dma semaphore(%arg7 : memref<!tpu.dma_semaphore, #tpu.memory_space<semaphore_mem>>) src(%dma_wait3A_60 : memref<50000x8xf32, #tpu.memory_space<hbm>>) dst(%dma_wait3A_54 : memref<2560x8xf32, #tpu.memory_space<vmem>>)
      %ge3A_61 = arith.constant 1 : i32
      %ge3A_62 = arith.cmpi sge, %add3A_39, %ge3A_61 : i32
      %convert_element_type3A_63 = arith.extui %ge3A_62 : i1 to i32
      %cond3A_64 = arith.constant 0 : i32
      %cond3A_65 = arith.cmpi ne, %convert_element_type3A_63, %cond3A_64 : i32
      scf.if %cond3A_65 {
        %sub3A_92 = arith.constant 1 : i32
        %sub3A_93 = arith.subi %sub3A_92, %select_n3A_51 : i32
        %sub3A_94 = arith.constant 1 : i32
        %sub3A_95 = arith.subi %add3A_39, %sub3A_94 : i32
        %mul3A_96 = arith.constant 2560 : i32
        %mul3A_97 = arith.muli %sub3A_95, %mul3A_96 : i32
        %add3A_98 = arith.addi %select_n3A, %mul3A_97 : i32
        %dma_wait3A_99 = arith.constant 0 : i32
        %dma_wait3A_100 = arith.constant 0 : i32
        %dma_wait3A_101 = tpu.memref_slice %arg6[%sub3A_93, %dma_wait3A_99, %dma_wait3A_100] : memref<2x2560x8xf32, #tpu.memory_space<vmem>> -> memref<1x2560x8xf32, #tpu.memory_space<vmem>>
        %dma_wait3A_102 = tpu.memref_squeeze %dma_wait3A_101 : memref<1x2560x8xf32, #tpu.memory_space<vmem>> -> memref<2560x8xf32, #tpu.memory_space<vmem>>
        %dma_wait3A_103 = arith.constant 0 : i32
        %dma_wait3A_104 = tpu.memref_slice %arg4[%add3A_98, %dma_wait3A_103] : memref<819200x8xf32, #tpu.memory_space<hbm>> -> memref<2560x8xf32, #tpu.memory_space<hbm>>
        %dma_wait3A_105 = arith.constant 0 : i32
        %dma_wait3A_106 = tpu.memref_slice %arg4[%add3A_98, %dma_wait3A_105] : memref<819200x8xf32, #tpu.memory_space<hbm>> -> memref<2560x8xf32, #tpu.memory_space<hbm>>
        %dma_wait3A_107 = arith.constant 0 : i32
        %dma_wait3A_108 = arith.constant 0 : i32
        %dma_wait3A_109 = tpu.memref_slice %arg6[%sub3A_93, %dma_wait3A_107, %dma_wait3A_108] : memref<2x2560x8xf32, #tpu.memory_space<vmem>> -> memref<1x2560x8xf32, #tpu.memory_space<vmem>>
        %dma_wait3A_110 = tpu.memref_squeeze %dma_wait3A_109 : memref<1x2560x8xf32, #tpu.memory_space<vmem>> -> memref<2560x8xf32, #tpu.memory_space<vmem>>
        tpu.wait_dma2 semaphore(%arg9 : memref<!tpu.dma_semaphore, #tpu.memory_space<semaphore_mem>>) src(%dma_wait3A_110 : memref<2560x8xf32, #tpu.memory_space<vmem>>) dst(%dma_wait3A_106 : memref<2560x8xf32, #tpu.memory_space<hbm>>)
      } else {
      }
      %add3A_66 = arith.constant 1 : i32
      %add3A_67 = arith.addi %add3A_39, %add3A_66 : i32
      %lt3A_68 = arith.cmpi slt, %add3A_67, %select_n3A_8 : i32
      %convert_element_type3A_69 = arith.extui %lt3A_68 : i1 to i32
      %cond3A_70 = arith.constant 0 : i32
      %cond3A_71 = arith.cmpi ne, %convert_element_type3A_69, %cond3A_70 : i32
      scf.if %cond3A_71 {
        %add3A_92 = arith.constant 1 : i32
        %add3A_93 = arith.addi %add3A_39, %add3A_92 : i32
        %mul3A_94 = arith.constant 2560 : i32
        %mul3A_95 = arith.muli %add3A_93, %mul3A_94 : i32
        %add3A_96 = arith.addi %select_n3A, %mul3A_95 : i32
        %sub3A_97 = arith.constant 1 : i32
        %sub3A_98 = arith.subi %sub3A_97, %select_n3A_51 : i32
        %dma_wait3A_99 = arith.constant 0 : i32
        %dma_wait3A_100 = tpu.memref_slice %arg5[%sub3A_98, %dma_wait3A_99] : memref<2x2560xi32, #tpu.memory_space<vmem>> -> memref<1x2560xi32, #tpu.memory_space<vmem>>
        %dma_wait3A_101 = tpu.memref_squeeze %dma_wait3A_100 : memref<1x2560xi32, #tpu.memory_space<vmem>> -> memref<2560xi32, #tpu.memory_space<vmem>>
        %dma_wait3A_102 = tpu.memref_slice %arg2[%add3A_96] : memref<819200xi32, #tpu.memory_space<hbm>> -> memref<2560xi32, #tpu.memory_space<hbm>>
        %dma_wait3A_103 = arith.constant 0 : i32
        %dma_wait3A_104 = tpu.memref_slice %arg5[%sub3A_98, %dma_wait3A_103] : memref<2x2560xi32, #tpu.memory_space<vmem>> -> memref<1x2560xi32, #tpu.memory_space<vmem>>
        %dma_wait3A_105 = tpu.memref_squeeze %dma_wait3A_104 : memref<1x2560xi32, #tpu.memory_space<vmem>> -> memref<2560xi32, #tpu.memory_space<vmem>>
        %dma_wait3A_106 = tpu.memref_slice %arg2[%add3A_96] : memref<819200xi32, #tpu.memory_space<hbm>> -> memref<2560xi32, #tpu.memory_space<hbm>>
        tpu.wait_dma2 semaphore(%arg8 : memref<!tpu.dma_semaphore, #tpu.memory_space<semaphore_mem>>) src(%dma_wait3A_106 : memref<2560xi32, #tpu.memory_space<hbm>>) dst(%dma_wait3A_105 : memref<2560xi32, #tpu.memory_space<vmem>>)
        %sub3A_107 = arith.constant 1 : i32
        %sub3A_108 = arith.subi %sub3A_107, %select_n3A_51 : i32
        %sub3A_109 = arith.constant 1 : i32
        %sub3A_110 = arith.subi %sub3A_109, %select_n3A_51 : i32
        %dma_start3A_111 = arith.constant 0 : i32
        %dma_start3A_112 = arith.constant 0 : i32
        %dma_start3A_113 = tpu.memref_slice %arg6[%sub3A_110, %dma_start3A_111, %dma_start3A_112] : memref<2x2560x8xf32, #tpu.memory_space<vmem>> -> memref<1x2560x8xf32, #tpu.memory_space<vmem>>
        %dma_start3A_114 = tpu.memref_squeeze %dma_start3A_113 : memref<1x2560x8xf32, #tpu.memory_space<vmem>> -> memref<2560x8xf32, #tpu.memory_space<vmem>>
        %dma_start3A_115 = arith.constant 0 : i32
        %dma_start3A_116 = tpu.memref_slice %arg5[%sub3A_108, %dma_start3A_115] : memref<2x2560xi32, #tpu.memory_space<vmem>> -> memref<1x2560xi32, #tpu.memory_space<vmem>>
        %dma_start3A_117 = tpu.memref_squeeze %dma_start3A_116 : memref<1x2560xi32, #tpu.memory_space<vmem>> -> memref<2560xi32, #tpu.memory_space<vmem>>
        %dma_start3A_118 = arith.constant 0 : i32
        %dma_start3A_119 = arith.constant 0 : i32
        %dma_start3A_120 = tpu.memref_slice %arg3[%dma_start3A_118, %dma_start3A_119] : memref<50000x8xf32, #tpu.memory_space<hbm>> -> memref<50000x8xf32, #tpu.memory_space<hbm>>
        tpu.enqueue_indirect_dma source(%dma_start3A_120 : memref<50000x8xf32, #tpu.memory_space<hbm>>) target(%dma_start3A_114 : memref<2560x8xf32, #tpu.memory_space<vmem>>) offsets(%dma_start3A_117 : memref<2560xi32, #tpu.memory_space<vmem>>) semaphore(%arg7 : memref<!tpu.dma_semaphore, #tpu.memory_space<semaphore_mem>>)
      } else {
      }
      %add3A_72 = arith.constant 2 : i32
      %add3A_73 = arith.addi %add3A_39, %add3A_72 : i32
      %lt3A_74 = arith.cmpi slt, %add3A_73, %select_n3A_8 : i32
      %convert_element_type3A_75 = arith.extui %lt3A_74 : i1 to i32
      %cond3A_76 = arith.constant 0 : i32
      %cond3A_77 = arith.cmpi ne, %convert_element_type3A_75, %cond3A_76 : i32
      scf.if %cond3A_77 {
        %add3A_92 = arith.constant 2 : i32
        %add3A_93 = arith.addi %add3A_39, %add3A_92 : i32
        %mul3A_94 = arith.constant 2560 : i32
        %mul3A_95 = arith.muli %add3A_93, %mul3A_94 : i32
        %add3A_96 = arith.addi %select_n3A, %mul3A_95 : i32
        %dma_start3A_97 = arith.constant 0 : i32
        %dma_start3A_98 = tpu.memref_slice %arg5[%select_n3A_51, %dma_start3A_97] : memref<2x2560xi32, #tpu.memory_space<vmem>> -> memref<1x2560xi32, #tpu.memory_space<vmem>>
        %dma_start3A_99 = tpu.memref_squeeze %dma_start3A_98 : memref<1x2560xi32, #tpu.memory_space<vmem>> -> memref<2560xi32, #tpu.memory_space<vmem>>
        %dma_start3A_100 = tpu.memref_slice %arg2[%add3A_96] : memref<819200xi32, #tpu.memory_space<hbm>> -> memref<2560xi32, #tpu.memory_space<hbm>>
        %dma_start3A_101 = arith.constant 0 : i32
        %dma_start3A_102 = tpu.memref_slice %arg5[%select_n3A_51, %dma_start3A_101] : memref<2x2560xi32, #tpu.memory_space<vmem>> -> memref<1x2560xi32, #tpu.memory_space<vmem>>
        %dma_start3A_103 = tpu.memref_squeeze %dma_start3A_102 : memref<1x2560xi32, #tpu.memory_space<vmem>> -> memref<2560xi32, #tpu.memory_space<vmem>>
        %dma_start3A_104 = tpu.memref_slice %arg2[%add3A_96] : memref<819200xi32, #tpu.memory_space<hbm>> -> memref<2560xi32, #tpu.memory_space<hbm>>
        tpu.enqueue_dma source(%dma_start3A_104 : memref<2560xi32, #tpu.memory_space<hbm>>) target(%dma_start3A_103 : memref<2560xi32, #tpu.memory_space<vmem>>) target_semaphore(%arg8 : memref<!tpu.dma_semaphore, #tpu.memory_space<semaphore_mem>>)
      } else {
      }
      %mul3A_78 = arith.constant 2560 : i32
      %mul3A_79 = arith.muli %add3A_39, %mul3A_78 : i32
      %add3A_80 = arith.addi %select_n3A, %mul3A_79 : i32
      %dma_start3A = arith.constant 0 : i32
      %dma_start3A_81 = arith.constant 0 : i32
      %dma_start3A_82 = tpu.memref_slice %arg6[%select_n3A_51, %dma_start3A, %dma_start3A_81] : memref<2x2560x8xf32, #tpu.memory_space<vmem>> -> memref<1x2560x8xf32, #tpu.memory_space<vmem>>
      %dma_start3A_83 = tpu.memref_squeeze %dma_start3A_82 : memref<1x2560x8xf32, #tpu.memory_space<vmem>> -> memref<2560x8xf32, #tpu.memory_space<vmem>>
      %dma_start3A_84 = arith.constant 0 : i32
      %dma_start3A_85 = tpu.memref_slice %arg4[%add3A_80, %dma_start3A_84] : memref<819200x8xf32, #tpu.memory_space<hbm>> -> memref<2560x8xf32, #tpu.memory_space<hbm>>
      %dma_start3A_86 = arith.constant 0 : i32
      %dma_start3A_87 = tpu.memref_slice %arg4[%add3A_80, %dma_start3A_86] : memref<819200x8xf32, #tpu.memory_space<hbm>> -> memref<2560x8xf32, #tpu.memory_space<hbm>>
      %dma_start3A_88 = arith.constant 0 : i32
      %dma_start3A_89 = arith.constant 0 : i32
      %dma_start3A_90 = tpu.memref_slice %arg6[%select_n3A_51, %dma_start3A_88, %dma_start3A_89] : memref<2x2560x8xf32, #tpu.memory_space<vmem>> -> memref<1x2560x8xf32, #tpu.memory_space<vmem>>
      %dma_start3A_91 = tpu.memref_squeeze %dma_start3A_90 : memref<1x2560x8xf32, #tpu.memory_space<vmem>> -> memref<2560x8xf32, #tpu.memory_space<vmem>>
      tpu.enqueue_dma source(%dma_start3A_91 : memref<2560x8xf32, #tpu.memory_space<vmem>>) target(%dma_start3A_87 : memref<2560x8xf32, #tpu.memory_space<hbm>>) target_semaphore(%arg9 : memref<!tpu.dma_semaphore, #tpu.memory_space<semaphore_mem>>)
    }
    %ge3A_32 = arith.constant 1 : i32
    %ge3A_33 = arith.cmpi sge, %select_n3A_8, %ge3A_32 : i32
    %convert_element_type3A_34 = arith.extui %ge3A_33 : i1 to i32
    %cond3A_35 = arith.constant 0 : i32
    %cond3A_36 = arith.cmpi ne, %convert_element_type3A_34, %cond3A_35 : i32
    scf.if %cond3A_36 {
      %sub3A_37 = arith.constant 1 : i32
      %sub3A_38 = arith.subi %select_n3A_8, %sub3A_37 : i32
      %jit3A_39 = arith.constant 2 : i32
      %eq3A_40 = arith.constant 0 : i32
      %eq3A_41 = arith.cmpi eq, %jit3A_39, %eq3A_40 : i32
      %jit3A_42 = arith.constant 1 : i32
      %select_n3A_43 = arith.select %eq3A_41, %jit3A_42, %jit3A_39 : i32
      %rem3A = arith.remsi %sub3A_38, %select_n3A_43 : i32
      %ne3A = arith.constant 0 : i32
      %ne3A_44 = arith.cmpi ne, %rem3A, %ne3A : i32
      %lt3A = arith.constant 0 : i32
      %lt3A_45 = arith.cmpi slt, %rem3A, %lt3A : i32
      %lt3A_46 = arith.constant 0 : i32
      %lt3A_47 = arith.cmpi slt, %select_n3A_43, %lt3A_46 : i32
      %ne3A_48 = arith.xori %lt3A_45, %lt3A_47 : i1
      %and3A = arith.andi %ne3A_48, %ne3A_44 : i1
      %add3A_49 = arith.addi %rem3A, %select_n3A_43 : i32
      %select_n3A_50 = arith.select %and3A, %add3A_49, %rem3A : i32
      %sub3A_51 = arith.constant 1 : i32
      %sub3A_52 = arith.subi %select_n3A_8, %sub3A_51 : i32
      %mul3A_53 = arith.constant 2560 : i32
      %mul3A_54 = arith.muli %sub3A_52, %mul3A_53 : i32
      %add3A_55 = arith.addi %select_n3A, %mul3A_54 : i32
      %dma_wait3A = arith.constant 0 : i32
      %dma_wait3A_56 = arith.constant 0 : i32
      %dma_wait3A_57 = tpu.memref_slice %arg6[%select_n3A_50, %dma_wait3A, %dma_wait3A_56] : memref<2x2560x8xf32, #tpu.memory_space<vmem>> -> memref<1x2560x8xf32, #tpu.memory_space<vmem>>
      %dma_wait3A_58 = tpu.memref_squeeze %dma_wait3A_57 : memref<1x2560x8xf32, #tpu.memory_space<vmem>> -> memref<2560x8xf32, #tpu.memory_space<vmem>>
      %dma_wait3A_59 = arith.constant 0 : i32
      %dma_wait3A_60 = tpu.memref_slice %arg4[%add3A_55, %dma_wait3A_59] : memref<819200x8xf32, #tpu.memory_space<hbm>> -> memref<2560x8xf32, #tpu.memory_space<hbm>>
      %dma_wait3A_61 = arith.constant 0 : i32
      %dma_wait3A_62 = tpu.memref_slice %arg4[%add3A_55, %dma_wait3A_61] : memref<819200x8xf32, #tpu.memory_space<hbm>> -> memref<2560x8xf32, #tpu.memory_space<hbm>>
      %dma_wait3A_63 = arith.constant 0 : i32
      %dma_wait3A_64 = arith.constant 0 : i32
      %dma_wait3A_65 = tpu.memref_slice %arg6[%select_n3A_50, %dma_wait3A_63, %dma_wait3A_64] : memref<2x2560x8xf32, #tpu.memory_space<vmem>> -> memref<1x2560x8xf32, #tpu.memory_space<vmem>>
      %dma_wait3A_66 = tpu.memref_squeeze %dma_wait3A_65 : memref<1x2560x8xf32, #tpu.memory_space<vmem>> -> memref<2560x8xf32, #tpu.memory_space<vmem>>
      tpu.wait_dma2 semaphore(%arg9 : memref<!tpu.dma_semaphore, #tpu.memory_space<semaphore_mem>>) src(%dma_wait3A_66 : memref<2560x8xf32, #tpu.memory_space<vmem>>) dst(%dma_wait3A_62 : memref<2560x8xf32, #tpu.memory_space<hbm>>)
    } else {
    }
    return
  }
}

#map = affine_map<(d0, d1) -> (0)>
#map1 = affine_map<(d0, d1) -> (0, 0)>
module attributes {stable_mosaic.version = 14 : i64} {
  func.func @sc_gathermax(%arg0: i32, %arg1: i32, %arg2: memref<819200xi32, #tpu.memory_space<hbm>>, %arg3: memref<51200x64xbf16, #tpu.memory_space<hbm>>, %arg4: memref<51200x64xbf16, #tpu.memory_space<hbm>>, %arg5: memref<2x1280xi32, #tpu.memory_space<vmem>>, %arg6: memref<2x1280x64xbf16, #tpu.memory_space<vmem>>, %arg7: memref<2x80x64xbf16, #tpu.memory_space<vmem>>, %arg8: memref<!tpu.dma_semaphore, #tpu.memory_space<semaphore_mem>>, %arg9: memref<!tpu.dma_semaphore, #tpu.memory_space<semaphore_mem>>, %arg10: memref<!tpu.dma_semaphore, #tpu.memory_space<semaphore_mem>>) attributes {dimension_semantics = [#tpu.dimension_semantics<core_parallel>, #tpu.dimension_semantics<subcore_parallel>], iteration_bounds = array<i64: 2, 16>, scalar_prefetch = 0 : i64, scratch_operands = 6 : i64, tpu.core_type = #tpu.core_type<sc_vector_subcore>, window_params = [{transform_indices = #map}, {transform_indices = #map1}, {transform_indices = #map1}]} {
    %eq3A = arith.constant 0 : i32
    %eq3A_0 = arith.cmpi eq, %arg0, %eq3A : i32
    %mul3A = arith.constant 3120 : i32
    %mul3A_1 = arith.muli %arg1, %mul3A : i32
    %mul3A_2 = arith.constant 80 : i32
    %mul3A_3 = arith.muli %arg1, %mul3A_2 : i32
    %add3A = arith.constant 49920 : i32
    %add3A_4 = arith.addi %add3A, %mul3A_3 : i32
    %select_n3A = arith.select %eq3A_0, %mul3A_1, %add3A_4 : i32
    %eq3A_5 = arith.constant 0 : i32
    %eq3A_6 = arith.cmpi eq, %arg0, %eq3A_5 : i32
    %jit3A = arith.constant 39 : i32
    %jit3A_7 = arith.constant 1 : i32
    %select_n3A_8 = arith.select %eq3A_6, %jit3A, %jit3A_7 : i32
    %ge3A = arith.constant 1 : i32
    %ge3A_9 = arith.cmpi sge, %select_n3A_8, %ge3A : i32
    %convert_element_type3A = arith.extui %ge3A_9 : i1 to i32
    %cond3A = arith.constant 0 : i32
    %cond3A_10 = arith.cmpi ne, %convert_element_type3A, %cond3A : i32
    scf.if %cond3A_10 {
      %add3A_37 = arith.constant 0 : i32
      %add3A_38 = arith.addi %select_n3A, %add3A_37 : i32
      %mul3A_39 = arith.constant 16 : i32
      %mul3A_40 = arith.muli %add3A_38, %mul3A_39 : i32
      %run_scoped3A = arith.constant 0 : i32
      "tpu.region"() ({
        %run_scoped3A_52 = tpu.sem_alloc : memref<!tpu.dma_semaphore, #tpu.memory_space<semaphore_mem>>
        %dma_start3A_53 = arith.constant 0 : i32
        %dma_start3A_54 = tpu.memref_slice %arg5[%run_scoped3A, %dma_start3A_53] : memref<2x1280xi32, #tpu.memory_space<vmem>> -> memref<1x1280xi32, #tpu.memory_space<vmem>>
        %dma_start3A_55 = tpu.memref_squeeze %dma_start3A_54 : memref<1x1280xi32, #tpu.memory_space<vmem>> -> memref<1280xi32, #tpu.memory_space<vmem>>
        %dma_start3A_56 = tpu.memref_slice %arg2[%mul3A_40] : memref<819200xi32, #tpu.memory_space<hbm>> -> memref<1280xi32, #tpu.memory_space<hbm>>
        %dma_start3A_57 = arith.constant 0 : i32
        %dma_start3A_58 = tpu.memref_slice %arg5[%run_scoped3A, %dma_start3A_57] : memref<2x1280xi32, #tpu.memory_space<vmem>> -> memref<1x1280xi32, #tpu.memory_space<vmem>>
        %dma_start3A_59 = tpu.memref_squeeze %dma_start3A_58 : memref<1x1280xi32, #tpu.memory_space<vmem>> -> memref<1280xi32, #tpu.memory_space<vmem>>
        %dma_start3A_60 = tpu.memref_slice %arg2[%mul3A_40] : memref<819200xi32, #tpu.memory_space<hbm>> -> memref<1280xi32, #tpu.memory_space<hbm>>
        tpu.enqueue_dma source(%dma_start3A_60 : memref<1280xi32, #tpu.memory_space<hbm>>) target(%dma_start3A_59 : memref<1280xi32, #tpu.memory_space<vmem>>) target_semaphore(%run_scoped3A_52 : memref<!tpu.dma_semaphore, #tpu.memory_space<semaphore_mem>>)
        %dma_wait3A = arith.constant 0 : i32
        %dma_wait3A_61 = tpu.memref_slice %arg5[%run_scoped3A, %dma_wait3A] : memref<2x1280xi32, #tpu.memory_space<vmem>> -> memref<1x1280xi32, #tpu.memory_space<vmem>>
        %dma_wait3A_62 = tpu.memref_squeeze %dma_wait3A_61 : memref<1x1280xi32, #tpu.memory_space<vmem>> -> memref<1280xi32, #tpu.memory_space<vmem>>
        %dma_wait3A_63 = tpu.memref_slice %arg2[%mul3A_40] : memref<819200xi32, #tpu.memory_space<hbm>> -> memref<1280xi32, #tpu.memory_space<hbm>>
        %dma_wait3A_64 = arith.constant 0 : i32
        %dma_wait3A_65 = tpu.memref_slice %arg5[%run_scoped3A, %dma_wait3A_64] : memref<2x1280xi32, #tpu.memory_space<vmem>> -> memref<1x1280xi32, #tpu.memory_space<vmem>>
        %dma_wait3A_66 = tpu.memref_squeeze %dma_wait3A_65 : memref<1x1280xi32, #tpu.memory_space<vmem>> -> memref<1280xi32, #tpu.memory_space<vmem>>
        %dma_wait3A_67 = tpu.memref_slice %arg2[%mul3A_40] : memref<819200xi32, #tpu.memory_space<hbm>> -> memref<1280xi32, #tpu.memory_space<hbm>>
        tpu.wait_dma2 semaphore(%run_scoped3A_52 : memref<!tpu.dma_semaphore, #tpu.memory_space<semaphore_mem>>) src(%dma_wait3A_67 : memref<1280xi32, #tpu.memory_space<hbm>>) dst(%dma_wait3A_66 : memref<1280xi32, #tpu.memory_space<vmem>>)
        tpu.yield
      }) : () -> ()
      %dma_start3A = arith.constant 0 : i32
      %dma_start3A_41 = arith.constant 0 : i32
      %dma_start3A_42 = arith.constant 0 : i32
      %dma_start3A_43 = arith.constant 0 : i32
      %dma_start3A_44 = tpu.memref_slice %arg6[%dma_start3A_41, %dma_start3A_42, %dma_start3A_43] : memref<2x1280x64xbf16, #tpu.memory_space<vmem>> -> memref<1x1280x64xbf16, #tpu.memory_space<vmem>>
      %dma_start3A_45 = tpu.memref_squeeze %dma_start3A_44 : memref<1x1280x64xbf16, #tpu.memory_space<vmem>> -> memref<1280x64xbf16, #tpu.memory_space<vmem>>
      %dma_start3A_46 = arith.constant 0 : i32
      %dma_start3A_47 = tpu.memref_slice %arg5[%dma_start3A, %dma_start3A_46] : memref<2x1280xi32, #tpu.memory_space<vmem>> -> memref<1x1280xi32, #tpu.memory_space<vmem>>
      %dma_start3A_48 = tpu.memref_squeeze %dma_start3A_47 : memref<1x1280xi32, #tpu.memory_space<vmem>> -> memref<1280xi32, #tpu.memory_space<vmem>>
      %dma_start3A_49 = arith.constant 0 : i32
      %dma_start3A_50 = arith.constant 0 : i32
      %dma_start3A_51 = tpu.memref_slice %arg3[%dma_start3A_49, %dma_start3A_50] : memref<51200x64xbf16, #tpu.memory_space<hbm>> -> memref<51200x64xbf16, #tpu.memory_space<hbm>>
      tpu.enqueue_indirect_dma source(%dma_start3A_51 : memref<51200x64xbf16, #tpu.memory_space<hbm>>) target(%dma_start3A_45 : memref<1280x64xbf16, #tpu.memory_space<vmem>>) offsets(%dma_start3A_48 : memref<1280xi32, #tpu.memory_space<vmem>>) semaphore(%arg8 : memref<!tpu.dma_semaphore, #tpu.memory_space<semaphore_mem>>)
    } else {
    }
    %ge3A_11 = arith.constant 2 : i32
    %ge3A_12 = arith.cmpi sge, %select_n3A_8, %ge3A_11 : i32
    %convert_element_type3A_13 = arith.extui %ge3A_12 : i1 to i32
    %cond3A_14 = arith.constant 0 : i32
    %cond3A_15 = arith.cmpi ne, %convert_element_type3A_13, %cond3A_14 : i32
    scf.if %cond3A_15 {
      %add3A_37 = arith.constant 80 : i32
      %add3A_38 = arith.addi %select_n3A, %add3A_37 : i32
      %mul3A_39 = arith.constant 16 : i32
      %mul3A_40 = arith.muli %add3A_38, %mul3A_39 : i32
      %dma_start3A = arith.constant 1 : i32
      %dma_start3A_41 = arith.constant 0 : i32
      %dma_start3A_42 = tpu.memref_slice %arg5[%dma_start3A, %dma_start3A_41] : memref<2x1280xi32, #tpu.memory_space<vmem>> -> memref<1x1280xi32, #tpu.memory_space<vmem>>
      %dma_start3A_43 = tpu.memref_squeeze %dma_start3A_42 : memref<1x1280xi32, #tpu.memory_space<vmem>> -> memref<1280xi32, #tpu.memory_space<vmem>>
      %dma_start3A_44 = tpu.memref_slice %arg2[%mul3A_40] : memref<819200xi32, #tpu.memory_space<hbm>> -> memref<1280xi32, #tpu.memory_space<hbm>>
      %dma_start3A_45 = arith.constant 0 : i32
      %dma_start3A_46 = tpu.memref_slice %arg5[%dma_start3A, %dma_start3A_45] : memref<2x1280xi32, #tpu.memory_space<vmem>> -> memref<1x1280xi32, #tpu.memory_space<vmem>>
      %dma_start3A_47 = tpu.memref_squeeze %dma_start3A_46 : memref<1x1280xi32, #tpu.memory_space<vmem>> -> memref<1280xi32, #tpu.memory_space<vmem>>
      %dma_start3A_48 = tpu.memref_slice %arg2[%mul3A_40] : memref<819200xi32, #tpu.memory_space<hbm>> -> memref<1280xi32, #tpu.memory_space<hbm>>
      tpu.enqueue_dma source(%dma_start3A_48 : memref<1280xi32, #tpu.memory_space<hbm>>) target(%dma_start3A_47 : memref<1280xi32, #tpu.memory_space<vmem>>) target_semaphore(%arg9 : memref<!tpu.dma_semaphore, #tpu.memory_space<semaphore_mem>>)
    } else {
    }
    %sub3A = arith.constant 0 : i32
    %sub3A_16 = arith.subi %select_n3A_8, %sub3A : i32
    %sub3A_17 = arith.constant 1 : i32
    %sub3A_18 = arith.constant 1 : i32
    %sub3A_19 = arith.subi %sub3A_17, %sub3A_18 : i32
    %add3A_20 = arith.addi %sub3A_16, %sub3A_19 : i32
    %div3A = arith.constant 1 : i32
    %div3A_21 = arith.divsi %add3A_20, %div3A : i32
    %while3A = arith.constant 1 : i32
    %while3A_22 = arith.constant 0 : i32
    %while3A_23 = arith.constant 0 : i32
    %while3A_24 = arith.subi %div3A_21, %while3A_23 : i32
    %while3A_25 = arith.addi %while3A_23, %while3A_24 : i32
    %while3A_26 = arith.constant 1 : i32
    %while3A_27 = arith.divsi %while3A_24, %while3A_26 : i32
    %while3A_28 = arith.muli %while3A_27, %while3A_26 : i32
    %while3A_29 = arith.addi %while3A_23, %while3A_28 : i32
    %while3A_30 = arith.constant 1 : i32
    scf.for %while3A_37 = %while3A_23 to %while3A_29 step %while3A_30  : i32 {
      %mul3A_38 = arith.muli %while3A_37, %while3A : i32
      %add3A_39 = arith.addi %while3A_22, %mul3A_38 : i32
      %jit3A_40 = arith.constant 2 : i32
      %eq3A_41 = arith.constant 0 : i32
      %eq3A_42 = arith.cmpi eq, %jit3A_40, %eq3A_41 : i32
      %jit3A_43 = arith.constant 1 : i32
      %select_n3A_44 = arith.select %eq3A_42, %jit3A_43, %jit3A_40 : i32
      %rem3A = arith.remsi %add3A_39, %select_n3A_44 : i32
      %ne3A = arith.constant 0 : i32
      %ne3A_45 = arith.cmpi ne, %rem3A, %ne3A : i32
      %lt3A = arith.constant 0 : i32
      %lt3A_46 = arith.cmpi slt, %rem3A, %lt3A : i32
      %lt3A_47 = arith.constant 0 : i32
      %lt3A_48 = arith.cmpi slt, %select_n3A_44, %lt3A_47 : i32
      %ne3A_49 = arith.xori %lt3A_46, %lt3A_48 : i1
      %and3A = arith.andi %ne3A_49, %ne3A_45 : i1
      %add3A_50 = arith.addi %rem3A, %select_n3A_44 : i32
      %select_n3A_51 = arith.select %and3A, %add3A_50, %rem3A : i32
      %dma_wait3A = arith.constant 0 : i32
      %dma_wait3A_52 = arith.constant 0 : i32
      %dma_wait3A_53 = tpu.memref_slice %arg6[%select_n3A_51, %dma_wait3A, %dma_wait3A_52] : memref<2x1280x64xbf16, #tpu.memory_space<vmem>> -> memref<1x1280x64xbf16, #tpu.memory_space<vmem>>
      %dma_wait3A_54 = tpu.memref_squeeze %dma_wait3A_53 : memref<1x1280x64xbf16, #tpu.memory_space<vmem>> -> memref<1280x64xbf16, #tpu.memory_space<vmem>>
      %dma_wait3A_55 = arith.constant 0 : i32
      %dma_wait3A_56 = tpu.memref_slice %arg5[%select_n3A_51, %dma_wait3A_55] : memref<2x1280xi32, #tpu.memory_space<vmem>> -> memref<1x1280xi32, #tpu.memory_space<vmem>>
      %dma_wait3A_57 = tpu.memref_squeeze %dma_wait3A_56 : memref<1x1280xi32, #tpu.memory_space<vmem>> -> memref<1280xi32, #tpu.memory_space<vmem>>
      %dma_wait3A_58 = arith.constant 0 : i32
      %dma_wait3A_59 = arith.constant 0 : i32
      %dma_wait3A_60 = tpu.memref_slice %arg3[%dma_wait3A_58, %dma_wait3A_59] : memref<51200x64xbf16, #tpu.memory_space<hbm>> -> memref<51200x64xbf16, #tpu.memory_space<hbm>>
      tpu.wait_indirect_dma semaphore(%arg8 : memref<!tpu.dma_semaphore, #tpu.memory_space<semaphore_mem>>) src(%dma_wait3A_60 : memref<51200x64xbf16, #tpu.memory_space<hbm>>) dst(%dma_wait3A_54 : memref<1280x64xbf16, #tpu.memory_space<vmem>>)
      %add3A_61 = arith.constant 1 : i32
      %add3A_62 = arith.addi %add3A_39, %add3A_61 : i32
      %lt3A_63 = arith.cmpi slt, %add3A_62, %select_n3A_8 : i32
      %convert_element_type3A_64 = arith.extui %lt3A_63 : i1 to i32
      %cond3A_65 = arith.constant 0 : i32
      %cond3A_66 = arith.cmpi ne, %convert_element_type3A_64, %cond3A_65 : i32
      scf.if %cond3A_66 {
        %add3A_98 = arith.constant 1 : i32
        %add3A_99 = arith.addi %add3A_39, %add3A_98 : i32
        %mul3A_100 = arith.constant 80 : i32
        %mul3A_101 = arith.muli %add3A_99, %mul3A_100 : i32
        %add3A_102 = arith.addi %select_n3A, %mul3A_101 : i32
        %mul3A_103 = arith.constant 16 : i32
        %mul3A_104 = arith.muli %add3A_102, %mul3A_103 : i32
        %sub3A_105 = arith.constant 1 : i32
        %sub3A_106 = arith.subi %sub3A_105, %select_n3A_51 : i32
        %dma_wait3A_107 = arith.constant 0 : i32
        %dma_wait3A_108 = tpu.memref_slice %arg5[%sub3A_106, %dma_wait3A_107] : memref<2x1280xi32, #tpu.memory_space<vmem>> -> memref<1x1280xi32, #tpu.memory_space<vmem>>
        %dma_wait3A_109 = tpu.memref_squeeze %dma_wait3A_108 : memref<1x1280xi32, #tpu.memory_space<vmem>> -> memref<1280xi32, #tpu.memory_space<vmem>>
        %dma_wait3A_110 = tpu.memref_slice %arg2[%mul3A_104] : memref<819200xi32, #tpu.memory_space<hbm>> -> memref<1280xi32, #tpu.memory_space<hbm>>
        %dma_wait3A_111 = arith.constant 0 : i32
        %dma_wait3A_112 = tpu.memref_slice %arg5[%sub3A_106, %dma_wait3A_111] : memref<2x1280xi32, #tpu.memory_space<vmem>> -> memref<1x1280xi32, #tpu.memory_space<vmem>>
        %dma_wait3A_113 = tpu.memref_squeeze %dma_wait3A_112 : memref<1x1280xi32, #tpu.memory_space<vmem>> -> memref<1280xi32, #tpu.memory_space<vmem>>
        %dma_wait3A_114 = tpu.memref_slice %arg2[%mul3A_104] : memref<819200xi32, #tpu.memory_space<hbm>> -> memref<1280xi32, #tpu.memory_space<hbm>>
        tpu.wait_dma2 semaphore(%arg9 : memref<!tpu.dma_semaphore, #tpu.memory_space<semaphore_mem>>) src(%dma_wait3A_114 : memref<1280xi32, #tpu.memory_space<hbm>>) dst(%dma_wait3A_113 : memref<1280xi32, #tpu.memory_space<vmem>>)
        %sub3A_115 = arith.constant 1 : i32
        %sub3A_116 = arith.subi %sub3A_115, %select_n3A_51 : i32
        %sub3A_117 = arith.constant 1 : i32
        %sub3A_118 = arith.subi %sub3A_117, %select_n3A_51 : i32
        %dma_start3A_119 = arith.constant 0 : i32
        %dma_start3A_120 = arith.constant 0 : i32
        %dma_start3A_121 = tpu.memref_slice %arg6[%sub3A_118, %dma_start3A_119, %dma_start3A_120] : memref<2x1280x64xbf16, #tpu.memory_space<vmem>> -> memref<1x1280x64xbf16, #tpu.memory_space<vmem>>
        %dma_start3A_122 = tpu.memref_squeeze %dma_start3A_121 : memref<1x1280x64xbf16, #tpu.memory_space<vmem>> -> memref<1280x64xbf16, #tpu.memory_space<vmem>>
        %dma_start3A_123 = arith.constant 0 : i32
        %dma_start3A_124 = tpu.memref_slice %arg5[%sub3A_116, %dma_start3A_123] : memref<2x1280xi32, #tpu.memory_space<vmem>> -> memref<1x1280xi32, #tpu.memory_space<vmem>>
        %dma_start3A_125 = tpu.memref_squeeze %dma_start3A_124 : memref<1x1280xi32, #tpu.memory_space<vmem>> -> memref<1280xi32, #tpu.memory_space<vmem>>
        %dma_start3A_126 = arith.constant 0 : i32
        %dma_start3A_127 = arith.constant 0 : i32
        %dma_start3A_128 = tpu.memref_slice %arg3[%dma_start3A_126, %dma_start3A_127] : memref<51200x64xbf16, #tpu.memory_space<hbm>> -> memref<51200x64xbf16, #tpu.memory_space<hbm>>
        tpu.enqueue_indirect_dma source(%dma_start3A_128 : memref<51200x64xbf16, #tpu.memory_space<hbm>>) target(%dma_start3A_122 : memref<1280x64xbf16, #tpu.memory_space<vmem>>) offsets(%dma_start3A_125 : memref<1280xi32, #tpu.memory_space<vmem>>) semaphore(%arg8 : memref<!tpu.dma_semaphore, #tpu.memory_space<semaphore_mem>>)
      } else {
      }
      %add3A_67 = arith.constant 2 : i32
      %add3A_68 = arith.addi %add3A_39, %add3A_67 : i32
      %lt3A_69 = arith.cmpi slt, %add3A_68, %select_n3A_8 : i32
      %convert_element_type3A_70 = arith.extui %lt3A_69 : i1 to i32
      %cond3A_71 = arith.constant 0 : i32
      %cond3A_72 = arith.cmpi ne, %convert_element_type3A_70, %cond3A_71 : i32
      scf.if %cond3A_72 {
        %add3A_98 = arith.constant 2 : i32
        %add3A_99 = arith.addi %add3A_39, %add3A_98 : i32
        %mul3A_100 = arith.constant 80 : i32
        %mul3A_101 = arith.muli %add3A_99, %mul3A_100 : i32
        %add3A_102 = arith.addi %select_n3A, %mul3A_101 : i32
        %mul3A_103 = arith.constant 16 : i32
        %mul3A_104 = arith.muli %add3A_102, %mul3A_103 : i32
        %dma_start3A_105 = arith.constant 0 : i32
        %dma_start3A_106 = tpu.memref_slice %arg5[%select_n3A_51, %dma_start3A_105] : memref<2x1280xi32, #tpu.memory_space<vmem>> -> memref<1x1280xi32, #tpu.memory_space<vmem>>
        %dma_start3A_107 = tpu.memref_squeeze %dma_start3A_106 : memref<1x1280xi32, #tpu.memory_space<vmem>> -> memref<1280xi32, #tpu.memory_space<vmem>>
        %dma_start3A_108 = tpu.memref_slice %arg2[%mul3A_104] : memref<819200xi32, #tpu.memory_space<hbm>> -> memref<1280xi32, #tpu.memory_space<hbm>>
        %dma_start3A_109 = arith.constant 0 : i32
        %dma_start3A_110 = tpu.memref_slice %arg5[%select_n3A_51, %dma_start3A_109] : memref<2x1280xi32, #tpu.memory_space<vmem>> -> memref<1x1280xi32, #tpu.memory_space<vmem>>
        %dma_start3A_111 = tpu.memref_squeeze %dma_start3A_110 : memref<1x1280xi32, #tpu.memory_space<vmem>> -> memref<1280xi32, #tpu.memory_space<vmem>>
        %dma_start3A_112 = tpu.memref_slice %arg2[%mul3A_104] : memref<819200xi32, #tpu.memory_space<hbm>> -> memref<1280xi32, #tpu.memory_space<hbm>>
        tpu.enqueue_dma source(%dma_start3A_112 : memref<1280xi32, #tpu.memory_space<hbm>>) target(%dma_start3A_111 : memref<1280xi32, #tpu.memory_space<vmem>>) target_semaphore(%arg9 : memref<!tpu.dma_semaphore, #tpu.memory_space<semaphore_mem>>)
      } else {
      }
      %ge3A_73 = arith.constant 1 : i32
      %ge3A_74 = arith.cmpi sge, %add3A_39, %ge3A_73 : i32
      %convert_element_type3A_75 = arith.extui %ge3A_74 : i1 to i32
      %cond3A_76 = arith.constant 0 : i32
      %cond3A_77 = arith.cmpi ne, %convert_element_type3A_75, %cond3A_76 : i32
      scf.if %cond3A_77 {
        %sub3A_98 = arith.constant 1 : i32
        %sub3A_99 = arith.subi %sub3A_98, %select_n3A_51 : i32
        %sub3A_100 = arith.constant 1 : i32
        %sub3A_101 = arith.subi %add3A_39, %sub3A_100 : i32
        %mul3A_102 = arith.constant 80 : i32
        %mul3A_103 = arith.muli %sub3A_101, %mul3A_102 : i32
        %add3A_104 = arith.addi %select_n3A, %mul3A_103 : i32
        %dma_wait3A_105 = arith.constant 0 : i32
        %dma_wait3A_106 = arith.constant 0 : i32
        %dma_wait3A_107 = tpu.memref_slice %arg7[%sub3A_99, %dma_wait3A_105, %dma_wait3A_106] : memref<2x80x64xbf16, #tpu.memory_space<vmem>> -> memref<1x80x64xbf16, #tpu.memory_space<vmem>>
        %dma_wait3A_108 = tpu.memref_squeeze %dma_wait3A_107 : memref<1x80x64xbf16, #tpu.memory_space<vmem>> -> memref<80x64xbf16, #tpu.memory_space<vmem>>
        %dma_wait3A_109 = arith.constant 0 : i32
        %dma_wait3A_110 = tpu.memref_slice %arg4[%add3A_104, %dma_wait3A_109] : memref<51200x64xbf16, #tpu.memory_space<hbm>> -> memref<80x64xbf16, #tpu.memory_space<hbm>>
        %dma_wait3A_111 = arith.constant 0 : i32
        %dma_wait3A_112 = tpu.memref_slice %arg4[%add3A_104, %dma_wait3A_111] : memref<51200x64xbf16, #tpu.memory_space<hbm>> -> memref<80x64xbf16, #tpu.memory_space<hbm>>
        %dma_wait3A_113 = arith.constant 0 : i32
        %dma_wait3A_114 = arith.constant 0 : i32
        %dma_wait3A_115 = tpu.memref_slice %arg7[%sub3A_99, %dma_wait3A_113, %dma_wait3A_114] : memref<2x80x64xbf16, #tpu.memory_space<vmem>> -> memref<1x80x64xbf16, #tpu.memory_space<vmem>>
        %dma_wait3A_116 = tpu.memref_squeeze %dma_wait3A_115 : memref<1x80x64xbf16, #tpu.memory_space<vmem>> -> memref<80x64xbf16, #tpu.memory_space<vmem>>
        tpu.wait_dma2 semaphore(%arg10 : memref<!tpu.dma_semaphore, #tpu.memory_space<semaphore_mem>>) src(%dma_wait3A_116 : memref<80x64xbf16, #tpu.memory_space<vmem>>) dst(%dma_wait3A_112 : memref<80x64xbf16, #tpu.memory_space<hbm>>)
      } else {
      }
      %scan3A = arith.constant 0 : i32
      %scan3A_78 = arith.constant 0 : i32
      %scan3A_79 = arith.constant 80 : i32
      %scan3A_80 = arith.addi %scan3A_78, %scan3A_79 : i32
      %scan3A_81 = arith.constant 1 : i32
      %scan3A_82 = scf.for %scan3A_98 = %scan3A_78 to %scan3A_80 step %scan3A_81 iter_args(%scan3A_99 = %scan3A) -> (i32)  : i32 {
        %mul3A_100 = arith.constant 16 : i32
        %mul3A_101 = arith.muli %scan3A_98, %mul3A_100 : i32
        %get3A = arith.index_cast %select_n3A_51 : i32 to index
        %get3A_102 = arith.index_cast %mul3A_101 : i32 to index
        %get3A_103 = arith.constant 0 : index
        %get3A_104 = tpu.vector_load %arg6[%get3A, %get3A_102, %get3A_103] {strides = array<i32>} : memref<2x1280x64xbf16, #tpu.memory_space<vmem>>, vector<1x1x32xbf16>,
        %get3A_105 = vector.shape_cast %get3A_104 : vector<1x1x32xbf16> to vector<32xbf16>
        %mul3A_106 = arith.constant 16 : i32
        %mul3A_107 = arith.muli %scan3A_98, %mul3A_106 : i32
        %add3A_108 = arith.constant 1 : i32
        %add3A_109 = arith.addi %mul3A_107, %add3A_108 : i32
        %get3A_110 = arith.index_cast %select_n3A_51 : i32 to index
        %get3A_111 = arith.index_cast %add3A_109 : i32 to index
        %get3A_112 = arith.constant 0 : index
        %get3A_113 = tpu.vector_load %arg6[%get3A_110, %get3A_111, %get3A_112] {strides = array<i32>} : memref<2x1280x64xbf16, #tpu.memory_space<vmem>>, vector<1x1x32xbf16>,
        %get3A_114 = vector.shape_cast %get3A_113 : vector<1x1x32xbf16> to vector<32xbf16>
        %max3A = arith.maximumf %get3A_105, %get3A_114 : vector<32xbf16>
        %mul3A_115 = arith.constant 16 : i32
        %mul3A_116 = arith.muli %scan3A_98, %mul3A_115 : i32
        %add3A_117 = arith.constant 2 : i32
        %add3A_118 = arith.addi %mul3A_116, %add3A_117 : i32
        %get3A_119 = arith.index_cast %select_n3A_51 : i32 to index
        %get3A_120 = arith.index_cast %add3A_118 : i32 to index
        %get3A_121 = arith.constant 0 : index
        %get3A_122 = tpu.vector_load %arg6[%get3A_119, %get3A_120, %get3A_121] {strides = array<i32>} : memref<2x1280x64xbf16, #tpu.memory_space<vmem>>, vector<1x1x32xbf16>,
        %get3A_123 = vector.shape_cast %get3A_122 : vector<1x1x32xbf16> to vector<32xbf16>
        %max3A_124 = arith.maximumf %max3A, %get3A_123 : vector<32xbf16>
        %mul3A_125 = arith.constant 16 : i32
        %mul3A_126 = arith.muli %scan3A_98, %mul3A_125 : i32
        %add3A_127 = arith.constant 3 : i32
        %add3A_128 = arith.addi %mul3A_126, %add3A_127 : i32
        %get3A_129 = arith.index_cast %select_n3A_51 : i32 to index
        %get3A_130 = arith.index_cast %add3A_128 : i32 to index
        %get3A_131 = arith.constant 0 : index
        %get3A_132 = tpu.vector_load %arg6[%get3A_129, %get3A_130, %get3A_131] {strides = array<i32>} : memref<2x1280x64xbf16, #tpu.memory_space<vmem>>, vector<1x1x32xbf16>,
        %get3A_133 = vector.shape_cast %get3A_132 : vector<1x1x32xbf16> to vector<32xbf16>
        %max3A_134 = arith.maximumf %max3A_124, %get3A_133 : vector<32xbf16>
        %mul3A_135 = arith.constant 16 : i32
        %mul3A_136 = arith.muli %scan3A_98, %mul3A_135 : i32
        %add3A_137 = arith.constant 4 : i32
        %add3A_138 = arith.addi %mul3A_136, %add3A_137 : i32
        %get3A_139 = arith.index_cast %select_n3A_51 : i32 to index
        %get3A_140 = arith.index_cast %add3A_138 : i32 to index
        %get3A_141 = arith.constant 0 : index
        %get3A_142 = tpu.vector_load %arg6[%get3A_139, %get3A_140, %get3A_141] {strides = array<i32>} : memref<2x1280x64xbf16, #tpu.memory_space<vmem>>, vector<1x1x32xbf16>,
        %get3A_143 = vector.shape_cast %get3A_142 : vector<1x1x32xbf16> to vector<32xbf16>
        %max3A_144 = arith.maximumf %max3A_134, %get3A_143 : vector<32xbf16>
        %mul3A_145 = arith.constant 16 : i32
        %mul3A_146 = arith.muli %scan3A_98, %mul3A_145 : i32
        %add3A_147 = arith.constant 5 : i32
        %add3A_148 = arith.addi %mul3A_146, %add3A_147 : i32
        %get3A_149 = arith.index_cast %select_n3A_51 : i32 to index
        %get3A_150 = arith.index_cast %add3A_148 : i32 to index
        %get3A_151 = arith.constant 0 : index
        %get3A_152 = tpu.vector_load %arg6[%get3A_149, %get3A_150, %get3A_151] {strides = array<i32>} : memref<2x1280x64xbf16, #tpu.memory_space<vmem>>, vector<1x1x32xbf16>,
        %get3A_153 = vector.shape_cast %get3A_152 : vector<1x1x32xbf16> to vector<32xbf16>
        %max3A_154 = arith.maximumf %max3A_144, %get3A_153 : vector<32xbf16>
        %mul3A_155 = arith.constant 16 : i32
        %mul3A_156 = arith.muli %scan3A_98, %mul3A_155 : i32
        %add3A_157 = arith.constant 6 : i32
        %add3A_158 = arith.addi %mul3A_156, %add3A_157 : i32
        %get3A_159 = arith.index_cast %select_n3A_51 : i32 to index
        %get3A_160 = arith.index_cast %add3A_158 : i32 to index
        %get3A_161 = arith.constant 0 : index
        %get3A_162 = tpu.vector_load %arg6[%get3A_159, %get3A_160, %get3A_161] {strides = array<i32>} : memref<2x1280x64xbf16, #tpu.memory_space<vmem>>, vector<1x1x32xbf16>,
        %get3A_163 = vector.shape_cast %get3A_162 : vector<1x1x32xbf16> to vector<32xbf16>
        %max3A_164 = arith.maximumf %max3A_154, %get3A_163 : vector<32xbf16>
        %mul3A_165 = arith.constant 16 : i32
        %mul3A_166 = arith.muli %scan3A_98, %mul3A_165 : i32
        %add3A_167 = arith.constant 7 : i32
        %add3A_168 = arith.addi %mul3A_166, %add3A_167 : i32
        %get3A_169 = arith.index_cast %select_n3A_51 : i32 to index
        %get3A_170 = arith.index_cast %add3A_168 : i32 to index
        %get3A_171 = arith.constant 0 : index
        %get3A_172 = tpu.vector_load %arg6[%get3A_169, %get3A_170, %get3A_171] {strides = array<i32>} : memref<2x1280x64xbf16, #tpu.memory_space<vmem>>, vector<1x1x32xbf16>,
        %get3A_173 = vector.shape_cast %get3A_172 : vector<1x1x32xbf16> to vector<32xbf16>
        %max3A_174 = arith.maximumf %max3A_164, %get3A_173 : vector<32xbf16>
        %mul3A_175 = arith.constant 16 : i32
        %mul3A_176 = arith.muli %scan3A_98, %mul3A_175 : i32
        %add3A_177 = arith.constant 8 : i32
        %add3A_178 = arith.addi %mul3A_176, %add3A_177 : i32
        %get3A_179 = arith.index_cast %select_n3A_51 : i32 to index
        %get3A_180 = arith.index_cast %add3A_178 : i32 to index
        %get3A_181 = arith.constant 0 : index
        %get3A_182 = tpu.vector_load %arg6[%get3A_179, %get3A_180, %get3A_181] {strides = array<i32>} : memref<2x1280x64xbf16, #tpu.memory_space<vmem>>, vector<1x1x32xbf16>,
        %get3A_183 = vector.shape_cast %get3A_182 : vector<1x1x32xbf16> to vector<32xbf16>
        %max3A_184 = arith.maximumf %max3A_174, %get3A_183 : vector<32xbf16>
        %mul3A_185 = arith.constant 16 : i32
        %mul3A_186 = arith.muli %scan3A_98, %mul3A_185 : i32
        %add3A_187 = arith.constant 9 : i32
        %add3A_188 = arith.addi %mul3A_186, %add3A_187 : i32
        %get3A_189 = arith.index_cast %select_n3A_51 : i32 to index
        %get3A_190 = arith.index_cast %add3A_188 : i32 to index
        %get3A_191 = arith.constant 0 : index
        %get3A_192 = tpu.vector_load %arg6[%get3A_189, %get3A_190, %get3A_191] {strides = array<i32>} : memref<2x1280x64xbf16, #tpu.memory_space<vmem>>, vector<1x1x32xbf16>,
        %get3A_193 = vector.shape_cast %get3A_192 : vector<1x1x32xbf16> to vector<32xbf16>
        %max3A_194 = arith.maximumf %max3A_184, %get3A_193 : vector<32xbf16>
        %mul3A_195 = arith.constant 16 : i32
        %mul3A_196 = arith.muli %scan3A_98, %mul3A_195 : i32
        %add3A_197 = arith.constant 10 : i32
        %add3A_198 = arith.addi %mul3A_196, %add3A_197 : i32
        %get3A_199 = arith.index_cast %select_n3A_51 : i32 to index
        %get3A_200 = arith.index_cast %add3A_198 : i32 to index
        %get3A_201 = arith.constant 0 : index
        %get3A_202 = tpu.vector_load %arg6[%get3A_199, %get3A_200, %get3A_201] {strides = array<i32>} : memref<2x1280x64xbf16, #tpu.memory_space<vmem>>, vector<1x1x32xbf16>,
        %get3A_203 = vector.shape_cast %get3A_202 : vector<1x1x32xbf16> to vector<32xbf16>
        %max3A_204 = arith.maximumf %max3A_194, %get3A_203 : vector<32xbf16>
        %mul3A_205 = arith.constant 16 : i32
        %mul3A_206 = arith.muli %scan3A_98, %mul3A_205 : i32
        %add3A_207 = arith.constant 11 : i32
        %add3A_208 = arith.addi %mul3A_206, %add3A_207 : i32
        %get3A_209 = arith.index_cast %select_n3A_51 : i32 to index
        %get3A_210 = arith.index_cast %add3A_208 : i32 to index
        %get3A_211 = arith.constant 0 : index
        %get3A_212 = tpu.vector_load %arg6[%get3A_209, %get3A_210, %get3A_211] {strides = array<i32>} : memref<2x1280x64xbf16, #tpu.memory_space<vmem>>, vector<1x1x32xbf16>,
        %get3A_213 = vector.shape_cast %get3A_212 : vector<1x1x32xbf16> to vector<32xbf16>
        %max3A_214 = arith.maximumf %max3A_204, %get3A_213 : vector<32xbf16>
        %mul3A_215 = arith.constant 16 : i32
        %mul3A_216 = arith.muli %scan3A_98, %mul3A_215 : i32
        %add3A_217 = arith.constant 12 : i32
        %add3A_218 = arith.addi %mul3A_216, %add3A_217 : i32
        %get3A_219 = arith.index_cast %select_n3A_51 : i32 to index
        %get3A_220 = arith.index_cast %add3A_218 : i32 to index
        %get3A_221 = arith.constant 0 : index
        %get3A_222 = tpu.vector_load %arg6[%get3A_219, %get3A_220, %get3A_221] {strides = array<i32>} : memref<2x1280x64xbf16, #tpu.memory_space<vmem>>, vector<1x1x32xbf16>,
        %get3A_223 = vector.shape_cast %get3A_222 : vector<1x1x32xbf16> to vector<32xbf16>
        %max3A_224 = arith.maximumf %max3A_214, %get3A_223 : vector<32xbf16>
        %mul3A_225 = arith.constant 16 : i32
        %mul3A_226 = arith.muli %scan3A_98, %mul3A_225 : i32
        %add3A_227 = arith.constant 13 : i32
        %add3A_228 = arith.addi %mul3A_226, %add3A_227 : i32
        %get3A_229 = arith.index_cast %select_n3A_51 : i32 to index
        %get3A_230 = arith.index_cast %add3A_228 : i32 to index
        %get3A_231 = arith.constant 0 : index
        %get3A_232 = tpu.vector_load %arg6[%get3A_229, %get3A_230, %get3A_231] {strides = array<i32>} : memref<2x1280x64xbf16, #tpu.memory_space<vmem>>, vector<1x1x32xbf16>,
        %get3A_233 = vector.shape_cast %get3A_232 : vector<1x1x32xbf16> to vector<32xbf16>
        %max3A_234 = arith.maximumf %max3A_224, %get3A_233 : vector<32xbf16>
        %mul3A_235 = arith.constant 16 : i32
        %mul3A_236 = arith.muli %scan3A_98, %mul3A_235 : i32
        %add3A_237 = arith.constant 14 : i32
        %add3A_238 = arith.addi %mul3A_236, %add3A_237 : i32
        %get3A_239 = arith.index_cast %select_n3A_51 : i32 to index
        %get3A_240 = arith.index_cast %add3A_238 : i32 to index
        %get3A_241 = arith.constant 0 : index
        %get3A_242 = tpu.vector_load %arg6[%get3A_239, %get3A_240, %get3A_241] {strides = array<i32>} : memref<2x1280x64xbf16, #tpu.memory_space<vmem>>, vector<1x1x32xbf16>,
        %get3A_243 = vector.shape_cast %get3A_242 : vector<1x1x32xbf16> to vector<32xbf16>
        %max3A_244 = arith.maximumf %max3A_234, %get3A_243 : vector<32xbf16>
        %mul3A_245 = arith.constant 16 : i32
        %mul3A_246 = arith.muli %scan3A_98, %mul3A_245 : i32
        %add3A_247 = arith.constant 15 : i32
        %add3A_248 = arith.addi %mul3A_246, %add3A_247 : i32
        %get3A_249 = arith.index_cast %select_n3A_51 : i32 to index
        %get3A_250 = arith.index_cast %add3A_248 : i32 to index
        %get3A_251 = arith.constant 0 : index
        %get3A_252 = tpu.vector_load %arg6[%get3A_249, %get3A_250, %get3A_251] {strides = array<i32>} : memref<2x1280x64xbf16, #tpu.memory_space<vmem>>, vector<1x1x32xbf16>,
        %get3A_253 = vector.shape_cast %get3A_252 : vector<1x1x32xbf16> to vector<32xbf16>
        %max3A_254 = arith.maximumf %max3A_244, %get3A_253 : vector<32xbf16>
        %swap3A = arith.index_cast %select_n3A_51 : i32 to index
        %swap3A_255 = arith.index_cast %scan3A_98 : i32 to index
        %swap3A_256 = arith.constant 0 : index
        %swap3A_257 = tpu.vector_load %arg7[%swap3A, %swap3A_255, %swap3A_256] {strides = array<i32>} : memref<2x80x64xbf16, #tpu.memory_space<vmem>>, vector<1x1x32xbf16>,
        %swap3A_258 = vector.shape_cast %swap3A_257 : vector<1x1x32xbf16> to vector<32xbf16>
        %swap3A_259 = vector.shape_cast %max3A_254 : vector<32xbf16> to vector<1x1x32xbf16>
        tpu.vector_store %arg7[%swap3A, %swap3A_255, %swap3A_256], %swap3A_259 {strides = array<i32>} : memref<2x80x64xbf16, #tpu.memory_space<vmem>>, vector<1x1x32xbf16>,
        %mul3A_260 = arith.constant 16 : i32
        %mul3A_261 = arith.muli %scan3A_98, %mul3A_260 : i32
        %get3A_262 = arith.index_cast %select_n3A_51 : i32 to index
        %get3A_263 = arith.index_cast %mul3A_261 : i32 to index
        %get3A_264 = arith.constant 32 : index
        %get3A_265 = tpu.vector_load %arg6[%get3A_262, %get3A_263, %get3A_264] {strides = array<i32>} : memref<2x1280x64xbf16, #tpu.memory_space<vmem>>, vector<1x1x32xbf16>,
        %get3A_266 = vector.shape_cast %get3A_265 : vector<1x1x32xbf16> to vector<32xbf16>
        %mul3A_267 = arith.constant 16 : i32
        %mul3A_268 = arith.muli %scan3A_98, %mul3A_267 : i32
        %add3A_269 = arith.constant 1 : i32
        %add3A_270 = arith.addi %mul3A_268, %add3A_269 : i32
        %get3A_271 = arith.index_cast %select_n3A_51 : i32 to index
        %get3A_272 = arith.index_cast %add3A_270 : i32 to index
        %get3A_273 = arith.constant 32 : index
        %get3A_274 = tpu.vector_load %arg6[%get3A_271, %get3A_272, %get3A_273] {strides = array<i32>} : memref<2x1280x64xbf16, #tpu.memory_space<vmem>>, vector<1x1x32xbf16>,
        %get3A_275 = vector.shape_cast %get3A_274 : vector<1x1x32xbf16> to vector<32xbf16>
        %max3A_276 = arith.maximumf %get3A_266, %get3A_275 : vector<32xbf16>
        %mul3A_277 = arith.constant 16 : i32
        %mul3A_278 = arith.muli %scan3A_98, %mul3A_277 : i32
        %add3A_279 = arith.constant 2 : i32
        %add3A_280 = arith.addi %mul3A_278, %add3A_279 : i32
        %get3A_281 = arith.index_cast %select_n3A_51 : i32 to index
        %get3A_282 = arith.index_cast %add3A_280 : i32 to index
        %get3A_283 = arith.constant 32 : index
        %get3A_284 = tpu.vector_load %arg6[%get3A_281, %get3A_282, %get3A_283] {strides = array<i32>} : memref<2x1280x64xbf16, #tpu.memory_space<vmem>>, vector<1x1x32xbf16>,
        %get3A_285 = vector.shape_cast %get3A_284 : vector<1x1x32xbf16> to vector<32xbf16>
        %max3A_286 = arith.maximumf %max3A_276, %get3A_285 : vector<32xbf16>
        %mul3A_287 = arith.constant 16 : i32
        %mul3A_288 = arith.muli %scan3A_98, %mul3A_287 : i32
        %add3A_289 = arith.constant 3 : i32
        %add3A_290 = arith.addi %mul3A_288, %add3A_289 : i32
        %get3A_291 = arith.index_cast %select_n3A_51 : i32 to index
        %get3A_292 = arith.index_cast %add3A_290 : i32 to index
        %get3A_293 = arith.constant 32 : index
        %get3A_294 = tpu.vector_load %arg6[%get3A_291, %get3A_292, %get3A_293] {strides = array<i32>} : memref<2x1280x64xbf16, #tpu.memory_space<vmem>>, vector<1x1x32xbf16>,
        %get3A_295 = vector.shape_cast %get3A_294 : vector<1x1x32xbf16> to vector<32xbf16>
        %max3A_296 = arith.maximumf %max3A_286, %get3A_295 : vector<32xbf16>
        %mul3A_297 = arith.constant 16 : i32
        %mul3A_298 = arith.muli %scan3A_98, %mul3A_297 : i32
        %add3A_299 = arith.constant 4 : i32
        %add3A_300 = arith.addi %mul3A_298, %add3A_299 : i32
        %get3A_301 = arith.index_cast %select_n3A_51 : i32 to index
        %get3A_302 = arith.index_cast %add3A_300 : i32 to index
        %get3A_303 = arith.constant 32 : index
        %get3A_304 = tpu.vector_load %arg6[%get3A_301, %get3A_302, %get3A_303] {strides = array<i32>} : memref<2x1280x64xbf16, #tpu.memory_space<vmem>>, vector<1x1x32xbf16>,
        %get3A_305 = vector.shape_cast %get3A_304 : vector<1x1x32xbf16> to vector<32xbf16>
        %max3A_306 = arith.maximumf %max3A_296, %get3A_305 : vector<32xbf16>
        %mul3A_307 = arith.constant 16 : i32
        %mul3A_308 = arith.muli %scan3A_98, %mul3A_307 : i32
        %add3A_309 = arith.constant 5 : i32
        %add3A_310 = arith.addi %mul3A_308, %add3A_309 : i32
        %get3A_311 = arith.index_cast %select_n3A_51 : i32 to index
        %get3A_312 = arith.index_cast %add3A_310 : i32 to index
        %get3A_313 = arith.constant 32 : index
        %get3A_314 = tpu.vector_load %arg6[%get3A_311, %get3A_312, %get3A_313] {strides = array<i32>} : memref<2x1280x64xbf16, #tpu.memory_space<vmem>>, vector<1x1x32xbf16>,
        %get3A_315 = vector.shape_cast %get3A_314 : vector<1x1x32xbf16> to vector<32xbf16>
        %max3A_316 = arith.maximumf %max3A_306, %get3A_315 : vector<32xbf16>
        %mul3A_317 = arith.constant 16 : i32
        %mul3A_318 = arith.muli %scan3A_98, %mul3A_317 : i32
        %add3A_319 = arith.constant 6 : i32
        %add3A_320 = arith.addi %mul3A_318, %add3A_319 : i32
        %get3A_321 = arith.index_cast %select_n3A_51 : i32 to index
        %get3A_322 = arith.index_cast %add3A_320 : i32 to index
        %get3A_323 = arith.constant 32 : index
        %get3A_324 = tpu.vector_load %arg6[%get3A_321, %get3A_322, %get3A_323] {strides = array<i32>} : memref<2x1280x64xbf16, #tpu.memory_space<vmem>>, vector<1x1x32xbf16>,
        %get3A_325 = vector.shape_cast %get3A_324 : vector<1x1x32xbf16> to vector<32xbf16>
        %max3A_326 = arith.maximumf %max3A_316, %get3A_325 : vector<32xbf16>
        %mul3A_327 = arith.constant 16 : i32
        %mul3A_328 = arith.muli %scan3A_98, %mul3A_327 : i32
        %add3A_329 = arith.constant 7 : i32
        %add3A_330 = arith.addi %mul3A_328, %add3A_329 : i32
        %get3A_331 = arith.index_cast %select_n3A_51 : i32 to index
        %get3A_332 = arith.index_cast %add3A_330 : i32 to index
        %get3A_333 = arith.constant 32 : index
        %get3A_334 = tpu.vector_load %arg6[%get3A_331, %get3A_332, %get3A_333] {strides = array<i32>} : memref<2x1280x64xbf16, #tpu.memory_space<vmem>>, vector<1x1x32xbf16>,
        %get3A_335 = vector.shape_cast %get3A_334 : vector<1x1x32xbf16> to vector<32xbf16>
        %max3A_336 = arith.maximumf %max3A_326, %get3A_335 : vector<32xbf16>
        %mul3A_337 = arith.constant 16 : i32
        %mul3A_338 = arith.muli %scan3A_98, %mul3A_337 : i32
        %add3A_339 = arith.constant 8 : i32
        %add3A_340 = arith.addi %mul3A_338, %add3A_339 : i32
        %get3A_341 = arith.index_cast %select_n3A_51 : i32 to index
        %get3A_342 = arith.index_cast %add3A_340 : i32 to index
        %get3A_343 = arith.constant 32 : index
        %get3A_344 = tpu.vector_load %arg6[%get3A_341, %get3A_342, %get3A_343] {strides = array<i32>} : memref<2x1280x64xbf16, #tpu.memory_space<vmem>>, vector<1x1x32xbf16>,
        %get3A_345 = vector.shape_cast %get3A_344 : vector<1x1x32xbf16> to vector<32xbf16>
        %max3A_346 = arith.maximumf %max3A_336, %get3A_345 : vector<32xbf16>
        %mul3A_347 = arith.constant 16 : i32
        %mul3A_348 = arith.muli %scan3A_98, %mul3A_347 : i32
        %add3A_349 = arith.constant 9 : i32
        %add3A_350 = arith.addi %mul3A_348, %add3A_349 : i32
        %get3A_351 = arith.index_cast %select_n3A_51 : i32 to index
        %get3A_352 = arith.index_cast %add3A_350 : i32 to index
        %get3A_353 = arith.constant 32 : index
        %get3A_354 = tpu.vector_load %arg6[%get3A_351, %get3A_352, %get3A_353] {strides = array<i32>} : memref<2x1280x64xbf16, #tpu.memory_space<vmem>>, vector<1x1x32xbf16>,
        %get3A_355 = vector.shape_cast %get3A_354 : vector<1x1x32xbf16> to vector<32xbf16>
        %max3A_356 = arith.maximumf %max3A_346, %get3A_355 : vector<32xbf16>
        %mul3A_357 = arith.constant 16 : i32
        %mul3A_358 = arith.muli %scan3A_98, %mul3A_357 : i32
        %add3A_359 = arith.constant 10 : i32
        %add3A_360 = arith.addi %mul3A_358, %add3A_359 : i32
        %get3A_361 = arith.index_cast %select_n3A_51 : i32 to index
        %get3A_362 = arith.index_cast %add3A_360 : i32 to index
        %get3A_363 = arith.constant 32 : index
        %get3A_364 = tpu.vector_load %arg6[%get3A_361, %get3A_362, %get3A_363] {strides = array<i32>} : memref<2x1280x64xbf16, #tpu.memory_space<vmem>>, vector<1x1x32xbf16>,
        %get3A_365 = vector.shape_cast %get3A_364 : vector<1x1x32xbf16> to vector<32xbf16>
        %max3A_366 = arith.maximumf %max3A_356, %get3A_365 : vector<32xbf16>
        %mul3A_367 = arith.constant 16 : i32
        %mul3A_368 = arith.muli %scan3A_98, %mul3A_367 : i32
        %add3A_369 = arith.constant 11 : i32
        %add3A_370 = arith.addi %mul3A_368, %add3A_369 : i32
        %get3A_371 = arith.index_cast %select_n3A_51 : i32 to index
        %get3A_372 = arith.index_cast %add3A_370 : i32 to index
        %get3A_373 = arith.constant 32 : index
        %get3A_374 = tpu.vector_load %arg6[%get3A_371, %get3A_372, %get3A_373] {strides = array<i32>} : memref<2x1280x64xbf16, #tpu.memory_space<vmem>>, vector<1x1x32xbf16>,
        %get3A_375 = vector.shape_cast %get3A_374 : vector<1x1x32xbf16> to vector<32xbf16>
        %max3A_376 = arith.maximumf %max3A_366, %get3A_375 : vector<32xbf16>
        %mul3A_377 = arith.constant 16 : i32
        %mul3A_378 = arith.muli %scan3A_98, %mul3A_377 : i32
        %add3A_379 = arith.constant 12 : i32
        %add3A_380 = arith.addi %mul3A_378, %add3A_379 : i32
        %get3A_381 = arith.index_cast %select_n3A_51 : i32 to index
        %get3A_382 = arith.index_cast %add3A_380 : i32 to index
        %get3A_383 = arith.constant 32 : index
        %get3A_384 = tpu.vector_load %arg6[%get3A_381, %get3A_382, %get3A_383] {strides = array<i32>} : memref<2x1280x64xbf16, #tpu.memory_space<vmem>>, vector<1x1x32xbf16>,
        %get3A_385 = vector.shape_cast %get3A_384 : vector<1x1x32xbf16> to vector<32xbf16>
        %max3A_386 = arith.maximumf %max3A_376, %get3A_385 : vector<32xbf16>
        %mul3A_387 = arith.constant 16 : i32
        %mul3A_388 = arith.muli %scan3A_98, %mul3A_387 : i32
        %add3A_389 = arith.constant 13 : i32
        %add3A_390 = arith.addi %mul3A_388, %add3A_389 : i32
        %get3A_391 = arith.index_cast %select_n3A_51 : i32 to index
        %get3A_392 = arith.index_cast %add3A_390 : i32 to index
        %get3A_393 = arith.constant 32 : index
        %get3A_394 = tpu.vector_load %arg6[%get3A_391, %get3A_392, %get3A_393] {strides = array<i32>} : memref<2x1280x64xbf16, #tpu.memory_space<vmem>>, vector<1x1x32xbf16>,
        %get3A_395 = vector.shape_cast %get3A_394 : vector<1x1x32xbf16> to vector<32xbf16>
        %max3A_396 = arith.maximumf %max3A_386, %get3A_395 : vector<32xbf16>
        %mul3A_397 = arith.constant 16 : i32
        %mul3A_398 = arith.muli %scan3A_98, %mul3A_397 : i32
        %add3A_399 = arith.constant 14 : i32
        %add3A_400 = arith.addi %mul3A_398, %add3A_399 : i32
        %get3A_401 = arith.index_cast %select_n3A_51 : i32 to index
        %get3A_402 = arith.index_cast %add3A_400 : i32 to index
        %get3A_403 = arith.constant 32 : index
        %get3A_404 = tpu.vector_load %arg6[%get3A_401, %get3A_402, %get3A_403] {strides = array<i32>} : memref<2x1280x64xbf16, #tpu.memory_space<vmem>>, vector<1x1x32xbf16>,
        %get3A_405 = vector.shape_cast %get3A_404 : vector<1x1x32xbf16> to vector<32xbf16>
        %max3A_406 = arith.maximumf %max3A_396, %get3A_405 : vector<32xbf16>
        %mul3A_407 = arith.constant 16 : i32
        %mul3A_408 = arith.muli %scan3A_98, %mul3A_407 : i32
        %add3A_409 = arith.constant 15 : i32
        %add3A_410 = arith.addi %mul3A_408, %add3A_409 : i32
        %get3A_411 = arith.index_cast %select_n3A_51 : i32 to index
        %get3A_412 = arith.index_cast %add3A_410 : i32 to index
        %get3A_413 = arith.constant 32 : index
        %get3A_414 = tpu.vector_load %arg6[%get3A_411, %get3A_412, %get3A_413] {strides = array<i32>} : memref<2x1280x64xbf16, #tpu.memory_space<vmem>>, vector<1x1x32xbf16>,
        %get3A_415 = vector.shape_cast %get3A_414 : vector<1x1x32xbf16> to vector<32xbf16>
        %max3A_416 = arith.maximumf %max3A_406, %get3A_415 : vector<32xbf16>
        %swap3A_417 = arith.index_cast %select_n3A_51 : i32 to index
        %swap3A_418 = arith.index_cast %scan3A_98 : i32 to index
        %swap3A_419 = arith.constant 32 : index
        %swap3A_420 = tpu.vector_load %arg7[%swap3A_417, %swap3A_418, %swap3A_419] {strides = array<i32>} : memref<2x80x64xbf16, #tpu.memory_space<vmem>>, vector<1x1x32xbf16>,
        %swap3A_421 = vector.shape_cast %swap3A_420 : vector<1x1x32xbf16> to vector<32xbf16>
        %swap3A_422 = vector.shape_cast %max3A_416 : vector<32xbf16> to vector<1x1x32xbf16>
        tpu.vector_store %arg7[%swap3A_417, %swap3A_418, %swap3A_419], %swap3A_422 {strides = array<i32>} : memref<2x80x64xbf16, #tpu.memory_space<vmem>>, vector<1x1x32xbf16>,
        %scan3A_423 = arith.constant 0 : i32
        scf.yield %scan3A_423 : i32
      }
      %scan3A_83 = arith.constant 80 : i32
      %mul3A_84 = arith.constant 80 : i32
      %mul3A_85 = arith.muli %add3A_39, %mul3A_84 : i32
      %add3A_86 = arith.addi %select_n3A, %mul3A_85 : i32
      %dma_start3A = arith.constant 0 : i32
      %dma_start3A_87 = arith.constant 0 : i32
      %dma_start3A_88 = tpu.memref_slice %arg7[%select_n3A_51, %dma_start3A, %dma_start3A_87] : memref<2x80x64xbf16, #tpu.memory_space<vmem>> -> memref<1x80x64xbf16, #tpu.memory_space<vmem>>
      %dma_start3A_89 = tpu.memref_squeeze %dma_start3A_88 : memref<1x80x64xbf16, #tpu.memory_space<vmem>> -> memref<80x64xbf16, #tpu.memory_space<vmem>>
      %dma_start3A_90 = arith.constant 0 : i32
      %dma_start3A_91 = tpu.memref_slice %arg4[%add3A_86, %dma_start3A_90] : memref<51200x64xbf16, #tpu.memory_space<hbm>> -> memref<80x64xbf16, #tpu.memory_space<hbm>>
      %dma_start3A_92 = arith.constant 0 : i32
      %dma_start3A_93 = tpu.memref_slice %arg4[%add3A_86, %dma_start3A_92] : memref<51200x64xbf16, #tpu.memory_space<hbm>> -> memref<80x64xbf16, #tpu.memory_space<hbm>>
      %dma_start3A_94 = arith.constant 0 : i32
      %dma_start3A_95 = arith.constant 0 : i32
      %dma_start3A_96 = tpu.memref_slice %arg7[%select_n3A_51, %dma_start3A_94, %dma_start3A_95] : memref<2x80x64xbf16, #tpu.memory_space<vmem>> -> memref<1x80x64xbf16, #tpu.memory_space<vmem>>
      %dma_start3A_97 = tpu.memref_squeeze %dma_start3A_96 : memref<1x80x64xbf16, #tpu.memory_space<vmem>> -> memref<80x64xbf16, #tpu.memory_space<vmem>>
      tpu.enqueue_dma source(%dma_start3A_97 : memref<80x64xbf16, #tpu.memory_space<vmem>>) target(%dma_start3A_93 : memref<80x64xbf16, #tpu.memory_space<hbm>>) target_semaphore(%arg10 : memref<!tpu.dma_semaphore, #tpu.memory_space<semaphore_mem>>)
    }
    %while3A_31 = arith.constant 1 : i32
    scf.for %while3A_37 = %while3A_29 to %while3A_25 step %while3A_31  : i32 {
      %mul3A_38 = arith.muli %while3A_37, %while3A : i32
      %add3A_39 = arith.addi %while3A_22, %mul3A_38 : i32
      %jit3A_40 = arith.constant 2 : i32
      %eq3A_41 = arith.constant 0 : i32
      %eq3A_42 = arith.cmpi eq, %jit3A_40, %eq3A_41 : i32
      %jit3A_43 = arith.constant 1 : i32
      %select_n3A_44 = arith.select %eq3A_42, %jit3A_43, %jit3A_40 : i32
      %rem3A = arith.remsi %add3A_39, %select_n3A_44 : i32
      %ne3A = arith.constant 0 : i32
      %ne3A_45 = arith.cmpi ne, %rem3A, %ne3A : i32
      %lt3A = arith.constant 0 : i32
      %lt3A_46 = arith.cmpi slt, %rem3A, %lt3A : i32
      %lt3A_47 = arith.constant 0 : i32
      %lt3A_48 = arith.cmpi slt, %select_n3A_44, %lt3A_47 : i32
      %ne3A_49 = arith.xori %lt3A_46, %lt3A_48 : i1
      %and3A = arith.andi %ne3A_49, %ne3A_45 : i1
      %add3A_50 = arith.addi %rem3A, %select_n3A_44 : i32
      %select_n3A_51 = arith.select %and3A, %add3A_50, %rem3A : i32
      %dma_wait3A = arith.constant 0 : i32
      %dma_wait3A_52 = arith.constant 0 : i32
      %dma_wait3A_53 = tpu.memref_slice %arg6[%select_n3A_51, %dma_wait3A, %dma_wait3A_52] : memref<2x1280x64xbf16, #tpu.memory_space<vmem>> -> memref<1x1280x64xbf16, #tpu.memory_space<vmem>>
      %dma_wait3A_54 = tpu.memref_squeeze %dma_wait3A_53 : memref<1x1280x64xbf16, #tpu.memory_space<vmem>> -> memref<1280x64xbf16, #tpu.memory_space<vmem>>
      %dma_wait3A_55 = arith.constant 0 : i32
      %dma_wait3A_56 = tpu.memref_slice %arg5[%select_n3A_51, %dma_wait3A_55] : memref<2x1280xi32, #tpu.memory_space<vmem>> -> memref<1x1280xi32, #tpu.memory_space<vmem>>
      %dma_wait3A_57 = tpu.memref_squeeze %dma_wait3A_56 : memref<1x1280xi32, #tpu.memory_space<vmem>> -> memref<1280xi32, #tpu.memory_space<vmem>>
      %dma_wait3A_58 = arith.constant 0 : i32
      %dma_wait3A_59 = arith.constant 0 : i32
      %dma_wait3A_60 = tpu.memref_slice %arg3[%dma_wait3A_58, %dma_wait3A_59] : memref<51200x64xbf16, #tpu.memory_space<hbm>> -> memref<51200x64xbf16, #tpu.memory_space<hbm>>
      tpu.wait_indirect_dma semaphore(%arg8 : memref<!tpu.dma_semaphore, #tpu.memory_space<semaphore_mem>>) src(%dma_wait3A_60 : memref<51200x64xbf16, #tpu.memory_space<hbm>>) dst(%dma_wait3A_54 : memref<1280x64xbf16, #tpu.memory_space<vmem>>)
      %add3A_61 = arith.constant 1 : i32
      %add3A_62 = arith.addi %add3A_39, %add3A_61 : i32
      %lt3A_63 = arith.cmpi slt, %add3A_62, %select_n3A_8 : i32
      %convert_element_type3A_64 = arith.extui %lt3A_63 : i1 to i32
      %cond3A_65 = arith.constant 0 : i32
      %cond3A_66 = arith.cmpi ne, %convert_element_type3A_64, %cond3A_65 : i32
      scf.if %cond3A_66 {
        %add3A_98 = arith.constant 1 : i32
        %add3A_99 = arith.addi %add3A_39, %add3A_98 : i32
        %mul3A_100 = arith.constant 80 : i32
        %mul3A_101 = arith.muli %add3A_99, %mul3A_100 : i32
        %add3A_102 = arith.addi %select_n3A, %mul3A_101 : i32
        %mul3A_103 = arith.constant 16 : i32
        %mul3A_104 = arith.muli %add3A_102, %mul3A_103 : i32
        %sub3A_105 = arith.constant 1 : i32
        %sub3A_106 = arith.subi %sub3A_105, %select_n3A_51 : i32
        %dma_wait3A_107 = arith.constant 0 : i32
        %dma_wait3A_108 = tpu.memref_slice %arg5[%sub3A_106, %dma_wait3A_107] : memref<2x1280xi32, #tpu.memory_space<vmem>> -> memref<1x1280xi32, #tpu.memory_space<vmem>>
        %dma_wait3A_109 = tpu.memref_squeeze %dma_wait3A_108 : memref<1x1280xi32, #tpu.memory_space<vmem>> -> memref<1280xi32, #tpu.memory_space<vmem>>
        %dma_wait3A_110 = tpu.memref_slice %arg2[%mul3A_104] : memref<819200xi32, #tpu.memory_space<hbm>> -> memref<1280xi32, #tpu.memory_space<hbm>>
        %dma_wait3A_111 = arith.constant 0 : i32
        %dma_wait3A_112 = tpu.memref_slice %arg5[%sub3A_106, %dma_wait3A_111] : memref<2x1280xi32, #tpu.memory_space<vmem>> -> memref<1x1280xi32, #tpu.memory_space<vmem>>
        %dma_wait3A_113 = tpu.memref_squeeze %dma_wait3A_112 : memref<1x1280xi32, #tpu.memory_space<vmem>> -> memref<1280xi32, #tpu.memory_space<vmem>>
        %dma_wait3A_114 = tpu.memref_slice %arg2[%mul3A_104] : memref<819200xi32, #tpu.memory_space<hbm>> -> memref<1280xi32, #tpu.memory_space<hbm>>
        tpu.wait_dma2 semaphore(%arg9 : memref<!tpu.dma_semaphore, #tpu.memory_space<semaphore_mem>>) src(%dma_wait3A_114 : memref<1280xi32, #tpu.memory_space<hbm>>) dst(%dma_wait3A_113 : memref<1280xi32, #tpu.memory_space<vmem>>)
        %sub3A_115 = arith.constant 1 : i32
        %sub3A_116 = arith.subi %sub3A_115, %select_n3A_51 : i32
        %sub3A_117 = arith.constant 1 : i32
        %sub3A_118 = arith.subi %sub3A_117, %select_n3A_51 : i32
        %dma_start3A_119 = arith.constant 0 : i32
        %dma_start3A_120 = arith.constant 0 : i32
        %dma_start3A_121 = tpu.memref_slice %arg6[%sub3A_118, %dma_start3A_119, %dma_start3A_120] : memref<2x1280x64xbf16, #tpu.memory_space<vmem>> -> memref<1x1280x64xbf16, #tpu.memory_space<vmem>>
        %dma_start3A_122 = tpu.memref_squeeze %dma_start3A_121 : memref<1x1280x64xbf16, #tpu.memory_space<vmem>> -> memref<1280x64xbf16, #tpu.memory_space<vmem>>
        %dma_start3A_123 = arith.constant 0 : i32
        %dma_start3A_124 = tpu.memref_slice %arg5[%sub3A_116, %dma_start3A_123] : memref<2x1280xi32, #tpu.memory_space<vmem>> -> memref<1x1280xi32, #tpu.memory_space<vmem>>
        %dma_start3A_125 = tpu.memref_squeeze %dma_start3A_124 : memref<1x1280xi32, #tpu.memory_space<vmem>> -> memref<1280xi32, #tpu.memory_space<vmem>>
        %dma_start3A_126 = arith.constant 0 : i32
        %dma_start3A_127 = arith.constant 0 : i32
        %dma_start3A_128 = tpu.memref_slice %arg3[%dma_start3A_126, %dma_start3A_127] : memref<51200x64xbf16, #tpu.memory_space<hbm>> -> memref<51200x64xbf16, #tpu.memory_space<hbm>>
        tpu.enqueue_indirect_dma source(%dma_start3A_128 : memref<51200x64xbf16, #tpu.memory_space<hbm>>) target(%dma_start3A_122 : memref<1280x64xbf16, #tpu.memory_space<vmem>>) offsets(%dma_start3A_125 : memref<1280xi32, #tpu.memory_space<vmem>>) semaphore(%arg8 : memref<!tpu.dma_semaphore, #tpu.memory_space<semaphore_mem>>)
      } else {
      }
      %add3A_67 = arith.constant 2 : i32
      %add3A_68 = arith.addi %add3A_39, %add3A_67 : i32
      %lt3A_69 = arith.cmpi slt, %add3A_68, %select_n3A_8 : i32
      %convert_element_type3A_70 = arith.extui %lt3A_69 : i1 to i32
      %cond3A_71 = arith.constant 0 : i32
      %cond3A_72 = arith.cmpi ne, %convert_element_type3A_70, %cond3A_71 : i32
      scf.if %cond3A_72 {
        %add3A_98 = arith.constant 2 : i32
        %add3A_99 = arith.addi %add3A_39, %add3A_98 : i32
        %mul3A_100 = arith.constant 80 : i32
        %mul3A_101 = arith.muli %add3A_99, %mul3A_100 : i32
        %add3A_102 = arith.addi %select_n3A, %mul3A_101 : i32
        %mul3A_103 = arith.constant 16 : i32
        %mul3A_104 = arith.muli %add3A_102, %mul3A_103 : i32
        %dma_start3A_105 = arith.constant 0 : i32
        %dma_start3A_106 = tpu.memref_slice %arg5[%select_n3A_51, %dma_start3A_105] : memref<2x1280xi32, #tpu.memory_space<vmem>> -> memref<1x1280xi32, #tpu.memory_space<vmem>>
        %dma_start3A_107 = tpu.memref_squeeze %dma_start3A_106 : memref<1x1280xi32, #tpu.memory_space<vmem>> -> memref<1280xi32, #tpu.memory_space<vmem>>
        %dma_start3A_108 = tpu.memref_slice %arg2[%mul3A_104] : memref<819200xi32, #tpu.memory_space<hbm>> -> memref<1280xi32, #tpu.memory_space<hbm>>
        %dma_start3A_109 = arith.constant 0 : i32
        %dma_start3A_110 = tpu.memref_slice %arg5[%select_n3A_51, %dma_start3A_109] : memref<2x1280xi32, #tpu.memory_space<vmem>> -> memref<1x1280xi32, #tpu.memory_space<vmem>>
        %dma_start3A_111 = tpu.memref_squeeze %dma_start3A_110 : memref<1x1280xi32, #tpu.memory_space<vmem>> -> memref<1280xi32, #tpu.memory_space<vmem>>
        %dma_start3A_112 = tpu.memref_slice %arg2[%mul3A_104] : memref<819200xi32, #tpu.memory_space<hbm>> -> memref<1280xi32, #tpu.memory_space<hbm>>
        tpu.enqueue_dma source(%dma_start3A_112 : memref<1280xi32, #tpu.memory_space<hbm>>) target(%dma_start3A_111 : memref<1280xi32, #tpu.memory_space<vmem>>) target_semaphore(%arg9 : memref<!tpu.dma_semaphore, #tpu.memory_space<semaphore_mem>>)
      } else {
      }
      %ge3A_73 = arith.constant 1 : i32
      %ge3A_74 = arith.cmpi sge, %add3A_39, %ge3A_73 : i32
      %convert_element_type3A_75 = arith.extui %ge3A_74 : i1 to i32
      %cond3A_76 = arith.constant 0 : i32
      %cond3A_77 = arith.cmpi ne, %convert_element_type3A_75, %cond3A_76 : i32
      scf.if %cond3A_77 {
        %sub3A_98 = arith.constant 1 : i32
        %sub3A_99 = arith.subi %sub3A_98, %select_n3A_51 : i32
        %sub3A_100 = arith.constant 1 : i32
        %sub3A_101 = arith.subi %add3A_39, %sub3A_100 : i32
        %mul3A_102 = arith.constant 80 : i32
        %mul3A_103 = arith.muli %sub3A_101, %mul3A_102 : i32
        %add3A_104 = arith.addi %select_n3A, %mul3A_103 : i32
        %dma_wait3A_105 = arith.constant 0 : i32
        %dma_wait3A_106 = arith.constant 0 : i32
        %dma_wait3A_107 = tpu.memref_slice %arg7[%sub3A_99, %dma_wait3A_105, %dma_wait3A_106] : memref<2x80x64xbf16, #tpu.memory_space<vmem>> -> memref<1x80x64xbf16, #tpu.memory_space<vmem>>
        %dma_wait3A_108 = tpu.memref_squeeze %dma_wait3A_107 : memref<1x80x64xbf16, #tpu.memory_space<vmem>> -> memref<80x64xbf16, #tpu.memory_space<vmem>>
        %dma_wait3A_109 = arith.constant 0 : i32
        %dma_wait3A_110 = tpu.memref_slice %arg4[%add3A_104, %dma_wait3A_109] : memref<51200x64xbf16, #tpu.memory_space<hbm>> -> memref<80x64xbf16, #tpu.memory_space<hbm>>
        %dma_wait3A_111 = arith.constant 0 : i32
        %dma_wait3A_112 = tpu.memref_slice %arg4[%add3A_104, %dma_wait3A_111] : memref<51200x64xbf16, #tpu.memory_space<hbm>> -> memref<80x64xbf16, #tpu.memory_space<hbm>>
        %dma_wait3A_113 = arith.constant 0 : i32
        %dma_wait3A_114 = arith.constant 0 : i32
        %dma_wait3A_115 = tpu.memref_slice %arg7[%sub3A_99, %dma_wait3A_113, %dma_wait3A_114] : memref<2x80x64xbf16, #tpu.memory_space<vmem>> -> memref<1x80x64xbf16, #tpu.memory_space<vmem>>
        %dma_wait3A_116 = tpu.memref_squeeze %dma_wait3A_115 : memref<1x80x64xbf16, #tpu.memory_space<vmem>> -> memref<80x64xbf16, #tpu.memory_space<vmem>>
        tpu.wait_dma2 semaphore(%arg10 : memref<!tpu.dma_semaphore, #tpu.memory_space<semaphore_mem>>) src(%dma_wait3A_116 : memref<80x64xbf16, #tpu.memory_space<vmem>>) dst(%dma_wait3A_112 : memref<80x64xbf16, #tpu.memory_space<hbm>>)
      } else {
      }
      %scan3A = arith.constant 0 : i32
      %scan3A_78 = arith.constant 0 : i32
      %scan3A_79 = arith.constant 80 : i32
      %scan3A_80 = arith.addi %scan3A_78, %scan3A_79 : i32
      %scan3A_81 = arith.constant 1 : i32
      %scan3A_82 = scf.for %scan3A_98 = %scan3A_78 to %scan3A_80 step %scan3A_81 iter_args(%scan3A_99 = %scan3A) -> (i32)  : i32 {
        %mul3A_100 = arith.constant 16 : i32
        %mul3A_101 = arith.muli %scan3A_98, %mul3A_100 : i32
        %get3A = arith.index_cast %select_n3A_51 : i32 to index
        %get3A_102 = arith.index_cast %mul3A_101 : i32 to index
        %get3A_103 = arith.constant 0 : index
        %get3A_104 = tpu.vector_load %arg6[%get3A, %get3A_102, %get3A_103] {strides = array<i32>} : memref<2x1280x64xbf16, #tpu.memory_space<vmem>>, vector<1x1x32xbf16>,
        %get3A_105 = vector.shape_cast %get3A_104 : vector<1x1x32xbf16> to vector<32xbf16>
        %mul3A_106 = arith.constant 16 : i32
        %mul3A_107 = arith.muli %scan3A_98, %mul3A_106 : i32
        %add3A_108 = arith.constant 1 : i32
        %add3A_109 = arith.addi %mul3A_107, %add3A_108 : i32
        %get3A_110 = arith.index_cast %select_n3A_51 : i32 to index
        %get3A_111 = arith.index_cast %add3A_109 : i32 to index
        %get3A_112 = arith.constant 0 : index
        %get3A_113 = tpu.vector_load %arg6[%get3A_110, %get3A_111, %get3A_112] {strides = array<i32>} : memref<2x1280x64xbf16, #tpu.memory_space<vmem>>, vector<1x1x32xbf16>,
        %get3A_114 = vector.shape_cast %get3A_113 : vector<1x1x32xbf16> to vector<32xbf16>
        %max3A = arith.maximumf %get3A_105, %get3A_114 : vector<32xbf16>
        %mul3A_115 = arith.constant 16 : i32
        %mul3A_116 = arith.muli %scan3A_98, %mul3A_115 : i32
        %add3A_117 = arith.constant 2 : i32
        %add3A_118 = arith.addi %mul3A_116, %add3A_117 : i32
        %get3A_119 = arith.index_cast %select_n3A_51 : i32 to index
        %get3A_120 = arith.index_cast %add3A_118 : i32 to index
        %get3A_121 = arith.constant 0 : index
        %get3A_122 = tpu.vector_load %arg6[%get3A_119, %get3A_120, %get3A_121] {strides = array<i32>} : memref<2x1280x64xbf16, #tpu.memory_space<vmem>>, vector<1x1x32xbf16>,
        %get3A_123 = vector.shape_cast %get3A_122 : vector<1x1x32xbf16> to vector<32xbf16>
        %max3A_124 = arith.maximumf %max3A, %get3A_123 : vector<32xbf16>
        %mul3A_125 = arith.constant 16 : i32
        %mul3A_126 = arith.muli %scan3A_98, %mul3A_125 : i32
        %add3A_127 = arith.constant 3 : i32
        %add3A_128 = arith.addi %mul3A_126, %add3A_127 : i32
        %get3A_129 = arith.index_cast %select_n3A_51 : i32 to index
        %get3A_130 = arith.index_cast %add3A_128 : i32 to index
        %get3A_131 = arith.constant 0 : index
        %get3A_132 = tpu.vector_load %arg6[%get3A_129, %get3A_130, %get3A_131] {strides = array<i32>} : memref<2x1280x64xbf16, #tpu.memory_space<vmem>>, vector<1x1x32xbf16>,
        %get3A_133 = vector.shape_cast %get3A_132 : vector<1x1x32xbf16> to vector<32xbf16>
        %max3A_134 = arith.maximumf %max3A_124, %get3A_133 : vector<32xbf16>
        %mul3A_135 = arith.constant 16 : i32
        %mul3A_136 = arith.muli %scan3A_98, %mul3A_135 : i32
        %add3A_137 = arith.constant 4 : i32
        %add3A_138 = arith.addi %mul3A_136, %add3A_137 : i32
        %get3A_139 = arith.index_cast %select_n3A_51 : i32 to index
        %get3A_140 = arith.index_cast %add3A_138 : i32 to index
        %get3A_141 = arith.constant 0 : index
        %get3A_142 = tpu.vector_load %arg6[%get3A_139, %get3A_140, %get3A_141] {strides = array<i32>} : memref<2x1280x64xbf16, #tpu.memory_space<vmem>>, vector<1x1x32xbf16>,
        %get3A_143 = vector.shape_cast %get3A_142 : vector<1x1x32xbf16> to vector<32xbf16>
        %max3A_144 = arith.maximumf %max3A_134, %get3A_143 : vector<32xbf16>
        %mul3A_145 = arith.constant 16 : i32
        %mul3A_146 = arith.muli %scan3A_98, %mul3A_145 : i32
        %add3A_147 = arith.constant 5 : i32
        %add3A_148 = arith.addi %mul3A_146, %add3A_147 : i32
        %get3A_149 = arith.index_cast %select_n3A_51 : i32 to index
        %get3A_150 = arith.index_cast %add3A_148 : i32 to index
        %get3A_151 = arith.constant 0 : index
        %get3A_152 = tpu.vector_load %arg6[%get3A_149, %get3A_150, %get3A_151] {strides = array<i32>} : memref<2x1280x64xbf16, #tpu.memory_space<vmem>>, vector<1x1x32xbf16>,
        %get3A_153 = vector.shape_cast %get3A_152 : vector<1x1x32xbf16> to vector<32xbf16>
        %max3A_154 = arith.maximumf %max3A_144, %get3A_153 : vector<32xbf16>
        %mul3A_155 = arith.constant 16 : i32
        %mul3A_156 = arith.muli %scan3A_98, %mul3A_155 : i32
        %add3A_157 = arith.constant 6 : i32
        %add3A_158 = arith.addi %mul3A_156, %add3A_157 : i32
        %get3A_159 = arith.index_cast %select_n3A_51 : i32 to index
        %get3A_160 = arith.index_cast %add3A_158 : i32 to index
        %get3A_161 = arith.constant 0 : index
        %get3A_162 = tpu.vector_load %arg6[%get3A_159, %get3A_160, %get3A_161] {strides = array<i32>} : memref<2x1280x64xbf16, #tpu.memory_space<vmem>>, vector<1x1x32xbf16>,
        %get3A_163 = vector.shape_cast %get3A_162 : vector<1x1x32xbf16> to vector<32xbf16>
        %max3A_164 = arith.maximumf %max3A_154, %get3A_163 : vector<32xbf16>
        %mul3A_165 = arith.constant 16 : i32
        %mul3A_166 = arith.muli %scan3A_98, %mul3A_165 : i32
        %add3A_167 = arith.constant 7 : i32
        %add3A_168 = arith.addi %mul3A_166, %add3A_167 : i32
        %get3A_169 = arith.index_cast %select_n3A_51 : i32 to index
        %get3A_170 = arith.index_cast %add3A_168 : i32 to index
        %get3A_171 = arith.constant 0 : index
        %get3A_172 = tpu.vector_load %arg6[%get3A_169, %get3A_170, %get3A_171] {strides = array<i32>} : memref<2x1280x64xbf16, #tpu.memory_space<vmem>>, vector<1x1x32xbf16>,
        %get3A_173 = vector.shape_cast %get3A_172 : vector<1x1x32xbf16> to vector<32xbf16>
        %max3A_174 = arith.maximumf %max3A_164, %get3A_173 : vector<32xbf16>
        %mul3A_175 = arith.constant 16 : i32
        %mul3A_176 = arith.muli %scan3A_98, %mul3A_175 : i32
        %add3A_177 = arith.constant 8 : i32
        %add3A_178 = arith.addi %mul3A_176, %add3A_177 : i32
        %get3A_179 = arith.index_cast %select_n3A_51 : i32 to index
        %get3A_180 = arith.index_cast %add3A_178 : i32 to index
        %get3A_181 = arith.constant 0 : index
        %get3A_182 = tpu.vector_load %arg6[%get3A_179, %get3A_180, %get3A_181] {strides = array<i32>} : memref<2x1280x64xbf16, #tpu.memory_space<vmem>>, vector<1x1x32xbf16>,
        %get3A_183 = vector.shape_cast %get3A_182 : vector<1x1x32xbf16> to vector<32xbf16>
        %max3A_184 = arith.maximumf %max3A_174, %get3A_183 : vector<32xbf16>
        %mul3A_185 = arith.constant 16 : i32
        %mul3A_186 = arith.muli %scan3A_98, %mul3A_185 : i32
        %add3A_187 = arith.constant 9 : i32
        %add3A_188 = arith.addi %mul3A_186, %add3A_187 : i32
        %get3A_189 = arith.index_cast %select_n3A_51 : i32 to index
        %get3A_190 = arith.index_cast %add3A_188 : i32 to index
        %get3A_191 = arith.constant 0 : index
        %get3A_192 = tpu.vector_load %arg6[%get3A_189, %get3A_190, %get3A_191] {strides = array<i32>} : memref<2x1280x64xbf16, #tpu.memory_space<vmem>>, vector<1x1x32xbf16>,
        %get3A_193 = vector.shape_cast %get3A_192 : vector<1x1x32xbf16> to vector<32xbf16>
        %max3A_194 = arith.maximumf %max3A_184, %get3A_193 : vector<32xbf16>
        %mul3A_195 = arith.constant 16 : i32
        %mul3A_196 = arith.muli %scan3A_98, %mul3A_195 : i32
        %add3A_197 = arith.constant 10 : i32
        %add3A_198 = arith.addi %mul3A_196, %add3A_197 : i32
        %get3A_199 = arith.index_cast %select_n3A_51 : i32 to index
        %get3A_200 = arith.index_cast %add3A_198 : i32 to index
        %get3A_201 = arith.constant 0 : index
        %get3A_202 = tpu.vector_load %arg6[%get3A_199, %get3A_200, %get3A_201] {strides = array<i32>} : memref<2x1280x64xbf16, #tpu.memory_space<vmem>>, vector<1x1x32xbf16>,
        %get3A_203 = vector.shape_cast %get3A_202 : vector<1x1x32xbf16> to vector<32xbf16>
        %max3A_204 = arith.maximumf %max3A_194, %get3A_203 : vector<32xbf16>
        %mul3A_205 = arith.constant 16 : i32
        %mul3A_206 = arith.muli %scan3A_98, %mul3A_205 : i32
        %add3A_207 = arith.constant 11 : i32
        %add3A_208 = arith.addi %mul3A_206, %add3A_207 : i32
        %get3A_209 = arith.index_cast %select_n3A_51 : i32 to index
        %get3A_210 = arith.index_cast %add3A_208 : i32 to index
        %get3A_211 = arith.constant 0 : index
        %get3A_212 = tpu.vector_load %arg6[%get3A_209, %get3A_210, %get3A_211] {strides = array<i32>} : memref<2x1280x64xbf16, #tpu.memory_space<vmem>>, vector<1x1x32xbf16>,
        %get3A_213 = vector.shape_cast %get3A_212 : vector<1x1x32xbf16> to vector<32xbf16>
        %max3A_214 = arith.maximumf %max3A_204, %get3A_213 : vector<32xbf16>
        %mul3A_215 = arith.constant 16 : i32
        %mul3A_216 = arith.muli %scan3A_98, %mul3A_215 : i32
        %add3A_217 = arith.constant 12 : i32
        %add3A_218 = arith.addi %mul3A_216, %add3A_217 : i32
        %get3A_219 = arith.index_cast %select_n3A_51 : i32 to index
        %get3A_220 = arith.index_cast %add3A_218 : i32 to index
        %get3A_221 = arith.constant 0 : index
        %get3A_222 = tpu.vector_load %arg6[%get3A_219, %get3A_220, %get3A_221] {strides = array<i32>} : memref<2x1280x64xbf16, #tpu.memory_space<vmem>>, vector<1x1x32xbf16>,
        %get3A_223 = vector.shape_cast %get3A_222 : vector<1x1x32xbf16> to vector<32xbf16>
        %max3A_224 = arith.maximumf %max3A_214, %get3A_223 : vector<32xbf16>
        %mul3A_225 = arith.constant 16 : i32
        %mul3A_226 = arith.muli %scan3A_98, %mul3A_225 : i32
        %add3A_227 = arith.constant 13 : i32
        %add3A_228 = arith.addi %mul3A_226, %add3A_227 : i32
        %get3A_229 = arith.index_cast %select_n3A_51 : i32 to index
        %get3A_230 = arith.index_cast %add3A_228 : i32 to index
        %get3A_231 = arith.constant 0 : index
        %get3A_232 = tpu.vector_load %arg6[%get3A_229, %get3A_230, %get3A_231] {strides = array<i32>} : memref<2x1280x64xbf16, #tpu.memory_space<vmem>>, vector<1x1x32xbf16>,
        %get3A_233 = vector.shape_cast %get3A_232 : vector<1x1x32xbf16> to vector<32xbf16>
        %max3A_234 = arith.maximumf %max3A_224, %get3A_233 : vector<32xbf16>
        %mul3A_235 = arith.constant 16 : i32
        %mul3A_236 = arith.muli %scan3A_98, %mul3A_235 : i32
        %add3A_237 = arith.constant 14 : i32
        %add3A_238 = arith.addi %mul3A_236, %add3A_237 : i32
        %get3A_239 = arith.index_cast %select_n3A_51 : i32 to index
        %get3A_240 = arith.index_cast %add3A_238 : i32 to index
        %get3A_241 = arith.constant 0 : index
        %get3A_242 = tpu.vector_load %arg6[%get3A_239, %get3A_240, %get3A_241] {strides = array<i32>} : memref<2x1280x64xbf16, #tpu.memory_space<vmem>>, vector<1x1x32xbf16>,
        %get3A_243 = vector.shape_cast %get3A_242 : vector<1x1x32xbf16> to vector<32xbf16>
        %max3A_244 = arith.maximumf %max3A_234, %get3A_243 : vector<32xbf16>
        %mul3A_245 = arith.constant 16 : i32
        %mul3A_246 = arith.muli %scan3A_98, %mul3A_245 : i32
        %add3A_247 = arith.constant 15 : i32
        %add3A_248 = arith.addi %mul3A_246, %add3A_247 : i32
        %get3A_249 = arith.index_cast %select_n3A_51 : i32 to index
        %get3A_250 = arith.index_cast %add3A_248 : i32 to index
        %get3A_251 = arith.constant 0 : index
        %get3A_252 = tpu.vector_load %arg6[%get3A_249, %get3A_250, %get3A_251] {strides = array<i32>} : memref<2x1280x64xbf16, #tpu.memory_space<vmem>>, vector<1x1x32xbf16>,
        %get3A_253 = vector.shape_cast %get3A_252 : vector<1x1x32xbf16> to vector<32xbf16>
        %max3A_254 = arith.maximumf %max3A_244, %get3A_253 : vector<32xbf16>
        %swap3A = arith.index_cast %select_n3A_51 : i32 to index
        %swap3A_255 = arith.index_cast %scan3A_98 : i32 to index
        %swap3A_256 = arith.constant 0 : index
        %swap3A_257 = tpu.vector_load %arg7[%swap3A, %swap3A_255, %swap3A_256] {strides = array<i32>} : memref<2x80x64xbf16, #tpu.memory_space<vmem>>, vector<1x1x32xbf16>,
        %swap3A_258 = vector.shape_cast %swap3A_257 : vector<1x1x32xbf16> to vector<32xbf16>
        %swap3A_259 = vector.shape_cast %max3A_254 : vector<32xbf16> to vector<1x1x32xbf16>
        tpu.vector_store %arg7[%swap3A, %swap3A_255, %swap3A_256], %swap3A_259 {strides = array<i32>} : memref<2x80x64xbf16, #tpu.memory_space<vmem>>, vector<1x1x32xbf16>,
        %mul3A_260 = arith.constant 16 : i32
        %mul3A_261 = arith.muli %scan3A_98, %mul3A_260 : i32
        %get3A_262 = arith.index_cast %select_n3A_51 : i32 to index
        %get3A_263 = arith.index_cast %mul3A_261 : i32 to index
        %get3A_264 = arith.constant 32 : index
        %get3A_265 = tpu.vector_load %arg6[%get3A_262, %get3A_263, %get3A_264] {strides = array<i32>} : memref<2x1280x64xbf16, #tpu.memory_space<vmem>>, vector<1x1x32xbf16>,
        %get3A_266 = vector.shape_cast %get3A_265 : vector<1x1x32xbf16> to vector<32xbf16>
        %mul3A_267 = arith.constant 16 : i32
        %mul3A_268 = arith.muli %scan3A_98, %mul3A_267 : i32
        %add3A_269 = arith.constant 1 : i32
        %add3A_270 = arith.addi %mul3A_268, %add3A_269 : i32
        %get3A_271 = arith.index_cast %select_n3A_51 : i32 to index
        %get3A_272 = arith.index_cast %add3A_270 : i32 to index
        %get3A_273 = arith.constant 32 : index
        %get3A_274 = tpu.vector_load %arg6[%get3A_271, %get3A_272, %get3A_273] {strides = array<i32>} : memref<2x1280x64xbf16, #tpu.memory_space<vmem>>, vector<1x1x32xbf16>,
        %get3A_275 = vector.shape_cast %get3A_274 : vector<1x1x32xbf16> to vector<32xbf16>
        %max3A_276 = arith.maximumf %get3A_266, %get3A_275 : vector<32xbf16>
        %mul3A_277 = arith.constant 16 : i32
        %mul3A_278 = arith.muli %scan3A_98, %mul3A_277 : i32
        %add3A_279 = arith.constant 2 : i32
        %add3A_280 = arith.addi %mul3A_278, %add3A_279 : i32
        %get3A_281 = arith.index_cast %select_n3A_51 : i32 to index
        %get3A_282 = arith.index_cast %add3A_280 : i32 to index
        %get3A_283 = arith.constant 32 : index
        %get3A_284 = tpu.vector_load %arg6[%get3A_281, %get3A_282, %get3A_283] {strides = array<i32>} : memref<2x1280x64xbf16, #tpu.memory_space<vmem>>, vector<1x1x32xbf16>,
        %get3A_285 = vector.shape_cast %get3A_284 : vector<1x1x32xbf16> to vector<32xbf16>
        %max3A_286 = arith.maximumf %max3A_276, %get3A_285 : vector<32xbf16>
        %mul3A_287 = arith.constant 16 : i32
        %mul3A_288 = arith.muli %scan3A_98, %mul3A_287 : i32
        %add3A_289 = arith.constant 3 : i32
        %add3A_290 = arith.addi %mul3A_288, %add3A_289 : i32
        %get3A_291 = arith.index_cast %select_n3A_51 : i32 to index
        %get3A_292 = arith.index_cast %add3A_290 : i32 to index
        %get3A_293 = arith.constant 32 : index
        %get3A_294 = tpu.vector_load %arg6[%get3A_291, %get3A_292, %get3A_293] {strides = array<i32>} : memref<2x1280x64xbf16, #tpu.memory_space<vmem>>, vector<1x1x32xbf16>,
        %get3A_295 = vector.shape_cast %get3A_294 : vector<1x1x32xbf16> to vector<32xbf16>
        %max3A_296 = arith.maximumf %max3A_286, %get3A_295 : vector<32xbf16>
        %mul3A_297 = arith.constant 16 : i32
        %mul3A_298 = arith.muli %scan3A_98, %mul3A_297 : i32
        %add3A_299 = arith.constant 4 : i32
        %add3A_300 = arith.addi %mul3A_298, %add3A_299 : i32
        %get3A_301 = arith.index_cast %select_n3A_51 : i32 to index
        %get3A_302 = arith.index_cast %add3A_300 : i32 to index
        %get3A_303 = arith.constant 32 : index
        %get3A_304 = tpu.vector_load %arg6[%get3A_301, %get3A_302, %get3A_303] {strides = array<i32>} : memref<2x1280x64xbf16, #tpu.memory_space<vmem>>, vector<1x1x32xbf16>,
        %get3A_305 = vector.shape_cast %get3A_304 : vector<1x1x32xbf16> to vector<32xbf16>
        %max3A_306 = arith.maximumf %max3A_296, %get3A_305 : vector<32xbf16>
        %mul3A_307 = arith.constant 16 : i32
        %mul3A_308 = arith.muli %scan3A_98, %mul3A_307 : i32
        %add3A_309 = arith.constant 5 : i32
        %add3A_310 = arith.addi %mul3A_308, %add3A_309 : i32
        %get3A_311 = arith.index_cast %select_n3A_51 : i32 to index
        %get3A_312 = arith.index_cast %add3A_310 : i32 to index
        %get3A_313 = arith.constant 32 : index
        %get3A_314 = tpu.vector_load %arg6[%get3A_311, %get3A_312, %get3A_313] {strides = array<i32>} : memref<2x1280x64xbf16, #tpu.memory_space<vmem>>, vector<1x1x32xbf16>,
        %get3A_315 = vector.shape_cast %get3A_314 : vector<1x1x32xbf16> to vector<32xbf16>
        %max3A_316 = arith.maximumf %max3A_306, %get3A_315 : vector<32xbf16>
        %mul3A_317 = arith.constant 16 : i32
        %mul3A_318 = arith.muli %scan3A_98, %mul3A_317 : i32
        %add3A_319 = arith.constant 6 : i32
        %add3A_320 = arith.addi %mul3A_318, %add3A_319 : i32
        %get3A_321 = arith.index_cast %select_n3A_51 : i32 to index
        %get3A_322 = arith.index_cast %add3A_320 : i32 to index
        %get3A_323 = arith.constant 32 : index
        %get3A_324 = tpu.vector_load %arg6[%get3A_321, %get3A_322, %get3A_323] {strides = array<i32>} : memref<2x1280x64xbf16, #tpu.memory_space<vmem>>, vector<1x1x32xbf16>,
        %get3A_325 = vector.shape_cast %get3A_324 : vector<1x1x32xbf16> to vector<32xbf16>
        %max3A_326 = arith.maximumf %max3A_316, %get3A_325 : vector<32xbf16>
        %mul3A_327 = arith.constant 16 : i32
        %mul3A_328 = arith.muli %scan3A_98, %mul3A_327 : i32
        %add3A_329 = arith.constant 7 : i32
        %add3A_330 = arith.addi %mul3A_328, %add3A_329 : i32
        %get3A_331 = arith.index_cast %select_n3A_51 : i32 to index
        %get3A_332 = arith.index_cast %add3A_330 : i32 to index
        %get3A_333 = arith.constant 32 : index
        %get3A_334 = tpu.vector_load %arg6[%get3A_331, %get3A_332, %get3A_333] {strides = array<i32>} : memref<2x1280x64xbf16, #tpu.memory_space<vmem>>, vector<1x1x32xbf16>,
        %get3A_335 = vector.shape_cast %get3A_334 : vector<1x1x32xbf16> to vector<32xbf16>
        %max3A_336 = arith.maximumf %max3A_326, %get3A_335 : vector<32xbf16>
        %mul3A_337 = arith.constant 16 : i32
        %mul3A_338 = arith.muli %scan3A_98, %mul3A_337 : i32
        %add3A_339 = arith.constant 8 : i32
        %add3A_340 = arith.addi %mul3A_338, %add3A_339 : i32
        %get3A_341 = arith.index_cast %select_n3A_51 : i32 to index
        %get3A_342 = arith.index_cast %add3A_340 : i32 to index
        %get3A_343 = arith.constant 32 : index
        %get3A_344 = tpu.vector_load %arg6[%get3A_341, %get3A_342, %get3A_343] {strides = array<i32>} : memref<2x1280x64xbf16, #tpu.memory_space<vmem>>, vector<1x1x32xbf16>,
        %get3A_345 = vector.shape_cast %get3A_344 : vector<1x1x32xbf16> to vector<32xbf16>
        %max3A_346 = arith.maximumf %max3A_336, %get3A_345 : vector<32xbf16>
        %mul3A_347 = arith.constant 16 : i32
        %mul3A_348 = arith.muli %scan3A_98, %mul3A_347 : i32
        %add3A_349 = arith.constant 9 : i32
        %add3A_350 = arith.addi %mul3A_348, %add3A_349 : i32
        %get3A_351 = arith.index_cast %select_n3A_51 : i32 to index
        %get3A_352 = arith.index_cast %add3A_350 : i32 to index
        %get3A_353 = arith.constant 32 : index
        %get3A_354 = tpu.vector_load %arg6[%get3A_351, %get3A_352, %get3A_353] {strides = array<i32>} : memref<2x1280x64xbf16, #tpu.memory_space<vmem>>, vector<1x1x32xbf16>,
        %get3A_355 = vector.shape_cast %get3A_354 : vector<1x1x32xbf16> to vector<32xbf16>
        %max3A_356 = arith.maximumf %max3A_346, %get3A_355 : vector<32xbf16>
        %mul3A_357 = arith.constant 16 : i32
        %mul3A_358 = arith.muli %scan3A_98, %mul3A_357 : i32
        %add3A_359 = arith.constant 10 : i32
        %add3A_360 = arith.addi %mul3A_358, %add3A_359 : i32
        %get3A_361 = arith.index_cast %select_n3A_51 : i32 to index
        %get3A_362 = arith.index_cast %add3A_360 : i32 to index
        %get3A_363 = arith.constant 32 : index
        %get3A_364 = tpu.vector_load %arg6[%get3A_361, %get3A_362, %get3A_363] {strides = array<i32>} : memref<2x1280x64xbf16, #tpu.memory_space<vmem>>, vector<1x1x32xbf16>,
        %get3A_365 = vector.shape_cast %get3A_364 : vector<1x1x32xbf16> to vector<32xbf16>
        %max3A_366 = arith.maximumf %max3A_356, %get3A_365 : vector<32xbf16>
        %mul3A_367 = arith.constant 16 : i32
        %mul3A_368 = arith.muli %scan3A_98, %mul3A_367 : i32
        %add3A_369 = arith.constant 11 : i32
        %add3A_370 = arith.addi %mul3A_368, %add3A_369 : i32
        %get3A_371 = arith.index_cast %select_n3A_51 : i32 to index
        %get3A_372 = arith.index_cast %add3A_370 : i32 to index
        %get3A_373 = arith.constant 32 : index
        %get3A_374 = tpu.vector_load %arg6[%get3A_371, %get3A_372, %get3A_373] {strides = array<i32>} : memref<2x1280x64xbf16, #tpu.memory_space<vmem>>, vector<1x1x32xbf16>,
        %get3A_375 = vector.shape_cast %get3A_374 : vector<1x1x32xbf16> to vector<32xbf16>
        %max3A_376 = arith.maximumf %max3A_366, %get3A_375 : vector<32xbf16>
        %mul3A_377 = arith.constant 16 : i32
        %mul3A_378 = arith.muli %scan3A_98, %mul3A_377 : i32
        %add3A_379 = arith.constant 12 : i32
        %add3A_380 = arith.addi %mul3A_378, %add3A_379 : i32
        %get3A_381 = arith.index_cast %select_n3A_51 : i32 to index
        %get3A_382 = arith.index_cast %add3A_380 : i32 to index
        %get3A_383 = arith.constant 32 : index
        %get3A_384 = tpu.vector_load %arg6[%get3A_381, %get3A_382, %get3A_383] {strides = array<i32>} : memref<2x1280x64xbf16, #tpu.memory_space<vmem>>, vector<1x1x32xbf16>,
        %get3A_385 = vector.shape_cast %get3A_384 : vector<1x1x32xbf16> to vector<32xbf16>
        %max3A_386 = arith.maximumf %max3A_376, %get3A_385 : vector<32xbf16>
        %mul3A_387 = arith.constant 16 : i32
        %mul3A_388 = arith.muli %scan3A_98, %mul3A_387 : i32
        %add3A_389 = arith.constant 13 : i32
        %add3A_390 = arith.addi %mul3A_388, %add3A_389 : i32
        %get3A_391 = arith.index_cast %select_n3A_51 : i32 to index
        %get3A_392 = arith.index_cast %add3A_390 : i32 to index
        %get3A_393 = arith.constant 32 : index
        %get3A_394 = tpu.vector_load %arg6[%get3A_391, %get3A_392, %get3A_393] {strides = array<i32>} : memref<2x1280x64xbf16, #tpu.memory_space<vmem>>, vector<1x1x32xbf16>,
        %get3A_395 = vector.shape_cast %get3A_394 : vector<1x1x32xbf16> to vector<32xbf16>
        %max3A_396 = arith.maximumf %max3A_386, %get3A_395 : vector<32xbf16>
        %mul3A_397 = arith.constant 16 : i32
        %mul3A_398 = arith.muli %scan3A_98, %mul3A_397 : i32
        %add3A_399 = arith.constant 14 : i32
        %add3A_400 = arith.addi %mul3A_398, %add3A_399 : i32
        %get3A_401 = arith.index_cast %select_n3A_51 : i32 to index
        %get3A_402 = arith.index_cast %add3A_400 : i32 to index
        %get3A_403 = arith.constant 32 : index
        %get3A_404 = tpu.vector_load %arg6[%get3A_401, %get3A_402, %get3A_403] {strides = array<i32>} : memref<2x1280x64xbf16, #tpu.memory_space<vmem>>, vector<1x1x32xbf16>,
        %get3A_405 = vector.shape_cast %get3A_404 : vector<1x1x32xbf16> to vector<32xbf16>
        %max3A_406 = arith.maximumf %max3A_396, %get3A_405 : vector<32xbf16>
        %mul3A_407 = arith.constant 16 : i32
        %mul3A_408 = arith.muli %scan3A_98, %mul3A_407 : i32
        %add3A_409 = arith.constant 15 : i32
        %add3A_410 = arith.addi %mul3A_408, %add3A_409 : i32
        %get3A_411 = arith.index_cast %select_n3A_51 : i32 to index
        %get3A_412 = arith.index_cast %add3A_410 : i32 to index
        %get3A_413 = arith.constant 32 : index
        %get3A_414 = tpu.vector_load %arg6[%get3A_411, %get3A_412, %get3A_413] {strides = array<i32>} : memref<2x1280x64xbf16, #tpu.memory_space<vmem>>, vector<1x1x32xbf16>,
        %get3A_415 = vector.shape_cast %get3A_414 : vector<1x1x32xbf16> to vector<32xbf16>
        %max3A_416 = arith.maximumf %max3A_406, %get3A_415 : vector<32xbf16>
        %swap3A_417 = arith.index_cast %select_n3A_51 : i32 to index
        %swap3A_418 = arith.index_cast %scan3A_98 : i32 to index
        %swap3A_419 = arith.constant 32 : index
        %swap3A_420 = tpu.vector_load %arg7[%swap3A_417, %swap3A_418, %swap3A_419] {strides = array<i32>} : memref<2x80x64xbf16, #tpu.memory_space<vmem>>, vector<1x1x32xbf16>,
        %swap3A_421 = vector.shape_cast %swap3A_420 : vector<1x1x32xbf16> to vector<32xbf16>
        %swap3A_422 = vector.shape_cast %max3A_416 : vector<32xbf16> to vector<1x1x32xbf16>
        tpu.vector_store %arg7[%swap3A_417, %swap3A_418, %swap3A_419], %swap3A_422 {strides = array<i32>} : memref<2x80x64xbf16, #tpu.memory_space<vmem>>, vector<1x1x32xbf16>,
        %scan3A_423 = arith.constant 0 : i32
        scf.yield %scan3A_423 : i32
      }
      %scan3A_83 = arith.constant 80 : i32
      %mul3A_84 = arith.constant 80 : i32
      %mul3A_85 = arith.muli %add3A_39, %mul3A_84 : i32
      %add3A_86 = arith.addi %select_n3A, %mul3A_85 : i32
      %dma_start3A = arith.constant 0 : i32
      %dma_start3A_87 = arith.constant 0 : i32
      %dma_start3A_88 = tpu.memref_slice %arg7[%select_n3A_51, %dma_start3A, %dma_start3A_87] : memref<2x80x64xbf16, #tpu.memory_space<vmem>> -> memref<1x80x64xbf16, #tpu.memory_space<vmem>>
      %dma_start3A_89 = tpu.memref_squeeze %dma_start3A_88 : memref<1x80x64xbf16, #tpu.memory_space<vmem>> -> memref<80x64xbf16, #tpu.memory_space<vmem>>
      %dma_start3A_90 = arith.constant 0 : i32
      %dma_start3A_91 = tpu.memref_slice %arg4[%add3A_86, %dma_start3A_90] : memref<51200x64xbf16, #tpu.memory_space<hbm>> -> memref<80x64xbf16, #tpu.memory_space<hbm>>
      %dma_start3A_92 = arith.constant 0 : i32
      %dma_start3A_93 = tpu.memref_slice %arg4[%add3A_86, %dma_start3A_92] : memref<51200x64xbf16, #tpu.memory_space<hbm>> -> memref<80x64xbf16, #tpu.memory_space<hbm>>
      %dma_start3A_94 = arith.constant 0 : i32
      %dma_start3A_95 = arith.constant 0 : i32
      %dma_start3A_96 = tpu.memref_slice %arg7[%select_n3A_51, %dma_start3A_94, %dma_start3A_95] : memref<2x80x64xbf16, #tpu.memory_space<vmem>> -> memref<1x80x64xbf16, #tpu.memory_space<vmem>>
      %dma_start3A_97 = tpu.memref_squeeze %dma_start3A_96 : memref<1x80x64xbf16, #tpu.memory_space<vmem>> -> memref<80x64xbf16, #tpu.memory_space<vmem>>
      tpu.enqueue_dma source(%dma_start3A_97 : memref<80x64xbf16, #tpu.memory_space<vmem>>) target(%dma_start3A_93 : memref<80x64xbf16, #tpu.memory_space<hbm>>) target_semaphore(%arg10 : memref<!tpu.dma_semaphore, #tpu.memory_space<semaphore_mem>>)
    }
    %ge3A_32 = arith.constant 1 : i32
    %ge3A_33 = arith.cmpi sge, %select_n3A_8, %ge3A_32 : i32
    %convert_element_type3A_34 = arith.extui %ge3A_33 : i1 to i32
    %cond3A_35 = arith.constant 0 : i32
    %cond3A_36 = arith.cmpi ne, %convert_element_type3A_34, %cond3A_35 : i32
    scf.if %cond3A_36 {
      %sub3A_37 = arith.constant 1 : i32
      %sub3A_38 = arith.subi %select_n3A_8, %sub3A_37 : i32
      %jit3A_39 = arith.constant 2 : i32
      %eq3A_40 = arith.constant 0 : i32
      %eq3A_41 = arith.cmpi eq, %jit3A_39, %eq3A_40 : i32
      %jit3A_42 = arith.constant 1 : i32
      %select_n3A_43 = arith.select %eq3A_41, %jit3A_42, %jit3A_39 : i32
      %rem3A = arith.remsi %sub3A_38, %select_n3A_43 : i32
      %ne3A = arith.constant 0 : i32
      %ne3A_44 = arith.cmpi ne, %rem3A, %ne3A : i32
      %lt3A = arith.constant 0 : i32
      %lt3A_45 = arith.cmpi slt, %rem3A, %lt3A : i32
      %lt3A_46 = arith.constant 0 : i32
      %lt3A_47 = arith.cmpi slt, %select_n3A_43, %lt3A_46 : i32
      %ne3A_48 = arith.xori %lt3A_45, %lt3A_47 : i1
      %and3A = arith.andi %ne3A_48, %ne3A_44 : i1
      %add3A_49 = arith.addi %rem3A, %select_n3A_43 : i32
      %select_n3A_50 = arith.select %and3A, %add3A_49, %rem3A : i32
      %sub3A_51 = arith.constant 1 : i32
      %sub3A_52 = arith.subi %select_n3A_8, %sub3A_51 : i32
      %mul3A_53 = arith.constant 80 : i32
      %mul3A_54 = arith.muli %sub3A_52, %mul3A_53 : i32
      %add3A_55 = arith.addi %select_n3A, %mul3A_54 : i32
      %dma_wait3A = arith.constant 0 : i32
      %dma_wait3A_56 = arith.constant 0 : i32
      %dma_wait3A_57 = tpu.memref_slice %arg7[%select_n3A_50, %dma_wait3A, %dma_wait3A_56] : memref<2x80x64xbf16, #tpu.memory_space<vmem>> -> memref<1x80x64xbf16, #tpu.memory_space<vmem>>
      %dma_wait3A_58 = tpu.memref_squeeze %dma_wait3A_57 : memref<1x80x64xbf16, #tpu.memory_space<vmem>> -> memref<80x64xbf16, #tpu.memory_space<vmem>>
      %dma_wait3A_59 = arith.constant 0 : i32
      %dma_wait3A_60 = tpu.memref_slice %arg4[%add3A_55, %dma_wait3A_59] : memref<51200x64xbf16, #tpu.memory_space<hbm>> -> memref<80x64xbf16, #tpu.memory_space<hbm>>
      %dma_wait3A_61 = arith.constant 0 : i32
      %dma_wait3A_62 = tpu.memref_slice %arg4[%add3A_55, %dma_wait3A_61] : memref<51200x64xbf16, #tpu.memory_space<hbm>> -> memref<80x64xbf16, #tpu.memory_space<hbm>>
      %dma_wait3A_63 = arith.constant 0 : i32
      %dma_wait3A_64 = arith.constant 0 : i32
      %dma_wait3A_65 = tpu.memref_slice %arg7[%select_n3A_50, %dma_wait3A_63, %dma_wait3A_64] : memref<2x80x64xbf16, #tpu.memory_space<vmem>> -> memref<1x80x64xbf16, #tpu.memory_space<vmem>>
      %dma_wait3A_66 = tpu.memref_squeeze %dma_wait3A_65 : memref<1x80x64xbf16, #tpu.memory_space<vmem>> -> memref<80x64xbf16, #tpu.memory_space<vmem>>
      tpu.wait_dma2 semaphore(%arg10 : memref<!tpu.dma_semaphore, #tpu.memory_space<semaphore_mem>>) src(%dma_wait3A_66 : memref<80x64xbf16, #tpu.memory_space<vmem>>) dst(%dma_wait3A_62 : memref<80x64xbf16, #tpu.memory_space<hbm>>)
    } else {
    }
    return
  }
}

#map = affine_map<(d0, d1) -> (0)>
#map1 = affine_map<(d0, d1) -> (0, 0)>
module attributes {stable_mosaic.version = 14 : i64} {
  func.func @sc_gathermax(%arg0: i32, %arg1: i32, %arg2: memref<819200xi32, #tpu.memory_space<hbm>>, %arg3: memref<51200x64xbf16, #tpu.memory_space<hbm>>, %arg4: memref<51200x64xbf16, #tpu.memory_space<hbm>>, %arg5: memref<2x1280xi32, #tpu.memory_space<vmem>>, %arg6: memref<2x1280x64xbf16, #tpu.memory_space<vmem>>, %arg7: memref<2x80x64xbf16, #tpu.memory_space<vmem>>, %arg8: memref<!tpu.dma_semaphore, #tpu.memory_space<semaphore_mem>>, %arg9: memref<!tpu.dma_semaphore, #tpu.memory_space<semaphore_mem>>, %arg10: memref<!tpu.dma_semaphore, #tpu.memory_space<semaphore_mem>>) attributes {dimension_semantics = [#tpu.dimension_semantics<core_parallel>, #tpu.dimension_semantics<subcore_parallel>], iteration_bounds = array<i64: 2, 16>, scalar_prefetch = 0 : i64, scratch_operands = 6 : i64, tpu.core_type = #tpu.core_type<sc_vector_subcore>, window_params = [{transform_indices = #map}, {transform_indices = #map1}, {transform_indices = #map1}]} {
    %eq3A = arith.constant 0 : i32
    %eq3A_0 = arith.cmpi eq, %arg0, %eq3A : i32
    %mul3A = arith.constant 3120 : i32
    %mul3A_1 = arith.muli %arg1, %mul3A : i32
    %mul3A_2 = arith.constant 80 : i32
    %mul3A_3 = arith.muli %arg1, %mul3A_2 : i32
    %add3A = arith.constant 49920 : i32
    %add3A_4 = arith.addi %add3A, %mul3A_3 : i32
    %select_n3A = arith.select %eq3A_0, %mul3A_1, %add3A_4 : i32
    %eq3A_5 = arith.constant 0 : i32
    %eq3A_6 = arith.cmpi eq, %arg0, %eq3A_5 : i32
    %jit3A = arith.constant 39 : i32
    %jit3A_7 = arith.constant 1 : i32
    %select_n3A_8 = arith.select %eq3A_6, %jit3A, %jit3A_7 : i32
    %ge3A = arith.constant 1 : i32
    %ge3A_9 = arith.cmpi sge, %select_n3A_8, %ge3A : i32
    %convert_element_type3A = arith.extui %ge3A_9 : i1 to i32
    %cond3A = arith.constant 0 : i32
    %cond3A_10 = arith.cmpi ne, %convert_element_type3A, %cond3A : i32
    scf.if %cond3A_10 {
      %add3A_37 = arith.constant 0 : i32
      %add3A_38 = arith.addi %select_n3A, %add3A_37 : i32
      %mul3A_39 = arith.constant 16 : i32
      %mul3A_40 = arith.muli %add3A_38, %mul3A_39 : i32
      %run_scoped3A = arith.constant 0 : i32
      "tpu.region"() ({
        %run_scoped3A_52 = tpu.sem_alloc : memref<!tpu.dma_semaphore, #tpu.memory_space<semaphore_mem>>
        %dma_start3A_53 = arith.constant 0 : i32
        %dma_start3A_54 = tpu.memref_slice %arg5[%run_scoped3A, %dma_start3A_53] : memref<2x1280xi32, #tpu.memory_space<vmem>> -> memref<1x1280xi32, #tpu.memory_space<vmem>>
        %dma_start3A_55 = tpu.memref_squeeze %dma_start3A_54 : memref<1x1280xi32, #tpu.memory_space<vmem>> -> memref<1280xi32, #tpu.memory_space<vmem>>
        %dma_start3A_56 = tpu.memref_slice %arg2[%mul3A_40] : memref<819200xi32, #tpu.memory_space<hbm>> -> memref<1280xi32, #tpu.memory_space<hbm>>
        %dma_start3A_57 = arith.constant 0 : i32
        %dma_start3A_58 = tpu.memref_slice %arg5[%run_scoped3A, %dma_start3A_57] : memref<2x1280xi32, #tpu.memory_space<vmem>> -> memref<1x1280xi32, #tpu.memory_space<vmem>>
        %dma_start3A_59 = tpu.memref_squeeze %dma_start3A_58 : memref<1x1280xi32, #tpu.memory_space<vmem>> -> memref<1280xi32, #tpu.memory_space<vmem>>
        %dma_start3A_60 = tpu.memref_slice %arg2[%mul3A_40] : memref<819200xi32, #tpu.memory_space<hbm>> -> memref<1280xi32, #tpu.memory_space<hbm>>
        tpu.enqueue_dma source(%dma_start3A_60 : memref<1280xi32, #tpu.memory_space<hbm>>) target(%dma_start3A_59 : memref<1280xi32, #tpu.memory_space<vmem>>) target_semaphore(%run_scoped3A_52 : memref<!tpu.dma_semaphore, #tpu.memory_space<semaphore_mem>>)
        %dma_wait3A = arith.constant 0 : i32
        %dma_wait3A_61 = tpu.memref_slice %arg5[%run_scoped3A, %dma_wait3A] : memref<2x1280xi32, #tpu.memory_space<vmem>> -> memref<1x1280xi32, #tpu.memory_space<vmem>>
        %dma_wait3A_62 = tpu.memref_squeeze %dma_wait3A_61 : memref<1x1280xi32, #tpu.memory_space<vmem>> -> memref<1280xi32, #tpu.memory_space<vmem>>
        %dma_wait3A_63 = tpu.memref_slice %arg2[%mul3A_40] : memref<819200xi32, #tpu.memory_space<hbm>> -> memref<1280xi32, #tpu.memory_space<hbm>>
        %dma_wait3A_64 = arith.constant 0 : i32
        %dma_wait3A_65 = tpu.memref_slice %arg5[%run_scoped3A, %dma_wait3A_64] : memref<2x1280xi32, #tpu.memory_space<vmem>> -> memref<1x1280xi32, #tpu.memory_space<vmem>>
        %dma_wait3A_66 = tpu.memref_squeeze %dma_wait3A_65 : memref<1x1280xi32, #tpu.memory_space<vmem>> -> memref<1280xi32, #tpu.memory_space<vmem>>
        %dma_wait3A_67 = tpu.memref_slice %arg2[%mul3A_40] : memref<819200xi32, #tpu.memory_space<hbm>> -> memref<1280xi32, #tpu.memory_space<hbm>>
        tpu.wait_dma2 semaphore(%run_scoped3A_52 : memref<!tpu.dma_semaphore, #tpu.memory_space<semaphore_mem>>) src(%dma_wait3A_67 : memref<1280xi32, #tpu.memory_space<hbm>>) dst(%dma_wait3A_66 : memref<1280xi32, #tpu.memory_space<vmem>>)
        tpu.yield
      }) : () -> ()
      %dma_start3A = arith.constant 0 : i32
      %dma_start3A_41 = arith.constant 0 : i32
      %dma_start3A_42 = arith.constant 0 : i32
      %dma_start3A_43 = arith.constant 0 : i32
      %dma_start3A_44 = tpu.memref_slice %arg6[%dma_start3A_41, %dma_start3A_42, %dma_start3A_43] : memref<2x1280x64xbf16, #tpu.memory_space<vmem>> -> memref<1x1280x64xbf16, #tpu.memory_space<vmem>>
      %dma_start3A_45 = tpu.memref_squeeze %dma_start3A_44 : memref<1x1280x64xbf16, #tpu.memory_space<vmem>> -> memref<1280x64xbf16, #tpu.memory_space<vmem>>
      %dma_start3A_46 = arith.constant 0 : i32
      %dma_start3A_47 = tpu.memref_slice %arg5[%dma_start3A, %dma_start3A_46] : memref<2x1280xi32, #tpu.memory_space<vmem>> -> memref<1x1280xi32, #tpu.memory_space<vmem>>
      %dma_start3A_48 = tpu.memref_squeeze %dma_start3A_47 : memref<1x1280xi32, #tpu.memory_space<vmem>> -> memref<1280xi32, #tpu.memory_space<vmem>>
      %dma_start3A_49 = arith.constant 0 : i32
      %dma_start3A_50 = arith.constant 0 : i32
      %dma_start3A_51 = tpu.memref_slice %arg3[%dma_start3A_49, %dma_start3A_50] : memref<51200x64xbf16, #tpu.memory_space<hbm>> -> memref<51200x64xbf16, #tpu.memory_space<hbm>>
      tpu.enqueue_indirect_dma source(%dma_start3A_51 : memref<51200x64xbf16, #tpu.memory_space<hbm>>) target(%dma_start3A_45 : memref<1280x64xbf16, #tpu.memory_space<vmem>>) offsets(%dma_start3A_48 : memref<1280xi32, #tpu.memory_space<vmem>>) semaphore(%arg8 : memref<!tpu.dma_semaphore, #tpu.memory_space<semaphore_mem>>)
    } else {
    }
    %ge3A_11 = arith.constant 2 : i32
    %ge3A_12 = arith.cmpi sge, %select_n3A_8, %ge3A_11 : i32
    %convert_element_type3A_13 = arith.extui %ge3A_12 : i1 to i32
    %cond3A_14 = arith.constant 0 : i32
    %cond3A_15 = arith.cmpi ne, %convert_element_type3A_13, %cond3A_14 : i32
    scf.if %cond3A_15 {
      %add3A_37 = arith.constant 80 : i32
      %add3A_38 = arith.addi %select_n3A, %add3A_37 : i32
      %mul3A_39 = arith.constant 16 : i32
      %mul3A_40 = arith.muli %add3A_38, %mul3A_39 : i32
      %dma_start3A = arith.constant 1 : i32
      %dma_start3A_41 = arith.constant 0 : i32
      %dma_start3A_42 = tpu.memref_slice %arg5[%dma_start3A, %dma_start3A_41] : memref<2x1280xi32, #tpu.memory_space<vmem>> -> memref<1x1280xi32, #tpu.memory_space<vmem>>
      %dma_start3A_43 = tpu.memref_squeeze %dma_start3A_42 : memref<1x1280xi32, #tpu.memory_space<vmem>> -> memref<1280xi32, #tpu.memory_space<vmem>>
      %dma_start3A_44 = tpu.memref_slice %arg2[%mul3A_40] : memref<819200xi32, #tpu.memory_space<hbm>> -> memref<1280xi32, #tpu.memory_space<hbm>>
      %dma_start3A_45 = arith.constant 0 : i32
      %dma_start3A_46 = tpu.memref_slice %arg5[%dma_start3A, %dma_start3A_45] : memref<2x1280xi32, #tpu.memory_space<vmem>> -> memref<1x1280xi32, #tpu.memory_space<vmem>>
      %dma_start3A_47 = tpu.memref_squeeze %dma_start3A_46 : memref<1x1280xi32, #tpu.memory_space<vmem>> -> memref<1280xi32, #tpu.memory_space<vmem>>
      %dma_start3A_48 = tpu.memref_slice %arg2[%mul3A_40] : memref<819200xi32, #tpu.memory_space<hbm>> -> memref<1280xi32, #tpu.memory_space<hbm>>
      tpu.enqueue_dma source(%dma_start3A_48 : memref<1280xi32, #tpu.memory_space<hbm>>) target(%dma_start3A_47 : memref<1280xi32, #tpu.memory_space<vmem>>) target_semaphore(%arg9 : memref<!tpu.dma_semaphore, #tpu.memory_space<semaphore_mem>>)
    } else {
    }
    %sub3A = arith.constant 0 : i32
    %sub3A_16 = arith.subi %select_n3A_8, %sub3A : i32
    %sub3A_17 = arith.constant 1 : i32
    %sub3A_18 = arith.constant 1 : i32
    %sub3A_19 = arith.subi %sub3A_17, %sub3A_18 : i32
    %add3A_20 = arith.addi %sub3A_16, %sub3A_19 : i32
    %div3A = arith.constant 1 : i32
    %div3A_21 = arith.divsi %add3A_20, %div3A : i32
    %while3A = arith.constant 1 : i32
    %while3A_22 = arith.constant 0 : i32
    %while3A_23 = arith.constant 0 : i32
    %while3A_24 = arith.subi %div3A_21, %while3A_23 : i32
    %while3A_25 = arith.addi %while3A_23, %while3A_24 : i32
    %while3A_26 = arith.constant 1 : i32
    %while3A_27 = arith.divsi %while3A_24, %while3A_26 : i32
    %while3A_28 = arith.muli %while3A_27, %while3A_26 : i32
    %while3A_29 = arith.addi %while3A_23, %while3A_28 : i32
    %while3A_30 = arith.constant 1 : i32
    scf.for %while3A_37 = %while3A_23 to %while3A_29 step %while3A_30  : i32 {
      %mul3A_38 = arith.muli %while3A_37, %while3A : i32
      %add3A_39 = arith.addi %while3A_22, %mul3A_38 : i32
      %jit3A_40 = arith.constant 2 : i32
      %eq3A_41 = arith.constant 0 : i32
      %eq3A_42 = arith.cmpi eq, %jit3A_40, %eq3A_41 : i32
      %jit3A_43 = arith.constant 1 : i32
      %select_n3A_44 = arith.select %eq3A_42, %jit3A_43, %jit3A_40 : i32
      %rem3A = arith.remsi %add3A_39, %select_n3A_44 : i32
      %ne3A = arith.constant 0 : i32
      %ne3A_45 = arith.cmpi ne, %rem3A, %ne3A : i32
      %lt3A = arith.constant 0 : i32
      %lt3A_46 = arith.cmpi slt, %rem3A, %lt3A : i32
      %lt3A_47 = arith.constant 0 : i32
      %lt3A_48 = arith.cmpi slt, %select_n3A_44, %lt3A_47 : i32
      %ne3A_49 = arith.xori %lt3A_46, %lt3A_48 : i1
      %and3A = arith.andi %ne3A_49, %ne3A_45 : i1
      %add3A_50 = arith.addi %rem3A, %select_n3A_44 : i32
      %select_n3A_51 = arith.select %and3A, %add3A_50, %rem3A : i32
      %dma_wait3A = arith.constant 0 : i32
      %dma_wait3A_52 = arith.constant 0 : i32
      %dma_wait3A_53 = tpu.memref_slice %arg6[%select_n3A_51, %dma_wait3A, %dma_wait3A_52] : memref<2x1280x64xbf16, #tpu.memory_space<vmem>> -> memref<1x1280x64xbf16, #tpu.memory_space<vmem>>
      %dma_wait3A_54 = tpu.memref_squeeze %dma_wait3A_53 : memref<1x1280x64xbf16, #tpu.memory_space<vmem>> -> memref<1280x64xbf16, #tpu.memory_space<vmem>>
      %dma_wait3A_55 = arith.constant 0 : i32
      %dma_wait3A_56 = tpu.memref_slice %arg5[%select_n3A_51, %dma_wait3A_55] : memref<2x1280xi32, #tpu.memory_space<vmem>> -> memref<1x1280xi32, #tpu.memory_space<vmem>>
      %dma_wait3A_57 = tpu.memref_squeeze %dma_wait3A_56 : memref<1x1280xi32, #tpu.memory_space<vmem>> -> memref<1280xi32, #tpu.memory_space<vmem>>
      %dma_wait3A_58 = arith.constant 0 : i32
      %dma_wait3A_59 = arith.constant 0 : i32
      %dma_wait3A_60 = tpu.memref_slice %arg3[%dma_wait3A_58, %dma_wait3A_59] : memref<51200x64xbf16, #tpu.memory_space<hbm>> -> memref<51200x64xbf16, #tpu.memory_space<hbm>>
      tpu.wait_indirect_dma semaphore(%arg8 : memref<!tpu.dma_semaphore, #tpu.memory_space<semaphore_mem>>) src(%dma_wait3A_60 : memref<51200x64xbf16, #tpu.memory_space<hbm>>) dst(%dma_wait3A_54 : memref<1280x64xbf16, #tpu.memory_space<vmem>>)
      %add3A_61 = arith.constant 1 : i32
      %add3A_62 = arith.addi %add3A_39, %add3A_61 : i32
      %lt3A_63 = arith.cmpi slt, %add3A_62, %select_n3A_8 : i32
      %convert_element_type3A_64 = arith.extui %lt3A_63 : i1 to i32
      %cond3A_65 = arith.constant 0 : i32
      %cond3A_66 = arith.cmpi ne, %convert_element_type3A_64, %cond3A_65 : i32
      scf.if %cond3A_66 {
        %add3A_98 = arith.constant 1 : i32
        %add3A_99 = arith.addi %add3A_39, %add3A_98 : i32
        %mul3A_100 = arith.constant 80 : i32
        %mul3A_101 = arith.muli %add3A_99, %mul3A_100 : i32
        %add3A_102 = arith.addi %select_n3A, %mul3A_101 : i32
        %mul3A_103 = arith.constant 16 : i32
        %mul3A_104 = arith.muli %add3A_102, %mul3A_103 : i32
        %sub3A_105 = arith.constant 1 : i32
        %sub3A_106 = arith.subi %sub3A_105, %select_n3A_51 : i32
        %dma_wait3A_107 = arith.constant 0 : i32
        %dma_wait3A_108 = tpu.memref_slice %arg5[%sub3A_106, %dma_wait3A_107] : memref<2x1280xi32, #tpu.memory_space<vmem>> -> memref<1x1280xi32, #tpu.memory_space<vmem>>
        %dma_wait3A_109 = tpu.memref_squeeze %dma_wait3A_108 : memref<1x1280xi32, #tpu.memory_space<vmem>> -> memref<1280xi32, #tpu.memory_space<vmem>>
        %dma_wait3A_110 = tpu.memref_slice %arg2[%mul3A_104] : memref<819200xi32, #tpu.memory_space<hbm>> -> memref<1280xi32, #tpu.memory_space<hbm>>
        %dma_wait3A_111 = arith.constant 0 : i32
        %dma_wait3A_112 = tpu.memref_slice %arg5[%sub3A_106, %dma_wait3A_111] : memref<2x1280xi32, #tpu.memory_space<vmem>> -> memref<1x1280xi32, #tpu.memory_space<vmem>>
        %dma_wait3A_113 = tpu.memref_squeeze %dma_wait3A_112 : memref<1x1280xi32, #tpu.memory_space<vmem>> -> memref<1280xi32, #tpu.memory_space<vmem>>
        %dma_wait3A_114 = tpu.memref_slice %arg2[%mul3A_104] : memref<819200xi32, #tpu.memory_space<hbm>> -> memref<1280xi32, #tpu.memory_space<hbm>>
        tpu.wait_dma2 semaphore(%arg9 : memref<!tpu.dma_semaphore, #tpu.memory_space<semaphore_mem>>) src(%dma_wait3A_114 : memref<1280xi32, #tpu.memory_space<hbm>>) dst(%dma_wait3A_113 : memref<1280xi32, #tpu.memory_space<vmem>>)
        %sub3A_115 = arith.constant 1 : i32
        %sub3A_116 = arith.subi %sub3A_115, %select_n3A_51 : i32
        %sub3A_117 = arith.constant 1 : i32
        %sub3A_118 = arith.subi %sub3A_117, %select_n3A_51 : i32
        %dma_start3A_119 = arith.constant 0 : i32
        %dma_start3A_120 = arith.constant 0 : i32
        %dma_start3A_121 = tpu.memref_slice %arg6[%sub3A_118, %dma_start3A_119, %dma_start3A_120] : memref<2x1280x64xbf16, #tpu.memory_space<vmem>> -> memref<1x1280x64xbf16, #tpu.memory_space<vmem>>
        %dma_start3A_122 = tpu.memref_squeeze %dma_start3A_121 : memref<1x1280x64xbf16, #tpu.memory_space<vmem>> -> memref<1280x64xbf16, #tpu.memory_space<vmem>>
        %dma_start3A_123 = arith.constant 0 : i32
        %dma_start3A_124 = tpu.memref_slice %arg5[%sub3A_116, %dma_start3A_123] : memref<2x1280xi32, #tpu.memory_space<vmem>> -> memref<1x1280xi32, #tpu.memory_space<vmem>>
        %dma_start3A_125 = tpu.memref_squeeze %dma_start3A_124 : memref<1x1280xi32, #tpu.memory_space<vmem>> -> memref<1280xi32, #tpu.memory_space<vmem>>
        %dma_start3A_126 = arith.constant 0 : i32
        %dma_start3A_127 = arith.constant 0 : i32
        %dma_start3A_128 = tpu.memref_slice %arg3[%dma_start3A_126, %dma_start3A_127] : memref<51200x64xbf16, #tpu.memory_space<hbm>> -> memref<51200x64xbf16, #tpu.memory_space<hbm>>
        tpu.enqueue_indirect_dma source(%dma_start3A_128 : memref<51200x64xbf16, #tpu.memory_space<hbm>>) target(%dma_start3A_122 : memref<1280x64xbf16, #tpu.memory_space<vmem>>) offsets(%dma_start3A_125 : memref<1280xi32, #tpu.memory_space<vmem>>) semaphore(%arg8 : memref<!tpu.dma_semaphore, #tpu.memory_space<semaphore_mem>>)
      } else {
      }
      %add3A_67 = arith.constant 2 : i32
      %add3A_68 = arith.addi %add3A_39, %add3A_67 : i32
      %lt3A_69 = arith.cmpi slt, %add3A_68, %select_n3A_8 : i32
      %convert_element_type3A_70 = arith.extui %lt3A_69 : i1 to i32
      %cond3A_71 = arith.constant 0 : i32
      %cond3A_72 = arith.cmpi ne, %convert_element_type3A_70, %cond3A_71 : i32
      scf.if %cond3A_72 {
        %add3A_98 = arith.constant 2 : i32
        %add3A_99 = arith.addi %add3A_39, %add3A_98 : i32
        %mul3A_100 = arith.constant 80 : i32
        %mul3A_101 = arith.muli %add3A_99, %mul3A_100 : i32
        %add3A_102 = arith.addi %select_n3A, %mul3A_101 : i32
        %mul3A_103 = arith.constant 16 : i32
        %mul3A_104 = arith.muli %add3A_102, %mul3A_103 : i32
        %dma_start3A_105 = arith.constant 0 : i32
        %dma_start3A_106 = tpu.memref_slice %arg5[%select_n3A_51, %dma_start3A_105] : memref<2x1280xi32, #tpu.memory_space<vmem>> -> memref<1x1280xi32, #tpu.memory_space<vmem>>
        %dma_start3A_107 = tpu.memref_squeeze %dma_start3A_106 : memref<1x1280xi32, #tpu.memory_space<vmem>> -> memref<1280xi32, #tpu.memory_space<vmem>>
        %dma_start3A_108 = tpu.memref_slice %arg2[%mul3A_104] : memref<819200xi32, #tpu.memory_space<hbm>> -> memref<1280xi32, #tpu.memory_space<hbm>>
        %dma_start3A_109 = arith.constant 0 : i32
        %dma_start3A_110 = tpu.memref_slice %arg5[%select_n3A_51, %dma_start3A_109] : memref<2x1280xi32, #tpu.memory_space<vmem>> -> memref<1x1280xi32, #tpu.memory_space<vmem>>
        %dma_start3A_111 = tpu.memref_squeeze %dma_start3A_110 : memref<1x1280xi32, #tpu.memory_space<vmem>> -> memref<1280xi32, #tpu.memory_space<vmem>>
        %dma_start3A_112 = tpu.memref_slice %arg2[%mul3A_104] : memref<819200xi32, #tpu.memory_space<hbm>> -> memref<1280xi32, #tpu.memory_space<hbm>>
        tpu.enqueue_dma source(%dma_start3A_112 : memref<1280xi32, #tpu.memory_space<hbm>>) target(%dma_start3A_111 : memref<1280xi32, #tpu.memory_space<vmem>>) target_semaphore(%arg9 : memref<!tpu.dma_semaphore, #tpu.memory_space<semaphore_mem>>)
      } else {
      }
      %ge3A_73 = arith.constant 1 : i32
      %ge3A_74 = arith.cmpi sge, %add3A_39, %ge3A_73 : i32
      %convert_element_type3A_75 = arith.extui %ge3A_74 : i1 to i32
      %cond3A_76 = arith.constant 0 : i32
      %cond3A_77 = arith.cmpi ne, %convert_element_type3A_75, %cond3A_76 : i32
      scf.if %cond3A_77 {
        %sub3A_98 = arith.constant 1 : i32
        %sub3A_99 = arith.subi %sub3A_98, %select_n3A_51 : i32
        %sub3A_100 = arith.constant 1 : i32
        %sub3A_101 = arith.subi %add3A_39, %sub3A_100 : i32
        %mul3A_102 = arith.constant 80 : i32
        %mul3A_103 = arith.muli %sub3A_101, %mul3A_102 : i32
        %add3A_104 = arith.addi %select_n3A, %mul3A_103 : i32
        %dma_wait3A_105 = arith.constant 0 : i32
        %dma_wait3A_106 = arith.constant 0 : i32
        %dma_wait3A_107 = tpu.memref_slice %arg7[%sub3A_99, %dma_wait3A_105, %dma_wait3A_106] : memref<2x80x64xbf16, #tpu.memory_space<vmem>> -> memref<1x80x64xbf16, #tpu.memory_space<vmem>>
        %dma_wait3A_108 = tpu.memref_squeeze %dma_wait3A_107 : memref<1x80x64xbf16, #tpu.memory_space<vmem>> -> memref<80x64xbf16, #tpu.memory_space<vmem>>
        %dma_wait3A_109 = arith.constant 0 : i32
        %dma_wait3A_110 = tpu.memref_slice %arg4[%add3A_104, %dma_wait3A_109] : memref<51200x64xbf16, #tpu.memory_space<hbm>> -> memref<80x64xbf16, #tpu.memory_space<hbm>>
        %dma_wait3A_111 = arith.constant 0 : i32
        %dma_wait3A_112 = tpu.memref_slice %arg4[%add3A_104, %dma_wait3A_111] : memref<51200x64xbf16, #tpu.memory_space<hbm>> -> memref<80x64xbf16, #tpu.memory_space<hbm>>
        %dma_wait3A_113 = arith.constant 0 : i32
        %dma_wait3A_114 = arith.constant 0 : i32
        %dma_wait3A_115 = tpu.memref_slice %arg7[%sub3A_99, %dma_wait3A_113, %dma_wait3A_114] : memref<2x80x64xbf16, #tpu.memory_space<vmem>> -> memref<1x80x64xbf16, #tpu.memory_space<vmem>>
        %dma_wait3A_116 = tpu.memref_squeeze %dma_wait3A_115 : memref<1x80x64xbf16, #tpu.memory_space<vmem>> -> memref<80x64xbf16, #tpu.memory_space<vmem>>
        tpu.wait_dma2 semaphore(%arg10 : memref<!tpu.dma_semaphore, #tpu.memory_space<semaphore_mem>>) src(%dma_wait3A_116 : memref<80x64xbf16, #tpu.memory_space<vmem>>) dst(%dma_wait3A_112 : memref<80x64xbf16, #tpu.memory_space<hbm>>)
      } else {
      }
      %scan3A = arith.constant 0 : i32
      %scan3A_78 = arith.constant 0 : i32
      %scan3A_79 = arith.constant 80 : i32
      %scan3A_80 = arith.addi %scan3A_78, %scan3A_79 : i32
      %scan3A_81 = arith.constant 1 : i32
      %scan3A_82 = scf.for %scan3A_98 = %scan3A_78 to %scan3A_80 step %scan3A_81 iter_args(%scan3A_99 = %scan3A) -> (i32)  : i32 {
        %mul3A_100 = arith.constant 16 : i32
        %mul3A_101 = arith.muli %scan3A_98, %mul3A_100 : i32
        %get3A = arith.index_cast %select_n3A_51 : i32 to index
        %get3A_102 = arith.index_cast %mul3A_101 : i32 to index
        %get3A_103 = arith.constant 0 : index
        %get3A_104 = tpu.vector_load %arg6[%get3A, %get3A_102, %get3A_103] {strides = array<i32>} : memref<2x1280x64xbf16, #tpu.memory_space<vmem>>, vector<1x1x32xbf16>,
        %get3A_105 = vector.shape_cast %get3A_104 : vector<1x1x32xbf16> to vector<32xbf16>
        %mul3A_106 = arith.constant 16 : i32
        %mul3A_107 = arith.muli %scan3A_98, %mul3A_106 : i32
        %add3A_108 = arith.constant 1 : i32
        %add3A_109 = arith.addi %mul3A_107, %add3A_108 : i32
        %get3A_110 = arith.index_cast %select_n3A_51 : i32 to index
        %get3A_111 = arith.index_cast %add3A_109 : i32 to index
        %get3A_112 = arith.constant 0 : index
        %get3A_113 = tpu.vector_load %arg6[%get3A_110, %get3A_111, %get3A_112] {strides = array<i32>} : memref<2x1280x64xbf16, #tpu.memory_space<vmem>>, vector<1x1x32xbf16>,
        %get3A_114 = vector.shape_cast %get3A_113 : vector<1x1x32xbf16> to vector<32xbf16>
        %max3A = arith.maximumf %get3A_105, %get3A_114 : vector<32xbf16>
        %mul3A_115 = arith.constant 16 : i32
        %mul3A_116 = arith.muli %scan3A_98, %mul3A_115 : i32
        %add3A_117 = arith.constant 2 : i32
        %add3A_118 = arith.addi %mul3A_116, %add3A_117 : i32
        %get3A_119 = arith.index_cast %select_n3A_51 : i32 to index
        %get3A_120 = arith.index_cast %add3A_118 : i32 to index
        %get3A_121 = arith.constant 0 : index
        %get3A_122 = tpu.vector_load %arg6[%get3A_119, %get3A_120, %get3A_121] {strides = array<i32>} : memref<2x1280x64xbf16, #tpu.memory_space<vmem>>, vector<1x1x32xbf16>,
        %get3A_123 = vector.shape_cast %get3A_122 : vector<1x1x32xbf16> to vector<32xbf16>
        %max3A_124 = arith.maximumf %max3A, %get3A_123 : vector<32xbf16>
        %mul3A_125 = arith.constant 16 : i32
        %mul3A_126 = arith.muli %scan3A_98, %mul3A_125 : i32
        %add3A_127 = arith.constant 3 : i32
        %add3A_128 = arith.addi %mul3A_126, %add3A_127 : i32
        %get3A_129 = arith.index_cast %select_n3A_51 : i32 to index
        %get3A_130 = arith.index_cast %add3A_128 : i32 to index
        %get3A_131 = arith.constant 0 : index
        %get3A_132 = tpu.vector_load %arg6[%get3A_129, %get3A_130, %get3A_131] {strides = array<i32>} : memref<2x1280x64xbf16, #tpu.memory_space<vmem>>, vector<1x1x32xbf16>,
        %get3A_133 = vector.shape_cast %get3A_132 : vector<1x1x32xbf16> to vector<32xbf16>
        %max3A_134 = arith.maximumf %max3A_124, %get3A_133 : vector<32xbf16>
        %mul3A_135 = arith.constant 16 : i32
        %mul3A_136 = arith.muli %scan3A_98, %mul3A_135 : i32
        %add3A_137 = arith.constant 4 : i32
        %add3A_138 = arith.addi %mul3A_136, %add3A_137 : i32
        %get3A_139 = arith.index_cast %select_n3A_51 : i32 to index
        %get3A_140 = arith.index_cast %add3A_138 : i32 to index
        %get3A_141 = arith.constant 0 : index
        %get3A_142 = tpu.vector_load %arg6[%get3A_139, %get3A_140, %get3A_141] {strides = array<i32>} : memref<2x1280x64xbf16, #tpu.memory_space<vmem>>, vector<1x1x32xbf16>,
        %get3A_143 = vector.shape_cast %get3A_142 : vector<1x1x32xbf16> to vector<32xbf16>
        %max3A_144 = arith.maximumf %max3A_134, %get3A_143 : vector<32xbf16>
        %mul3A_145 = arith.constant 16 : i32
        %mul3A_146 = arith.muli %scan3A_98, %mul3A_145 : i32
        %add3A_147 = arith.constant 5 : i32
        %add3A_148 = arith.addi %mul3A_146, %add3A_147 : i32
        %get3A_149 = arith.index_cast %select_n3A_51 : i32 to index
        %get3A_150 = arith.index_cast %add3A_148 : i32 to index
        %get3A_151 = arith.constant 0 : index
        %get3A_152 = tpu.vector_load %arg6[%get3A_149, %get3A_150, %get3A_151] {strides = array<i32>} : memref<2x1280x64xbf16, #tpu.memory_space<vmem>>, vector<1x1x32xbf16>,
        %get3A_153 = vector.shape_cast %get3A_152 : vector<1x1x32xbf16> to vector<32xbf16>
        %max3A_154 = arith.maximumf %max3A_144, %get3A_153 : vector<32xbf16>
        %mul3A_155 = arith.constant 16 : i32
        %mul3A_156 = arith.muli %scan3A_98, %mul3A_155 : i32
        %add3A_157 = arith.constant 6 : i32
        %add3A_158 = arith.addi %mul3A_156, %add3A_157 : i32
        %get3A_159 = arith.index_cast %select_n3A_51 : i32 to index
        %get3A_160 = arith.index_cast %add3A_158 : i32 to index
        %get3A_161 = arith.constant 0 : index
        %get3A_162 = tpu.vector_load %arg6[%get3A_159, %get3A_160, %get3A_161] {strides = array<i32>} : memref<2x1280x64xbf16, #tpu.memory_space<vmem>>, vector<1x1x32xbf16>,
        %get3A_163 = vector.shape_cast %get3A_162 : vector<1x1x32xbf16> to vector<32xbf16>
        %max3A_164 = arith.maximumf %max3A_154, %get3A_163 : vector<32xbf16>
        %mul3A_165 = arith.constant 16 : i32
        %mul3A_166 = arith.muli %scan3A_98, %mul3A_165 : i32
        %add3A_167 = arith.constant 7 : i32
        %add3A_168 = arith.addi %mul3A_166, %add3A_167 : i32
        %get3A_169 = arith.index_cast %select_n3A_51 : i32 to index
        %get3A_170 = arith.index_cast %add3A_168 : i32 to index
        %get3A_171 = arith.constant 0 : index
        %get3A_172 = tpu.vector_load %arg6[%get3A_169, %get3A_170, %get3A_171] {strides = array<i32>} : memref<2x1280x64xbf16, #tpu.memory_space<vmem>>, vector<1x1x32xbf16>,
        %get3A_173 = vector.shape_cast %get3A_172 : vector<1x1x32xbf16> to vector<32xbf16>
        %max3A_174 = arith.maximumf %max3A_164, %get3A_173 : vector<32xbf16>
        %mul3A_175 = arith.constant 16 : i32
        %mul3A_176 = arith.muli %scan3A_98, %mul3A_175 : i32
        %add3A_177 = arith.constant 8 : i32
        %add3A_178 = arith.addi %mul3A_176, %add3A_177 : i32
        %get3A_179 = arith.index_cast %select_n3A_51 : i32 to index
        %get3A_180 = arith.index_cast %add3A_178 : i32 to index
        %get3A_181 = arith.constant 0 : index
        %get3A_182 = tpu.vector_load %arg6[%get3A_179, %get3A_180, %get3A_181] {strides = array<i32>} : memref<2x1280x64xbf16, #tpu.memory_space<vmem>>, vector<1x1x32xbf16>,
        %get3A_183 = vector.shape_cast %get3A_182 : vector<1x1x32xbf16> to vector<32xbf16>
        %max3A_184 = arith.maximumf %max3A_174, %get3A_183 : vector<32xbf16>
        %mul3A_185 = arith.constant 16 : i32
        %mul3A_186 = arith.muli %scan3A_98, %mul3A_185 : i32
        %add3A_187 = arith.constant 9 : i32
        %add3A_188 = arith.addi %mul3A_186, %add3A_187 : i32
        %get3A_189 = arith.index_cast %select_n3A_51 : i32 to index
        %get3A_190 = arith.index_cast %add3A_188 : i32 to index
        %get3A_191 = arith.constant 0 : index
        %get3A_192 = tpu.vector_load %arg6[%get3A_189, %get3A_190, %get3A_191] {strides = array<i32>} : memref<2x1280x64xbf16, #tpu.memory_space<vmem>>, vector<1x1x32xbf16>,
        %get3A_193 = vector.shape_cast %get3A_192 : vector<1x1x32xbf16> to vector<32xbf16>
        %max3A_194 = arith.maximumf %max3A_184, %get3A_193 : vector<32xbf16>
        %mul3A_195 = arith.constant 16 : i32
        %mul3A_196 = arith.muli %scan3A_98, %mul3A_195 : i32
        %add3A_197 = arith.constant 10 : i32
        %add3A_198 = arith.addi %mul3A_196, %add3A_197 : i32
        %get3A_199 = arith.index_cast %select_n3A_51 : i32 to index
        %get3A_200 = arith.index_cast %add3A_198 : i32 to index
        %get3A_201 = arith.constant 0 : index
        %get3A_202 = tpu.vector_load %arg6[%get3A_199, %get3A_200, %get3A_201] {strides = array<i32>} : memref<2x1280x64xbf16, #tpu.memory_space<vmem>>, vector<1x1x32xbf16>,
        %get3A_203 = vector.shape_cast %get3A_202 : vector<1x1x32xbf16> to vector<32xbf16>
        %max3A_204 = arith.maximumf %max3A_194, %get3A_203 : vector<32xbf16>
        %mul3A_205 = arith.constant 16 : i32
        %mul3A_206 = arith.muli %scan3A_98, %mul3A_205 : i32
        %add3A_207 = arith.constant 11 : i32
        %add3A_208 = arith.addi %mul3A_206, %add3A_207 : i32
        %get3A_209 = arith.index_cast %select_n3A_51 : i32 to index
        %get3A_210 = arith.index_cast %add3A_208 : i32 to index
        %get3A_211 = arith.constant 0 : index
        %get3A_212 = tpu.vector_load %arg6[%get3A_209, %get3A_210, %get3A_211] {strides = array<i32>} : memref<2x1280x64xbf16, #tpu.memory_space<vmem>>, vector<1x1x32xbf16>,
        %get3A_213 = vector.shape_cast %get3A_212 : vector<1x1x32xbf16> to vector<32xbf16>
        %max3A_214 = arith.maximumf %max3A_204, %get3A_213 : vector<32xbf16>
        %mul3A_215 = arith.constant 16 : i32
        %mul3A_216 = arith.muli %scan3A_98, %mul3A_215 : i32
        %add3A_217 = arith.constant 12 : i32
        %add3A_218 = arith.addi %mul3A_216, %add3A_217 : i32
        %get3A_219 = arith.index_cast %select_n3A_51 : i32 to index
        %get3A_220 = arith.index_cast %add3A_218 : i32 to index
        %get3A_221 = arith.constant 0 : index
        %get3A_222 = tpu.vector_load %arg6[%get3A_219, %get3A_220, %get3A_221] {strides = array<i32>} : memref<2x1280x64xbf16, #tpu.memory_space<vmem>>, vector<1x1x32xbf16>,
        %get3A_223 = vector.shape_cast %get3A_222 : vector<1x1x32xbf16> to vector<32xbf16>
        %max3A_224 = arith.maximumf %max3A_214, %get3A_223 : vector<32xbf16>
        %mul3A_225 = arith.constant 16 : i32
        %mul3A_226 = arith.muli %scan3A_98, %mul3A_225 : i32
        %add3A_227 = arith.constant 13 : i32
        %add3A_228 = arith.addi %mul3A_226, %add3A_227 : i32
        %get3A_229 = arith.index_cast %select_n3A_51 : i32 to index
        %get3A_230 = arith.index_cast %add3A_228 : i32 to index
        %get3A_231 = arith.constant 0 : index
        %get3A_232 = tpu.vector_load %arg6[%get3A_229, %get3A_230, %get3A_231] {strides = array<i32>} : memref<2x1280x64xbf16, #tpu.memory_space<vmem>>, vector<1x1x32xbf16>,
        %get3A_233 = vector.shape_cast %get3A_232 : vector<1x1x32xbf16> to vector<32xbf16>
        %max3A_234 = arith.maximumf %max3A_224, %get3A_233 : vector<32xbf16>
        %mul3A_235 = arith.constant 16 : i32
        %mul3A_236 = arith.muli %scan3A_98, %mul3A_235 : i32
        %add3A_237 = arith.constant 14 : i32
        %add3A_238 = arith.addi %mul3A_236, %add3A_237 : i32
        %get3A_239 = arith.index_cast %select_n3A_51 : i32 to index
        %get3A_240 = arith.index_cast %add3A_238 : i32 to index
        %get3A_241 = arith.constant 0 : index
        %get3A_242 = tpu.vector_load %arg6[%get3A_239, %get3A_240, %get3A_241] {strides = array<i32>} : memref<2x1280x64xbf16, #tpu.memory_space<vmem>>, vector<1x1x32xbf16>,
        %get3A_243 = vector.shape_cast %get3A_242 : vector<1x1x32xbf16> to vector<32xbf16>
        %max3A_244 = arith.maximumf %max3A_234, %get3A_243 : vector<32xbf16>
        %mul3A_245 = arith.constant 16 : i32
        %mul3A_246 = arith.muli %scan3A_98, %mul3A_245 : i32
        %add3A_247 = arith.constant 15 : i32
        %add3A_248 = arith.addi %mul3A_246, %add3A_247 : i32
        %get3A_249 = arith.index_cast %select_n3A_51 : i32 to index
        %get3A_250 = arith.index_cast %add3A_248 : i32 to index
        %get3A_251 = arith.constant 0 : index
        %get3A_252 = tpu.vector_load %arg6[%get3A_249, %get3A_250, %get3A_251] {strides = array<i32>} : memref<2x1280x64xbf16, #tpu.memory_space<vmem>>, vector<1x1x32xbf16>,
        %get3A_253 = vector.shape_cast %get3A_252 : vector<1x1x32xbf16> to vector<32xbf16>
        %max3A_254 = arith.maximumf %max3A_244, %get3A_253 : vector<32xbf16>
        %swap3A = arith.index_cast %select_n3A_51 : i32 to index
        %swap3A_255 = arith.index_cast %scan3A_98 : i32 to index
        %swap3A_256 = arith.constant 0 : index
        %swap3A_257 = tpu.vector_load %arg7[%swap3A, %swap3A_255, %swap3A_256] {strides = array<i32>} : memref<2x80x64xbf16, #tpu.memory_space<vmem>>, vector<1x1x32xbf16>,
        %swap3A_258 = vector.shape_cast %swap3A_257 : vector<1x1x32xbf16> to vector<32xbf16>
        %swap3A_259 = vector.shape_cast %max3A_254 : vector<32xbf16> to vector<1x1x32xbf16>
        tpu.vector_store %arg7[%swap3A, %swap3A_255, %swap3A_256], %swap3A_259 {strides = array<i32>} : memref<2x80x64xbf16, #tpu.memory_space<vmem>>, vector<1x1x32xbf16>,
        %mul3A_260 = arith.constant 16 : i32
        %mul3A_261 = arith.muli %scan3A_98, %mul3A_260 : i32
        %get3A_262 = arith.index_cast %select_n3A_51 : i32 to index
        %get3A_263 = arith.index_cast %mul3A_261 : i32 to index
        %get3A_264 = arith.constant 32 : index
        %get3A_265 = tpu.vector_load %arg6[%get3A_262, %get3A_263, %get3A_264] {strides = array<i32>} : memref<2x1280x64xbf16, #tpu.memory_space<vmem>>, vector<1x1x32xbf16>,
        %get3A_266 = vector.shape_cast %get3A_265 : vector<1x1x32xbf16> to vector<32xbf16>
        %mul3A_267 = arith.constant 16 : i32
        %mul3A_268 = arith.muli %scan3A_98, %mul3A_267 : i32
        %add3A_269 = arith.constant 1 : i32
        %add3A_270 = arith.addi %mul3A_268, %add3A_269 : i32
        %get3A_271 = arith.index_cast %select_n3A_51 : i32 to index
        %get3A_272 = arith.index_cast %add3A_270 : i32 to index
        %get3A_273 = arith.constant 32 : index
        %get3A_274 = tpu.vector_load %arg6[%get3A_271, %get3A_272, %get3A_273] {strides = array<i32>} : memref<2x1280x64xbf16, #tpu.memory_space<vmem>>, vector<1x1x32xbf16>,
        %get3A_275 = vector.shape_cast %get3A_274 : vector<1x1x32xbf16> to vector<32xbf16>
        %max3A_276 = arith.maximumf %get3A_266, %get3A_275 : vector<32xbf16>
        %mul3A_277 = arith.constant 16 : i32
        %mul3A_278 = arith.muli %scan3A_98, %mul3A_277 : i32
        %add3A_279 = arith.constant 2 : i32
        %add3A_280 = arith.addi %mul3A_278, %add3A_279 : i32
        %get3A_281 = arith.index_cast %select_n3A_51 : i32 to index
        %get3A_282 = arith.index_cast %add3A_280 : i32 to index
        %get3A_283 = arith.constant 32 : index
        %get3A_284 = tpu.vector_load %arg6[%get3A_281, %get3A_282, %get3A_283] {strides = array<i32>} : memref<2x1280x64xbf16, #tpu.memory_space<vmem>>, vector<1x1x32xbf16>,
        %get3A_285 = vector.shape_cast %get3A_284 : vector<1x1x32xbf16> to vector<32xbf16>
        %max3A_286 = arith.maximumf %max3A_276, %get3A_285 : vector<32xbf16>
        %mul3A_287 = arith.constant 16 : i32
        %mul3A_288 = arith.muli %scan3A_98, %mul3A_287 : i32
        %add3A_289 = arith.constant 3 : i32
        %add3A_290 = arith.addi %mul3A_288, %add3A_289 : i32
        %get3A_291 = arith.index_cast %select_n3A_51 : i32 to index
        %get3A_292 = arith.index_cast %add3A_290 : i32 to index
        %get3A_293 = arith.constant 32 : index
        %get3A_294 = tpu.vector_load %arg6[%get3A_291, %get3A_292, %get3A_293] {strides = array<i32>} : memref<2x1280x64xbf16, #tpu.memory_space<vmem>>, vector<1x1x32xbf16>,
        %get3A_295 = vector.shape_cast %get3A_294 : vector<1x1x32xbf16> to vector<32xbf16>
        %max3A_296 = arith.maximumf %max3A_286, %get3A_295 : vector<32xbf16>
        %mul3A_297 = arith.constant 16 : i32
        %mul3A_298 = arith.muli %scan3A_98, %mul3A_297 : i32
        %add3A_299 = arith.constant 4 : i32
        %add3A_300 = arith.addi %mul3A_298, %add3A_299 : i32
        %get3A_301 = arith.index_cast %select_n3A_51 : i32 to index
        %get3A_302 = arith.index_cast %add3A_300 : i32 to index
        %get3A_303 = arith.constant 32 : index
        %get3A_304 = tpu.vector_load %arg6[%get3A_301, %get3A_302, %get3A_303] {strides = array<i32>} : memref<2x1280x64xbf16, #tpu.memory_space<vmem>>, vector<1x1x32xbf16>,
        %get3A_305 = vector.shape_cast %get3A_304 : vector<1x1x32xbf16> to vector<32xbf16>
        %max3A_306 = arith.maximumf %max3A_296, %get3A_305 : vector<32xbf16>
        %mul3A_307 = arith.constant 16 : i32
        %mul3A_308 = arith.muli %scan3A_98, %mul3A_307 : i32
        %add3A_309 = arith.constant 5 : i32
        %add3A_310 = arith.addi %mul3A_308, %add3A_309 : i32
        %get3A_311 = arith.index_cast %select_n3A_51 : i32 to index
        %get3A_312 = arith.index_cast %add3A_310 : i32 to index
        %get3A_313 = arith.constant 32 : index
        %get3A_314 = tpu.vector_load %arg6[%get3A_311, %get3A_312, %get3A_313] {strides = array<i32>} : memref<2x1280x64xbf16, #tpu.memory_space<vmem>>, vector<1x1x32xbf16>,
        %get3A_315 = vector.shape_cast %get3A_314 : vector<1x1x32xbf16> to vector<32xbf16>
        %max3A_316 = arith.maximumf %max3A_306, %get3A_315 : vector<32xbf16>
        %mul3A_317 = arith.constant 16 : i32
        %mul3A_318 = arith.muli %scan3A_98, %mul3A_317 : i32
        %add3A_319 = arith.constant 6 : i32
        %add3A_320 = arith.addi %mul3A_318, %add3A_319 : i32
        %get3A_321 = arith.index_cast %select_n3A_51 : i32 to index
        %get3A_322 = arith.index_cast %add3A_320 : i32 to index
        %get3A_323 = arith.constant 32 : index
        %get3A_324 = tpu.vector_load %arg6[%get3A_321, %get3A_322, %get3A_323] {strides = array<i32>} : memref<2x1280x64xbf16, #tpu.memory_space<vmem>>, vector<1x1x32xbf16>,
        %get3A_325 = vector.shape_cast %get3A_324 : vector<1x1x32xbf16> to vector<32xbf16>
        %max3A_326 = arith.maximumf %max3A_316, %get3A_325 : vector<32xbf16>
        %mul3A_327 = arith.constant 16 : i32
        %mul3A_328 = arith.muli %scan3A_98, %mul3A_327 : i32
        %add3A_329 = arith.constant 7 : i32
        %add3A_330 = arith.addi %mul3A_328, %add3A_329 : i32
        %get3A_331 = arith.index_cast %select_n3A_51 : i32 to index
        %get3A_332 = arith.index_cast %add3A_330 : i32 to index
        %get3A_333 = arith.constant 32 : index
        %get3A_334 = tpu.vector_load %arg6[%get3A_331, %get3A_332, %get3A_333] {strides = array<i32>} : memref<2x1280x64xbf16, #tpu.memory_space<vmem>>, vector<1x1x32xbf16>,
        %get3A_335 = vector.shape_cast %get3A_334 : vector<1x1x32xbf16> to vector<32xbf16>
        %max3A_336 = arith.maximumf %max3A_326, %get3A_335 : vector<32xbf16>
        %mul3A_337 = arith.constant 16 : i32
        %mul3A_338 = arith.muli %scan3A_98, %mul3A_337 : i32
        %add3A_339 = arith.constant 8 : i32
        %add3A_340 = arith.addi %mul3A_338, %add3A_339 : i32
        %get3A_341 = arith.index_cast %select_n3A_51 : i32 to index
        %get3A_342 = arith.index_cast %add3A_340 : i32 to index
        %get3A_343 = arith.constant 32 : index
        %get3A_344 = tpu.vector_load %arg6[%get3A_341, %get3A_342, %get3A_343] {strides = array<i32>} : memref<2x1280x64xbf16, #tpu.memory_space<vmem>>, vector<1x1x32xbf16>,
        %get3A_345 = vector.shape_cast %get3A_344 : vector<1x1x32xbf16> to vector<32xbf16>
        %max3A_346 = arith.maximumf %max3A_336, %get3A_345 : vector<32xbf16>
        %mul3A_347 = arith.constant 16 : i32
        %mul3A_348 = arith.muli %scan3A_98, %mul3A_347 : i32
        %add3A_349 = arith.constant 9 : i32
        %add3A_350 = arith.addi %mul3A_348, %add3A_349 : i32
        %get3A_351 = arith.index_cast %select_n3A_51 : i32 to index
        %get3A_352 = arith.index_cast %add3A_350 : i32 to index
        %get3A_353 = arith.constant 32 : index
        %get3A_354 = tpu.vector_load %arg6[%get3A_351, %get3A_352, %get3A_353] {strides = array<i32>} : memref<2x1280x64xbf16, #tpu.memory_space<vmem>>, vector<1x1x32xbf16>,
        %get3A_355 = vector.shape_cast %get3A_354 : vector<1x1x32xbf16> to vector<32xbf16>
        %max3A_356 = arith.maximumf %max3A_346, %get3A_355 : vector<32xbf16>
        %mul3A_357 = arith.constant 16 : i32
        %mul3A_358 = arith.muli %scan3A_98, %mul3A_357 : i32
        %add3A_359 = arith.constant 10 : i32
        %add3A_360 = arith.addi %mul3A_358, %add3A_359 : i32
        %get3A_361 = arith.index_cast %select_n3A_51 : i32 to index
        %get3A_362 = arith.index_cast %add3A_360 : i32 to index
        %get3A_363 = arith.constant 32 : index
        %get3A_364 = tpu.vector_load %arg6[%get3A_361, %get3A_362, %get3A_363] {strides = array<i32>} : memref<2x1280x64xbf16, #tpu.memory_space<vmem>>, vector<1x1x32xbf16>,
        %get3A_365 = vector.shape_cast %get3A_364 : vector<1x1x32xbf16> to vector<32xbf16>
        %max3A_366 = arith.maximumf %max3A_356, %get3A_365 : vector<32xbf16>
        %mul3A_367 = arith.constant 16 : i32
        %mul3A_368 = arith.muli %scan3A_98, %mul3A_367 : i32
        %add3A_369 = arith.constant 11 : i32
        %add3A_370 = arith.addi %mul3A_368, %add3A_369 : i32
        %get3A_371 = arith.index_cast %select_n3A_51 : i32 to index
        %get3A_372 = arith.index_cast %add3A_370 : i32 to index
        %get3A_373 = arith.constant 32 : index
        %get3A_374 = tpu.vector_load %arg6[%get3A_371, %get3A_372, %get3A_373] {strides = array<i32>} : memref<2x1280x64xbf16, #tpu.memory_space<vmem>>, vector<1x1x32xbf16>,
        %get3A_375 = vector.shape_cast %get3A_374 : vector<1x1x32xbf16> to vector<32xbf16>
        %max3A_376 = arith.maximumf %max3A_366, %get3A_375 : vector<32xbf16>
        %mul3A_377 = arith.constant 16 : i32
        %mul3A_378 = arith.muli %scan3A_98, %mul3A_377 : i32
        %add3A_379 = arith.constant 12 : i32
        %add3A_380 = arith.addi %mul3A_378, %add3A_379 : i32
        %get3A_381 = arith.index_cast %select_n3A_51 : i32 to index
        %get3A_382 = arith.index_cast %add3A_380 : i32 to index
        %get3A_383 = arith.constant 32 : index
        %get3A_384 = tpu.vector_load %arg6[%get3A_381, %get3A_382, %get3A_383] {strides = array<i32>} : memref<2x1280x64xbf16, #tpu.memory_space<vmem>>, vector<1x1x32xbf16>,
        %get3A_385 = vector.shape_cast %get3A_384 : vector<1x1x32xbf16> to vector<32xbf16>
        %max3A_386 = arith.maximumf %max3A_376, %get3A_385 : vector<32xbf16>
        %mul3A_387 = arith.constant 16 : i32
        %mul3A_388 = arith.muli %scan3A_98, %mul3A_387 : i32
        %add3A_389 = arith.constant 13 : i32
        %add3A_390 = arith.addi %mul3A_388, %add3A_389 : i32
        %get3A_391 = arith.index_cast %select_n3A_51 : i32 to index
        %get3A_392 = arith.index_cast %add3A_390 : i32 to index
        %get3A_393 = arith.constant 32 : index
        %get3A_394 = tpu.vector_load %arg6[%get3A_391, %get3A_392, %get3A_393] {strides = array<i32>} : memref<2x1280x64xbf16, #tpu.memory_space<vmem>>, vector<1x1x32xbf16>,
        %get3A_395 = vector.shape_cast %get3A_394 : vector<1x1x32xbf16> to vector<32xbf16>
        %max3A_396 = arith.maximumf %max3A_386, %get3A_395 : vector<32xbf16>
        %mul3A_397 = arith.constant 16 : i32
        %mul3A_398 = arith.muli %scan3A_98, %mul3A_397 : i32
        %add3A_399 = arith.constant 14 : i32
        %add3A_400 = arith.addi %mul3A_398, %add3A_399 : i32
        %get3A_401 = arith.index_cast %select_n3A_51 : i32 to index
        %get3A_402 = arith.index_cast %add3A_400 : i32 to index
        %get3A_403 = arith.constant 32 : index
        %get3A_404 = tpu.vector_load %arg6[%get3A_401, %get3A_402, %get3A_403] {strides = array<i32>} : memref<2x1280x64xbf16, #tpu.memory_space<vmem>>, vector<1x1x32xbf16>,
        %get3A_405 = vector.shape_cast %get3A_404 : vector<1x1x32xbf16> to vector<32xbf16>
        %max3A_406 = arith.maximumf %max3A_396, %get3A_405 : vector<32xbf16>
        %mul3A_407 = arith.constant 16 : i32
        %mul3A_408 = arith.muli %scan3A_98, %mul3A_407 : i32
        %add3A_409 = arith.constant 15 : i32
        %add3A_410 = arith.addi %mul3A_408, %add3A_409 : i32
        %get3A_411 = arith.index_cast %select_n3A_51 : i32 to index
        %get3A_412 = arith.index_cast %add3A_410 : i32 to index
        %get3A_413 = arith.constant 32 : index
        %get3A_414 = tpu.vector_load %arg6[%get3A_411, %get3A_412, %get3A_413] {strides = array<i32>} : memref<2x1280x64xbf16, #tpu.memory_space<vmem>>, vector<1x1x32xbf16>,
        %get3A_415 = vector.shape_cast %get3A_414 : vector<1x1x32xbf16> to vector<32xbf16>
        %max3A_416 = arith.maximumf %max3A_406, %get3A_415 : vector<32xbf16>
        %swap3A_417 = arith.index_cast %select_n3A_51 : i32 to index
        %swap3A_418 = arith.index_cast %scan3A_98 : i32 to index
        %swap3A_419 = arith.constant 32 : index
        %swap3A_420 = tpu.vector_load %arg7[%swap3A_417, %swap3A_418, %swap3A_419] {strides = array<i32>} : memref<2x80x64xbf16, #tpu.memory_space<vmem>>, vector<1x1x32xbf16>,
        %swap3A_421 = vector.shape_cast %swap3A_420 : vector<1x1x32xbf16> to vector<32xbf16>
        %swap3A_422 = vector.shape_cast %max3A_416 : vector<32xbf16> to vector<1x1x32xbf16>
        tpu.vector_store %arg7[%swap3A_417, %swap3A_418, %swap3A_419], %swap3A_422 {strides = array<i32>} : memref<2x80x64xbf16, #tpu.memory_space<vmem>>, vector<1x1x32xbf16>,
        %scan3A_423 = arith.constant 0 : i32
        scf.yield %scan3A_423 : i32
      }
      %scan3A_83 = arith.constant 80 : i32
      %mul3A_84 = arith.constant 80 : i32
      %mul3A_85 = arith.muli %add3A_39, %mul3A_84 : i32
      %add3A_86 = arith.addi %select_n3A, %mul3A_85 : i32
      %dma_start3A = arith.constant 0 : i32
      %dma_start3A_87 = arith.constant 0 : i32
      %dma_start3A_88 = tpu.memref_slice %arg7[%select_n3A_51, %dma_start3A, %dma_start3A_87] : memref<2x80x64xbf16, #tpu.memory_space<vmem>> -> memref<1x80x64xbf16, #tpu.memory_space<vmem>>
      %dma_start3A_89 = tpu.memref_squeeze %dma_start3A_88 : memref<1x80x64xbf16, #tpu.memory_space<vmem>> -> memref<80x64xbf16, #tpu.memory_space<vmem>>
      %dma_start3A_90 = arith.constant 0 : i32
      %dma_start3A_91 = tpu.memref_slice %arg4[%add3A_86, %dma_start3A_90] : memref<51200x64xbf16, #tpu.memory_space<hbm>> -> memref<80x64xbf16, #tpu.memory_space<hbm>>
      %dma_start3A_92 = arith.constant 0 : i32
      %dma_start3A_93 = tpu.memref_slice %arg4[%add3A_86, %dma_start3A_92] : memref<51200x64xbf16, #tpu.memory_space<hbm>> -> memref<80x64xbf16, #tpu.memory_space<hbm>>
      %dma_start3A_94 = arith.constant 0 : i32
      %dma_start3A_95 = arith.constant 0 : i32
      %dma_start3A_96 = tpu.memref_slice %arg7[%select_n3A_51, %dma_start3A_94, %dma_start3A_95] : memref<2x80x64xbf16, #tpu.memory_space<vmem>> -> memref<1x80x64xbf16, #tpu.memory_space<vmem>>
      %dma_start3A_97 = tpu.memref_squeeze %dma_start3A_96 : memref<1x80x64xbf16, #tpu.memory_space<vmem>> -> memref<80x64xbf16, #tpu.memory_space<vmem>>
      tpu.enqueue_dma source(%dma_start3A_97 : memref<80x64xbf16, #tpu.memory_space<vmem>>) target(%dma_start3A_93 : memref<80x64xbf16, #tpu.memory_space<hbm>>) target_semaphore(%arg10 : memref<!tpu.dma_semaphore, #tpu.memory_space<semaphore_mem>>)
    }
    %while3A_31 = arith.constant 1 : i32
    scf.for %while3A_37 = %while3A_29 to %while3A_25 step %while3A_31  : i32 {
      %mul3A_38 = arith.muli %while3A_37, %while3A : i32
      %add3A_39 = arith.addi %while3A_22, %mul3A_38 : i32
      %jit3A_40 = arith.constant 2 : i32
      %eq3A_41 = arith.constant 0 : i32
      %eq3A_42 = arith.cmpi eq, %jit3A_40, %eq3A_41 : i32
      %jit3A_43 = arith.constant 1 : i32
      %select_n3A_44 = arith.select %eq3A_42, %jit3A_43, %jit3A_40 : i32
      %rem3A = arith.remsi %add3A_39, %select_n3A_44 : i32
      %ne3A = arith.constant 0 : i32
      %ne3A_45 = arith.cmpi ne, %rem3A, %ne3A : i32
      %lt3A = arith.constant 0 : i32
      %lt3A_46 = arith.cmpi slt, %rem3A, %lt3A : i32
      %lt3A_47 = arith.constant 0 : i32
      %lt3A_48 = arith.cmpi slt, %select_n3A_44, %lt3A_47 : i32
      %ne3A_49 = arith.xori %lt3A_46, %lt3A_48 : i1
      %and3A = arith.andi %ne3A_49, %ne3A_45 : i1
      %add3A_50 = arith.addi %rem3A, %select_n3A_44 : i32
      %select_n3A_51 = arith.select %and3A, %add3A_50, %rem3A : i32
      %dma_wait3A = arith.constant 0 : i32
      %dma_wait3A_52 = arith.constant 0 : i32
      %dma_wait3A_53 = tpu.memref_slice %arg6[%select_n3A_51, %dma_wait3A, %dma_wait3A_52] : memref<2x1280x64xbf16, #tpu.memory_space<vmem>> -> memref<1x1280x64xbf16, #tpu.memory_space<vmem>>
      %dma_wait3A_54 = tpu.memref_squeeze %dma_wait3A_53 : memref<1x1280x64xbf16, #tpu.memory_space<vmem>> -> memref<1280x64xbf16, #tpu.memory_space<vmem>>
      %dma_wait3A_55 = arith.constant 0 : i32
      %dma_wait3A_56 = tpu.memref_slice %arg5[%select_n3A_51, %dma_wait3A_55] : memref<2x1280xi32, #tpu.memory_space<vmem>> -> memref<1x1280xi32, #tpu.memory_space<vmem>>
      %dma_wait3A_57 = tpu.memref_squeeze %dma_wait3A_56 : memref<1x1280xi32, #tpu.memory_space<vmem>> -> memref<1280xi32, #tpu.memory_space<vmem>>
      %dma_wait3A_58 = arith.constant 0 : i32
      %dma_wait3A_59 = arith.constant 0 : i32
      %dma_wait3A_60 = tpu.memref_slice %arg3[%dma_wait3A_58, %dma_wait3A_59] : memref<51200x64xbf16, #tpu.memory_space<hbm>> -> memref<51200x64xbf16, #tpu.memory_space<hbm>>
      tpu.wait_indirect_dma semaphore(%arg8 : memref<!tpu.dma_semaphore, #tpu.memory_space<semaphore_mem>>) src(%dma_wait3A_60 : memref<51200x64xbf16, #tpu.memory_space<hbm>>) dst(%dma_wait3A_54 : memref<1280x64xbf16, #tpu.memory_space<vmem>>)
      %add3A_61 = arith.constant 1 : i32
      %add3A_62 = arith.addi %add3A_39, %add3A_61 : i32
      %lt3A_63 = arith.cmpi slt, %add3A_62, %select_n3A_8 : i32
      %convert_element_type3A_64 = arith.extui %lt3A_63 : i1 to i32
      %cond3A_65 = arith.constant 0 : i32
      %cond3A_66 = arith.cmpi ne, %convert_element_type3A_64, %cond3A_65 : i32
      scf.if %cond3A_66 {
        %add3A_98 = arith.constant 1 : i32
        %add3A_99 = arith.addi %add3A_39, %add3A_98 : i32
        %mul3A_100 = arith.constant 80 : i32
        %mul3A_101 = arith.muli %add3A_99, %mul3A_100 : i32
        %add3A_102 = arith.addi %select_n3A, %mul3A_101 : i32
        %mul3A_103 = arith.constant 16 : i32
        %mul3A_104 = arith.muli %add3A_102, %mul3A_103 : i32
        %sub3A_105 = arith.constant 1 : i32
        %sub3A_106 = arith.subi %sub3A_105, %select_n3A_51 : i32
        %dma_wait3A_107 = arith.constant 0 : i32
        %dma_wait3A_108 = tpu.memref_slice %arg5[%sub3A_106, %dma_wait3A_107] : memref<2x1280xi32, #tpu.memory_space<vmem>> -> memref<1x1280xi32, #tpu.memory_space<vmem>>
        %dma_wait3A_109 = tpu.memref_squeeze %dma_wait3A_108 : memref<1x1280xi32, #tpu.memory_space<vmem>> -> memref<1280xi32, #tpu.memory_space<vmem>>
        %dma_wait3A_110 = tpu.memref_slice %arg2[%mul3A_104] : memref<819200xi32, #tpu.memory_space<hbm>> -> memref<1280xi32, #tpu.memory_space<hbm>>
        %dma_wait3A_111 = arith.constant 0 : i32
        %dma_wait3A_112 = tpu.memref_slice %arg5[%sub3A_106, %dma_wait3A_111] : memref<2x1280xi32, #tpu.memory_space<vmem>> -> memref<1x1280xi32, #tpu.memory_space<vmem>>
        %dma_wait3A_113 = tpu.memref_squeeze %dma_wait3A_112 : memref<1x1280xi32, #tpu.memory_space<vmem>> -> memref<1280xi32, #tpu.memory_space<vmem>>
        %dma_wait3A_114 = tpu.memref_slice %arg2[%mul3A_104] : memref<819200xi32, #tpu.memory_space<hbm>> -> memref<1280xi32, #tpu.memory_space<hbm>>
        tpu.wait_dma2 semaphore(%arg9 : memref<!tpu.dma_semaphore, #tpu.memory_space<semaphore_mem>>) src(%dma_wait3A_114 : memref<1280xi32, #tpu.memory_space<hbm>>) dst(%dma_wait3A_113 : memref<1280xi32, #tpu.memory_space<vmem>>)
        %sub3A_115 = arith.constant 1 : i32
        %sub3A_116 = arith.subi %sub3A_115, %select_n3A_51 : i32
        %sub3A_117 = arith.constant 1 : i32
        %sub3A_118 = arith.subi %sub3A_117, %select_n3A_51 : i32
        %dma_start3A_119 = arith.constant 0 : i32
        %dma_start3A_120 = arith.constant 0 : i32
        %dma_start3A_121 = tpu.memref_slice %arg6[%sub3A_118, %dma_start3A_119, %dma_start3A_120] : memref<2x1280x64xbf16, #tpu.memory_space<vmem>> -> memref<1x1280x64xbf16, #tpu.memory_space<vmem>>
        %dma_start3A_122 = tpu.memref_squeeze %dma_start3A_121 : memref<1x1280x64xbf16, #tpu.memory_space<vmem>> -> memref<1280x64xbf16, #tpu.memory_space<vmem>>
        %dma_start3A_123 = arith.constant 0 : i32
        %dma_start3A_124 = tpu.memref_slice %arg5[%sub3A_116, %dma_start3A_123] : memref<2x1280xi32, #tpu.memory_space<vmem>> -> memref<1x1280xi32, #tpu.memory_space<vmem>>
        %dma_start3A_125 = tpu.memref_squeeze %dma_start3A_124 : memref<1x1280xi32, #tpu.memory_space<vmem>> -> memref<1280xi32, #tpu.memory_space<vmem>>
        %dma_start3A_126 = arith.constant 0 : i32
        %dma_start3A_127 = arith.constant 0 : i32
        %dma_start3A_128 = tpu.memref_slice %arg3[%dma_start3A_126, %dma_start3A_127] : memref<51200x64xbf16, #tpu.memory_space<hbm>> -> memref<51200x64xbf16, #tpu.memory_space<hbm>>
        tpu.enqueue_indirect_dma source(%dma_start3A_128 : memref<51200x64xbf16, #tpu.memory_space<hbm>>) target(%dma_start3A_122 : memref<1280x64xbf16, #tpu.memory_space<vmem>>) offsets(%dma_start3A_125 : memref<1280xi32, #tpu.memory_space<vmem>>) semaphore(%arg8 : memref<!tpu.dma_semaphore, #tpu.memory_space<semaphore_mem>>)
      } else {
      }
      %add3A_67 = arith.constant 2 : i32
      %add3A_68 = arith.addi %add3A_39, %add3A_67 : i32
      %lt3A_69 = arith.cmpi slt, %add3A_68, %select_n3A_8 : i32
      %convert_element_type3A_70 = arith.extui %lt3A_69 : i1 to i32
      %cond3A_71 = arith.constant 0 : i32
      %cond3A_72 = arith.cmpi ne, %convert_element_type3A_70, %cond3A_71 : i32
      scf.if %cond3A_72 {
        %add3A_98 = arith.constant 2 : i32
        %add3A_99 = arith.addi %add3A_39, %add3A_98 : i32
        %mul3A_100 = arith.constant 80 : i32
        %mul3A_101 = arith.muli %add3A_99, %mul3A_100 : i32
        %add3A_102 = arith.addi %select_n3A, %mul3A_101 : i32
        %mul3A_103 = arith.constant 16 : i32
        %mul3A_104 = arith.muli %add3A_102, %mul3A_103 : i32
        %dma_start3A_105 = arith.constant 0 : i32
        %dma_start3A_106 = tpu.memref_slice %arg5[%select_n3A_51, %dma_start3A_105] : memref<2x1280xi32, #tpu.memory_space<vmem>> -> memref<1x1280xi32, #tpu.memory_space<vmem>>
        %dma_start3A_107 = tpu.memref_squeeze %dma_start3A_106 : memref<1x1280xi32, #tpu.memory_space<vmem>> -> memref<1280xi32, #tpu.memory_space<vmem>>
        %dma_start3A_108 = tpu.memref_slice %arg2[%mul3A_104] : memref<819200xi32, #tpu.memory_space<hbm>> -> memref<1280xi32, #tpu.memory_space<hbm>>
        %dma_start3A_109 = arith.constant 0 : i32
        %dma_start3A_110 = tpu.memref_slice %arg5[%select_n3A_51, %dma_start3A_109] : memref<2x1280xi32, #tpu.memory_space<vmem>> -> memref<1x1280xi32, #tpu.memory_space<vmem>>
        %dma_start3A_111 = tpu.memref_squeeze %dma_start3A_110 : memref<1x1280xi32, #tpu.memory_space<vmem>> -> memref<1280xi32, #tpu.memory_space<vmem>>
        %dma_start3A_112 = tpu.memref_slice %arg2[%mul3A_104] : memref<819200xi32, #tpu.memory_space<hbm>> -> memref<1280xi32, #tpu.memory_space<hbm>>
        tpu.enqueue_dma source(%dma_start3A_112 : memref<1280xi32, #tpu.memory_space<hbm>>) target(%dma_start3A_111 : memref<1280xi32, #tpu.memory_space<vmem>>) target_semaphore(%arg9 : memref<!tpu.dma_semaphore, #tpu.memory_space<semaphore_mem>>)
      } else {
      }
      %ge3A_73 = arith.constant 1 : i32
      %ge3A_74 = arith.cmpi sge, %add3A_39, %ge3A_73 : i32
      %convert_element_type3A_75 = arith.extui %ge3A_74 : i1 to i32
      %cond3A_76 = arith.constant 0 : i32
      %cond3A_77 = arith.cmpi ne, %convert_element_type3A_75, %cond3A_76 : i32
      scf.if %cond3A_77 {
        %sub3A_98 = arith.constant 1 : i32
        %sub3A_99 = arith.subi %sub3A_98, %select_n3A_51 : i32
        %sub3A_100 = arith.constant 1 : i32
        %sub3A_101 = arith.subi %add3A_39, %sub3A_100 : i32
        %mul3A_102 = arith.constant 80 : i32
        %mul3A_103 = arith.muli %sub3A_101, %mul3A_102 : i32
        %add3A_104 = arith.addi %select_n3A, %mul3A_103 : i32
        %dma_wait3A_105 = arith.constant 0 : i32
        %dma_wait3A_106 = arith.constant 0 : i32
        %dma_wait3A_107 = tpu.memref_slice %arg7[%sub3A_99, %dma_wait3A_105, %dma_wait3A_106] : memref<2x80x64xbf16, #tpu.memory_space<vmem>> -> memref<1x80x64xbf16, #tpu.memory_space<vmem>>
        %dma_wait3A_108 = tpu.memref_squeeze %dma_wait3A_107 : memref<1x80x64xbf16, #tpu.memory_space<vmem>> -> memref<80x64xbf16, #tpu.memory_space<vmem>>
        %dma_wait3A_109 = arith.constant 0 : i32
        %dma_wait3A_110 = tpu.memref_slice %arg4[%add3A_104, %dma_wait3A_109] : memref<51200x64xbf16, #tpu.memory_space<hbm>> -> memref<80x64xbf16, #tpu.memory_space<hbm>>
        %dma_wait3A_111 = arith.constant 0 : i32
        %dma_wait3A_112 = tpu.memref_slice %arg4[%add3A_104, %dma_wait3A_111] : memref<51200x64xbf16, #tpu.memory_space<hbm>> -> memref<80x64xbf16, #tpu.memory_space<hbm>>
        %dma_wait3A_113 = arith.constant 0 : i32
        %dma_wait3A_114 = arith.constant 0 : i32
        %dma_wait3A_115 = tpu.memref_slice %arg7[%sub3A_99, %dma_wait3A_113, %dma_wait3A_114] : memref<2x80x64xbf16, #tpu.memory_space<vmem>> -> memref<1x80x64xbf16, #tpu.memory_space<vmem>>
        %dma_wait3A_116 = tpu.memref_squeeze %dma_wait3A_115 : memref<1x80x64xbf16, #tpu.memory_space<vmem>> -> memref<80x64xbf16, #tpu.memory_space<vmem>>
        tpu.wait_dma2 semaphore(%arg10 : memref<!tpu.dma_semaphore, #tpu.memory_space<semaphore_mem>>) src(%dma_wait3A_116 : memref<80x64xbf16, #tpu.memory_space<vmem>>) dst(%dma_wait3A_112 : memref<80x64xbf16, #tpu.memory_space<hbm>>)
      } else {
      }
      %scan3A = arith.constant 0 : i32
      %scan3A_78 = arith.constant 0 : i32
      %scan3A_79 = arith.constant 80 : i32
      %scan3A_80 = arith.addi %scan3A_78, %scan3A_79 : i32
      %scan3A_81 = arith.constant 1 : i32
      %scan3A_82 = scf.for %scan3A_98 = %scan3A_78 to %scan3A_80 step %scan3A_81 iter_args(%scan3A_99 = %scan3A) -> (i32)  : i32 {
        %mul3A_100 = arith.constant 16 : i32
        %mul3A_101 = arith.muli %scan3A_98, %mul3A_100 : i32
        %get3A = arith.index_cast %select_n3A_51 : i32 to index
        %get3A_102 = arith.index_cast %mul3A_101 : i32 to index
        %get3A_103 = arith.constant 0 : index
        %get3A_104 = tpu.vector_load %arg6[%get3A, %get3A_102, %get3A_103] {strides = array<i32>} : memref<2x1280x64xbf16, #tpu.memory_space<vmem>>, vector<1x1x32xbf16>,
        %get3A_105 = vector.shape_cast %get3A_104 : vector<1x1x32xbf16> to vector<32xbf16>
        %mul3A_106 = arith.constant 16 : i32
        %mul3A_107 = arith.muli %scan3A_98, %mul3A_106 : i32
        %add3A_108 = arith.constant 1 : i32
        %add3A_109 = arith.addi %mul3A_107, %add3A_108 : i32
        %get3A_110 = arith.index_cast %select_n3A_51 : i32 to index
        %get3A_111 = arith.index_cast %add3A_109 : i32 to index
        %get3A_112 = arith.constant 0 : index
        %get3A_113 = tpu.vector_load %arg6[%get3A_110, %get3A_111, %get3A_112] {strides = array<i32>} : memref<2x1280x64xbf16, #tpu.memory_space<vmem>>, vector<1x1x32xbf16>,
        %get3A_114 = vector.shape_cast %get3A_113 : vector<1x1x32xbf16> to vector<32xbf16>
        %max3A = arith.maximumf %get3A_105, %get3A_114 : vector<32xbf16>
        %mul3A_115 = arith.constant 16 : i32
        %mul3A_116 = arith.muli %scan3A_98, %mul3A_115 : i32
        %add3A_117 = arith.constant 2 : i32
        %add3A_118 = arith.addi %mul3A_116, %add3A_117 : i32
        %get3A_119 = arith.index_cast %select_n3A_51 : i32 to index
        %get3A_120 = arith.index_cast %add3A_118 : i32 to index
        %get3A_121 = arith.constant 0 : index
        %get3A_122 = tpu.vector_load %arg6[%get3A_119, %get3A_120, %get3A_121] {strides = array<i32>} : memref<2x1280x64xbf16, #tpu.memory_space<vmem>>, vector<1x1x32xbf16>,
        %get3A_123 = vector.shape_cast %get3A_122 : vector<1x1x32xbf16> to vector<32xbf16>
        %max3A_124 = arith.maximumf %max3A, %get3A_123 : vector<32xbf16>
        %mul3A_125 = arith.constant 16 : i32
        %mul3A_126 = arith.muli %scan3A_98, %mul3A_125 : i32
        %add3A_127 = arith.constant 3 : i32
        %add3A_128 = arith.addi %mul3A_126, %add3A_127 : i32
        %get3A_129 = arith.index_cast %select_n3A_51 : i32 to index
        %get3A_130 = arith.index_cast %add3A_128 : i32 to index
        %get3A_131 = arith.constant 0 : index
        %get3A_132 = tpu.vector_load %arg6[%get3A_129, %get3A_130, %get3A_131] {strides = array<i32>} : memref<2x1280x64xbf16, #tpu.memory_space<vmem>>, vector<1x1x32xbf16>,
        %get3A_133 = vector.shape_cast %get3A_132 : vector<1x1x32xbf16> to vector<32xbf16>
        %max3A_134 = arith.maximumf %max3A_124, %get3A_133 : vector<32xbf16>
        %mul3A_135 = arith.constant 16 : i32
        %mul3A_136 = arith.muli %scan3A_98, %mul3A_135 : i32
        %add3A_137 = arith.constant 4 : i32
        %add3A_138 = arith.addi %mul3A_136, %add3A_137 : i32
        %get3A_139 = arith.index_cast %select_n3A_51 : i32 to index
        %get3A_140 = arith.index_cast %add3A_138 : i32 to index
        %get3A_141 = arith.constant 0 : index
        %get3A_142 = tpu.vector_load %arg6[%get3A_139, %get3A_140, %get3A_141] {strides = array<i32>} : memref<2x1280x64xbf16, #tpu.memory_space<vmem>>, vector<1x1x32xbf16>,
        %get3A_143 = vector.shape_cast %get3A_142 : vector<1x1x32xbf16> to vector<32xbf16>
        %max3A_144 = arith.maximumf %max3A_134, %get3A_143 : vector<32xbf16>
        %mul3A_145 = arith.constant 16 : i32
        %mul3A_146 = arith.muli %scan3A_98, %mul3A_145 : i32
        %add3A_147 = arith.constant 5 : i32
        %add3A_148 = arith.addi %mul3A_146, %add3A_147 : i32
        %get3A_149 = arith.index_cast %select_n3A_51 : i32 to index
        %get3A_150 = arith.index_cast %add3A_148 : i32 to index
        %get3A_151 = arith.constant 0 : index
        %get3A_152 = tpu.vector_load %arg6[%get3A_149, %get3A_150, %get3A_151] {strides = array<i32>} : memref<2x1280x64xbf16, #tpu.memory_space<vmem>>, vector<1x1x32xbf16>,
        %get3A_153 = vector.shape_cast %get3A_152 : vector<1x1x32xbf16> to vector<32xbf16>
        %max3A_154 = arith.maximumf %max3A_144, %get3A_153 : vector<32xbf16>
        %mul3A_155 = arith.constant 16 : i32
        %mul3A_156 = arith.muli %scan3A_98, %mul3A_155 : i32
        %add3A_157 = arith.constant 6 : i32
        %add3A_158 = arith.addi %mul3A_156, %add3A_157 : i32
        %get3A_159 = arith.index_cast %select_n3A_51 : i32 to index
        %get3A_160 = arith.index_cast %add3A_158 : i32 to index
        %get3A_161 = arith.constant 0 : index
        %get3A_162 = tpu.vector_load %arg6[%get3A_159, %get3A_160, %get3A_161] {strides = array<i32>} : memref<2x1280x64xbf16, #tpu.memory_space<vmem>>, vector<1x1x32xbf16>,
        %get3A_163 = vector.shape_cast %get3A_162 : vector<1x1x32xbf16> to vector<32xbf16>
        %max3A_164 = arith.maximumf %max3A_154, %get3A_163 : vector<32xbf16>
        %mul3A_165 = arith.constant 16 : i32
        %mul3A_166 = arith.muli %scan3A_98, %mul3A_165 : i32
        %add3A_167 = arith.constant 7 : i32
        %add3A_168 = arith.addi %mul3A_166, %add3A_167 : i32
        %get3A_169 = arith.index_cast %select_n3A_51 : i32 to index
        %get3A_170 = arith.index_cast %add3A_168 : i32 to index
        %get3A_171 = arith.constant 0 : index
        %get3A_172 = tpu.vector_load %arg6[%get3A_169, %get3A_170, %get3A_171] {strides = array<i32>} : memref<2x1280x64xbf16, #tpu.memory_space<vmem>>, vector<1x1x32xbf16>,
        %get3A_173 = vector.shape_cast %get3A_172 : vector<1x1x32xbf16> to vector<32xbf16>
        %max3A_174 = arith.maximumf %max3A_164, %get3A_173 : vector<32xbf16>
        %mul3A_175 = arith.constant 16 : i32
        %mul3A_176 = arith.muli %scan3A_98, %mul3A_175 : i32
        %add3A_177 = arith.constant 8 : i32
        %add3A_178 = arith.addi %mul3A_176, %add3A_177 : i32
        %get3A_179 = arith.index_cast %select_n3A_51 : i32 to index
        %get3A_180 = arith.index_cast %add3A_178 : i32 to index
        %get3A_181 = arith.constant 0 : index
        %get3A_182 = tpu.vector_load %arg6[%get3A_179, %get3A_180, %get3A_181] {strides = array<i32>} : memref<2x1280x64xbf16, #tpu.memory_space<vmem>>, vector<1x1x32xbf16>,
        %get3A_183 = vector.shape_cast %get3A_182 : vector<1x1x32xbf16> to vector<32xbf16>
        %max3A_184 = arith.maximumf %max3A_174, %get3A_183 : vector<32xbf16>
        %mul3A_185 = arith.constant 16 : i32
        %mul3A_186 = arith.muli %scan3A_98, %mul3A_185 : i32
        %add3A_187 = arith.constant 9 : i32
        %add3A_188 = arith.addi %mul3A_186, %add3A_187 : i32
        %get3A_189 = arith.index_cast %select_n3A_51 : i32 to index
        %get3A_190 = arith.index_cast %add3A_188 : i32 to index
        %get3A_191 = arith.constant 0 : index
        %get3A_192 = tpu.vector_load %arg6[%get3A_189, %get3A_190, %get3A_191] {strides = array<i32>} : memref<2x1280x64xbf16, #tpu.memory_space<vmem>>, vector<1x1x32xbf16>,
        %get3A_193 = vector.shape_cast %get3A_192 : vector<1x1x32xbf16> to vector<32xbf16>
        %max3A_194 = arith.maximumf %max3A_184, %get3A_193 : vector<32xbf16>
        %mul3A_195 = arith.constant 16 : i32
        %mul3A_196 = arith.muli %scan3A_98, %mul3A_195 : i32
        %add3A_197 = arith.constant 10 : i32
        %add3A_198 = arith.addi %mul3A_196, %add3A_197 : i32
        %get3A_199 = arith.index_cast %select_n3A_51 : i32 to index
        %get3A_200 = arith.index_cast %add3A_198 : i32 to index
        %get3A_201 = arith.constant 0 : index
        %get3A_202 = tpu.vector_load %arg6[%get3A_199, %get3A_200, %get3A_201] {strides = array<i32>} : memref<2x1280x64xbf16, #tpu.memory_space<vmem>>, vector<1x1x32xbf16>,
        %get3A_203 = vector.shape_cast %get3A_202 : vector<1x1x32xbf16> to vector<32xbf16>
        %max3A_204 = arith.maximumf %max3A_194, %get3A_203 : vector<32xbf16>
        %mul3A_205 = arith.constant 16 : i32
        %mul3A_206 = arith.muli %scan3A_98, %mul3A_205 : i32
        %add3A_207 = arith.constant 11 : i32
        %add3A_208 = arith.addi %mul3A_206, %add3A_207 : i32
        %get3A_209 = arith.index_cast %select_n3A_51 : i32 to index
        %get3A_210 = arith.index_cast %add3A_208 : i32 to index
        %get3A_211 = arith.constant 0 : index
        %get3A_212 = tpu.vector_load %arg6[%get3A_209, %get3A_210, %get3A_211] {strides = array<i32>} : memref<2x1280x64xbf16, #tpu.memory_space<vmem>>, vector<1x1x32xbf16>,
        %get3A_213 = vector.shape_cast %get3A_212 : vector<1x1x32xbf16> to vector<32xbf16>
        %max3A_214 = arith.maximumf %max3A_204, %get3A_213 : vector<32xbf16>
        %mul3A_215 = arith.constant 16 : i32
        %mul3A_216 = arith.muli %scan3A_98, %mul3A_215 : i32
        %add3A_217 = arith.constant 12 : i32
        %add3A_218 = arith.addi %mul3A_216, %add3A_217 : i32
        %get3A_219 = arith.index_cast %select_n3A_51 : i32 to index
        %get3A_220 = arith.index_cast %add3A_218 : i32 to index
        %get3A_221 = arith.constant 0 : index
        %get3A_222 = tpu.vector_load %arg6[%get3A_219, %get3A_220, %get3A_221] {strides = array<i32>} : memref<2x1280x64xbf16, #tpu.memory_space<vmem>>, vector<1x1x32xbf16>,
        %get3A_223 = vector.shape_cast %get3A_222 : vector<1x1x32xbf16> to vector<32xbf16>
        %max3A_224 = arith.maximumf %max3A_214, %get3A_223 : vector<32xbf16>
        %mul3A_225 = arith.constant 16 : i32
        %mul3A_226 = arith.muli %scan3A_98, %mul3A_225 : i32
        %add3A_227 = arith.constant 13 : i32
        %add3A_228 = arith.addi %mul3A_226, %add3A_227 : i32
        %get3A_229 = arith.index_cast %select_n3A_51 : i32 to index
        %get3A_230 = arith.index_cast %add3A_228 : i32 to index
        %get3A_231 = arith.constant 0 : index
        %get3A_232 = tpu.vector_load %arg6[%get3A_229, %get3A_230, %get3A_231] {strides = array<i32>} : memref<2x1280x64xbf16, #tpu.memory_space<vmem>>, vector<1x1x32xbf16>,
        %get3A_233 = vector.shape_cast %get3A_232 : vector<1x1x32xbf16> to vector<32xbf16>
        %max3A_234 = arith.maximumf %max3A_224, %get3A_233 : vector<32xbf16>
        %mul3A_235 = arith.constant 16 : i32
        %mul3A_236 = arith.muli %scan3A_98, %mul3A_235 : i32
        %add3A_237 = arith.constant 14 : i32
        %add3A_238 = arith.addi %mul3A_236, %add3A_237 : i32
        %get3A_239 = arith.index_cast %select_n3A_51 : i32 to index
        %get3A_240 = arith.index_cast %add3A_238 : i32 to index
        %get3A_241 = arith.constant 0 : index
        %get3A_242 = tpu.vector_load %arg6[%get3A_239, %get3A_240, %get3A_241] {strides = array<i32>} : memref<2x1280x64xbf16, #tpu.memory_space<vmem>>, vector<1x1x32xbf16>,
        %get3A_243 = vector.shape_cast %get3A_242 : vector<1x1x32xbf16> to vector<32xbf16>
        %max3A_244 = arith.maximumf %max3A_234, %get3A_243 : vector<32xbf16>
        %mul3A_245 = arith.constant 16 : i32
        %mul3A_246 = arith.muli %scan3A_98, %mul3A_245 : i32
        %add3A_247 = arith.constant 15 : i32
        %add3A_248 = arith.addi %mul3A_246, %add3A_247 : i32
        %get3A_249 = arith.index_cast %select_n3A_51 : i32 to index
        %get3A_250 = arith.index_cast %add3A_248 : i32 to index
        %get3A_251 = arith.constant 0 : index
        %get3A_252 = tpu.vector_load %arg6[%get3A_249, %get3A_250, %get3A_251] {strides = array<i32>} : memref<2x1280x64xbf16, #tpu.memory_space<vmem>>, vector<1x1x32xbf16>,
        %get3A_253 = vector.shape_cast %get3A_252 : vector<1x1x32xbf16> to vector<32xbf16>
        %max3A_254 = arith.maximumf %max3A_244, %get3A_253 : vector<32xbf16>
        %swap3A = arith.index_cast %select_n3A_51 : i32 to index
        %swap3A_255 = arith.index_cast %scan3A_98 : i32 to index
        %swap3A_256 = arith.constant 0 : index
        %swap3A_257 = tpu.vector_load %arg7[%swap3A, %swap3A_255, %swap3A_256] {strides = array<i32>} : memref<2x80x64xbf16, #tpu.memory_space<vmem>>, vector<1x1x32xbf16>,
        %swap3A_258 = vector.shape_cast %swap3A_257 : vector<1x1x32xbf16> to vector<32xbf16>
        %swap3A_259 = vector.shape_cast %max3A_254 : vector<32xbf16> to vector<1x1x32xbf16>
        tpu.vector_store %arg7[%swap3A, %swap3A_255, %swap3A_256], %swap3A_259 {strides = array<i32>} : memref<2x80x64xbf16, #tpu.memory_space<vmem>>, vector<1x1x32xbf16>,
        %mul3A_260 = arith.constant 16 : i32
        %mul3A_261 = arith.muli %scan3A_98, %mul3A_260 : i32
        %get3A_262 = arith.index_cast %select_n3A_51 : i32 to index
        %get3A_263 = arith.index_cast %mul3A_261 : i32 to index
        %get3A_264 = arith.constant 32 : index
        %get3A_265 = tpu.vector_load %arg6[%get3A_262, %get3A_263, %get3A_264] {strides = array<i32>} : memref<2x1280x64xbf16, #tpu.memory_space<vmem>>, vector<1x1x32xbf16>,
        %get3A_266 = vector.shape_cast %get3A_265 : vector<1x1x32xbf16> to vector<32xbf16>
        %mul3A_267 = arith.constant 16 : i32
        %mul3A_268 = arith.muli %scan3A_98, %mul3A_267 : i32
        %add3A_269 = arith.constant 1 : i32
        %add3A_270 = arith.addi %mul3A_268, %add3A_269 : i32
        %get3A_271 = arith.index_cast %select_n3A_51 : i32 to index
        %get3A_272 = arith.index_cast %add3A_270 : i32 to index
        %get3A_273 = arith.constant 32 : index
        %get3A_274 = tpu.vector_load %arg6[%get3A_271, %get3A_272, %get3A_273] {strides = array<i32>} : memref<2x1280x64xbf16, #tpu.memory_space<vmem>>, vector<1x1x32xbf16>,
        %get3A_275 = vector.shape_cast %get3A_274 : vector<1x1x32xbf16> to vector<32xbf16>
        %max3A_276 = arith.maximumf %get3A_266, %get3A_275 : vector<32xbf16>
        %mul3A_277 = arith.constant 16 : i32
        %mul3A_278 = arith.muli %scan3A_98, %mul3A_277 : i32
        %add3A_279 = arith.constant 2 : i32
        %add3A_280 = arith.addi %mul3A_278, %add3A_279 : i32
        %get3A_281 = arith.index_cast %select_n3A_51 : i32 to index
        %get3A_282 = arith.index_cast %add3A_280 : i32 to index
        %get3A_283 = arith.constant 32 : index
        %get3A_284 = tpu.vector_load %arg6[%get3A_281, %get3A_282, %get3A_283] {strides = array<i32>} : memref<2x1280x64xbf16, #tpu.memory_space<vmem>>, vector<1x1x32xbf16>,
        %get3A_285 = vector.shape_cast %get3A_284 : vector<1x1x32xbf16> to vector<32xbf16>
        %max3A_286 = arith.maximumf %max3A_276, %get3A_285 : vector<32xbf16>
        %mul3A_287 = arith.constant 16 : i32
        %mul3A_288 = arith.muli %scan3A_98, %mul3A_287 : i32
        %add3A_289 = arith.constant 3 : i32
        %add3A_290 = arith.addi %mul3A_288, %add3A_289 : i32
        %get3A_291 = arith.index_cast %select_n3A_51 : i32 to index
        %get3A_292 = arith.index_cast %add3A_290 : i32 to index
        %get3A_293 = arith.constant 32 : index
        %get3A_294 = tpu.vector_load %arg6[%get3A_291, %get3A_292, %get3A_293] {strides = array<i32>} : memref<2x1280x64xbf16, #tpu.memory_space<vmem>>, vector<1x1x32xbf16>,
        %get3A_295 = vector.shape_cast %get3A_294 : vector<1x1x32xbf16> to vector<32xbf16>
        %max3A_296 = arith.maximumf %max3A_286, %get3A_295 : vector<32xbf16>
        %mul3A_297 = arith.constant 16 : i32
        %mul3A_298 = arith.muli %scan3A_98, %mul3A_297 : i32
        %add3A_299 = arith.constant 4 : i32
        %add3A_300 = arith.addi %mul3A_298, %add3A_299 : i32
        %get3A_301 = arith.index_cast %select_n3A_51 : i32 to index
        %get3A_302 = arith.index_cast %add3A_300 : i32 to index
        %get3A_303 = arith.constant 32 : index
        %get3A_304 = tpu.vector_load %arg6[%get3A_301, %get3A_302, %get3A_303] {strides = array<i32>} : memref<2x1280x64xbf16, #tpu.memory_space<vmem>>, vector<1x1x32xbf16>,
        %get3A_305 = vector.shape_cast %get3A_304 : vector<1x1x32xbf16> to vector<32xbf16>
        %max3A_306 = arith.maximumf %max3A_296, %get3A_305 : vector<32xbf16>
        %mul3A_307 = arith.constant 16 : i32
        %mul3A_308 = arith.muli %scan3A_98, %mul3A_307 : i32
        %add3A_309 = arith.constant 5 : i32
        %add3A_310 = arith.addi %mul3A_308, %add3A_309 : i32
        %get3A_311 = arith.index_cast %select_n3A_51 : i32 to index
        %get3A_312 = arith.index_cast %add3A_310 : i32 to index
        %get3A_313 = arith.constant 32 : index
        %get3A_314 = tpu.vector_load %arg6[%get3A_311, %get3A_312, %get3A_313] {strides = array<i32>} : memref<2x1280x64xbf16, #tpu.memory_space<vmem>>, vector<1x1x32xbf16>,
        %get3A_315 = vector.shape_cast %get3A_314 : vector<1x1x32xbf16> to vector<32xbf16>
        %max3A_316 = arith.maximumf %max3A_306, %get3A_315 : vector<32xbf16>
        %mul3A_317 = arith.constant 16 : i32
        %mul3A_318 = arith.muli %scan3A_98, %mul3A_317 : i32
        %add3A_319 = arith.constant 6 : i32
        %add3A_320 = arith.addi %mul3A_318, %add3A_319 : i32
        %get3A_321 = arith.index_cast %select_n3A_51 : i32 to index
        %get3A_322 = arith.index_cast %add3A_320 : i32 to index
        %get3A_323 = arith.constant 32 : index
        %get3A_324 = tpu.vector_load %arg6[%get3A_321, %get3A_322, %get3A_323] {strides = array<i32>} : memref<2x1280x64xbf16, #tpu.memory_space<vmem>>, vector<1x1x32xbf16>,
        %get3A_325 = vector.shape_cast %get3A_324 : vector<1x1x32xbf16> to vector<32xbf16>
        %max3A_326 = arith.maximumf %max3A_316, %get3A_325 : vector<32xbf16>
        %mul3A_327 = arith.constant 16 : i32
        %mul3A_328 = arith.muli %scan3A_98, %mul3A_327 : i32
        %add3A_329 = arith.constant 7 : i32
        %add3A_330 = arith.addi %mul3A_328, %add3A_329 : i32
        %get3A_331 = arith.index_cast %select_n3A_51 : i32 to index
        %get3A_332 = arith.index_cast %add3A_330 : i32 to index
        %get3A_333 = arith.constant 32 : index
        %get3A_334 = tpu.vector_load %arg6[%get3A_331, %get3A_332, %get3A_333] {strides = array<i32>} : memref<2x1280x64xbf16, #tpu.memory_space<vmem>>, vector<1x1x32xbf16>,
        %get3A_335 = vector.shape_cast %get3A_334 : vector<1x1x32xbf16> to vector<32xbf16>
        %max3A_336 = arith.maximumf %max3A_326, %get3A_335 : vector<32xbf16>
        %mul3A_337 = arith.constant 16 : i32
        %mul3A_338 = arith.muli %scan3A_98, %mul3A_337 : i32
        %add3A_339 = arith.constant 8 : i32
        %add3A_340 = arith.addi %mul3A_338, %add3A_339 : i32
        %get3A_341 = arith.index_cast %select_n3A_51 : i32 to index
        %get3A_342 = arith.index_cast %add3A_340 : i32 to index
        %get3A_343 = arith.constant 32 : index
        %get3A_344 = tpu.vector_load %arg6[%get3A_341, %get3A_342, %get3A_343] {strides = array<i32>} : memref<2x1280x64xbf16, #tpu.memory_space<vmem>>, vector<1x1x32xbf16>,
        %get3A_345 = vector.shape_cast %get3A_344 : vector<1x1x32xbf16> to vector<32xbf16>
        %max3A_346 = arith.maximumf %max3A_336, %get3A_345 : vector<32xbf16>
        %mul3A_347 = arith.constant 16 : i32
        %mul3A_348 = arith.muli %scan3A_98, %mul3A_347 : i32
        %add3A_349 = arith.constant 9 : i32
        %add3A_350 = arith.addi %mul3A_348, %add3A_349 : i32
        %get3A_351 = arith.index_cast %select_n3A_51 : i32 to index
        %get3A_352 = arith.index_cast %add3A_350 : i32 to index
        %get3A_353 = arith.constant 32 : index
        %get3A_354 = tpu.vector_load %arg6[%get3A_351, %get3A_352, %get3A_353] {strides = array<i32>} : memref<2x1280x64xbf16, #tpu.memory_space<vmem>>, vector<1x1x32xbf16>,
        %get3A_355 = vector.shape_cast %get3A_354 : vector<1x1x32xbf16> to vector<32xbf16>
        %max3A_356 = arith.maximumf %max3A_346, %get3A_355 : vector<32xbf16>
        %mul3A_357 = arith.constant 16 : i32
        %mul3A_358 = arith.muli %scan3A_98, %mul3A_357 : i32
        %add3A_359 = arith.constant 10 : i32
        %add3A_360 = arith.addi %mul3A_358, %add3A_359 : i32
        %get3A_361 = arith.index_cast %select_n3A_51 : i32 to index
        %get3A_362 = arith.index_cast %add3A_360 : i32 to index
        %get3A_363 = arith.constant 32 : index
        %get3A_364 = tpu.vector_load %arg6[%get3A_361, %get3A_362, %get3A_363] {strides = array<i32>} : memref<2x1280x64xbf16, #tpu.memory_space<vmem>>, vector<1x1x32xbf16>,
        %get3A_365 = vector.shape_cast %get3A_364 : vector<1x1x32xbf16> to vector<32xbf16>
        %max3A_366 = arith.maximumf %max3A_356, %get3A_365 : vector<32xbf16>
        %mul3A_367 = arith.constant 16 : i32
        %mul3A_368 = arith.muli %scan3A_98, %mul3A_367 : i32
        %add3A_369 = arith.constant 11 : i32
        %add3A_370 = arith.addi %mul3A_368, %add3A_369 : i32
        %get3A_371 = arith.index_cast %select_n3A_51 : i32 to index
        %get3A_372 = arith.index_cast %add3A_370 : i32 to index
        %get3A_373 = arith.constant 32 : index
        %get3A_374 = tpu.vector_load %arg6[%get3A_371, %get3A_372, %get3A_373] {strides = array<i32>} : memref<2x1280x64xbf16, #tpu.memory_space<vmem>>, vector<1x1x32xbf16>,
        %get3A_375 = vector.shape_cast %get3A_374 : vector<1x1x32xbf16> to vector<32xbf16>
        %max3A_376 = arith.maximumf %max3A_366, %get3A_375 : vector<32xbf16>
        %mul3A_377 = arith.constant 16 : i32
        %mul3A_378 = arith.muli %scan3A_98, %mul3A_377 : i32
        %add3A_379 = arith.constant 12 : i32
        %add3A_380 = arith.addi %mul3A_378, %add3A_379 : i32
        %get3A_381 = arith.index_cast %select_n3A_51 : i32 to index
        %get3A_382 = arith.index_cast %add3A_380 : i32 to index
        %get3A_383 = arith.constant 32 : index
        %get3A_384 = tpu.vector_load %arg6[%get3A_381, %get3A_382, %get3A_383] {strides = array<i32>} : memref<2x1280x64xbf16, #tpu.memory_space<vmem>>, vector<1x1x32xbf16>,
        %get3A_385 = vector.shape_cast %get3A_384 : vector<1x1x32xbf16> to vector<32xbf16>
        %max3A_386 = arith.maximumf %max3A_376, %get3A_385 : vector<32xbf16>
        %mul3A_387 = arith.constant 16 : i32
        %mul3A_388 = arith.muli %scan3A_98, %mul3A_387 : i32
        %add3A_389 = arith.constant 13 : i32
        %add3A_390 = arith.addi %mul3A_388, %add3A_389 : i32
        %get3A_391 = arith.index_cast %select_n3A_51 : i32 to index
        %get3A_392 = arith.index_cast %add3A_390 : i32 to index
        %get3A_393 = arith.constant 32 : index
        %get3A_394 = tpu.vector_load %arg6[%get3A_391, %get3A_392, %get3A_393] {strides = array<i32>} : memref<2x1280x64xbf16, #tpu.memory_space<vmem>>, vector<1x1x32xbf16>,
        %get3A_395 = vector.shape_cast %get3A_394 : vector<1x1x32xbf16> to vector<32xbf16>
        %max3A_396 = arith.maximumf %max3A_386, %get3A_395 : vector<32xbf16>
        %mul3A_397 = arith.constant 16 : i32
        %mul3A_398 = arith.muli %scan3A_98, %mul3A_397 : i32
        %add3A_399 = arith.constant 14 : i32
        %add3A_400 = arith.addi %mul3A_398, %add3A_399 : i32
        %get3A_401 = arith.index_cast %select_n3A_51 : i32 to index
        %get3A_402 = arith.index_cast %add3A_400 : i32 to index
        %get3A_403 = arith.constant 32 : index
        %get3A_404 = tpu.vector_load %arg6[%get3A_401, %get3A_402, %get3A_403] {strides = array<i32>} : memref<2x1280x64xbf16, #tpu.memory_space<vmem>>, vector<1x1x32xbf16>,
        %get3A_405 = vector.shape_cast %get3A_404 : vector<1x1x32xbf16> to vector<32xbf16>
        %max3A_406 = arith.maximumf %max3A_396, %get3A_405 : vector<32xbf16>
        %mul3A_407 = arith.constant 16 : i32
        %mul3A_408 = arith.muli %scan3A_98, %mul3A_407 : i32
        %add3A_409 = arith.constant 15 : i32
        %add3A_410 = arith.addi %mul3A_408, %add3A_409 : i32
        %get3A_411 = arith.index_cast %select_n3A_51 : i32 to index
        %get3A_412 = arith.index_cast %add3A_410 : i32 to index
        %get3A_413 = arith.constant 32 : index
        %get3A_414 = tpu.vector_load %arg6[%get3A_411, %get3A_412, %get3A_413] {strides = array<i32>} : memref<2x1280x64xbf16, #tpu.memory_space<vmem>>, vector<1x1x32xbf16>,
        %get3A_415 = vector.shape_cast %get3A_414 : vector<1x1x32xbf16> to vector<32xbf16>
        %max3A_416 = arith.maximumf %max3A_406, %get3A_415 : vector<32xbf16>
        %swap3A_417 = arith.index_cast %select_n3A_51 : i32 to index
        %swap3A_418 = arith.index_cast %scan3A_98 : i32 to index
        %swap3A_419 = arith.constant 32 : index
        %swap3A_420 = tpu.vector_load %arg7[%swap3A_417, %swap3A_418, %swap3A_419] {strides = array<i32>} : memref<2x80x64xbf16, #tpu.memory_space<vmem>>, vector<1x1x32xbf16>,
        %swap3A_421 = vector.shape_cast %swap3A_420 : vector<1x1x32xbf16> to vector<32xbf16>
        %swap3A_422 = vector.shape_cast %max3A_416 : vector<32xbf16> to vector<1x1x32xbf16>
        tpu.vector_store %arg7[%swap3A_417, %swap3A_418, %swap3A_419], %swap3A_422 {strides = array<i32>} : memref<2x80x64xbf16, #tpu.memory_space<vmem>>, vector<1x1x32xbf16>,
        %scan3A_423 = arith.constant 0 : i32
        scf.yield %scan3A_423 : i32
      }
      %scan3A_83 = arith.constant 80 : i32
      %mul3A_84 = arith.constant 80 : i32
      %mul3A_85 = arith.muli %add3A_39, %mul3A_84 : i32
      %add3A_86 = arith.addi %select_n3A, %mul3A_85 : i32
      %dma_start3A = arith.constant 0 : i32
      %dma_start3A_87 = arith.constant 0 : i32
      %dma_start3A_88 = tpu.memref_slice %arg7[%select_n3A_51, %dma_start3A, %dma_start3A_87] : memref<2x80x64xbf16, #tpu.memory_space<vmem>> -> memref<1x80x64xbf16, #tpu.memory_space<vmem>>
      %dma_start3A_89 = tpu.memref_squeeze %dma_start3A_88 : memref<1x80x64xbf16, #tpu.memory_space<vmem>> -> memref<80x64xbf16, #tpu.memory_space<vmem>>
      %dma_start3A_90 = arith.constant 0 : i32
      %dma_start3A_91 = tpu.memref_slice %arg4[%add3A_86, %dma_start3A_90] : memref<51200x64xbf16, #tpu.memory_space<hbm>> -> memref<80x64xbf16, #tpu.memory_space<hbm>>
      %dma_start3A_92 = arith.constant 0 : i32
      %dma_start3A_93 = tpu.memref_slice %arg4[%add3A_86, %dma_start3A_92] : memref<51200x64xbf16, #tpu.memory_space<hbm>> -> memref<80x64xbf16, #tpu.memory_space<hbm>>
      %dma_start3A_94 = arith.constant 0 : i32
      %dma_start3A_95 = arith.constant 0 : i32
      %dma_start3A_96 = tpu.memref_slice %arg7[%select_n3A_51, %dma_start3A_94, %dma_start3A_95] : memref<2x80x64xbf16, #tpu.memory_space<vmem>> -> memref<1x80x64xbf16, #tpu.memory_space<vmem>>
      %dma_start3A_97 = tpu.memref_squeeze %dma_start3A_96 : memref<1x80x64xbf16, #tpu.memory_space<vmem>> -> memref<80x64xbf16, #tpu.memory_space<vmem>>
      tpu.enqueue_dma source(%dma_start3A_97 : memref<80x64xbf16, #tpu.memory_space<vmem>>) target(%dma_start3A_93 : memref<80x64xbf16, #tpu.memory_space<hbm>>) target_semaphore(%arg10 : memref<!tpu.dma_semaphore, #tpu.memory_space<semaphore_mem>>)
    }
    %ge3A_32 = arith.constant 1 : i32
    %ge3A_33 = arith.cmpi sge, %select_n3A_8, %ge3A_32 : i32
    %convert_element_type3A_34 = arith.extui %ge3A_33 : i1 to i32
    %cond3A_35 = arith.constant 0 : i32
    %cond3A_36 = arith.cmpi ne, %convert_element_type3A_34, %cond3A_35 : i32
    scf.if %cond3A_36 {
      %sub3A_37 = arith.constant 1 : i32
      %sub3A_38 = arith.subi %select_n3A_8, %sub3A_37 : i32
      %jit3A_39 = arith.constant 2 : i32
      %eq3A_40 = arith.constant 0 : i32
      %eq3A_41 = arith.cmpi eq, %jit3A_39, %eq3A_40 : i32
      %jit3A_42 = arith.constant 1 : i32
      %select_n3A_43 = arith.select %eq3A_41, %jit3A_42, %jit3A_39 : i32
      %rem3A = arith.remsi %sub3A_38, %select_n3A_43 : i32
      %ne3A = arith.constant 0 : i32
      %ne3A_44 = arith.cmpi ne, %rem3A, %ne3A : i32
      %lt3A = arith.constant 0 : i32
      %lt3A_45 = arith.cmpi slt, %rem3A, %lt3A : i32
      %lt3A_46 = arith.constant 0 : i32
      %lt3A_47 = arith.cmpi slt, %select_n3A_43, %lt3A_46 : i32
      %ne3A_48 = arith.xori %lt3A_45, %lt3A_47 : i1
      %and3A = arith.andi %ne3A_48, %ne3A_44 : i1
      %add3A_49 = arith.addi %rem3A, %select_n3A_43 : i32
      %select_n3A_50 = arith.select %and3A, %add3A_49, %rem3A : i32
      %sub3A_51 = arith.constant 1 : i32
      %sub3A_52 = arith.subi %select_n3A_8, %sub3A_51 : i32
      %mul3A_53 = arith.constant 80 : i32
      %mul3A_54 = arith.muli %sub3A_52, %mul3A_53 : i32
      %add3A_55 = arith.addi %select_n3A, %mul3A_54 : i32
      %dma_wait3A = arith.constant 0 : i32
      %dma_wait3A_56 = arith.constant 0 : i32
      %dma_wait3A_57 = tpu.memref_slice %arg7[%select_n3A_50, %dma_wait3A, %dma_wait3A_56] : memref<2x80x64xbf16, #tpu.memory_space<vmem>> -> memref<1x80x64xbf16, #tpu.memory_space<vmem>>
      %dma_wait3A_58 = tpu.memref_squeeze %dma_wait3A_57 : memref<1x80x64xbf16, #tpu.memory_space<vmem>> -> memref<80x64xbf16, #tpu.memory_space<vmem>>
      %dma_wait3A_59 = arith.constant 0 : i32
      %dma_wait3A_60 = tpu.memref_slice %arg4[%add3A_55, %dma_wait3A_59] : memref<51200x64xbf16, #tpu.memory_space<hbm>> -> memref<80x64xbf16, #tpu.memory_space<hbm>>
      %dma_wait3A_61 = arith.constant 0 : i32
      %dma_wait3A_62 = tpu.memref_slice %arg4[%add3A_55, %dma_wait3A_61] : memref<51200x64xbf16, #tpu.memory_space<hbm>> -> memref<80x64xbf16, #tpu.memory_space<hbm>>
      %dma_wait3A_63 = arith.constant 0 : i32
      %dma_wait3A_64 = arith.constant 0 : i32
      %dma_wait3A_65 = tpu.memref_slice %arg7[%select_n3A_50, %dma_wait3A_63, %dma_wait3A_64] : memref<2x80x64xbf16, #tpu.memory_space<vmem>> -> memref<1x80x64xbf16, #tpu.memory_space<vmem>>
      %dma_wait3A_66 = tpu.memref_squeeze %dma_wait3A_65 : memref<1x80x64xbf16, #tpu.memory_space<vmem>> -> memref<80x64xbf16, #tpu.memory_space<vmem>>
      tpu.wait_dma2 semaphore(%arg10 : memref<!tpu.dma_semaphore, #tpu.memory_space<semaphore_mem>>) src(%dma_wait3A_66 : memref<80x64xbf16, #tpu.memory_space<vmem>>) dst(%dma_wait3A_62 : memref<80x64xbf16, #tpu.memory_space<hbm>>)
    } else {
    }
    return
  }
}

module attributes {stable_mosaic.version = 14 : i64} {
  func.func @_tc_head_body(%arg0: i32, %arg1: memref<8192x32xf32, #tpu.memory_space<vmem>>, %arg2: memref<2048x32xf32, #tpu.memory_space<vmem>>, %arg3: memref<32x128xf32, #tpu.memory_space<vmem>>, %arg4: memref<1x128xf32, #tpu.memory_space<vmem>>, %arg5: memref<1x128xf32, #tpu.memory_space<vmem>>, %arg6: memref<128x256xf32, #tpu.memory_space<vmem>>, %arg7: memref<1x256xf32, #tpu.memory_space<vmem>>, %arg8: memref<1x256xf32, #tpu.memory_space<vmem>>, %arg9: memref<256x256xf32, #tpu.memory_space<vmem>>, %arg10: memref<1x64xf32, #tpu.memory_space<vmem>>, %arg11: memref<1x64xf32, #tpu.memory_space<vmem>>, %arg12: memref<2048x64xf32, #tpu.memory_space<vmem>>) attributes {dimension_semantics = [#tpu.dimension_semantics<arbitrary>], iteration_bounds = array<i64: 25>, scalar_prefetch = 0 : i64, scratch_operands = 0 : i64, tpu.core_type = #tpu.core_type<tc>, window_params = [{transform_indices = @transform_0, window_bounds = array<i64: 8192, 32>}, {transform_indices = @transform_1, window_bounds = array<i64: 2048, 32>}, {pipeline_mode = #tpu.pipeline_mode<synchronous>, transform_indices = @transform_2, window_bounds = array<i64: 32, 128>}, {pipeline_mode = #tpu.pipeline_mode<synchronous>, transform_indices = @transform_3, window_bounds = array<i64: 1, 128>}, {pipeline_mode = #tpu.pipeline_mode<synchronous>, transform_indices = @transform_4, window_bounds = array<i64: 1, 128>}, {pipeline_mode = #tpu.pipeline_mode<synchronous>, transform_indices = @transform_5, window_bounds = array<i64: 128, 256>}, {pipeline_mode = #tpu.pipeline_mode<synchronous>, transform_indices = @transform_6, window_bounds = array<i64: 1, 256>}, {pipeline_mode = #tpu.pipeline_mode<synchronous>, transform_indices = @transform_7, window_bounds = array<i64: 1, 256>}, {pipeline_mode = #tpu.pipeline_mode<synchronous>, transform_indices = @transform_8, window_bounds = array<i64: 256, 256>}, {pipeline_mode = #tpu.pipeline_mode<synchronous>, transform_indices = @transform_9, window_bounds = array<i64: 1, 64>}, {pipeline_mode = #tpu.pipeline_mode<synchronous>, transform_indices = @transform_10, window_bounds = array<i64: 1, 64>}, {transform_indices = @transform_11, window_bounds = array<i64: 2048, 64>}]} {
    %get3A = arith.constant 0 : index
    %get3A_0 = arith.constant 0 : index
    %get3A_1 = vector.load %arg1[%get3A, %get3A_0] : memref<8192x32xf32, #tpu.memory_space<vmem>>, vector<8192x32xf32>
    %get3A_2 = arith.constant 0 : index
    %get3A_3 = arith.constant 0 : index
    %get3A_4 = vector.load %arg3[%get3A_2, %get3A_3] : memref<32x128xf32, #tpu.memory_space<vmem>>, vector<32x128xf32>
    %dot_general3A = arith.constant dense<0.000000e+00> : vector<8192x128xf32>
    %dot_general3A_5 = tpu.matmul %get3A_1, %get3A_4, %dot_general3A {dimension_numbers = #tpu.dot_dimension_numbers<[1], [0], [0], [1], [0, 0, 1, 1], [], []>, transpose_lhs_hint = false} : vector<8192x32xf32>, vector<32x128xf32>, vector<8192x128xf32> -> vector<8192x128xf32>
    %get3A_6 = arith.constant 0 : index
    %get3A_7 = arith.constant 0 : index
    %get3A_8 = vector.load %arg2[%get3A_6, %get3A_7] : memref<2048x32xf32, #tpu.memory_space<vmem>>, vector<2048x32xf32>
    %get3A_9 = arith.constant 0 : index
    %get3A_10 = arith.constant 0 : index
    %get3A_11 = vector.load %arg3[%get3A_9, %get3A_10] : memref<32x128xf32, #tpu.memory_space<vmem>>, vector<32x128xf32>
    %dot_general3A_12 = arith.constant dense<0.000000e+00> : vector<2048x128xf32>
    %dot_general3A_13 = tpu.matmul %get3A_8, %get3A_11, %dot_general3A_12 {dimension_numbers = #tpu.dot_dimension_numbers<[1], [0], [0], [1], [0, 0, 1, 1], [], []>, transpose_lhs_hint = false} : vector<2048x32xf32>, vector<32x128xf32>, vector<2048x128xf32> -> vector<2048x128xf32>
    %broadcast_in_dim3A = vector.shape_cast %dot_general3A_13 : vector<2048x128xf32> to vector<2048x1x128xf32>
    %broadcast_in_dim3A_14 = vector.shape_cast %broadcast_in_dim3A : vector<2048x1x128xf32> to vector<2048x1x128xf32>
    %broadcast_in_dim3A_15 = vector.broadcast %broadcast_in_dim3A_14 : vector<2048x1x128xf32> to vector<2048x4x128xf32>
    %reshape3A = vector.shape_cast %broadcast_in_dim3A_15 : vector<2048x4x128xf32> to vector<8192x128xf32>
    %sub3A = arith.subf %dot_general3A_5, %reshape3A : vector<8192x128xf32>
    %get3A_16 = arith.constant 0 : index
    %get3A_17 = arith.constant 0 : index
    %get3A_18 = vector.load %arg4[%get3A_16, %get3A_17] : memref<1x128xf32, #tpu.memory_space<vmem>>, vector<1x128xf32>
    %mul3A = vector.broadcast %get3A_18 : vector<1x128xf32> to vector<8192x128xf32>
    %mul3A_19 = arith.mulf %sub3A, %mul3A : vector<8192x128xf32>
    %get3A_20 = arith.constant 0 : index
    %get3A_21 = arith.constant 0 : index
    %get3A_22 = vector.load %arg5[%get3A_20, %get3A_21] : memref<1x128xf32, #tpu.memory_space<vmem>>, vector<1x128xf32>
    %add3A = vector.broadcast %get3A_22 : vector<1x128xf32> to vector<8192x128xf32>
    %add3A_23 = arith.addf %mul3A_19, %add3A : vector<8192x128xf32>
    %integer_pow3A = arith.mulf %add3A_23, %add3A_23 : vector<8192x128xf32>
    %integer_pow3A_24 = arith.mulf %add3A_23, %integer_pow3A : vector<8192x128xf32>
    %mul3A_25 = arith.constant 4.471500e-02 : f32
    %mul3A_26 = vector.broadcast %mul3A_25 : f32 to vector<8192x128xf32>
    %mul3A_27 = arith.mulf %mul3A_26, %integer_pow3A_24 : vector<8192x128xf32>
    %add3A_28 = arith.addf %add3A_23, %mul3A_27 : vector<8192x128xf32>
    %mul3A_29 = arith.constant 0.797884583 : f32
    %mul3A_30 = vector.broadcast %mul3A_29 : f32 to vector<8192x128xf32>
    %mul3A_31 = arith.mulf %mul3A_30, %add3A_28 : vector<8192x128xf32>
    %tanh3A = math.tanh %mul3A_31 : vector<8192x128xf32>
    %add3A_32 = arith.constant 1.000000e+00 : f32
    %add3A_33 = vector.broadcast %add3A_32 : f32 to vector<8192x128xf32>
    %add3A_34 = arith.addf %add3A_33, %tanh3A : vector<8192x128xf32>
    %mul3A_35 = arith.constant 5.000000e-01 : f32
    %mul3A_36 = vector.broadcast %mul3A_35 : f32 to vector<8192x128xf32>
    %mul3A_37 = arith.mulf %mul3A_36, %add3A_34 : vector<8192x128xf32>
    %mul3A_38 = arith.mulf %add3A_23, %mul3A_37 : vector<8192x128xf32>
    %get3A_39 = arith.constant 0 : index
    %get3A_40 = arith.constant 0 : index
    %get3A_41 = vector.load %arg6[%get3A_39, %get3A_40] : memref<128x256xf32, #tpu.memory_space<vmem>>, vector<128x256xf32>
    %dot_general3A_42 = arith.constant dense<0.000000e+00> : vector<8192x256xf32>
    %dot_general3A_43 = tpu.matmul %mul3A_38, %get3A_41, %dot_general3A_42 {dimension_numbers = #tpu.dot_dimension_numbers<[1], [0], [0], [1], [0, 0, 1, 1], [], []>, transpose_lhs_hint = false} : vector<8192x128xf32>, vector<128x256xf32>, vector<8192x256xf32> -> vector<8192x256xf32>
    %get3A_44 = arith.constant 0 : index
    %get3A_45 = arith.constant 0 : index
    %get3A_46 = vector.load %arg7[%get3A_44, %get3A_45] : memref<1x256xf32, #tpu.memory_space<vmem>>, vector<1x256xf32>
    %mul3A_47 = vector.broadcast %get3A_46 : vector<1x256xf32> to vector<8192x256xf32>
    %mul3A_48 = arith.mulf %dot_general3A_43, %mul3A_47 : vector<8192x256xf32>
    %get3A_49 = arith.constant 0 : index
    %get3A_50 = arith.constant 0 : index
    %get3A_51 = vector.load %arg8[%get3A_49, %get3A_50] : memref<1x256xf32, #tpu.memory_space<vmem>>, vector<1x256xf32>
    %add3A_52 = vector.broadcast %get3A_51 : vector<1x256xf32> to vector<8192x256xf32>
    %add3A_53 = arith.addf %mul3A_48, %add3A_52 : vector<8192x256xf32>
    %integer_pow3A_54 = arith.mulf %add3A_53, %add3A_53 : vector<8192x256xf32>
    %integer_pow3A_55 = arith.mulf %add3A_53, %integer_pow3A_54 : vector<8192x256xf32>
    %mul3A_56 = arith.constant 4.471500e-02 : f32
    %mul3A_57 = vector.broadcast %mul3A_56 : f32 to vector<8192x256xf32>
    %mul3A_58 = arith.mulf %mul3A_57, %integer_pow3A_55 : vector<8192x256xf32>
    %add3A_59 = arith.addf %add3A_53, %mul3A_58 : vector<8192x256xf32>
    %mul3A_60 = arith.constant 0.797884583 : f32
    %mul3A_61 = vector.broadcast %mul3A_60 : f32 to vector<8192x256xf32>
    %mul3A_62 = arith.mulf %mul3A_61, %add3A_59 : vector<8192x256xf32>
    %tanh3A_63 = math.tanh %mul3A_62 : vector<8192x256xf32>
    %add3A_64 = arith.constant 1.000000e+00 : f32
    %add3A_65 = vector.broadcast %add3A_64 : f32 to vector<8192x256xf32>
    %add3A_66 = arith.addf %add3A_65, %tanh3A_63 : vector<8192x256xf32>
    %mul3A_67 = arith.constant 5.000000e-01 : f32
    %mul3A_68 = vector.broadcast %mul3A_67 : f32 to vector<8192x256xf32>
    %mul3A_69 = arith.mulf %mul3A_68, %add3A_66 : vector<8192x256xf32>
    %mul3A_70 = arith.mulf %add3A_53, %mul3A_69 : vector<8192x256xf32>
    %get3A_71 = arith.constant 0 : index
    %get3A_72 = arith.constant 0 : index
    %get3A_73 = vector.load %arg9[%get3A_71, %get3A_72] : memref<256x256xf32, #tpu.memory_space<vmem>>, vector<256x256xf32>
    %dot_general3A_74 = arith.constant dense<0.000000e+00> : vector<8192x256xf32>
    %dot_general3A_75 = tpu.matmul %mul3A_70, %get3A_73, %dot_general3A_74 {dimension_numbers = #tpu.dot_dimension_numbers<[1], [0], [0], [1], [0, 0, 1, 1], [], []>, transpose_lhs_hint = false} : vector<8192x256xf32>, vector<256x256xf32>, vector<8192x256xf32> -> vector<8192x256xf32>
    %reshape3A_76 = vector.shape_cast %dot_general3A_75 : vector<8192x256xf32> to vector<2048x4x256xf32>
    %reduce_max3A = arith.constant dense<0xFF800000> : vector<2048x256xf32>
    %reduce_max3A_77 = vector.multi_reduction <maximumf>, %reshape3A_76, %reduce_max3A [1] : vector<2048x4x256xf32> to vector<2048x256xf32>
    %slice3A = vector.extract_strided_slice %reduce_max3A_77 {offsets = [0, 0], sizes = [2048, 64], strides = [1, 1]} : vector<2048x256xf32> to vector<2048x64xf32>
    %slice3A_78 = vector.extract_strided_slice %reduce_max3A_77 {offsets = [0, 64], sizes = [2048, 64], strides = [1, 1]} : vector<2048x256xf32> to vector<2048x64xf32>
    %max3A = arith.maximumf %slice3A, %slice3A_78 : vector<2048x64xf32>
    %slice3A_79 = vector.extract_strided_slice %reduce_max3A_77 {offsets = [0, 128], sizes = [2048, 64], strides = [1, 1]} : vector<2048x256xf32> to vector<2048x64xf32>
    %slice3A_80 = vector.extract_strided_slice %reduce_max3A_77 {offsets = [0, 192], sizes = [2048, 64], strides = [1, 1]} : vector<2048x256xf32> to vector<2048x64xf32>
    %max3A_81 = arith.maximumf %slice3A_79, %slice3A_80 : vector<2048x64xf32>
    %max3A_82 = arith.maximumf %max3A, %max3A_81 : vector<2048x64xf32>
    %get3A_83 = arith.constant 0 : index
    %get3A_84 = arith.constant 0 : index
    %get3A_85 = vector.load %arg10[%get3A_83, %get3A_84] : memref<1x64xf32, #tpu.memory_space<vmem>>, vector<1x64xf32>
    %mul3A_86 = vector.broadcast %get3A_85 : vector<1x64xf32> to vector<2048x64xf32>
    %mul3A_87 = arith.mulf %max3A_82, %mul3A_86 : vector<2048x64xf32>
    %get3A_88 = arith.constant 0 : index
    %get3A_89 = arith.constant 0 : index
    %get3A_90 = vector.load %arg11[%get3A_88, %get3A_89] : memref<1x64xf32, #tpu.memory_space<vmem>>, vector<1x64xf32>
    %add3A_91 = vector.broadcast %get3A_90 : vector<1x64xf32> to vector<2048x64xf32>
    %add3A_92 = arith.addf %mul3A_87, %add3A_91 : vector<2048x64xf32>
    %swap3A = arith.constant 0 : index
    %swap3A_93 = arith.constant 0 : index
    %swap3A_94 = vector.load %arg12[%swap3A, %swap3A_93] : memref<2048x64xf32, #tpu.memory_space<vmem>>, vector<2048x64xf32>
    tpu.vector_store %arg12[%swap3A, %swap3A_93], %add3A_92 {strides = array<i32>} : memref<2048x64xf32, #tpu.memory_space<vmem>>, vector<2048x64xf32>,
    return
  }
  func.func @transform_0(%arg0: i32) -> (i32, i32) {
    %c0_i32 = arith.constant 0 : i32
    %c0_i32_0 = arith.constant 0 : i32
    return %arg0, %c0_i32 : i32, i32
  }
  func.func @transform_1(%arg0: i32) -> (i32, i32) {
    %c0_i32 = arith.constant 0 : i32
    %c0_i32_0 = arith.constant 0 : i32
    return %arg0, %c0_i32 : i32, i32
  }
  func.func @transform_2(%arg0: i32) -> (i32, i32) {
    %c0_i32 = arith.constant 0 : i32
    %c0_i32_0 = arith.constant 0 : i32
    %c0_i32_1 = arith.constant 0 : i32
    return %c0_i32, %c0_i32_0 : i32, i32
  }
  func.func @transform_3(%arg0: i32) -> (i32, i32) {
    %c0_i32 = arith.constant 0 : i32
    %c0_i32_0 = arith.constant 0 : i32
    %c0_i32_1 = arith.constant 0 : i32
    return %c0_i32, %c0_i32_0 : i32, i32
  }
  func.func @transform_4(%arg0: i32) -> (i32, i32) {
    %c0_i32 = arith.constant 0 : i32
    %c0_i32_0 = arith.constant 0 : i32
    %c0_i32_1 = arith.constant 0 : i32
    return %c0_i32, %c0_i32_0 : i32, i32
  }
  func.func @transform_5(%arg0: i32) -> (i32, i32) {
    %c0_i32 = arith.constant 0 : i32
    %c0_i32_0 = arith.constant 0 : i32
    %c0_i32_1 = arith.constant 0 : i32
    return %c0_i32, %c0_i32_0 : i32, i32
  }
  func.func @transform_6(%arg0: i32) -> (i32, i32) {
    %c0_i32 = arith.constant 0 : i32
    %c0_i32_0 = arith.constant 0 : i32
    %c0_i32_1 = arith.constant 0 : i32
    return %c0_i32, %c0_i32_0 : i32, i32
  }
  func.func @transform_7(%arg0: i32) -> (i32, i32) {
    %c0_i32 = arith.constant 0 : i32
    %c0_i32_0 = arith.constant 0 : i32
    %c0_i32_1 = arith.constant 0 : i32
    return %c0_i32, %c0_i32_0 : i32, i32
  }
  func.func @transform_8(%arg0: i32) -> (i32, i32) {
    %c0_i32 = arith.constant 0 : i32
    %c0_i32_0 = arith.constant 0 : i32
    %c0_i32_1 = arith.constant 0 : i32
    return %c0_i32, %c0_i32_0 : i32, i32
  }
  func.func @transform_9(%arg0: i32) -> (i32, i32) {
    %c0_i32 = arith.constant 0 : i32
    %c0_i32_0 = arith.constant 0 : i32
    %c0_i32_1 = arith.constant 0 : i32
    return %c0_i32, %c0_i32_0 : i32, i32
  }
  func.func @transform_10(%arg0: i32) -> (i32, i32) {
    %c0_i32 = arith.constant 0 : i32
    %c0_i32_0 = arith.constant 0 : i32
    %c0_i32_1 = arith.constant 0 : i32
    return %c0_i32, %c0_i32_0 : i32, i32
  }
  func.func @transform_11(%arg0: i32) -> (i32, i32) {
    %c0_i32 = arith.constant 0 : i32
    %c0_i32_0 = arith.constant 0 : i32
    return %arg0, %c0_i32 : i32, i32
  }
}

module attributes {stable_mosaic.version = 14 : i64} {
  func.func @_tc_mlp_body(%arg0: i32, %arg1: memref<2048x64xf32, #tpu.memory_space<vmem>>, %arg2: memref<2048x64xbf16, #tpu.memory_space<vmem>>, %arg3: memref<1x64xf32, #tpu.memory_space<vmem>>, %arg4: memref<1x64xf32, #tpu.memory_space<vmem>>, %arg5: memref<64x128xf32, #tpu.memory_space<vmem>>, %arg6: memref<128x64xf32, #tpu.memory_space<vmem>>, %arg7: memref<2048x64xf32, #tpu.memory_space<vmem>>, %arg8: memref<2048x64xbf16, #tpu.memory_space<vmem>>) attributes {dimension_semantics = [#tpu.dimension_semantics<arbitrary>], iteration_bounds = array<i64: 25>, scalar_prefetch = 0 : i64, scratch_operands = 0 : i64, tpu.core_type = #tpu.core_type<tc>, window_params = [{transform_indices = @transform_0, window_bounds = array<i64: 2048, 64>}, {transform_indices = @transform_1, window_bounds = array<i64: 2048, 64>}, {pipeline_mode = #tpu.pipeline_mode<synchronous>, transform_indices = @transform_2, window_bounds = array<i64: 1, 64>}, {pipeline_mode = #tpu.pipeline_mode<synchronous>, transform_indices = @transform_3, window_bounds = array<i64: 1, 64>}, {pipeline_mode = #tpu.pipeline_mode<synchronous>, transform_indices = @transform_4, window_bounds = array<i64: 64, 128>}, {pipeline_mode = #tpu.pipeline_mode<synchronous>, transform_indices = @transform_5, window_bounds = array<i64: 128, 64>}, {transform_indices = @transform_6, window_bounds = array<i64: 2048, 64>}, {transform_indices = @transform_7, window_bounds = array<i64: 2048, 64>}]} {
    %get3A = arith.constant 0 : index
    %get3A_0 = arith.constant 0 : index
    %get3A_1 = vector.load %arg1[%get3A, %get3A_0] : memref<2048x64xf32, #tpu.memory_space<vmem>>, vector<2048x64xf32>
    %get3A_2 = arith.constant 0 : index
    %get3A_3 = arith.constant 0 : index
    %get3A_4 = vector.load %arg2[%get3A_2, %get3A_3] : memref<2048x64xbf16, #tpu.memory_space<vmem>>, vector<2048x64xbf16>
    %convert_element_type3A = arith.extf %get3A_4 : vector<2048x64xbf16> to vector<2048x64xf32>
    %add3A = arith.addf %get3A_1, %convert_element_type3A : vector<2048x64xf32>
    %swap3A = arith.constant 0 : index
    %swap3A_5 = arith.constant 0 : index
    %swap3A_6 = vector.load %arg7[%swap3A, %swap3A_5] : memref<2048x64xf32, #tpu.memory_space<vmem>>, vector<2048x64xf32>
    tpu.vector_store %arg7[%swap3A, %swap3A_5], %add3A {strides = array<i32>} : memref<2048x64xf32, #tpu.memory_space<vmem>>, vector<2048x64xf32>,
    %get3A_7 = arith.constant 0 : index
    %get3A_8 = arith.constant 0 : index
    %get3A_9 = vector.load %arg3[%get3A_7, %get3A_8] : memref<1x64xf32, #tpu.memory_space<vmem>>, vector<1x64xf32>
    %mul3A = vector.broadcast %get3A_9 : vector<1x64xf32> to vector<2048x64xf32>
    %mul3A_10 = arith.mulf %add3A, %mul3A : vector<2048x64xf32>
    %get3A_11 = arith.constant 0 : index
    %get3A_12 = arith.constant 0 : index
    %get3A_13 = vector.load %arg4[%get3A_11, %get3A_12] : memref<1x64xf32, #tpu.memory_space<vmem>>, vector<1x64xf32>
    %add3A_14 = vector.broadcast %get3A_13 : vector<1x64xf32> to vector<2048x64xf32>
    %add3A_15 = arith.addf %mul3A_10, %add3A_14 : vector<2048x64xf32>
    %get3A_16 = arith.constant 0 : index
    %get3A_17 = arith.constant 0 : index
    %get3A_18 = vector.load %arg5[%get3A_16, %get3A_17] : memref<64x128xf32, #tpu.memory_space<vmem>>, vector<64x128xf32>
    %dot_general3A = arith.constant dense<0.000000e+00> : vector<2048x128xf32>
    %dot_general3A_19 = tpu.matmul %add3A_15, %get3A_18, %dot_general3A {dimension_numbers = #tpu.dot_dimension_numbers<[1], [0], [0], [1], [0, 0, 1, 1], [], []>, transpose_lhs_hint = false} : vector<2048x64xf32>, vector<64x128xf32>, vector<2048x128xf32> -> vector<2048x128xf32>
    %integer_pow3A = arith.mulf %dot_general3A_19, %dot_general3A_19 : vector<2048x128xf32>
    %integer_pow3A_20 = arith.mulf %dot_general3A_19, %integer_pow3A : vector<2048x128xf32>
    %mul3A_21 = arith.constant 4.471500e-02 : f32
    %mul3A_22 = vector.broadcast %mul3A_21 : f32 to vector<2048x128xf32>
    %mul3A_23 = arith.mulf %mul3A_22, %integer_pow3A_20 : vector<2048x128xf32>
    %add3A_24 = arith.addf %dot_general3A_19, %mul3A_23 : vector<2048x128xf32>
    %mul3A_25 = arith.constant 0.797884583 : f32
    %mul3A_26 = vector.broadcast %mul3A_25 : f32 to vector<2048x128xf32>
    %mul3A_27 = arith.mulf %mul3A_26, %add3A_24 : vector<2048x128xf32>
    %tanh3A = math.tanh %mul3A_27 : vector<2048x128xf32>
    %add3A_28 = arith.constant 1.000000e+00 : f32
    %add3A_29 = vector.broadcast %add3A_28 : f32 to vector<2048x128xf32>
    %add3A_30 = arith.addf %add3A_29, %tanh3A : vector<2048x128xf32>
    %mul3A_31 = arith.constant 5.000000e-01 : f32
    %mul3A_32 = vector.broadcast %mul3A_31 : f32 to vector<2048x128xf32>
    %mul3A_33 = arith.mulf %mul3A_32, %add3A_30 : vector<2048x128xf32>
    %mul3A_34 = arith.mulf %dot_general3A_19, %mul3A_33 : vector<2048x128xf32>
    %get3A_35 = arith.constant 0 : index
    %get3A_36 = arith.constant 0 : index
    %get3A_37 = vector.load %arg6[%get3A_35, %get3A_36] : memref<128x64xf32, #tpu.memory_space<vmem>>, vector<128x64xf32>
    %dot_general3A_38 = arith.constant dense<0.000000e+00> : vector<2048x64xf32>
    %dot_general3A_39 = tpu.matmul %mul3A_34, %get3A_37, %dot_general3A_38 {dimension_numbers = #tpu.dot_dimension_numbers<[1], [0], [0], [1], [0, 0, 1, 1], [], []>, transpose_lhs_hint = false} : vector<2048x128xf32>, vector<128x64xf32>, vector<2048x64xf32> -> vector<2048x64xf32>
    %convert_element_type3A_40 = arith.truncf %dot_general3A_39 : vector<2048x64xf32> to vector<2048x64xbf16>
    %swap3A_41 = arith.constant 0 : index
    %swap3A_42 = arith.constant 0 : index
    %swap3A_43 = vector.load %arg8[%swap3A_41, %swap3A_42] : memref<2048x64xbf16, #tpu.memory_space<vmem>>, vector<2048x64xbf16>
    tpu.vector_store %arg8[%swap3A_41, %swap3A_42], %convert_element_type3A_40 {strides = array<i32>} : memref<2048x64xbf16, #tpu.memory_space<vmem>>, vector<2048x64xbf16>,
    return
  }
  func.func @transform_0(%arg0: i32) -> (i32, i32) {
    %c0_i32 = arith.constant 0 : i32
    %c0_i32_0 = arith.constant 0 : i32
    return %arg0, %c0_i32 : i32, i32
  }
  func.func @transform_1(%arg0: i32) -> (i32, i32) {
    %c0_i32 = arith.constant 0 : i32
    %c0_i32_0 = arith.constant 0 : i32
    return %arg0, %c0_i32 : i32, i32
  }
  func.func @transform_2(%arg0: i32) -> (i32, i32) {
    %c0_i32 = arith.constant 0 : i32
    %c0_i32_0 = arith.constant 0 : i32
    %c0_i32_1 = arith.constant 0 : i32
    return %c0_i32, %c0_i32_0 : i32, i32
  }
  func.func @transform_3(%arg0: i32) -> (i32, i32) {
    %c0_i32 = arith.constant 0 : i32
    %c0_i32_0 = arith.constant 0 : i32
    %c0_i32_1 = arith.constant 0 : i32
    return %c0_i32, %c0_i32_0 : i32, i32
  }
  func.func @transform_4(%arg0: i32) -> (i32, i32) {
    %c0_i32 = arith.constant 0 : i32
    %c0_i32_0 = arith.constant 0 : i32
    %c0_i32_1 = arith.constant 0 : i32
    return %c0_i32, %c0_i32_0 : i32, i32
  }
  func.func @transform_5(%arg0: i32) -> (i32, i32) {
    %c0_i32 = arith.constant 0 : i32
    %c0_i32_0 = arith.constant 0 : i32
    %c0_i32_1 = arith.constant 0 : i32
    return %c0_i32, %c0_i32_0 : i32, i32
  }
  func.func @transform_6(%arg0: i32) -> (i32, i32) {
    %c0_i32 = arith.constant 0 : i32
    %c0_i32_0 = arith.constant 0 : i32
    return %arg0, %c0_i32 : i32, i32
  }
  func.func @transform_7(%arg0: i32) -> (i32, i32) {
    %c0_i32 = arith.constant 0 : i32
    %c0_i32_0 = arith.constant 0 : i32
    return %arg0, %c0_i32 : i32, i32
  }
}

module attributes {stable_mosaic.version = 14 : i64} {
  func.func @_tc_add_body(%arg0: i32, %arg1: memref<2048x64xf32, #tpu.memory_space<vmem>>, %arg2: memref<2048x64xbf16, #tpu.memory_space<vmem>>, %arg3: memref<2048x64xf32, #tpu.memory_space<vmem>>) attributes {dimension_semantics = [#tpu.dimension_semantics<arbitrary>], iteration_bounds = array<i64: 25>, scalar_prefetch = 0 : i64, scratch_operands = 0 : i64, tpu.core_type = #tpu.core_type<tc>, window_params = [{transform_indices = @transform_0, window_bounds = array<i64: 2048, 64>}, {transform_indices = @transform_1, window_bounds = array<i64: 2048, 64>}, {transform_indices = @transform_2, window_bounds = array<i64: 2048, 64>}]} {
    %get3A = arith.constant 0 : index
    %get3A_0 = arith.constant 0 : index
    %get3A_1 = vector.load %arg1[%get3A, %get3A_0] : memref<2048x64xf32, #tpu.memory_space<vmem>>, vector<2048x64xf32>
    %get3A_2 = arith.constant 0 : index
    %get3A_3 = arith.constant 0 : index
    %get3A_4 = vector.load %arg2[%get3A_2, %get3A_3] : memref<2048x64xbf16, #tpu.memory_space<vmem>>, vector<2048x64xbf16>
    %convert_element_type3A = arith.extf %get3A_4 : vector<2048x64xbf16> to vector<2048x64xf32>
    %add3A = arith.addf %get3A_1, %convert_element_type3A : vector<2048x64xf32>
    %swap3A = arith.constant 0 : index
    %swap3A_5 = arith.constant 0 : index
    %swap3A_6 = vector.load %arg3[%swap3A, %swap3A_5] : memref<2048x64xf32, #tpu.memory_space<vmem>>, vector<2048x64xf32>
    tpu.vector_store %arg3[%swap3A, %swap3A_5], %add3A {strides = array<i32>} : memref<2048x64xf32, #tpu.memory_space<vmem>>, vector<2048x64xf32>,
    return
  }
  func.func @transform_0(%arg0: i32) -> (i32, i32) {
    %c0_i32 = arith.constant 0 : i32
    %c0_i32_0 = arith.constant 0 : i32
    return %arg0, %c0_i32 : i32, i32
  }
  func.func @transform_1(%arg0: i32) -> (i32, i32) {
    %c0_i32 = arith.constant 0 : i32
    %c0_i32_0 = arith.constant 0 : i32
    return %arg0, %c0_i32 : i32, i32
  }
  func.func @transform_2(%arg0: i32) -> (i32, i32) {
    %c0_i32 = arith.constant 0 : i32
    %c0_i32_0 = arith.constant 0 : i32
    return %arg0, %c0_i32 : i32, i32
  }
}

</mosaic_0001>

<sc_bundles>
// kernel: kernel.13.cloned.1.call-start
scs
__scs_entry_jumppad:
0x0: {  	(pc) =	sbr.rel $0x88, $3  }
0x1: {  	(tag) =	ssettag $0x0;
	lr =	simm.s32 $0x1  }
0x2: {  	[smem:$0x3F91] =	sst lr;
	_ =	strace $0xD0000000  }
0x3: {  	_ = 	snop  }
0x4: {  	_ = 	snop  }
0x5: {  	_ = 	snop  }
0x6: {  	_ = 	snop  }
0x7: {  	_ = 	snop  }
__scs_overlays_trampoline_lowered:
0x8: {  	[smem:$0x3FA0] =	sst s0  }
0x9: {  	[smem:$0x3FA1] =	sst s1  }
0xa: {  	[smem:$0x3FA2] =	sst s2  }
0xb: {  	[smem:$0x3FA3] =	sst s3  }
0xc: {  	[smem:$0x3FA4] =	sst s4  }
0xd: {  	[smem:$0x3FA5] =	sst s5  }
0xe: {  	[smem:$0x3FA6] =	sst s6  }
0xf: {  	[smem:$0x3FA7] =	sst s7  }
0x10: {  	[smem:$0x3FA8] =	sst s8  }
0x11: {  	[smem:$0x3FA9] =	sst s9;
	s0 =	simm.s32 @!p0 $0x0  }
0x12: {  	s1 =	sld [smem:$0x3F8F];
	s0 =	simm.s32 @p0 $0x1  }
0x13: {  	[smem:$0x3FAA] =	sst s0;
	s0 =	simm.s32 @!p1 $0x0  }
0x14: {  	s2 =	sld [smem:$0x3F8E];
	s0 =	simm.s32 @p1 $0x1  }
0x15: {  	[smem:$0x3FAB] =	sst s0;
	s0 =	simm.s32 @!p2 $0x0  }
0x16: {  	s3 =	sld [smem:$0x3FDB];
	s0 =	simm.s32 @p2 $0x1  }
0x17: {  	s4 =	simm.s32 $0x1BF5;
	[smem:$0x3FAD] =	sst s0  }
0x18: {  	s0 =	sld [smem:$0x3F90];
	_ =	swait.ge [sflag:s4], $0x0  }
0x19: {  	s7 =	sld [smem:$0x3F91]  }
0x1a: {  	s8 =	sadd.s32 $0xFFFFE003, lr  }
0x1b: {  	s9 =	sadd.s32 $0xFFFFFEF7, lr;
	s5 =	simm.s32 $0xFFFFFFFF;
	p2 =	slt.u32 s8, $0xFFFFF086  }
0x1c: {  	p1 =	slt.u32 s9, $0xF7A;
	s5 =	simm.s32 @!p2 $0x0  }
0x1d: {  	s5 =	simm.s32 @p1 $0x1;
	p0 =	seq.s32 s7, s2  }
0x1e: {  	s7 =	smul.u32 @!p0 $0xF7A, s2;
	p2 =	seq.s32 @!p0 s5, $0x0  }
0x1f: {  	s9 =	smul.u32 $0xF7A, s1;
	s8 =	simm.s32 @!p0 $0x1BF5;
	p2 =	por !p2, p0  }
0x20: {  	[sflag:s8] =	ssyncset.s32 @!p0 $0xFFFFF086;
	s6 =	sadd.s32 @!p0 s3, s7;
	s7 =	simm.s32 @!p0 $0x108  }
0x21: {  	s3 =	sadd.s32 s3, s9;
	s6 =	sadd.s32 @!p0 $0x88, s6;
	s7 =	simm.s32 @p2 $0x1082  }
0x22: {  	[simem:s7], [sflag:s8] =	dma.local @!p0 [hbm:s6], $0xF7A  }
0x23: {  	s9 =	sor.u32 $0xD0000000, s2;
	s6 =	simm.s32 $0x108;
	_ =	swait.ge @!p0 [sflag:s8], $0x0  }
0x24: {  	s3 =	sadd.s32 $0x88, s3;
	s6 =	simm.s32 @!p1 $0x1082;
	[sflag:s4] =	ssyncset.s32 $0xFFFFF086  }
0x25: {  	[simem:s6], [sflag:s4] =	dma.local [hbm:s3], $0xF7A  }
0x26: {  	[smem:$0x3F91] =	sst s1;
	(tag) =	ssettag s2;
	_ =	strace s9  }
0x27: {  	s1 =	sld [smem:$0x3FA1]  }
0x28: {  	s2 =	sld [smem:$0x3FA2]  }
0x29: {  	s4 =	sld [smem:$0x3FA4]  }
0x2a: {  	p0 =	seq.s32 s5, $0x0;
	s5 =	sld [smem:$0x3FA5]  }
0x2b: {  	s6 =	sld [smem:$0x3FA6]  }
0x2c: {  	s7 =	sld [smem:$0x3FA7]  }
0x2d: {  	s3 =	simm.s32 $0x108;
	s8 =	sld [smem:$0x3FA8]  }
0x2e: {  	s3 =	simm.s32 @!p0 $0x1082;
	s9 =	sld [smem:$0x3FA9]  }
0x2f: {  	lr =	sadd.s32 s0, s3;
	s0 =	sld [smem:$0x3FA0]  }
0x30: {  	s3 =	sld [smem:$0x3FA3]  }
0x31: {  	[smem:$0x3FAC] =	sst s10  }
0x32: {  	s10 =	sld [smem:$0x3FAA];
	_ =	sdelay $0x3  }
0x33: {  	p0 =	seq.s32 s10, $0x1;
	s10 =	sld [smem:$0x3FAC];
	_ =	sdelay $0x3  }
0x34: {  	[smem:$0x3FAC] =	sst s10  }
0x35: {  	s10 =	sld [smem:$0x3FAB];
	_ =	sdelay $0x3  }
0x36: {  	p1 =	seq.s32 s10, $0x1;
	s10 =	sld [smem:$0x3FAC];
	_ =	sdelay $0x3  }
0x37: {  	[smem:$0x3FAC] =	sst s10  }
0x38: {  	s10 =	sld [smem:$0x3FAD]  }
0x39: {  	_ = 	snop;
	(pc) =	sbr.ind lr, $3  }
0x3a: {  	_ = 	snop  }
0x3b: {  	_ = 	snop  }
0x3c: {  	p2 =	seq.s32 s10, $0x1;
	s10 =	sld [smem:$0x3FAC]  }
0x3d: {  	_ =	shalt  }
0x3e: {  	_ =	shalt  }
0x3f: {  	_ =	shalt  }
0x40: {  	_ =	shalt  }
0x41: {  	_ =	shalt  }
0x42: {  	_ =	shalt  }
0x43: {  	_ =	shalt  }
0x44: {  	_ =	shalt  }
0x45: {  	_ =	shalt  }
0x46: {  	_ =	shalt  }
0x47: {  	_ =	shalt  }
0x48: {  	_ =	shalt  }
0x49: {  	_ =	shalt  }
0x4a: {  	_ =	shalt  }
0x4b: {  	_ =	shalt  }
0x4c: {  	_ =	shalt  }
0x4d: {  	_ =	shalt  }
0x4e: {  	_ =	shalt  }
0x4f: {  	_ =	shalt  }
0x50: {  	_ =	shalt  }
0x51: {  	_ =	shalt  }
0x52: {  	_ =	shalt  }
0x53: {  	_ =	shalt  }
0x54: {  	_ =	shalt  }
0x55: {  	_ =	shalt  }
0x56: {  	_ =	shalt  }
0x57: {  	_ =	shalt  }
0x58: {  	_ =	shalt  }
0x59: {  	_ =	shalt  }
0x5a: {  	_ =	shalt  }
0x5b: {  	_ =	shalt  }
0x5c: {  	_ =	shalt  }
0x5d: {  	_ =	shalt  }
0x5e: {  	_ =	shalt  }
0x5f: {  	_ =	shalt  }
0x60: {  	_ =	shalt  }
0x61: {  	_ =	shalt  }
0x62: {  	_ =	shalt  }
0x63: {  	_ =	shalt  }
0x64: {  	_ =	shalt  }
0x65: {  	_ =	shalt  }
0x66: {  	_ =	shalt  }
0x67: {  	_ =	shalt  }
0x68: {  	_ =	shalt  }
0x69: {  	_ =	shalt  }
0x6a: {  	_ =	shalt  }
0x6b: {  	_ =	shalt  }
0x6c: {  	_ =	shalt  }
0x6d: {  	_ =	shalt  }
0x6e: {  	_ =	shalt  }
0x6f: {  	_ =	shalt  }
0x70: {  	_ =	shalt  }
0x71: {  	_ =	shalt  }
0x72: {  	_ =	shalt  }
0x73: {  	_ =	shalt  }
0x74: {  	_ =	shalt  }
0x75: {  	_ =	shalt  }
0x76: {  	_ =	shalt  }
0x77: {  	_ =	shalt  }
0x78: {  	_ =	shalt  }
0x79: {  	_ =	shalt  }
0x7a: {  	_ =	shalt  }
0x7b: {  	_ =	shalt  }
0x7c: {  	_ =	shalt  }
0x7d: {  	_ =	shalt  }
0x7e: {  	_ =	shalt  }
0x7f: {  	_ =	shalt  }
0x80: {  	_ =	shalt  }
0x81: {  	_ =	shalt  }
0x82: {  	_ =	shalt  }
0x83: {  	_ =	shalt  }
0x84: {  	_ =	shalt  }
0x85: {  	_ =	shalt  }
0x86: {  	_ =	shalt  }
0x87: {  	_ =	shalt  }
.Lfunc_end0:
.L_simem_size_0:
called_computation_lowered:
.L_overlay_start_0:
0x88: {  	s2 =	sld [smem:$0x3FD9]  }
0x89: {  	s3 =	sld [smem:$0x3FFE];
	_ =	sdelay $0x1  }
0x8a: {  	s1 =	srdreg.scid  }
0x8b: {  	s0 =	sand.u32 $0x1, s1  }
0x8c: {  	s17 =	sshll.u32 s0, $0xA;
	s2 =	sadd.s32 s3, s2  }
0x8d: {  	s2 =	sadd.s32 s2, s17  }
0x8e: {  	[smem:$0x3FB8] =	sst s2  }
0x8f: {  	_ = 	snop  }
0x90: {  	s2 =	sld [smem:$0x3FD0];
	(tm) =	ssettm $0x1  }
0x91: {  	s18 =	sld [smem:$0x3FFB];
	_ =	sdelay $0x3  }
0x92: {  	_ =	strace s18  }
0x93: {  	s3 =	sld [smem:$0x3FFC];
	_ =	sdelay $0x3  }
0x94: {  	_ =	strace s3  }
0x95: {  	s3 =	sld [smem:$0x3FFD];
	_ =	sdelay $0x3  }
0x96: {  	_ =	strace s3  }
0x97: {  	_ =	strace $0x8FFFFFFF  }
0x98: {  	s19 =	sld [smem:$0x3FDB];
	_ =	sdelay $0x1  }
0x99: {  	s4 =	simm.s32 $_scs_section_size  }
0x9a: {  	s5 =	simm.s32 $_size__tile_overlayer_lowered;
	s6 =	simm.s32 $_tile_overlayer_lowered  }
0x9b: {  	s22 =	simm.s32 $0x1BFF;
	s21 =	sshll.u32 s6, $0x1;
	s3 =	sadd.s32 s4, s19  }
0x9c: {  	s7 =	simm.s32 $0x0;
	s20 =	sshll.u32 s5, $0x1;
	s5 =	sadd.s32 s21, s3  }
0x9d: {  	[timem:s7], [sflag:s22] =	dma.local [hbm:s5], s20  }
0x9e: {  	_ =	swait.ge [sflag:s22], s20  }
0x9f: {  	s4 =	ssub.s32 $0x0, s20;
	[sflag:s22] =	ssyncset.done $0x0  }
0xa0: {  	[sflag:s22] =	ssyncadd.s32 s4;
	_ =	sdelay $0x1  }
0xa1: {  	s23 =	simm.s32 $0x1B8B  }
0xa2: {  	_ =	swait.ge [sflag:s23], $0x1  }
0xa3: {  	[sflag:s23] =	ssyncset.done $0x0  }
0xa4: {  	s25 =	simm.s32 $0x1B8E;
	s24 =	sld [smem:$0x3FFE];
	[sflag:s23] =	ssyncadd.s32 $0xFFFFFFFF  }
0xa5: {  	s26 =	simm.s32 $execute0_lowered;
	[smem:$0x3FD2] =	sst s25  }
0xa6: {  	s5 =	sshll.u32 s26, $0x1;
	_ =	strace $0x80000046;
	[dreg:$0x1] =	wrdreg $0xFFFFFFFF  }
0xa7: {  	s28 =	simm.s32 $_size_execute0_lowered;
	s3 =	sadd.s32 s3, s5;
	[dreg:$0x0] =	wrdreg $0x0  }
0xa8: {  	s5 =	sshll.u32 s28, $0x1;
	[dreg:$0x2] =	wrdreg s3  }
0xa9: {  	[dreg:$0x3] =	wrdreg s5  }
0xaa: {  	[dreg:$0x4] =	wrdreg $0xC0  }
0xab: {  	_ =	task [dreg:s7], $0x5FFFF  }
0xac: {  	[dreg:$0x1] =	wrdreg $0xFFFFFFFF  }
0xad: {  	[dreg:$0x0] =	wrdreg $0x60  }
0xae: {  	[dreg:$0x2] =	wrdreg s24  }
0xaf: {  	[dreg:$0x3] =	wrdreg s2  }
0xb0: {  	[dreg:$0x4] =	wrdreg $0x9  }
0xb1: {  	_ =	task.clear_ibuf [dreg:s7], $0x5FFFF;
	_ =	strace $0x90000046  }
0xb2: {  	s29 =	simm.s32 $0x9;
	_ =	strace $0x80000048  }
0xb3: {  	_ =	swait.ge [sflag:s29], $0x1  }
0xb4: {  	[sflag:s29] =	ssyncadd.s32 $0xFFFFFFFF  }
0xb5: {  	_ =	strace $0x90000048  }
0xb6: {  	_ =	sfence  }
0xb7: {  	s30 =	sld [smem:$0x0];
	_ =	sdelay $0x2  }
0xb8: {  	s31 =	sshll.u32 s1, $0xD;
	s1 =	sshrl.u32 s1, $0x2  }
0xb9: {  	s3 =	sand.u32 $0x4000, s31;
	s1 =	sadd.s32 s1, s30  }
0xba: {  	s0 =	sor.u32 s3, s0;
	s1 =	sshll.u32 s1, $0x11  }
0xbb: {  	s0 =	sor.u32 s1, s0  }
0xbc: {  	s0 =	sadd.s32 $0x8F2B, s0  }
0xbd: {  	[sflag:s0] =	ssyncadd.remote.s32 $0x1  }
0xbe: {  	_ =	sfence.sel $0xFFFF  }
0xbf: {  	[dreg:$0x0] =	wrdreg $0xFFFFFFFF;
	(pc) =	sbr.abs _section_cstart, $3  }
0xc0: {  	[dreg:$0x1] =	wrdreg $0xFFFFFFFF  }
0xc1: {  	_ =	task.clear_ibuf [dreg:s7], $0x2FFFF;
	_ =	strace $0x9FFFFFFF  }
0xc2: {  	(tm) =	ssettm $0x7FFFFFFF  }
0xc3: {  	_ =	shalt  }
tec
execute0_lowered:
.L_overlay_start_1:
0x0: {  	(tag) =	ssettag $0x1  }
0x1: {  	s11 =	rddreg [dreg:$0x0]  }
0x2: {  	s2 =	rddreg [dreg:$0x1]  }
0x3: {  	s0 =	rddreg [dreg:$0x2]  }
0x4: {  	s3 =	simm.s32 $0x0;
	s1 =	stileid.u32;
	s4 =	srdreg.scid  }
0x5: {  	s13 =	simm.s32 $0x4;
	s14 =	simm.s32 $0xA00;
	s15 =	simm.s32 $0x1400  }
0x6: {  	s17 =	simm.s32 $0x3;
	s18 =	simm.s32 $0x0;
	s5 =	smul.u32 $0xA00, s1  }
0x7: {  	[smem:$0x7FF] =	sst s3;
	s16 =	sand.u32 $0x1, s4;
	s6 =	smul.u32 $0xBE00, s1  }
0x8: {  	s4 =	sadd.s32 $0x5400, s11;
	_ =	strace $0x80000047;
	p0 =	seq.s32 s16, $0x0  }
0x9: {  	s30 =	ssub.s32 $0x2, s16;
	p1 =	sne.s32 s16, $0x0;
	s16 =	simm.s32 $0x1  }
0xa: {  	s12 =	sadd.s32 $0xBE000, s5;
	s7 =	sshrl.u32 s30, $0x1;
	s5 =	simm.s32 $0x13  }
.Ltmp0:
0xb: {  	s12 =	smov.u32 @p0 s6;
	s8 =	ssub.s32 s30, s7;
	(pc) =	sbr.rel .LBB2_1-.Ltmp0, $4  }
0xc: {  	s6 =	sshrl.u32 s6, $0x3;
	s5 =	simm.s32 @!p0 $0x1;
	s10 =	sadd.s32 s12, s11  }
0xd: {  	s31 =	sshrl.u32 s12, $0x3;
	s9 =	sadd.s32 s4, s6;
	s8 =	smax.u32 s8, $0x1  }
0xe: {  	s11 =	sadd.s32 $0x1EE00, s11;
	s12 =	sadd.s32 $0x1E00, s12;
	s6 =	sadd.s32 s4, s31  }
0xf: {  	s7 =	sadd.s32 $0x140, s9;
	s9 =	sadd.s32 $0x280, s9;
	s10 =	sadd.s32 $0x1E400, s10  }
.LBB2_4:
0x10: {  	s19 =	sadd.s32 $0x1400, s22  }
0x11: {  	[hbm4b:s21+s3] =	stream.linear.scatter [tilespmem:s19], [sflag:$0x3], $0x5000, $0x38;
	[tilespmem:$0xB400] =	vst v63  }
.LBB2_5:
0x12: {  	s18 =	sadd.s32 $0x1, s18  }
0x13: {  	p2 =	sne.s32 s18, s8  }
.Ltmp1:
0x14: {  	_ = 	snop;
	(pc) =	sbr.rel @!p2 .LBB2_6-.Ltmp1, $4  }
0x15: {  	_ = 	snop  }
0x16: {  	_ =	swait.ge [sflag:s17], $0x5000  }
0x17: {  	[sflag:s17] =	ssyncset.done $0x0  }
0x18: {  	[sflag:s17] =	ssyncadd.s32 $0xFFFFB000  }
.LBB2_1:
0x19: {  	[tilespmem:s3], [sflag:$0x4] =	stream.linear.gather [hbm4b:s6+s3], $0xA00, $0x38;
	[tilespmem:$0xB400] =	vst v63  }
0x1a: {  	_ =	swait.ge [sflag:s13], $0xA00  }
0x1b: {  	[sflag:s13] =	ssyncset.done $0x0  }
0x1c: {  	[sflag:s13] =	ssyncadd.s32 $0xFFFFF600  }
0x1d: {  	[tilespmem:s15], [sflag:$0x1] =	stream.indirect.gather [hbm4b:s2+s14], $0x8, s3, s14, $0xb8;
	[tilespmem:$0xB400] =	vst v63  }
0x1e: {  	s19 =	simm.s32 @p0 $0x0;
	s20 =	simm.s32 @p0 $0xA00;
	s21 =	simm.s32 @p0 $0x1  }
0x1f: {  	[tilespmem:s20], [sflag:$0x2] =	stream.linear.gather @p0 [hbm4b:s7+s19], $0xA00, $0x38;
	[tilespmem:$0xB400] =	vst v63  }
0x20: {  	_ =	swait.ge @p0 [sflag:s21], $0x5000  }
0x21: {  	[sflag:s21] =	ssyncset.done @p0 $0x0  }
0x22: {  	[sflag:s21] =	ssyncadd.s32 @p0 $0xFFFFB000;
	s21 =	simm.s32 @p0 $0x2  }
0x23: {  	_ =	swait.ge @p0 [sflag:s21], $0xA00  }
0x24: {  	[sflag:s21] =	ssyncset.done @p0 $0x0  }
0x25: {  	[sflag:s21] =	ssyncadd.s32 @p0 $0xFFFFF600;
	s21 =	simm.s32 @p0 $0x6400  }
0x26: {  	[tilespmem:s21], [sflag:$0x1] =	stream.indirect.gather @p0 [hbm4b:s2+s20], $0x8, s20, s20, $0xb8;
	[tilespmem:$0xB400] =	vst v63  }
0x27: {  	_ = 	snop  }
0x28: {  	[tilespmem:s19], [sflag:$0x2] =	stream.linear.gather @p0 [hbm4b:s9+s19], $0xA00, $0x38;
	[tilespmem:$0xB400] =	vst v63  }
.Ltmp2:
0x29: {  	s19 =	simm.s32 @!p0 $0x1;
	(pc) =	sbr.rel @p1 .LBB2_5-.Ltmp2, $4  }
0x2a: {  	_ =	swait.ge @!p0 [sflag:s19], $0x5000  }
0x2b: {  	[sflag:s19] =	ssyncset.done @!p0 $0x0  }
0x2c: {  	[sflag:s19] =	ssyncadd.s32 @!p0 $0xFFFFB000  }
0x2d: {  	[hbm4b:s10+s3] =	stream.linear.scatter [tilespmem:s15], [sflag:$0x3], $0x5000, $0x38;
	[tilespmem:$0xB400] =	vst v63  }
0x2e: {  	_ =	swait.ge [sflag:s16], $0x5000  }
0x2f: {  	s19 =	sand.u32 $0x1, s16;
	[sflag:s16] =	ssyncset.done $0x0  }
0x30: {  	p3 =	sle.u32 s5, $0x2;
	p2 =	sle.u32 s5, $0x3;
	[sflag:s16] =	ssyncadd.s32 $0xFFFFB000  }
0x31: {  	s20 =	sxor.u32 @!p3 $0x1, s19;
	s21 =	smul.u32 @!p2 $0x2800, s19;
	_ =	swait.ge [sflag:s17], $0x5000  }
0x32: {  	s22 =	smul.u32 @!p3 $0x2800, s20;
	[sflag:s17] =	ssyncset.done $0x0  }
0x33: {  	s23 =	simm.s32 @!p3 $0x2;
	s20 =	smul.u32 @!p3 $0x14000, s20;
	[sflag:s17] =	ssyncadd.s32 $0xFFFFB000  }
0x34: {  	s24 =	simm.s32 @!p3 $0xA00;
	s30 =	smul.u32 $0x14000, s19;
	_ =	swait.ge @!p3 [sflag:s23], $0xA00  }
0x35: {  	s22 =	sshrl.u32 @!p3 s22, $0x2;
	s20 =	sshrl.u32 @!p3 s20, $0x2;
	[sflag:s23] =	ssyncset.done @!p3 $0x0  }
0x36: {  	s20 =	sadd.s32 @!p3 $0x1400, s20;
	[sflag:s23] =	ssyncadd.s32 @!p3 $0xFFFFF600;
	s23 =	sshrl.u32 @!p2 s12, $0x3  }
0x37: {  	[tilespmem:s20], [sflag:$0x1] =	stream.indirect.gather @!p3 [hbm4b:s2+s24], $0x8, s22, s24, $0xb8;
	[tilespmem:$0xB400] =	vst v63  }
0x38: {  	s21 =	sshrl.u32 @!p2 s21, $0x2;
	s19 =	sadd.s32 @!p2 s4, s23;
	s22 =	simm.s32 @!p2 $0x0  }
0x39: {  	[tilespmem:s21], [sflag:$0x2] =	stream.linear.gather @!p2 [hbm4b:s19+s22], $0xA00, $0x38;
	[tilespmem:$0xB400] =	vst v63  }
0x3a: {  	p2 =	sne.s32 s5, $0x2  }
.Ltmp3:
0x3b: {  	_ = 	snop;
	(pc) =	sbr.rel @!p2 .LBB2_4-.Ltmp3, $3  }
0x3c: {  	_ =	sdelay $0x1  }
0x3d: {  	s31 =	sadd.s32 s12, s11;
	s20 =	smov.u32 s12  }
0x3e: {  	s19 =	simm.s32 $0x2;
	s21 =	sadd.s32 $0xFFFFE200, s31;
	s22 =	sshrl.u32 s30, $0x2  }
.LBB2_3:
0x3f: {  	s22 =	sadd.s32 $0x1400, s22  }
0x40: {  	s20 =	sadd.s32 $0xA00, s20;
	s23 =	smov.u32 s19;
	s19 =	sadd.s32 $0x1, s19  }
0x41: {  	[hbm4b:s21+s3] =	stream.linear.scatter [tilespmem:s22], [sflag:$0x3], $0x5000, $0x38;
	[tilespmem:$0xB400] =	vst v63  }
0x42: {  	p2 =	sne.s32 s5, s19;
	_ =	swait.ge [sflag:s16], $0x5000  }
0x43: {  	s22 =	sand.u32 $0x1, s23;
	s21 =	sadd.s32 s20, s11;
	[sflag:s16] =	ssyncset.done $0x0  }
0x44: {  	s23 =	sadd.s32 $0x2, s23;
	s21 =	sadd.s32 $0xFFFFE200, s21;
	[sflag:s16] =	ssyncadd.s32 $0xFFFFB000  }
0x45: {  	p4 =	sge.u32 s19, s5;
	p3 =	sge.u32 s23, s5;
	_ =	swait.ge [sflag:s17], $0x5000  }
0x46: {  	s23 =	sxor.u32 @!p4 $0x1, s22;
	s24 =	smul.u32 @!p3 $0x2800, s22;
	[sflag:s17] =	ssyncset.done $0x0  }
0x47: {  	s26 =	simm.s32 @!p4 $0x2;
	s25 =	smul.u32 @!p4 $0x2800, s23;
	[sflag:s17] =	ssyncadd.s32 $0xFFFFB000  }
0x48: {  	s23 =	smul.u32 @!p4 $0x14000, s23;
	s24 =	sshrl.u32 @!p3 s24, $0x2;
	_ =	swait.ge @!p4 [sflag:s26], $0xA00  }
0x49: {  	s28 =	simm.s32 @!p4 $0xA00;
	s25 =	sshrl.u32 @!p4 s25, $0x2;
	[sflag:s26] =	ssyncset.done @!p4 $0x0  }
.Ltmp4:
0x4a: {  	s23 =	sshrl.u32 @!p4 s23, $0x2;
	[sflag:s26] =	ssyncadd.s32 @!p4 $0xFFFFF600;
	(pc) =	sbr.rel @p2 .LBB2_3-.Ltmp4, $4  }
0x4b: {  	s22 =	smul.u32 $0x14000, s22;
	s23 =	sadd.s32 @!p4 $0x1400, s23;
	s26 =	sshrl.u32 @!p3 s20, $0x3  }
0x4c: {  	[tilespmem:s23], [sflag:$0x1] =	stream.indirect.gather @!p4 [hbm4b:s2+s28], $0x8, s25, s28, $0xb8;
	[tilespmem:$0xB400] =	vst v63  }
0x4d: {  	s22 =	sshrl.u32 s22, $0x2;
	s23 =	sadd.s32 @!p3 s4, s26;
	s25 =	simm.s32 @!p3 $0x0  }
0x4e: {  	[tilespmem:s24], [sflag:$0x2] =	stream.linear.gather @!p3 [hbm4b:s23+s25], $0xA00, $0x38;
	[tilespmem:$0xB400] =	vst v63  }
.Ltmp5:
0x4f: {  	_ = 	snop;
	(pc) =	sbr.rel .LBB2_4-.Ltmp5, $1  }
0x50: {  	_ =	sdelay $0x3  }
.LBB2_6:
0x51: {  	_ =	sfence.sel $0x180000  }
0x52: {  	[bflag:$0x0] =	sbarrier.arrive $0xFFFF  }
0x53: {  	p0 =	sne.s32 s1, $0x0;
	_ =	strace $0x90000047  }
0x54: {  	s0 =	sadd.s32 @!p0 $0x100000, s0;
	[bflag:$0x2] =	sbarrier.arrive $0xFFFF  }
0x55: {  	[sflag:s0] =	ssyncadd.tile.s32 @!p0 $0x1;
	_ =	shalt  }
.Lfunc_end2:
_tile_overlayer_lowered:
.L_overlay_start_2:
0x56: {  	(tag) =	ssettag $0x2  }
0x57: {  	s0 =	rddreg [dreg:$0x0];
	s2 =	stileid.u32  }
0x58: {  	s1 =	rddreg [dreg:$0x1];
	p0 =	sne.s32 s2, $0x0  }
0x59: {  	s3 =	rddreg [dreg:$0x2];
	[bflag:$0x3] =	sbarrier.arrive $0xFFFF;
	s2 =	simm.s32 @!p0 $0x1C04  }
0x5a: {  	[timem:s3], [sflag:s2] =	dma.local @!p0 [hbm:s0], s1  }
0x5b: {  	s0 =	simm.s32 @!p0 $0x4  }
0x5c: {  	_ =	swait.ge @!p0 [sflag:s0], s1  }
0x5d: {  	s1 =	ssub.s32 @!p0 $0x0, s1;
	[sflag:s0] =	ssyncset.done @!p0 $0x0  }
0x5e: {  	[sflag:s0] =	ssyncadd.s32 @!p0 s1  }
0x5f: {  	[bflag:$0x3] =	sbarrier.arrive $0xFFFF  }
0x60: {  	_ =	shalt  }

// kernel: kernel.16.cloned.1.call-start
scs
__scs_entry_jumppad:
0x0: {  	(pc) =	sbr.rel $0x88, $3  }
0x1: {  	(tag) =	ssettag $0x0;
	lr =	simm.s32 $0x1  }
0x2: {  	[smem:$0x3F91] =	sst lr;
	_ =	strace $0xD0000000  }
0x3: {  	_ = 	snop  }
0x4: {  	_ = 	snop  }
0x5: {  	_ = 	snop  }
0x6: {  	_ = 	snop  }
0x7: {  	_ = 	snop  }
__scs_overlays_trampoline_lowered:
0x8: {  	[smem:$0x3FA0] =	sst s0  }
0x9: {  	[smem:$0x3FA1] =	sst s1  }
0xa: {  	[smem:$0x3FA2] =	sst s2  }
0xb: {  	[smem:$0x3FA3] =	sst s3  }
0xc: {  	[smem:$0x3FA4] =	sst s4  }
0xd: {  	[smem:$0x3FA5] =	sst s5  }
0xe: {  	[smem:$0x3FA6] =	sst s6  }
0xf: {  	[smem:$0x3FA7] =	sst s7  }
0x10: {  	[smem:$0x3FA8] =	sst s8  }
0x11: {  	[smem:$0x3FA9] =	sst s9;
	s0 =	simm.s32 @!p0 $0x0  }
0x12: {  	s1 =	sld [smem:$0x3F8F];
	s0 =	simm.s32 @p0 $0x1  }
0x13: {  	[smem:$0x3FAA] =	sst s0;
	s0 =	simm.s32 @!p1 $0x0  }
0x14: {  	s2 =	sld [smem:$0x3F8E];
	s0 =	simm.s32 @p1 $0x1  }
0x15: {  	[smem:$0x3FAB] =	sst s0;
	s0 =	simm.s32 @!p2 $0x0  }
0x16: {  	s3 =	sld [smem:$0x3FDB];
	s0 =	simm.s32 @p2 $0x1  }
0x17: {  	s4 =	simm.s32 $0x1BF5;
	[smem:$0x3FAD] =	sst s0  }
0x18: {  	s0 =	sld [smem:$0x3F90];
	_ =	swait.ge [sflag:s4], $0x0  }
0x19: {  	s7 =	sld [smem:$0x3F91]  }
0x1a: {  	s8 =	sadd.s32 $0xFFFFE003, lr  }
0x1b: {  	s9 =	sadd.s32 $0xFFFFFEF7, lr;
	s5 =	simm.s32 $0xFFFFFFFF;
	p2 =	slt.u32 s8, $0xFFFFF086  }
0x1c: {  	p1 =	slt.u32 s9, $0xF7A;
	s5 =	simm.s32 @!p2 $0x0  }
0x1d: {  	s5 =	simm.s32 @p1 $0x1;
	p0 =	seq.s32 s7, s2  }
0x1e: {  	s7 =	smul.u32 @!p0 $0xF7A, s2;
	p2 =	seq.s32 @!p0 s5, $0x0  }
0x1f: {  	s9 =	smul.u32 $0xF7A, s1;
	s8 =	simm.s32 @!p0 $0x1BF5;
	p2 =	por !p2, p0  }
0x20: {  	[sflag:s8] =	ssyncset.s32 @!p0 $0xFFFFF086;
	s6 =	sadd.s32 @!p0 s3, s7;
	s7 =	simm.s32 @!p0 $0x108  }
0x21: {  	s3 =	sadd.s32 s3, s9;
	s6 =	sadd.s32 @!p0 $0x88, s6;
	s7 =	simm.s32 @p2 $0x1082  }
0x22: {  	[simem:s7], [sflag:s8] =	dma.local @!p0 [hbm:s6], $0xF7A  }
0x23: {  	s9 =	sor.u32 $0xD0000000, s2;
	s6 =	simm.s32 $0x108;
	_ =	swait.ge @!p0 [sflag:s8], $0x0  }
0x24: {  	s3 =	sadd.s32 $0x88, s3;
	s6 =	simm.s32 @!p1 $0x1082;
	[sflag:s4] =	ssyncset.s32 $0xFFFFF086  }
0x25: {  	[simem:s6], [sflag:s4] =	dma.local [hbm:s3], $0xF7A  }
0x26: {  	[smem:$0x3F91] =	sst s1;
	(tag) =	ssettag s2;
	_ =	strace s9  }
0x27: {  	s1 =	sld [smem:$0x3FA1]  }
0x28: {  	s2 =	sld [smem:$0x3FA2]  }
0x29: {  	s4 =	sld [smem:$0x3FA4]  }
0x2a: {  	p0 =	seq.s32 s5, $0x0;
	s5 =	sld [smem:$0x3FA5]  }
0x2b: {  	s6 =	sld [smem:$0x3FA6]  }
0x2c: {  	s7 =	sld [smem:$0x3FA7]  }
0x2d: {  	s3 =	simm.s32 $0x108;
	s8 =	sld [smem:$0x3FA8]  }
0x2e: {  	s3 =	simm.s32 @!p0 $0x1082;
	s9 =	sld [smem:$0x3FA9]  }
0x2f: {  	lr =	sadd.s32 s0, s3;
	s0 =	sld [smem:$0x3FA0]  }
0x30: {  	s3 =	sld [smem:$0x3FA3]  }
0x31: {  	[smem:$0x3FAC] =	sst s10  }
0x32: {  	s10 =	sld [smem:$0x3FAA];
	_ =	sdelay $0x3  }
0x33: {  	p0 =	seq.s32 s10, $0x1;
	s10 =	sld [smem:$0x3FAC];
	_ =	sdelay $0x3  }
0x34: {  	[smem:$0x3FAC] =	sst s10  }
0x35: {  	s10 =	sld [smem:$0x3FAB];
	_ =	sdelay $0x3  }
0x36: {  	p1 =	seq.s32 s10, $0x1;
	s10 =	sld [smem:$0x3FAC];
	_ =	sdelay $0x3  }
0x37: {  	[smem:$0x3FAC] =	sst s10  }
0x38: {  	s10 =	sld [smem:$0x3FAD]  }
0x39: {  	_ = 	snop;
	(pc) =	sbr.ind lr, $3  }
0x3a: {  	_ = 	snop  }
0x3b: {  	_ = 	snop  }
0x3c: {  	p2 =	seq.s32 s10, $0x1;
	s10 =	sld [smem:$0x3FAC]  }
0x3d: {  	_ =	shalt  }
0x3e: {  	_ =	shalt  }
0x3f: {  	_ =	shalt  }
0x40: {  	_ =	shalt  }
0x41: {  	_ =	shalt  }
0x42: {  	_ =	shalt  }
0x43: {  	_ =	shalt  }
0x44: {  	_ =	shalt  }
0x45: {  	_ =	shalt  }
0x46: {  	_ =	shalt  }
0x47: {  	_ =	shalt  }
0x48: {  	_ =	shalt  }
0x49: {  	_ =	shalt  }
0x4a: {  	_ =	shalt  }
0x4b: {  	_ =	shalt  }
0x4c: {  	_ =	shalt  }
0x4d: {  	_ =	shalt  }
0x4e: {  	_ =	shalt  }
0x4f: {  	_ =	shalt  }
0x50: {  	_ =	shalt  }
0x51: {  	_ =	shalt  }
0x52: {  	_ =	shalt  }
0x53: {  	_ =	shalt  }
0x54: {  	_ =	shalt  }
0x55: {  	_ =	shalt  }
0x56: {  	_ =	shalt  }
0x57: {  	_ =	shalt  }
0x58: {  	_ =	shalt  }
0x59: {  	_ =	shalt  }
0x5a: {  	_ =	shalt  }
0x5b: {  	_ =	shalt  }
0x5c: {  	_ =	shalt  }
0x5d: {  	_ =	shalt  }
0x5e: {  	_ =	shalt  }
0x5f: {  	_ =	shalt  }
0x60: {  	_ =	shalt  }
0x61: {  	_ =	shalt  }
0x62: {  	_ =	shalt  }
0x63: {  	_ =	shalt  }
0x64: {  	_ =	shalt  }
0x65: {  	_ =	shalt  }
0x66: {  	_ =	shalt  }
0x67: {  	_ =	shalt  }
0x68: {  	_ =	shalt  }
0x69: {  	_ =	shalt  }
0x6a: {  	_ =	shalt  }
0x6b: {  	_ =	shalt  }
0x6c: {  	_ =	shalt  }
0x6d: {  	_ =	shalt  }
0x6e: {  	_ =	shalt  }
0x6f: {  	_ =	shalt  }
0x70: {  	_ =	shalt  }
0x71: {  	_ =	shalt  }
0x72: {  	_ =	shalt  }
0x73: {  	_ =	shalt  }
0x74: {  	_ =	shalt  }
0x75: {  	_ =	shalt  }
0x76: {  	_ =	shalt  }
0x77: {  	_ =	shalt  }
0x78: {  	_ =	shalt  }
0x79: {  	_ =	shalt  }
0x7a: {  	_ =	shalt  }
0x7b: {  	_ =	shalt  }
0x7c: {  	_ =	shalt  }
0x7d: {  	_ =	shalt  }
0x7e: {  	_ =	shalt  }
0x7f: {  	_ =	shalt  }
0x80: {  	_ =	shalt  }
0x81: {  	_ =	shalt  }
0x82: {  	_ =	shalt  }
0x83: {  	_ =	shalt  }
0x84: {  	_ =	shalt  }
0x85: {  	_ =	shalt  }
0x86: {  	_ =	shalt  }
0x87: {  	_ =	shalt  }
.Lfunc_end0:
.L_simem_size_0:
called_computation.1_lowered:
.L_overlay_start_0:
0x88: {  	s2 =	sld [smem:$0x3FD9]  }
0x89: {  	s3 =	sld [smem:$0x3FFE];
	_ =	sdelay $0x1  }
0x8a: {  	s1 =	srdreg.scid  }
0x8b: {  	s0 =	sand.u32 $0x1, s1  }
0x8c: {  	s17 =	sshll.u32 s0, $0xA;
	s2 =	sadd.s32 s3, s2  }
0x8d: {  	s2 =	sadd.s32 s2, s17  }
0x8e: {  	[smem:$0x3FB8] =	sst s2  }
0x8f: {  	_ = 	snop  }
0x90: {  	s2 =	sld [smem:$0x3FD0];
	(tm) =	ssettm $0x1  }
0x91: {  	s18 =	sld [smem:$0x3FFB];
	_ =	sdelay $0x3  }
0x92: {  	_ =	strace s18  }
0x93: {  	s3 =	sld [smem:$0x3FFC];
	_ =	sdelay $0x3  }
0x94: {  	_ =	strace s3  }
0x95: {  	s3 =	sld [smem:$0x3FFD];
	_ =	sdelay $0x3  }
0x96: {  	_ =	strace s3  }
0x97: {  	_ =	strace $0x8FFFFFFF  }
0x98: {  	s19 =	sld [smem:$0x3FDB];
	_ =	sdelay $0x1  }
0x99: {  	s4 =	simm.s32 $_scs_section_size  }
0x9a: {  	s5 =	simm.s32 $_size__tile_overlayer_lowered;
	s6 =	simm.s32 $_tile_overlayer_lowered  }
0x9b: {  	s22 =	simm.s32 $0x1BFF;
	s21 =	sshll.u32 s6, $0x1;
	s3 =	sadd.s32 s4, s19  }
0x9c: {  	s7 =	simm.s32 $0x0;
	s20 =	sshll.u32 s5, $0x1;
	s5 =	sadd.s32 s21, s3  }
0x9d: {  	[timem:s7], [sflag:s22] =	dma.local [hbm:s5], s20  }
0x9e: {  	_ =	swait.ge [sflag:s22], s20  }
0x9f: {  	s4 =	ssub.s32 $0x0, s20;
	[sflag:s22] =	ssyncset.done $0x0  }
0xa0: {  	[sflag:s22] =	ssyncadd.s32 s4;
	_ =	sdelay $0x1  }
0xa1: {  	s23 =	simm.s32 $0x1B8B  }
0xa2: {  	_ =	swait.ge [sflag:s23], $0x1  }
0xa3: {  	[sflag:s23] =	ssyncset.done $0x0  }
0xa4: {  	s25 =	simm.s32 $0x1B8E;
	s24 =	sld [smem:$0x3FFE];
	[sflag:s23] =	ssyncadd.s32 $0xFFFFFFFF  }
0xa5: {  	s26 =	simm.s32 $execute0_lowered;
	[smem:$0x3FD2] =	sst s25  }
0xa6: {  	s5 =	sshll.u32 s26, $0x1;
	_ =	strace $0x80000049;
	[dreg:$0x1] =	wrdreg $0xFFFFFFFF  }
0xa7: {  	s28 =	simm.s32 $_size_execute0_lowered;
	s3 =	sadd.s32 s3, s5;
	[dreg:$0x0] =	wrdreg $0x0  }
0xa8: {  	s5 =	sshll.u32 s28, $0x1;
	[dreg:$0x2] =	wrdreg s3  }
0xa9: {  	[dreg:$0x3] =	wrdreg s5  }
0xaa: {  	[dreg:$0x4] =	wrdreg $0xC0  }
0xab: {  	_ =	task [dreg:s7], $0x5FFFF  }
0xac: {  	[dreg:$0x1] =	wrdreg $0xFFFFFFFF  }
0xad: {  	[dreg:$0x0] =	wrdreg $0x60  }
0xae: {  	[dreg:$0x2] =	wrdreg s24  }
0xaf: {  	[dreg:$0x3] =	wrdreg s2  }
0xb0: {  	[dreg:$0x4] =	wrdreg $0x9  }
0xb1: {  	_ =	task.clear_ibuf [dreg:s7], $0x5FFFF;
	_ =	strace $0x90000049  }
0xb2: {  	s29 =	simm.s32 $0x9;
	_ =	strace $0x8000004B  }
0xb3: {  	_ =	swait.ge [sflag:s29], $0x1  }
0xb4: {  	[sflag:s29] =	ssyncadd.s32 $0xFFFFFFFF  }
0xb5: {  	_ =	strace $0x9000004B  }
0xb6: {  	_ =	sfence  }
0xb7: {  	s30 =	sld [smem:$0x0];
	_ =	sdelay $0x2  }
0xb8: {  	s31 =	sshll.u32 s1, $0xD;
	s1 =	sshrl.u32 s1, $0x2  }
0xb9: {  	s3 =	sand.u32 $0x4000, s31;
	s1 =	sadd.s32 s1, s30  }
0xba: {  	s0 =	sor.u32 s3, s0;
	s1 =	sshll.u32 s1, $0x11  }
0xbb: {  	s0 =	sor.u32 s1, s0  }
0xbc: {  	s0 =	sadd.s32 $0x8F2B, s0  }
0xbd: {  	[sflag:s0] =	ssyncadd.remote.s32 $0x1  }
0xbe: {  	_ =	sfence.sel $0xFFFF  }
0xbf: {  	[dreg:$0x0] =	wrdreg $0xFFFFFFFF;
	(pc) =	sbr.abs _section_cstart, $3  }
0xc0: {  	[dreg:$0x1] =	wrdreg $0xFFFFFFFF  }
0xc1: {  	_ =	task.clear_ibuf [dreg:s7], $0x2FFFF;
	_ =	strace $0x9FFFFFFF  }
0xc2: {  	(tm) =	ssettm $0x7FFFFFFF  }
0xc3: {  	_ =	shalt  }
tec
execute0_lowered:
.L_overlay_start_1:
0x0: {  	(tag) =	ssettag $0x1  }
0x1: {  	s6 =	rddreg [dreg:$0x0]  }
0x2: {  	s1 =	rddreg [dreg:$0x1]  }
0x3: {  	s0 =	rddreg [dreg:$0x2];
	s3 =	simm.s32 $0x0;
	s4 =	srdreg.scid  }
0x4: {  	s2 =	stileid.u32;
	s13 =	simm.s32 $0xA00;
	s14 =	simm.s32 $0x1  }
0x5: {  	s15 =	simm.s32 $0x3;
	s16 =	simm.s32 $0x0;
	s5 =	smul.u32 $0x50, s2  }
0x6: {  	[smem:$0x7FF] =	sst s3;
	s11 =	sand.u32 $0x1, s4;
	s9 =	smul.u32 $0xC30, s2  }
0x7: {  	s4 =	sadd.s32 $0x5400, s6;
	s10 =	smul.u32 $0xC300, s2;
	s6 =	sadd.s32 $0x1E400, s6  }
0x8: {  	_ =	strace $0x8000004A;
	s7 =	ssub.s32 $0x2, s11;
	p0 =	seq.s32 s11, $0x0  }
0x9: {  	s8 =	sshrl.u32 s7, $0x1;
	s5 =	sadd.s32 $0xC300, s5;
	s31 =	sshrl.u32 s10, $0x3  }
0xa: {  	s12 =	ssub.s32 s7, s8;
	s5 =	smov.u32 @p0 s9;
	s7 =	simm.s32 $0x27  }
0xb: {  	s9 =	sadd.s32 s4, s31;
	s30 =	sshll.u32 s5, $0x1;
	s7 =	simm.s32 @!p0 $0x1  }
0xc: {  	s9 =	sadd.s32 $0xA0, s9;
	s10 =	smax.u32 s12, $0x1;
	p0 =	sne.s32 s11, $0x0  }
0xd: {  	s11 =	simm.s32 $0x4;
	s12 =	simm.s32 $0x500;
	s8 =	sadd.s32 s4, s30  }
.LBB2_1:
0xe: {  	[tilespmem:s3], [sflag:$0x4] =	stream.linear.gather [hbm4b:s8+s3], $0x500, $0x38;
	[tilespmem:$0x15E00] =	vst v63  }
0xf: {  	_ =	swait.ge [sflag:s11], $0x500  }
0x10: {  	[sflag:s11] =	ssyncset.done $0x0  }
0x11: {  	[sflag:s11] =	ssyncadd.s32 $0xFFFFFB00  }
0x12: {  	[tilespmem:s13], [sflag:$0x1] =	stream.indirect.gather [hbm4b:s1+s12], $0x20, s3, s12, $0xb8;
	[tilespmem:$0x15E00] =	vst v63  }
0x13: {  	s17 =	simm.s32 @!p0 $0x0;
	s18 =	simm.s32 @!p0 $0x500  }
0x14: {  	[tilespmem:s18], [sflag:$0x2] =	stream.linear.gather @!p0 [hbm4b:s9+s17], $0x500, $0x38;
	[tilespmem:$0x15E00] =	vst v63  }
0x15: {  	p1 =	por $0x0, $0x0;
	s18 =	simm.s32 $0x0  }
.LBB2_2:
0x16: {  	s17 =	sadd.s32 $0x1, s18  }
0x17: {  	s20 =	sand.u32 $0x1, s18;
	p2 =	sge.u32 s17, s7  }
0x18: {  	_ =	swait.ge [sflag:s14], $0xA000;
	s23 =	sadd.s32 $0x2, s18;
	s19 =	sxor.u32 @!p2 $0x1, s20  }
0x19: {  	[sflag:s14] =	ssyncset.done $0x0;
	p3 =	sge.u32 s23, s7;
	s21 =	smul.u32 @!p2 $0x1400, s19  }
0x1a: {  	[sflag:s14] =	ssyncadd.s32 $0xFFFF6000;
	s22 =	simm.s32 @!p2 $0x2;
	s19 =	smul.u32 @!p2 $0x28000, s19  }
0x1b: {  	s23 =	smul.u32 @!p3 $0x50, s23;
	_ =	swait.ge @!p2 [sflag:s22], $0x500  }
0x1c: {  	[sflag:s22] =	ssyncset.done @!p2 $0x0;
	s21 =	sshrl.u32 @!p2 s21, $0x2;
	s19 =	sshrl.u32 @!p2 s19, $0x2  }
0x1d: {  	[sflag:s22] =	ssyncadd.s32 @!p2 $0xFFFFFB00;
	s22 =	simm.s32 @!p2 $0x500;
	s19 =	sor.u32 @!p2 $0xA00, s19  }
0x1e: {  	[tilespmem:s19], [sflag:$0x1] =	stream.indirect.gather @!p2 [hbm4b:s1+s22], $0x20, s21, s22, $0xb8;
	[tilespmem:$0x15E00] =	vst v63  }
0x1f: {  	s19 =	smul.u32 @!p3 $0x1400, s20;
	s21 =	sadd.s32 @!p3 s5, s23;
	s22 =	simm.s32 $0x1  }
0x20: {  	s23 =	simm.s32 @!p3 $0x0;
	p2 =	seq.s32 s18, $0x0;
	s21 =	sshll.u32 @!p3 s21, $0x1  }
0x21: {  	s22 =	simm.s32 @!p1 $0x0;
	s19 =	sshrl.u32 @!p3 s19, $0x2;
	s21 =	sadd.s32 @!p3 s4, s21  }
0x22: {  	[tilespmem:s19], [sflag:$0x2] =	stream.linear.gather @!p3 [hbm4b:s21+s23], $0x500, $0x38;
	[tilespmem:$0x15E00] =	vst v63  }
0x23: {  	s30 =	smul.u32 $0x28000, s22;
	s21 =	simm.s32 @!p2 $0x3  }
0x24: {  	_ =	swait.ge @!p2 [sflag:s21], $0xA00  }
0x25: {  	s19 =	sshrl.u32 s30, $0x2;
	[sflag:s21] =	ssyncset.done @!p2 $0x0  }
0x26: {  	s19 =	sor.u32 $0xB00, s19;
	[sflag:s21] =	ssyncadd.s32 @!p2 $0xFFFFF600  }
0x27: {  	v0 =	vld [tilespmem:s19+$0xFFFFFF00]  }
0x28: {  	v1 =	vld [tilespmem:s19+$0xFFFFFF20]  }
0x29: {  	v2 =	vld [tilespmem:s19+$0xFFFFFF40]  }
0x2a: {  	v3 =	vld [tilespmem:s19+$0xFFFFFF60]  }
0x2b: {  	v4 =	vld [tilespmem:s19+$0xFFFFFF80]  }
0x2c: {  	v5 =	vld [tilespmem:s19+$0xFFFFFFA0]  }
0x2d: {  	v0 =	vmax.bf16 v0, v1;
	v1 =	vld [tilespmem:s19+$0xFFFFFFC0]  }
0x2e: {  	v0 =	vmax.bf16 v0, v2;
	v2 =	vld [tilespmem:s19+$0xFFFFFFE0]  }
0x2f: {  	v0 =	vmax.bf16 v0, v3;
	v3 =	vld [tilespmem:s19+$0x0]  }
0x30: {  	v0 =	vmax.bf16 v0, v4;
	v4 =	vld [tilespmem:s19+$0x20]  }
0x31: {  	v0 =	vmax.bf16 v0, v5;
	v5 =	vld [tilespmem:s19+$0x40]  }
0x32: {  	v0 =	vmax.bf16 v0, v1;
	v1 =	vld [tilespmem:s19+$0x60]  }
0x33: {  	s31 =	smul.u32 $0x2800, s22;
	v0 =	vmax.bf16 v0, v2;
	v2 =	vld [tilespmem:s19+$0x80]  }
0x34: {  	v0 =	vmax.bf16 v0, v3;
	v3 =	vld [tilespmem:s19+$0xA0]  }
0x35: {  	s21 =	sshrl.u32 s31, $0x2;
	v0 =	vmax.bf16 v0, v4;
	v4 =	vld [tilespmem:s19+$0xC0]  }
0x36: {  	s21 =	sadd.s32 $0x14A10, s21;
	v6 =	vld [tilespmem:s19+$0xE0];
	v5 =	vmax.bf16 v0, v5  }
0x37: {  	v0 =	vmov s21;
	v1 =	vmax.bf16 v5, v1  }
0x38: {  	v1 =	vmax.bf16 v1, v2  }
0x39: {  	v1 =	vmax.bf16 v1, v3  }
0x3a: {  	v1 =	vmax.bf16 v1, v4  }
0x3b: {  	s22 =	simm.s32 $0x0;
	v1 =	vmax.bf16 v1, v6  }
0x3c: {  	[tilespmem:v0+s22+$0xFFFFFFF0 ss:$0x1] =	vst.idx.msk $0xffff, v1  }
0x3d: {  	v1 =	vld [tilespmem:s19+$0xFFFFFF10]  }
0x3e: {  	v2 =	vld [tilespmem:s19+$0xFFFFFF30]  }
0x3f: {  	v3 =	vld [tilespmem:s19+$0xFFFFFF50]  }
0x40: {  	v4 =	vld [tilespmem:s19+$0xFFFFFF70]  }
0x41: {  	v5 =	vld [tilespmem:s19+$0xFFFFFF90]  }
0x42: {  	v61 =	vld [tilespmem:s19+$0xFFFFFFB0]  }
0x43: {  	v7 =	vld [tilespmem:s19+$0xFFFFFFD0];
	v1 =	vmax.bf16 v1, v2  }
0x44: {  	v2 =	vld [tilespmem:s19+$0xFFFFFFF0];
	v1 =	vmax.bf16 v1, v3  }
0x45: {  	v3 =	vld [tilespmem:s19+$0x10];
	v1 =	vmax.bf16 v1, v4  }
0x46: {  	v4 =	vld [tilespmem:s19+$0x30];
	v1 =	vmax.bf16 v1, v5  }
0x47: {  	v5 =	vld [tilespmem:s19+$0x50];
	v1 =	vmax.bf16 v1, v61  }
0x48: {  	v62 =	vld [tilespmem:s19+$0x70];
	v1 =	vmax.bf16 v1, v7  }
0x49: {  	v63 =	vld [tilespmem:s19+$0x90];
	v1 =	vmax.bf16 v1, v2  }
0x4a: {  	v1 =	vmax.bf16 v1, v3  }
0x4b: {  	v8 =	vld [tilespmem:s19+$0xB0];
	v1 =	vmax.bf16 v1, v4  }
0x4c: {  	v1 =	vmax.bf16 v1, v5  }
0x4d: {  	s20 =	smul.u32 $0x2800, s20;
	v2 =	vmax.bf16 v1, v62;
	v1 =	vld [tilespmem:s19+$0xD0]  }
0x4e: {  	v3 =	vmax.bf16 v2, v63;
	v2 =	vld [tilespmem:s19+$0xF0]  }
0x4f: {  	s20 =	sshrl.u32 s20, $0x2  }
0x50: {  	s20 =	sadd.s32 $0x14A00, s20;
	s21 =	simm.s32 $0x80;
	v3 =	vmax.bf16 v3, v8  }
.LBB2_3:
0x51: {  	p2 =	sne.s32 s21, $0x2780  }
0x52: {  	v1 =	vmax.bf16 v3, v1;
	s19 =	sadd.s32 $0x200, s19;
	s23 =	smov.u32 s21;
	s21 =	sadd.s32 $0x80, s21  }
0x53: {  	v1 =	vmax.bf16 v1, v2  }
0x54: {  	[tilespmem:v0+s22+$0x0 ss:$0x1] =	vst.idx.msk $0xffff, v1  }
0x55: {  	v1 =	vld [tilespmem:s19+$0xFFFFFF00]  }
0x56: {  	v2 =	vld [tilespmem:s19+$0xFFFFFF20]  }
0x57: {  	v3 =	vld [tilespmem:s19+$0xFFFFFF40]  }
0x58: {  	v4 =	vld [tilespmem:s19+$0xFFFFFF60]  }
0x59: {  	v5 =	vld [tilespmem:s19+$0xFFFFFF80]  }
0x5a: {  	v6 =	vld [tilespmem:s19+$0xFFFFFFA0]  }
0x5b: {  	v1 =	vmax.bf16 v1, v2;
	v2 =	vld [tilespmem:s19+$0xFFFFFFC0]  }
0x5c: {  	v1 =	vmax.bf16 v1, v3;
	v3 =	vld [tilespmem:s19+$0xFFFFFFE0]  }
0x5d: {  	v1 =	vmax.bf16 v1, v4;
	v4 =	vld [tilespmem:s19+$0x0]  }
0x5e: {  	v1 =	vmax.bf16 v1, v5;
	v5 =	vld [tilespmem:s19+$0x20]  }
0x5f: {  	v1 =	vmax.bf16 v1, v6;
	v6 =	vld [tilespmem:s19+$0x40]  }
0x60: {  	v1 =	vmax.bf16 v1, v2;
	v2 =	vld [tilespmem:s19+$0x60]  }
0x61: {  	v1 =	vmax.bf16 v1, v3;
	v3 =	vld [tilespmem:s19+$0x80]  }
0x62: {  	v1 =	vmax.bf16 v1, v4;
	v4 =	vld [tilespmem:s19+$0xA0]  }
0x63: {  	v1 =	vmax.bf16 v1, v5;
	v5 =	vld [tilespmem:s19+$0xC0]  }
0x64: {  	v1 =	vmax.bf16 v1, v6;
	v6 =	vld [tilespmem:s19+$0xE0]  }
0x65: {  	v1 =	vmax.bf16 v1, v2  }
0x66: {  	v1 =	vmax.bf16 v1, v3  }
0x67: {  	v1 =	vmax.bf16 v1, v4  }
0x68: {  	v1 =	vmax.bf16 v1, v5  }
0x69: {  	s22 =	sshra.s32 s23, $0x2;
	v1 =	vmax.bf16 v1, v6  }
0x6a: {  	[tilespmem:v0+s22+$0xFFFFFFF0 ss:$0x1] =	vst.idx.msk $0xffff, v1  }
0x6b: {  	v1 =	vld [tilespmem:s19+$0xFFFFFF50]  }
0x6c: {  	v2 =	vld [tilespmem:s19+$0xFFFFFF10]  }
0x6d: {  	v3 =	vld [tilespmem:s19+$0xFFFFFF30]  }
0x6e: {  	v4 =	vld [tilespmem:s19+$0xFFFFFF70]  }
0x6f: {  	v5 =	vld [tilespmem:s19+$0xFFFFFF90]  }
0x70: {  	v6 =	vld [tilespmem:s19+$0xFFFFFFB0]  }
0x71: {  	v7 =	vld [tilespmem:s19+$0xFFFFFFD0]  }
0x72: {  	v2 =	vmax.bf16 v2, v3;
	v3 =	vld [tilespmem:s19+$0xFFFFFFF0]  }
0x73: {  	v1 =	vmax.bf16 v2, v1;
	v2 =	vld [tilespmem:s19+$0x10]  }
0x74: {  	v1 =	vmax.bf16 v1, v4;
	v4 =	vld [tilespmem:s19+$0x30]  }
0x75: {  	v1 =	vmax.bf16 v1, v5;
	v5 =	vld [tilespmem:s19+$0x50]  }
0x76: {  	v1 =	vmax.bf16 v1, v6;
	v6 =	vld [tilespmem:s19+$0x70]  }
0x77: {  	v1 =	vmax.bf16 v1, v7;
	v7 =	vld [tilespmem:s19+$0x90]  }
0x78: {  	v1 =	vmax.bf16 v1, v3;
	v3 =	vld [tilespmem:s19+$0xB0]  }
0x79: {  	v2 =	vmax.bf16 v1, v2;
	v1 =	vld [tilespmem:s19+$0xD0]  }
.Ltmp0:
0x7a: {  	v4 =	vmax.bf16 v2, v4;
	v2 =	vld [tilespmem:s19+$0xF0];
	(pc) =	sbr.rel @p2 .LBB2_3-.Ltmp0, $4  }
0x7b: {  	v4 =	vmax.bf16 v4, v5  }
0x7c: {  	v4 =	vmax.bf16 v4, v6  }
0x7d: {  	v4 =	vmax.bf16 v4, v7  }
0x7e: {  	v3 =	vmax.bf16 v4, v3  }
0x7f: {  	s18 =	smul.u32 $0x50, s18;
	_ =	sdelay $0x1  }
0x80: {  	p2 =	sne.s32 s17, s7;
	s18 =	sadd.s32 s5, s18  }
.Ltmp1:
0x81: {  	v1 =	vmax.bf16 v3, v1;
	s18 =	sshll.u32 s18, $0x2;
	(pc) =	sbr.rel @p2 .LBB2_2-.Ltmp1, $4  }
0x82: {  	v1 =	vmax.bf16 v1, v2;
	s18 =	sand.u32 $0xFFFFFC0, s18  }
0x83: {  	[tilespmem:v0+s22+$0x0 ss:$0x1] =	vst.idx.msk $0xffff, v1;
	s18 =	sadd.s32 s6, s18  }
0x84: {  	[hbm4b:s18+s3] =	stream.linear.scatter [tilespmem:s20], [sflag:$0x3], $0xA00, $0x38;
	[tilespmem:$0x15E00] =	vst v63  }
0x85: {  	p1 =	por !p1, !p1;
	s18 =	smov.u32 s17  }
0x86: {  	s16 =	sadd.s32 $0x1, s16  }
0x87: {  	p1 =	sne.s32 s16, s10  }
.Ltmp2:
0x88: {  	_ = 	snop;
	(pc) =	sbr.rel @p1 .LBB2_1-.Ltmp2, $4  }
0x89: {  	_ = 	snop  }
0x8a: {  	_ =	swait.ge [sflag:s15], $0xA00  }
0x8b: {  	[sflag:s15] =	ssyncset.done $0x0  }
0x8c: {  	[sflag:s15] =	ssyncadd.s32 $0xFFFFF600  }
0x8d: {  	_ =	sfence.sel $0x180000  }
0x8e: {  	[bflag:$0x0] =	sbarrier.arrive $0xFFFF  }
0x8f: {  	p0 =	sne.s32 s2, $0x0;
	_ =	strace $0x9000004A  }
0x90: {  	s0 =	sadd.s32 @!p0 $0x100000, s0;
	[bflag:$0x2] =	sbarrier.arrive $0xFFFF  }
0x91: {  	[sflag:s0] =	ssyncadd.tile.s32 @!p0 $0x1;
	_ =	shalt  }
.Lfunc_end2:
_tile_overlayer_lowered:
.L_overlay_start_2:
0x92: {  	(tag) =	ssettag $0x2  }
0x93: {  	s0 =	rddreg [dreg:$0x0];
	s2 =	stileid.u32  }
0x94: {  	s1 =	rddreg [dreg:$0x1];
	p0 =	sne.s32 s2, $0x0  }
0x95: {  	s3 =	rddreg [dreg:$0x2];
	[bflag:$0x3] =	sbarrier.arrive $0xFFFF;
	s2 =	simm.s32 @!p0 $0x1C04  }
0x96: {  	[timem:s3], [sflag:s2] =	dma.local @!p0 [hbm:s0], s1  }
0x97: {  	s0 =	simm.s32 @!p0 $0x4  }
0x98: {  	_ =	swait.ge @!p0 [sflag:s0], s1  }
0x99: {  	s1 =	ssub.s32 @!p0 $0x0, s1;
	[sflag:s0] =	ssyncset.done @!p0 $0x0  }
0x9a: {  	[sflag:s0] =	ssyncadd.s32 @!p0 s1  }
0x9b: {  	[bflag:$0x3] =	sbarrier.arrive $0xFFFF  }
0x9c: {  	_ =	shalt  }

// kernel: kernel.19.cloned.1.call-start
scs
__scs_entry_jumppad:
0x0: {  	(pc) =	sbr.rel $0x88, $3  }
0x1: {  	(tag) =	ssettag $0x0;
	lr =	simm.s32 $0x1  }
0x2: {  	[smem:$0x3F91] =	sst lr;
	_ =	strace $0xD0000000  }
0x3: {  	_ = 	snop  }
0x4: {  	_ = 	snop  }
0x5: {  	_ = 	snop  }
0x6: {  	_ = 	snop  }
0x7: {  	_ = 	snop  }
__scs_overlays_trampoline_lowered:
0x8: {  	[smem:$0x3FA0] =	sst s0  }
0x9: {  	[smem:$0x3FA1] =	sst s1  }
0xa: {  	[smem:$0x3FA2] =	sst s2  }
0xb: {  	[smem:$0x3FA3] =	sst s3  }
0xc: {  	[smem:$0x3FA4] =	sst s4  }
0xd: {  	[smem:$0x3FA5] =	sst s5  }
0xe: {  	[smem:$0x3FA6] =	sst s6  }
0xf: {  	[smem:$0x3FA7] =	sst s7  }
0x10: {  	[smem:$0x3FA8] =	sst s8  }
0x11: {  	[smem:$0x3FA9] =	sst s9;
	s0 =	simm.s32 @!p0 $0x0  }
0x12: {  	s1 =	sld [smem:$0x3F8F];
	s0 =	simm.s32 @p0 $0x1  }
0x13: {  	[smem:$0x3FAA] =	sst s0;
	s0 =	simm.s32 @!p1 $0x0  }
0x14: {  	s2 =	sld [smem:$0x3F8E];
	s0 =	simm.s32 @p1 $0x1  }
0x15: {  	[smem:$0x3FAB] =	sst s0;
	s0 =	simm.s32 @!p2 $0x0  }
0x16: {  	s3 =	sld [smem:$0x3FDB];
	s0 =	simm.s32 @p2 $0x1  }
0x17: {  	s4 =	simm.s32 $0x1BF5;
	[smem:$0x3FAD] =	sst s0  }
0x18: {  	s0 =	sld [smem:$0x3F90];
	_ =	swait.ge [sflag:s4], $0x0  }
0x19: {  	s7 =	sld [smem:$0x3F91]  }
0x1a: {  	s8 =	sadd.s32 $0xFFFFE003, lr  }
0x1b: {  	s9 =	sadd.s32 $0xFFFFFEF7, lr;
	s5 =	simm.s32 $0xFFFFFFFF;
	p2 =	slt.u32 s8, $0xFFFFF086  }
0x1c: {  	p1 =	slt.u32 s9, $0xF7A;
	s5 =	simm.s32 @!p2 $0x0  }
0x1d: {  	s5 =	simm.s32 @p1 $0x1;
	p0 =	seq.s32 s7, s2  }
0x1e: {  	s7 =	smul.u32 @!p0 $0xF7A, s2;
	p2 =	seq.s32 @!p0 s5, $0x0  }
0x1f: {  	s9 =	smul.u32 $0xF7A, s1;
	s8 =	simm.s32 @!p0 $0x1BF5;
	p2 =	por !p2, p0  }
0x20: {  	[sflag:s8] =	ssyncset.s32 @!p0 $0xFFFFF086;
	s6 =	sadd.s32 @!p0 s3, s7;
	s7 =	simm.s32 @!p0 $0x108  }
0x21: {  	s3 =	sadd.s32 s3, s9;
	s6 =	sadd.s32 @!p0 $0x88, s6;
	s7 =	simm.s32 @p2 $0x1082  }
0x22: {  	[simem:s7], [sflag:s8] =	dma.local @!p0 [hbm:s6], $0xF7A  }
0x23: {  	s9 =	sor.u32 $0xD0000000, s2;
	s6 =	simm.s32 $0x108;
	_ =	swait.ge @!p0 [sflag:s8], $0x0  }
0x24: {  	s3 =	sadd.s32 $0x88, s3;
	s6 =	simm.s32 @!p1 $0x1082;
	[sflag:s4] =	ssyncset.s32 $0xFFFFF086  }
0x25: {  	[simem:s6], [sflag:s4] =	dma.local [hbm:s3], $0xF7A  }
0x26: {  	[smem:$0x3F91] =	sst s1;
	(tag) =	ssettag s2;
	_ =	strace s9  }
0x27: {  	s1 =	sld [smem:$0x3FA1]  }
0x28: {  	s2 =	sld [smem:$0x3FA2]  }
0x29: {  	s4 =	sld [smem:$0x3FA4]  }
0x2a: {  	p0 =	seq.s32 s5, $0x0;
	s5 =	sld [smem:$0x3FA5]  }
0x2b: {  	s6 =	sld [smem:$0x3FA6]  }
0x2c: {  	s7 =	sld [smem:$0x3FA7]  }
0x2d: {  	s3 =	simm.s32 $0x108;
	s8 =	sld [smem:$0x3FA8]  }
0x2e: {  	s3 =	simm.s32 @!p0 $0x1082;
	s9 =	sld [smem:$0x3FA9]  }
0x2f: {  	lr =	sadd.s32 s0, s3;
	s0 =	sld [smem:$0x3FA0]  }
0x30: {  	s3 =	sld [smem:$0x3FA3]  }
0x31: {  	[smem:$0x3FAC] =	sst s10  }
0x32: {  	s10 =	sld [smem:$0x3FAA];
	_ =	sdelay $0x3  }
0x33: {  	p0 =	seq.s32 s10, $0x1;
	s10 =	sld [smem:$0x3FAC];
	_ =	sdelay $0x3  }
0x34: {  	[smem:$0x3FAC] =	sst s10  }
0x35: {  	s10 =	sld [smem:$0x3FAB];
	_ =	sdelay $0x3  }
0x36: {  	p1 =	seq.s32 s10, $0x1;
	s10 =	sld [smem:$0x3FAC];
	_ =	sdelay $0x3  }
0x37: {  	[smem:$0x3FAC] =	sst s10  }
0x38: {  	s10 =	sld [smem:$0x3FAD]  }
0x39: {  	_ = 	snop;
	(pc) =	sbr.ind lr, $3  }
0x3a: {  	_ = 	snop  }
0x3b: {  	_ = 	snop  }
0x3c: {  	p2 =	seq.s32 s10, $0x1;
	s10 =	sld [smem:$0x3FAC]  }
0x3d: {  	_ =	shalt  }
0x3e: {  	_ =	shalt  }
0x3f: {  	_ =	shalt  }
0x40: {  	_ =	shalt  }
0x41: {  	_ =	shalt  }
0x42: {  	_ =	shalt  }
0x43: {  	_ =	shalt  }
0x44: {  	_ =	shalt  }
0x45: {  	_ =	shalt  }
0x46: {  	_ =	shalt  }
0x47: {  	_ =	shalt  }
0x48: {  	_ =	shalt  }
0x49: {  	_ =	shalt  }
0x4a: {  	_ =	shalt  }
0x4b: {  	_ =	shalt  }
0x4c: {  	_ =	shalt  }
0x4d: {  	_ =	shalt  }
0x4e: {  	_ =	shalt  }
0x4f: {  	_ =	shalt  }
0x50: {  	_ =	shalt  }
0x51: {  	_ =	shalt  }
0x52: {  	_ =	shalt  }
0x53: {  	_ =	shalt  }
0x54: {  	_ =	shalt  }
0x55: {  	_ =	shalt  }
0x56: {  	_ =	shalt  }
0x57: {  	_ =	shalt  }
0x58: {  	_ =	shalt  }
0x59: {  	_ =	shalt  }
0x5a: {  	_ =	shalt  }
0x5b: {  	_ =	shalt  }
0x5c: {  	_ =	shalt  }
0x5d: {  	_ =	shalt  }
0x5e: {  	_ =	shalt  }
0x5f: {  	_ =	shalt  }
0x60: {  	_ =	shalt  }
0x61: {  	_ =	shalt  }
0x62: {  	_ =	shalt  }
0x63: {  	_ =	shalt  }
0x64: {  	_ =	shalt  }
0x65: {  	_ =	shalt  }
0x66: {  	_ =	shalt  }
0x67: {  	_ =	shalt  }
0x68: {  	_ =	shalt  }
0x69: {  	_ =	shalt  }
0x6a: {  	_ =	shalt  }
0x6b: {  	_ =	shalt  }
0x6c: {  	_ =	shalt  }
0x6d: {  	_ =	shalt  }
0x6e: {  	_ =	shalt  }
0x6f: {  	_ =	shalt  }
0x70: {  	_ =	shalt  }
0x71: {  	_ =	shalt  }
0x72: {  	_ =	shalt  }
0x73: {  	_ =	shalt  }
0x74: {  	_ =	shalt  }
0x75: {  	_ =	shalt  }
0x76: {  	_ =	shalt  }
0x77: {  	_ =	shalt  }
0x78: {  	_ =	shalt  }
0x79: {  	_ =	shalt  }
0x7a: {  	_ =	shalt  }
0x7b: {  	_ =	shalt  }
0x7c: {  	_ =	shalt  }
0x7d: {  	_ =	shalt  }
0x7e: {  	_ =	shalt  }
0x7f: {  	_ =	shalt  }
0x80: {  	_ =	shalt  }
0x81: {  	_ =	shalt  }
0x82: {  	_ =	shalt  }
0x83: {  	_ =	shalt  }
0x84: {  	_ =	shalt  }
0x85: {  	_ =	shalt  }
0x86: {  	_ =	shalt  }
0x87: {  	_ =	shalt  }
.Lfunc_end0:
.L_simem_size_0:
called_computation.2_lowered:
.L_overlay_start_0:
0x88: {  	s2 =	sld [smem:$0x3FD9]  }
0x89: {  	s3 =	sld [smem:$0x3FFE];
	_ =	sdelay $0x1  }
0x8a: {  	s1 =	srdreg.scid  }
0x8b: {  	s0 =	sand.u32 $0x1, s1  }
0x8c: {  	s17 =	sshll.u32 s0, $0xA;
	s2 =	sadd.s32 s3, s2  }
0x8d: {  	s2 =	sadd.s32 s2, s17  }
0x8e: {  	[smem:$0x3FB8] =	sst s2  }
0x8f: {  	_ = 	snop  }
0x90: {  	s2 =	sld [smem:$0x3FD0];
	(tm) =	ssettm $0x1  }
0x91: {  	s18 =	sld [smem:$0x3FFB];
	_ =	sdelay $0x3  }
0x92: {  	_ =	strace s18  }
0x93: {  	s3 =	sld [smem:$0x3FFC];
	_ =	sdelay $0x3  }
0x94: {  	_ =	strace s3  }
0x95: {  	s3 =	sld [smem:$0x3FFD];
	_ =	sdelay $0x3  }
0x96: {  	_ =	strace s3  }
0x97: {  	_ =	strace $0x8FFFFFFF  }
0x98: {  	s19 =	sld [smem:$0x3FDB];
	_ =	sdelay $0x1  }
0x99: {  	s4 =	simm.s32 $_scs_section_size  }
0x9a: {  	s5 =	simm.s32 $_size__tile_overlayer_lowered;
	s6 =	simm.s32 $_tile_overlayer_lowered  }
0x9b: {  	s22 =	simm.s32 $0x1BFF;
	s21 =	sshll.u32 s6, $0x1;
	s3 =	sadd.s32 s4, s19  }
0x9c: {  	s7 =	simm.s32 $0x0;
	s20 =	sshll.u32 s5, $0x1;
	s5 =	sadd.s32 s21, s3  }
0x9d: {  	[timem:s7], [sflag:s22] =	dma.local [hbm:s5], s20  }
0x9e: {  	_ =	swait.ge [sflag:s22], s20  }
0x9f: {  	s4 =	ssub.s32 $0x0, s20;
	[sflag:s22] =	ssyncset.done $0x0  }
0xa0: {  	[sflag:s22] =	ssyncadd.s32 s4;
	_ =	sdelay $0x1  }
0xa1: {  	s23 =	simm.s32 $0x1B8B  }
0xa2: {  	_ =	swait.ge [sflag:s23], $0x1  }
0xa3: {  	[sflag:s23] =	ssyncset.done $0x0  }
0xa4: {  	s25 =	simm.s32 $0x1B8E;
	s24 =	sld [smem:$0x3FFE];
	[sflag:s23] =	ssyncadd.s32 $0xFFFFFFFF  }
0xa5: {  	s26 =	simm.s32 $execute0_lowered;
	[smem:$0x3FD2] =	sst s25  }
0xa6: {  	s5 =	sshll.u32 s26, $0x1;
	_ =	strace $0x8000004C;
	[dreg:$0x1] =	wrdreg $0xFFFFFFFF  }
0xa7: {  	s28 =	simm.s32 $_size_execute0_lowered;
	s3 =	sadd.s32 s3, s5;
	[dreg:$0x0] =	wrdreg $0x0  }
0xa8: {  	s5 =	sshll.u32 s28, $0x1;
	[dreg:$0x2] =	wrdreg s3  }
0xa9: {  	[dreg:$0x3] =	wrdreg s5  }
0xaa: {  	[dreg:$0x4] =	wrdreg $0xC0  }
0xab: {  	_ =	task [dreg:s7], $0x5FFFF  }
0xac: {  	[dreg:$0x1] =	wrdreg $0xFFFFFFFF  }
0xad: {  	[dreg:$0x0] =	wrdreg $0x60  }
0xae: {  	[dreg:$0x2] =	wrdreg s24  }
0xaf: {  	[dreg:$0x3] =	wrdreg s2  }
0xb0: {  	[dreg:$0x4] =	wrdreg $0x9  }
0xb1: {  	_ =	task.clear_ibuf [dreg:s7], $0x5FFFF;
	_ =	strace $0x9000004C  }
0xb2: {  	s29 =	simm.s32 $0x9;
	_ =	strace $0x8000004E  }
0xb3: {  	_ =	swait.ge [sflag:s29], $0x1  }
0xb4: {  	[sflag:s29] =	ssyncadd.s32 $0xFFFFFFFF  }
0xb5: {  	_ =	strace $0x9000004E  }
0xb6: {  	_ =	sfence  }
0xb7: {  	s30 =	sld [smem:$0x0];
	_ =	sdelay $0x2  }
0xb8: {  	s31 =	sshll.u32 s1, $0xD;
	s1 =	sshrl.u32 s1, $0x2  }
0xb9: {  	s3 =	sand.u32 $0x4000, s31;
	s1 =	sadd.s32 s1, s30  }
0xba: {  	s0 =	sor.u32 s3, s0;
	s1 =	sshll.u32 s1, $0x11  }
0xbb: {  	s0 =	sor.u32 s1, s0  }
0xbc: {  	s0 =	sadd.s32 $0x8F2B, s0  }
0xbd: {  	[sflag:s0] =	ssyncadd.remote.s32 $0x1  }
0xbe: {  	_ =	sfence.sel $0xFFFF  }
0xbf: {  	[dreg:$0x0] =	wrdreg $0xFFFFFFFF;
	(pc) =	sbr.abs _section_cstart, $3  }
0xc0: {  	[dreg:$0x1] =	wrdreg $0xFFFFFFFF  }
0xc1: {  	_ =	task.clear_ibuf [dreg:s7], $0x2FFFF;
	_ =	strace $0x9FFFFFFF  }
0xc2: {  	(tm) =	ssettm $0x7FFFFFFF  }
0xc3: {  	_ =	shalt  }
tec
execute0_lowered:
.L_overlay_start_1:
0x0: {  	(tag) =	ssettag $0x1  }
0x1: {  	s6 =	rddreg [dreg:$0x0]  }
0x2: {  	s1 =	rddreg [dreg:$0x1]  }
0x3: {  	s0 =	rddreg [dreg:$0x2];
	s3 =	simm.s32 $0x0;
	s4 =	srdreg.scid  }
0x4: {  	s2 =	stileid.u32;
	s13 =	simm.s32 $0xA00;
	s14 =	simm.s32 $0x1  }
0x5: {  	s15 =	simm.s32 $0x3;
	s16 =	simm.s32 $0x0;
	s5 =	smul.u32 $0x50, s2  }
0x6: {  	[smem:$0x7FF] =	sst s3;
	s11 =	sand.u32 $0x1, s4;
	s9 =	smul.u32 $0xC30, s2  }
0x7: {  	s4 =	sadd.s32 $0x5400, s6;
	s10 =	smul.u32 $0xC300, s2;
	s6 =	sadd.s32 $0x1E400, s6  }
0x8: {  	_ =	strace $0x8000004D;
	s7 =	ssub.s32 $0x2, s11;
	p0 =	seq.s32 s11, $0x0  }
0x9: {  	s8 =	sshrl.u32 s7, $0x1;
	s5 =	sadd.s32 $0xC300, s5;
	s31 =	sshrl.u32 s10, $0x3  }
0xa: {  	s12 =	ssub.s32 s7, s8;
	s5 =	smov.u32 @p0 s9;
	s7 =	simm.s32 $0x27  }
0xb: {  	s9 =	sadd.s32 s4, s31;
	s30 =	sshll.u32 s5, $0x1;
	s7 =	simm.s32 @!p0 $0x1  }
0xc: {  	s9 =	sadd.s32 $0xA0, s9;
	s10 =	smax.u32 s12, $0x1;
	p0 =	sne.s32 s11, $0x0  }
0xd: {  	s11 =	simm.s32 $0x4;
	s12 =	simm.s32 $0x500;
	s8 =	sadd.s32 s4, s30  }
.LBB2_1:
0xe: {  	[tilespmem:s3], [sflag:$0x4] =	stream.linear.gather [hbm4b:s8+s3], $0x500, $0x38;
	[tilespmem:$0x15E00] =	vst v63  }
0xf: {  	_ =	swait.ge [sflag:s11], $0x500  }
0x10: {  	[sflag:s11] =	ssyncset.done $0x0  }
0x11: {  	[sflag:s11] =	ssyncadd.s32 $0xFFFFFB00  }
0x12: {  	[tilespmem:s13], [sflag:$0x1] =	stream.indirect.gather [hbm4b:s1+s12], $0x20, s3, s12, $0xb8;
	[tilespmem:$0x15E00] =	vst v63  }
0x13: {  	s17 =	simm.s32 @!p0 $0x0;
	s18 =	simm.s32 @!p0 $0x500  }
0x14: {  	[tilespmem:s18], [sflag:$0x2] =	stream.linear.gather @!p0 [hbm4b:s9+s17], $0x500, $0x38;
	[tilespmem:$0x15E00] =	vst v63  }
0x15: {  	p1 =	por $0x0, $0x0;
	s18 =	simm.s32 $0x0  }
.LBB2_2:
0x16: {  	s17 =	sadd.s32 $0x1, s18  }
0x17: {  	s20 =	sand.u32 $0x1, s18;
	p2 =	sge.u32 s17, s7  }
0x18: {  	_ =	swait.ge [sflag:s14], $0xA000;
	s23 =	sadd.s32 $0x2, s18;
	s19 =	sxor.u32 @!p2 $0x1, s20  }
0x19: {  	[sflag:s14] =	ssyncset.done $0x0;
	p3 =	sge.u32 s23, s7;
	s21 =	smul.u32 @!p2 $0x1400, s19  }
0x1a: {  	[sflag:s14] =	ssyncadd.s32 $0xFFFF6000;
	s22 =	simm.s32 @!p2 $0x2;
	s19 =	smul.u32 @!p2 $0x28000, s19  }
0x1b: {  	s23 =	smul.u32 @!p3 $0x50, s23;
	_ =	swait.ge @!p2 [sflag:s22], $0x500  }
0x1c: {  	[sflag:s22] =	ssyncset.done @!p2 $0x0;
	s21 =	sshrl.u32 @!p2 s21, $0x2;
	s19 =	sshrl.u32 @!p2 s19, $0x2  }
0x1d: {  	[sflag:s22] =	ssyncadd.s32 @!p2 $0xFFFFFB00;
	s22 =	simm.s32 @!p2 $0x500;
	s19 =	sor.u32 @!p2 $0xA00, s19  }
0x1e: {  	[tilespmem:s19], [sflag:$0x1] =	stream.indirect.gather @!p2 [hbm4b:s1+s22], $0x20, s21, s22, $0xb8;
	[tilespmem:$0x15E00] =	vst v63  }
0x1f: {  	s19 =	smul.u32 @!p3 $0x1400, s20;
	s21 =	sadd.s32 @!p3 s5, s23;
	s22 =	simm.s32 $0x1  }
0x20: {  	s23 =	simm.s32 @!p3 $0x0;
	p2 =	seq.s32 s18, $0x0;
	s21 =	sshll.u32 @!p3 s21, $0x1  }
0x21: {  	s22 =	simm.s32 @!p1 $0x0;
	s19 =	sshrl.u32 @!p3 s19, $0x2;
	s21 =	sadd.s32 @!p3 s4, s21  }
0x22: {  	[tilespmem:s19], [sflag:$0x2] =	stream.linear.gather @!p3 [hbm4b:s21+s23], $0x500, $0x38;
	[tilespmem:$0x15E00] =	vst v63  }
0x23: {  	s30 =	smul.u32 $0x28000, s22;
	s21 =	simm.s32 @!p2 $0x3  }
0x24: {  	_ =	swait.ge @!p2 [sflag:s21], $0xA00  }
0x25: {  	s19 =	sshrl.u32 s30, $0x2;
	[sflag:s21] =	ssyncset.done @!p2 $0x0  }
0x26: {  	s19 =	sor.u32 $0xB00, s19;
	[sflag:s21] =	ssyncadd.s32 @!p2 $0xFFFFF600  }
0x27: {  	v0 =	vld [tilespmem:s19+$0xFFFFFF00]  }
0x28: {  	v1 =	vld [tilespmem:s19+$0xFFFFFF20]  }
0x29: {  	v2 =	vld [tilespmem:s19+$0xFFFFFF40]  }
0x2a: {  	v3 =	vld [tilespmem:s19+$0xFFFFFF60]  }
0x2b: {  	v4 =	vld [tilespmem:s19+$0xFFFFFF80]  }
0x2c: {  	v5 =	vld [tilespmem:s19+$0xFFFFFFA0]  }
0x2d: {  	v0 =	vmax.bf16 v0, v1;
	v1 =	vld [tilespmem:s19+$0xFFFFFFC0]  }
0x2e: {  	v0 =	vmax.bf16 v0, v2;
	v2 =	vld [tilespmem:s19+$0xFFFFFFE0]  }
0x2f: {  	v0 =	vmax.bf16 v0, v3;
	v3 =	vld [tilespmem:s19+$0x0]  }
0x30: {  	v0 =	vmax.bf16 v0, v4;
	v4 =	vld [tilespmem:s19+$0x20]  }
0x31: {  	v0 =	vmax.bf16 v0, v5;
	v5 =	vld [tilespmem:s19+$0x40]  }
0x32: {  	v0 =	vmax.bf16 v0, v1;
	v1 =	vld [tilespmem:s19+$0x60]  }
0x33: {  	s31 =	smul.u32 $0x2800, s22;
	v0 =	vmax.bf16 v0, v2;
	v2 =	vld [tilespmem:s19+$0x80]  }
0x34: {  	v0 =	vmax.bf16 v0, v3;
	v3 =	vld [tilespmem:s19+$0xA0]  }
0x35: {  	s21 =	sshrl.u32 s31, $0x2;
	v0 =	vmax.bf16 v0, v4;
	v4 =	vld [tilespmem:s19+$0xC0]  }
0x36: {  	s21 =	sadd.s32 $0x14A10, s21;
	v6 =	vld [tilespmem:s19+$0xE0];
	v5 =	vmax.bf16 v0, v5  }
0x37: {  	v0 =	vmov s21;
	v1 =	vmax.bf16 v5, v1  }
0x38: {  	v1 =	vmax.bf16 v1, v2  }
0x39: {  	v1 =	vmax.bf16 v1, v3  }
0x3a: {  	v1 =	vmax.bf16 v1, v4  }
0x3b: {  	s22 =	simm.s32 $0x0;
	v1 =	vmax.bf16 v1, v6  }
0x3c: {  	[tilespmem:v0+s22+$0xFFFFFFF0 ss:$0x1] =	vst.idx.msk $0xffff, v1  }
0x3d: {  	v1 =	vld [tilespmem:s19+$0xFFFFFF10]  }
0x3e: {  	v2 =	vld [tilespmem:s19+$0xFFFFFF30]  }
0x3f: {  	v3 =	vld [tilespmem:s19+$0xFFFFFF50]  }
0x40: {  	v4 =	vld [tilespmem:s19+$0xFFFFFF70]  }
0x41: {  	v5 =	vld [tilespmem:s19+$0xFFFFFF90]  }
0x42: {  	v61 =	vld [tilespmem:s19+$0xFFFFFFB0]  }
0x43: {  	v7 =	vld [tilespmem:s19+$0xFFFFFFD0];
	v1 =	vmax.bf16 v1, v2  }
0x44: {  	v2 =	vld [tilespmem:s19+$0xFFFFFFF0];
	v1 =	vmax.bf16 v1, v3  }
0x45: {  	v3 =	vld [tilespmem:s19+$0x10];
	v1 =	vmax.bf16 v1, v4  }
0x46: {  	v4 =	vld [tilespmem:s19+$0x30];
	v1 =	vmax.bf16 v1, v5  }
0x47: {  	v5 =	vld [tilespmem:s19+$0x50];
	v1 =	vmax.bf16 v1, v61  }
0x48: {  	v62 =	vld [tilespmem:s19+$0x70];
	v1 =	vmax.bf16 v1, v7  }
0x49: {  	v63 =	vld [tilespmem:s19+$0x90];
	v1 =	vmax.bf16 v1, v2  }
0x4a: {  	v1 =	vmax.bf16 v1, v3  }
0x4b: {  	v8 =	vld [tilespmem:s19+$0xB0];
	v1 =	vmax.bf16 v1, v4  }
0x4c: {  	v1 =	vmax.bf16 v1, v5  }
0x4d: {  	s20 =	smul.u32 $0x2800, s20;
	v2 =	vmax.bf16 v1, v62;
	v1 =	vld [tilespmem:s19+$0xD0]  }
0x4e: {  	v3 =	vmax.bf16 v2, v63;
	v2 =	vld [tilespmem:s19+$0xF0]  }
0x4f: {  	s20 =	sshrl.u32 s20, $0x2  }
0x50: {  	s20 =	sadd.s32 $0x14A00, s20;
	s21 =	simm.s32 $0x80;
	v3 =	vmax.bf16 v3, v8  }
.LBB2_3:
0x51: {  	p2 =	sne.s32 s21, $0x2780  }
0x52: {  	v1 =	vmax.bf16 v3, v1;
	s19 =	sadd.s32 $0x200, s19;
	s23 =	smov.u32 s21;
	s21 =	sadd.s32 $0x80, s21  }
0x53: {  	v1 =	vmax.bf16 v1, v2  }
0x54: {  	[tilespmem:v0+s22+$0x0 ss:$0x1] =	vst.idx.msk $0xffff, v1  }
0x55: {  	v1 =	vld [tilespmem:s19+$0xFFFFFF00]  }
0x56: {  	v2 =	vld [tilespmem:s19+$0xFFFFFF20]  }
0x57: {  	v3 =	vld [tilespmem:s19+$0xFFFFFF40]  }
0x58: {  	v4 =	vld [tilespmem:s19+$0xFFFFFF60]  }
0x59: {  	v5 =	vld [tilespmem:s19+$0xFFFFFF80]  }
0x5a: {  	v6 =	vld [tilespmem:s19+$0xFFFFFFA0]  }
0x5b: {  	v1 =	vmax.bf16 v1, v2;
	v2 =	vld [tilespmem:s19+$0xFFFFFFC0]  }
0x5c: {  	v1 =	vmax.bf16 v1, v3;
	v3 =	vld [tilespmem:s19+$0xFFFFFFE0]  }
0x5d: {  	v1 =	vmax.bf16 v1, v4;
	v4 =	vld [tilespmem:s19+$0x0]  }
0x5e: {  	v1 =	vmax.bf16 v1, v5;
	v5 =	vld [tilespmem:s19+$0x20]  }
0x5f: {  	v1 =	vmax.bf16 v1, v6;
	v6 =	vld [tilespmem:s19+$0x40]  }
0x60: {  	v1 =	vmax.bf16 v1, v2;
	v2 =	vld [tilespmem:s19+$0x60]  }
0x61: {  	v1 =	vmax.bf16 v1, v3;
	v3 =	vld [tilespmem:s19+$0x80]  }
0x62: {  	v1 =	vmax.bf16 v1, v4;
	v4 =	vld [tilespmem:s19+$0xA0]  }
0x63: {  	v1 =	vmax.bf16 v1, v5;
	v5 =	vld [tilespmem:s19+$0xC0]  }
0x64: {  	v1 =	vmax.bf16 v1, v6;
	v6 =	vld [tilespmem:s19+$0xE0]  }
0x65: {  	v1 =	vmax.bf16 v1, v2  }
0x66: {  	v1 =	vmax.bf16 v1, v3  }
0x67: {  	v1 =	vmax.bf16 v1, v4  }
0x68: {  	v1 =	vmax.bf16 v1, v5  }
0x69: {  	s22 =	sshra.s32 s23, $0x2;
	v1 =	vmax.bf16 v1, v6  }
0x6a: {  	[tilespmem:v0+s22+$0xFFFFFFF0 ss:$0x1] =	vst.idx.msk $0xffff, v1  }
0x6b: {  	v1 =	vld [tilespmem:s19+$0xFFFFFF50]  }
0x6c: {  	v2 =	vld [tilespmem:s19+$0xFFFFFF10]  }
0x6d: {  	v3 =	vld [tilespmem:s19+$0xFFFFFF30]  }
0x6e: {  	v4 =	vld [tilespmem:s19+$0xFFFFFF70]  }
0x6f: {  	v5 =	vld [tilespmem:s19+$0xFFFFFF90]  }
0x70: {  	v6 =	vld [tilespmem:s19+$0xFFFFFFB0]  }
0x71: {  	v7 =	vld [tilespmem:s19+$0xFFFFFFD0]  }
0x72: {  	v2 =	vmax.bf16 v2, v3;
	v3 =	vld [tilespmem:s19+$0xFFFFFFF0]  }
0x73: {  	v1 =	vmax.bf16 v2, v1;
	v2 =	vld [tilespmem:s19+$0x10]  }
0x74: {  	v1 =	vmax.bf16 v1, v4;
	v4 =	vld [tilespmem:s19+$0x30]  }
0x75: {  	v1 =	vmax.bf16 v1, v5;
	v5 =	vld [tilespmem:s19+$0x50]  }
0x76: {  	v1 =	vmax.bf16 v1, v6;
	v6 =	vld [tilespmem:s19+$0x70]  }
0x77: {  	v1 =	vmax.bf16 v1, v7;
	v7 =	vld [tilespmem:s19+$0x90]  }
0x78: {  	v1 =	vmax.bf16 v1, v3;
	v3 =	vld [tilespmem:s19+$0xB0]  }
0x79: {  	v2 =	vmax.bf16 v1, v2;
	v1 =	vld [tilespmem:s19+$0xD0]  }
.Ltmp0:
0x7a: {  	v4 =	vmax.bf16 v2, v4;
	v2 =	vld [tilespmem:s19+$0xF0];
	(pc) =	sbr.rel @p2 .LBB2_3-.Ltmp0, $4  }
0x7b: {  	v4 =	vmax.bf16 v4, v5  }
0x7c: {  	v4 =	vmax.bf16 v4, v6  }
0x7d: {  	v4 =	vmax.bf16 v4, v7  }
0x7e: {  	v3 =	vmax.bf16 v4, v3  }
0x7f: {  	s18 =	smul.u32 $0x50, s18;
	_ =	sdelay $0x1  }
0x80: {  	p2 =	sne.s32 s17, s7;
	s18 =	sadd.s32 s5, s18  }
.Ltmp1:
0x81: {  	v1 =	vmax.bf16 v3, v1;
	s18 =	sshll.u32 s18, $0x2;
	(pc) =	sbr.rel @p2 .LBB2_2-.Ltmp1, $4  }
0x82: {  	v1 =	vmax.bf16 v1, v2;
	s18 =	sand.u32 $0xFFFFFC0, s18  }
0x83: {  	[tilespmem:v0+s22+$0x0 ss:$0x1] =	vst.idx.msk $0xffff, v1;
	s18 =	sadd.s32 s6, s18  }
0x84: {  	[hbm4b:s18+s3] =	stream.linear.scatter [tilespmem:s20], [sflag:$0x3], $0xA00, $0x38;
	[tilespmem:$0x15E00] =	vst v63  }
0x85: {  	p1 =	por !p1, !p1;
	s18 =	smov.u32 s17  }
0x86: {  	s16 =	sadd.s32 $0x1, s16  }
0x87: {  	p1 =	sne.s32 s16, s10  }
.Ltmp2:
0x88: {  	_ = 	snop;
	(pc) =	sbr.rel @p1 .LBB2_1-.Ltmp2, $4  }
0x89: {  	_ = 	snop  }
0x8a: {  	_ =	swait.ge [sflag:s15], $0xA00  }
0x8b: {  	[sflag:s15] =	ssyncset.done $0x0  }
0x8c: {  	[sflag:s15] =	ssyncadd.s32 $0xFFFFF600  }
0x8d: {  	_ =	sfence.sel $0x180000  }
0x8e: {  	[bflag:$0x0] =	sbarrier.arrive $0xFFFF  }
0x8f: {  	p0 =	sne.s32 s2, $0x0;
	_ =	strace $0x9000004D  }
0x90: {  	s0 =	sadd.s32 @!p0 $0x100000, s0;
	[bflag:$0x2] =	sbarrier.arrive $0xFFFF  }
0x91: {  	[sflag:s0] =	ssyncadd.tile.s32 @!p0 $0x1;
	_ =	shalt  }
.Lfunc_end2:
_tile_overlayer_lowered:
.L_overlay_start_2:
0x92: {  	(tag) =	ssettag $0x2  }
0x93: {  	s0 =	rddreg [dreg:$0x0];
	s2 =	stileid.u32  }
0x94: {  	s1 =	rddreg [dreg:$0x1];
	p0 =	sne.s32 s2, $0x0  }
0x95: {  	s3 =	rddreg [dreg:$0x2];
	[bflag:$0x3] =	sbarrier.arrive $0xFFFF;
	s2 =	simm.s32 @!p0 $0x1C04  }
0x96: {  	[timem:s3], [sflag:s2] =	dma.local @!p0 [hbm:s0], s1  }
0x97: {  	s0 =	simm.s32 @!p0 $0x4  }
0x98: {  	_ =	swait.ge @!p0 [sflag:s0], s1  }
0x99: {  	s1 =	ssub.s32 @!p0 $0x0, s1;
	[sflag:s0] =	ssyncset.done @!p0 $0x0  }
0x9a: {  	[sflag:s0] =	ssyncadd.s32 @!p0 s1  }
0x9b: {  	[bflag:$0x3] =	sbarrier.arrive $0xFFFF  }
0x9c: {  	_ =	shalt  }

// kernel: kernel.22.cloned.1.call-start
scs
__scs_entry_jumppad:
0x0: {  	(pc) =	sbr.rel $0x88, $3  }
0x1: {  	(tag) =	ssettag $0x0;
	lr =	simm.s32 $0x1  }
0x2: {  	[smem:$0x3F91] =	sst lr;
	_ =	strace $0xD0000000  }
0x3: {  	_ = 	snop  }
0x4: {  	_ = 	snop  }
0x5: {  	_ = 	snop  }
0x6: {  	_ = 	snop  }
0x7: {  	_ = 	snop  }
__scs_overlays_trampoline_lowered:
0x8: {  	[smem:$0x3FA0] =	sst s0  }
0x9: {  	[smem:$0x3FA1] =	sst s1  }
0xa: {  	[smem:$0x3FA2] =	sst s2  }
0xb: {  	[smem:$0x3FA3] =	sst s3  }
0xc: {  	[smem:$0x3FA4] =	sst s4  }
0xd: {  	[smem:$0x3FA5] =	sst s5  }
0xe: {  	[smem:$0x3FA6] =	sst s6  }
0xf: {  	[smem:$0x3FA7] =	sst s7  }
0x10: {  	[smem:$0x3FA8] =	sst s8  }
0x11: {  	[smem:$0x3FA9] =	sst s9;
	s0 =	simm.s32 @!p0 $0x0  }
0x12: {  	s1 =	sld [smem:$0x3F8F];
	s0 =	simm.s32 @p0 $0x1  }
0x13: {  	[smem:$0x3FAA] =	sst s0;
	s0 =	simm.s32 @!p1 $0x0  }
0x14: {  	s2 =	sld [smem:$0x3F8E];
	s0 =	simm.s32 @p1 $0x1  }
0x15: {  	[smem:$0x3FAB] =	sst s0;
	s0 =	simm.s32 @!p2 $0x0  }
0x16: {  	s3 =	sld [smem:$0x3FDB];
	s0 =	simm.s32 @p2 $0x1  }
0x17: {  	s4 =	simm.s32 $0x1BF5;
	[smem:$0x3FAD] =	sst s0  }
0x18: {  	s0 =	sld [smem:$0x3F90];
	_ =	swait.ge [sflag:s4], $0x0  }
0x19: {  	s7 =	sld [smem:$0x3F91]  }
0x1a: {  	s8 =	sadd.s32 $0xFFFFE003, lr  }
0x1b: {  	s9 =	sadd.s32 $0xFFFFFEF7, lr;
	s5 =	simm.s32 $0xFFFFFFFF;
	p2 =	slt.u32 s8, $0xFFFFF086  }
0x1c: {  	p1 =	slt.u32 s9, $0xF7A;
	s5 =	simm.s32 @!p2 $0x0  }
0x1d: {  	s5 =	simm.s32 @p1 $0x1;
	p0 =	seq.s32 s7, s2  }
0x1e: {  	s7 =	smul.u32 @!p0 $0xF7A, s2;
	p2 =	seq.s32 @!p0 s5, $0x0  }
0x1f: {  	s9 =	smul.u32 $0xF7A, s1;
	s8 =	simm.s32 @!p0 $0x1BF5;
	p2 =	por !p2, p0  }
0x20: {  	[sflag:s8] =	ssyncset.s32 @!p0 $0xFFFFF086;
	s6 =	sadd.s32 @!p0 s3, s7;
	s7 =	simm.s32 @!p0 $0x108  }
0x21: {  	s3 =	sadd.s32 s3, s9;
	s6 =	sadd.s32 @!p0 $0x88, s6;
	s7 =	simm.s32 @p2 $0x1082  }
0x22: {  	[simem:s7], [sflag:s8] =	dma.local @!p0 [hbm:s6], $0xF7A  }
0x23: {  	s9 =	sor.u32 $0xD0000000, s2;
	s6 =	simm.s32 $0x108;
	_ =	swait.ge @!p0 [sflag:s8], $0x0  }
0x24: {  	s3 =	sadd.s32 $0x88, s3;
	s6 =	simm.s32 @!p1 $0x1082;
	[sflag:s4] =	ssyncset.s32 $0xFFFFF086  }
0x25: {  	[simem:s6], [sflag:s4] =	dma.local [hbm:s3], $0xF7A  }
0x26: {  	[smem:$0x3F91] =	sst s1;
	(tag) =	ssettag s2;
	_ =	strace s9  }
0x27: {  	s1 =	sld [smem:$0x3FA1]  }
0x28: {  	s2 =	sld [smem:$0x3FA2]  }
0x29: {  	s4 =	sld [smem:$0x3FA4]  }
0x2a: {  	p0 =	seq.s32 s5, $0x0;
	s5 =	sld [smem:$0x3FA5]  }
0x2b: {  	s6 =	sld [smem:$0x3FA6]  }
0x2c: {  	s7 =	sld [smem:$0x3FA7]  }
0x2d: {  	s3 =	simm.s32 $0x108;
	s8 =	sld [smem:$0x3FA8]  }
0x2e: {  	s3 =	simm.s32 @!p0 $0x1082;
	s9 =	sld [smem:$0x3FA9]  }
0x2f: {  	lr =	sadd.s32 s0, s3;
	s0 =	sld [smem:$0x3FA0]  }
0x30: {  	s3 =	sld [smem:$0x3FA3]  }
0x31: {  	[smem:$0x3FAC] =	sst s10  }
0x32: {  	s10 =	sld [smem:$0x3FAA];
	_ =	sdelay $0x3  }
0x33: {  	p0 =	seq.s32 s10, $0x1;
	s10 =	sld [smem:$0x3FAC];
	_ =	sdelay $0x3  }
0x34: {  	[smem:$0x3FAC] =	sst s10  }
0x35: {  	s10 =	sld [smem:$0x3FAB];
	_ =	sdelay $0x3  }
0x36: {  	p1 =	seq.s32 s10, $0x1;
	s10 =	sld [smem:$0x3FAC];
	_ =	sdelay $0x3  }
0x37: {  	[smem:$0x3FAC] =	sst s10  }
0x38: {  	s10 =	sld [smem:$0x3FAD]  }
0x39: {  	_ = 	snop;
	(pc) =	sbr.ind lr, $3  }
0x3a: {  	_ = 	snop  }
0x3b: {  	_ = 	snop  }
0x3c: {  	p2 =	seq.s32 s10, $0x1;
	s10 =	sld [smem:$0x3FAC]  }
0x3d: {  	_ =	shalt  }
0x3e: {  	_ =	shalt  }
0x3f: {  	_ =	shalt  }
0x40: {  	_ =	shalt  }
0x41: {  	_ =	shalt  }
0x42: {  	_ =	shalt  }
0x43: {  	_ =	shalt  }
0x44: {  	_ =	shalt  }
0x45: {  	_ =	shalt  }
0x46: {  	_ =	shalt  }
0x47: {  	_ =	shalt  }
0x48: {  	_ =	shalt  }
0x49: {  	_ =	shalt  }
0x4a: {  	_ =	shalt  }
0x4b: {  	_ =	shalt  }
0x4c: {  	_ =	shalt  }
0x4d: {  	_ =	shalt  }
0x4e: {  	_ =	shalt  }
0x4f: {  	_ =	shalt  }
0x50: {  	_ =	shalt  }
0x51: {  	_ =	shalt  }
0x52: {  	_ =	shalt  }
0x53: {  	_ =	shalt  }
0x54: {  	_ =	shalt  }
0x55: {  	_ =	shalt  }
0x56: {  	_ =	shalt  }
0x57: {  	_ =	shalt  }
0x58: {  	_ =	shalt  }
0x59: {  	_ =	shalt  }
0x5a: {  	_ =	shalt  }
0x5b: {  	_ =	shalt  }
0x5c: {  	_ =	shalt  }
0x5d: {  	_ =	shalt  }
0x5e: {  	_ =	shalt  }
0x5f: {  	_ =	shalt  }
0x60: {  	_ =	shalt  }
0x61: {  	_ =	shalt  }
0x62: {  	_ =	shalt  }
0x63: {  	_ =	shalt  }
0x64: {  	_ =	shalt  }
0x65: {  	_ =	shalt  }
0x66: {  	_ =	shalt  }
0x67: {  	_ =	shalt  }
0x68: {  	_ =	shalt  }
0x69: {  	_ =	shalt  }
0x6a: {  	_ =	shalt  }
0x6b: {  	_ =	shalt  }
0x6c: {  	_ =	shalt  }
0x6d: {  	_ =	shalt  }
0x6e: {  	_ =	shalt  }
0x6f: {  	_ =	shalt  }
0x70: {  	_ =	shalt  }
0x71: {  	_ =	shalt  }
0x72: {  	_ =	shalt  }
0x73: {  	_ =	shalt  }
0x74: {  	_ =	shalt  }
0x75: {  	_ =	shalt  }
0x76: {  	_ =	shalt  }
0x77: {  	_ =	shalt  }
0x78: {  	_ =	shalt  }
0x79: {  	_ =	shalt  }
0x7a: {  	_ =	shalt  }
0x7b: {  	_ =	shalt  }
0x7c: {  	_ =	shalt  }
0x7d: {  	_ =	shalt  }
0x7e: {  	_ =	shalt  }
0x7f: {  	_ =	shalt  }
0x80: {  	_ =	shalt  }
0x81: {  	_ =	shalt  }
0x82: {  	_ =	shalt  }
0x83: {  	_ =	shalt  }
0x84: {  	_ =	shalt  }
0x85: {  	_ =	shalt  }
0x86: {  	_ =	shalt  }
0x87: {  	_ =	shalt  }
.Lfunc_end0:
.L_simem_size_0:
called_computation.3_lowered:
.L_overlay_start_0:
0x88: {  	s2 =	sld [smem:$0x3FD9]  }
0x89: {  	s3 =	sld [smem:$0x3FFE];
	_ =	sdelay $0x1  }
0x8a: {  	s1 =	srdreg.scid  }
0x8b: {  	s0 =	sand.u32 $0x1, s1  }
0x8c: {  	s17 =	sshll.u32 s0, $0xA;
	s2 =	sadd.s32 s3, s2  }
0x8d: {  	s2 =	sadd.s32 s2, s17  }
0x8e: {  	[smem:$0x3FB8] =	sst s2  }
0x8f: {  	_ = 	snop  }
0x90: {  	s2 =	sld [smem:$0x3FD0];
	(tm) =	ssettm $0x1  }
0x91: {  	s18 =	sld [smem:$0x3FFB];
	_ =	sdelay $0x3  }
0x92: {  	_ =	strace s18  }
0x93: {  	s3 =	sld [smem:$0x3FFC];
	_ =	sdelay $0x3  }
0x94: {  	_ =	strace s3  }
0x95: {  	s3 =	sld [smem:$0x3FFD];
	_ =	sdelay $0x3  }
0x96: {  	_ =	strace s3  }
0x97: {  	_ =	strace $0x8FFFFFFF  }
0x98: {  	s19 =	sld [smem:$0x3FDB];
	_ =	sdelay $0x1  }
0x99: {  	s4 =	simm.s32 $_scs_section_size  }
0x9a: {  	s5 =	simm.s32 $_size__tile_overlayer_lowered;
	s6 =	simm.s32 $_tile_overlayer_lowered  }
0x9b: {  	s22 =	simm.s32 $0x1BFF;
	s21 =	sshll.u32 s6, $0x1;
	s3 =	sadd.s32 s4, s19  }
0x9c: {  	s7 =	simm.s32 $0x0;
	s20 =	sshll.u32 s5, $0x1;
	s5 =	sadd.s32 s21, s3  }
0x9d: {  	[timem:s7], [sflag:s22] =	dma.local [hbm:s5], s20  }
0x9e: {  	_ =	swait.ge [sflag:s22], s20  }
0x9f: {  	s4 =	ssub.s32 $0x0, s20;
	[sflag:s22] =	ssyncset.done $0x0  }
0xa0: {  	[sflag:s22] =	ssyncadd.s32 s4;
	_ =	sdelay $0x1  }
0xa1: {  	s23 =	simm.s32 $0x1B8B  }
0xa2: {  	_ =	swait.ge [sflag:s23], $0x1  }
0xa3: {  	[sflag:s23] =	ssyncset.done $0x0  }
0xa4: {  	s25 =	simm.s32 $0x1B8E;
	s24 =	sld [smem:$0x3FFE];
	[sflag:s23] =	ssyncadd.s32 $0xFFFFFFFF  }
0xa5: {  	s26 =	simm.s32 $execute0_lowered;
	[smem:$0x3FD2] =	sst s25  }
0xa6: {  	s5 =	sshll.u32 s26, $0x1;
	_ =	strace $0x8000004F;
	[dreg:$0x1] =	wrdreg $0xFFFFFFFF  }
0xa7: {  	s28 =	simm.s32 $_size_execute0_lowered;
	s3 =	sadd.s32 s3, s5;
	[dreg:$0x0] =	wrdreg $0x0  }
0xa8: {  	s5 =	sshll.u32 s28, $0x1;
	[dreg:$0x2] =	wrdreg s3  }
0xa9: {  	[dreg:$0x3] =	wrdreg s5  }
0xaa: {  	[dreg:$0x4] =	wrdreg $0xC0  }
0xab: {  	_ =	task [dreg:s7], $0x5FFFF  }
0xac: {  	[dreg:$0x1] =	wrdreg $0xFFFFFFFF  }
0xad: {  	[dreg:$0x0] =	wrdreg $0x60  }
0xae: {  	[dreg:$0x2] =	wrdreg s24  }
0xaf: {  	[dreg:$0x3] =	wrdreg s2  }
0xb0: {  	[dreg:$0x4] =	wrdreg $0x9  }
0xb1: {  	_ =	task.clear_ibuf [dreg:s7], $0x5FFFF;
	_ =	strace $0x9000004F  }
0xb2: {  	s29 =	simm.s32 $0x9;
	_ =	strace $0x80000051  }
0xb3: {  	_ =	swait.ge [sflag:s29], $0x1  }
0xb4: {  	[sflag:s29] =	ssyncadd.s32 $0xFFFFFFFF  }
0xb5: {  	_ =	strace $0x90000051  }
0xb6: {  	_ =	sfence  }
0xb7: {  	s30 =	sld [smem:$0x0];
	_ =	sdelay $0x2  }
0xb8: {  	s31 =	sshll.u32 s1, $0xD;
	s1 =	sshrl.u32 s1, $0x2  }
0xb9: {  	s3 =	sand.u32 $0x4000, s31;
	s1 =	sadd.s32 s1, s30  }
0xba: {  	s0 =	sor.u32 s3, s0;
	s1 =	sshll.u32 s1, $0x11  }
0xbb: {  	s0 =	sor.u32 s1, s0  }
0xbc: {  	s0 =	sadd.s32 $0x8F2B, s0  }
0xbd: {  	[sflag:s0] =	ssyncadd.remote.s32 $0x1  }
0xbe: {  	_ =	sfence.sel $0xFFFF  }
0xbf: {  	[dreg:$0x0] =	wrdreg $0xFFFFFFFF;
	(pc) =	sbr.abs _section_cstart, $3  }
0xc0: {  	[dreg:$0x1] =	wrdreg $0xFFFFFFFF  }
0xc1: {  	_ =	task.clear_ibuf [dreg:s7], $0x2FFFF;
	_ =	strace $0x9FFFFFFF  }
0xc2: {  	(tm) =	ssettm $0x7FFFFFFF  }
0xc3: {  	_ =	shalt  }
tec
execute0_lowered:
.L_overlay_start_1:
0x0: {  	(tag) =	ssettag $0x1  }
0x1: {  	s6 =	rddreg [dreg:$0x0]  }
0x2: {  	s1 =	rddreg [dreg:$0x1]  }
0x3: {  	s0 =	rddreg [dreg:$0x2];
	s3 =	simm.s32 $0x0;
	s4 =	srdreg.scid  }
0x4: {  	s2 =	stileid.u32;
	s13 =	simm.s32 $0xA00;
	s14 =	simm.s32 $0x1  }
0x5: {  	s15 =	simm.s32 $0x3;
	s16 =	simm.s32 $0x0;
	s5 =	smul.u32 $0x50, s2  }
0x6: {  	[smem:$0x7FF] =	sst s3;
	s11 =	sand.u32 $0x1, s4;
	s9 =	smul.u32 $0xC30, s2  }
0x7: {  	s4 =	sadd.s32 $0x5400, s6;
	s10 =	smul.u32 $0xC300, s2;
	s6 =	sadd.s32 $0x1E400, s6  }
0x8: {  	_ =	strace $0x80000050;
	s7 =	ssub.s32 $0x2, s11;
	p0 =	seq.s32 s11, $0x0  }
0x9: {  	s8 =	sshrl.u32 s7, $0x1;
	s5 =	sadd.s32 $0xC300, s5;
	s31 =	sshrl.u32 s10, $0x3  }
0xa: {  	s12 =	ssub.s32 s7, s8;
	s5 =	smov.u32 @p0 s9;
	s7 =	simm.s32 $0x27  }
0xb: {  	s9 =	sadd.s32 s4, s31;
	s30 =	sshll.u32 s5, $0x1;
	s7 =	simm.s32 @!p0 $0x1  }
0xc: {  	s9 =	sadd.s32 $0xA0, s9;
	s10 =	smax.u32 s12, $0x1;
	p0 =	sne.s32 s11, $0x0  }
0xd: {  	s11 =	simm.s32 $0x4;
	s12 =	simm.s32 $0x500;
	s8 =	sadd.s32 s4, s30  }
.LBB2_1:
0xe: {  	[tilespmem:s3], [sflag:$0x4] =	stream.linear.gather [hbm4b:s8+s3], $0x500, $0x38;
	[tilespmem:$0x15E00] =	vst v63  }
0xf: {  	_ =	swait.ge [sflag:s11], $0x500  }
0x10: {  	[sflag:s11] =	ssyncset.done $0x0  }
0x11: {  	[sflag:s11] =	ssyncadd.s32 $0xFFFFFB00  }
0x12: {  	[tilespmem:s13], [sflag:$0x1] =	stream.indirect.gather [hbm4b:s1+s12], $0x20, s3, s12, $0xb8;
	[tilespmem:$0x15E00] =	vst v63  }
0x13: {  	s17 =	simm.s32 @!p0 $0x0;
	s18 =	simm.s32 @!p0 $0x500  }
0x14: {  	[tilespmem:s18], [sflag:$0x2] =	stream.linear.gather @!p0 [hbm4b:s9+s17], $0x500, $0x38;
	[tilespmem:$0x15E00] =	vst v63  }
0x15: {  	p1 =	por $0x0, $0x0;
	s18 =	simm.s32 $0x0  }
.LBB2_2:
0x16: {  	s17 =	sadd.s32 $0x1, s18  }
0x17: {  	s20 =	sand.u32 $0x1, s18;
	p2 =	sge.u32 s17, s7  }
0x18: {  	_ =	swait.ge [sflag:s14], $0xA000;
	s23 =	sadd.s32 $0x2, s18;
	s19 =	sxor.u32 @!p2 $0x1, s20  }
0x19: {  	[sflag:s14] =	ssyncset.done $0x0;
	p3 =	sge.u32 s23, s7;
	s21 =	smul.u32 @!p2 $0x1400, s19  }
0x1a: {  	[sflag:s14] =	ssyncadd.s32 $0xFFFF6000;
	s22 =	simm.s32 @!p2 $0x2;
	s19 =	smul.u32 @!p2 $0x28000, s19  }
0x1b: {  	s23 =	smul.u32 @!p3 $0x50, s23;
	_ =	swait.ge @!p2 [sflag:s22], $0x500  }
0x1c: {  	[sflag:s22] =	ssyncset.done @!p2 $0x0;
	s21 =	sshrl.u32 @!p2 s21, $0x2;
	s19 =	sshrl.u32 @!p2 s19, $0x2  }
0x1d: {  	[sflag:s22] =	ssyncadd.s32 @!p2 $0xFFFFFB00;
	s22 =	simm.s32 @!p2 $0x500;
	s19 =	sor.u32 @!p2 $0xA00, s19  }
0x1e: {  	[tilespmem:s19], [sflag:$0x1] =	stream.indirect.gather @!p2 [hbm4b:s1+s22], $0x20, s21, s22, $0xb8;
	[tilespmem:$0x15E00] =	vst v63  }
0x1f: {  	s19 =	smul.u32 @!p3 $0x1400, s20;
	s21 =	sadd.s32 @!p3 s5, s23;
	s22 =	simm.s32 $0x1  }
0x20: {  	s23 =	simm.s32 @!p3 $0x0;
	p2 =	seq.s32 s18, $0x0;
	s21 =	sshll.u32 @!p3 s21, $0x1  }
0x21: {  	s22 =	simm.s32 @!p1 $0x0;
	s19 =	sshrl.u32 @!p3 s19, $0x2;
	s21 =	sadd.s32 @!p3 s4, s21  }
0x22: {  	[tilespmem:s19], [sflag:$0x2] =	stream.linear.gather @!p3 [hbm4b:s21+s23], $0x500, $0x38;
	[tilespmem:$0x15E00] =	vst v63  }
0x23: {  	s30 =	smul.u32 $0x28000, s22;
	s21 =	simm.s32 @!p2 $0x3  }
0x24: {  	_ =	swait.ge @!p2 [sflag:s21], $0xA00  }
0x25: {  	s19 =	sshrl.u32 s30, $0x2;
	[sflag:s21] =	ssyncset.done @!p2 $0x0  }
0x26: {  	s19 =	sor.u32 $0xB00, s19;
	[sflag:s21] =	ssyncadd.s32 @!p2 $0xFFFFF600  }
0x27: {  	v0 =	vld [tilespmem:s19+$0xFFFFFF00]  }
0x28: {  	v1 =	vld [tilespmem:s19+$0xFFFFFF20]  }
0x29: {  	v2 =	vld [tilespmem:s19+$0xFFFFFF40]  }
0x2a: {  	v3 =	vld [tilespmem:s19+$0xFFFFFF60]  }
0x2b: {  	v4 =	vld [tilespmem:s19+$0xFFFFFF80]  }
0x2c: {  	v5 =	vld [tilespmem:s19+$0xFFFFFFA0]  }
0x2d: {  	v0 =	vmax.bf16 v0, v1;
	v1 =	vld [tilespmem:s19+$0xFFFFFFC0]  }
0x2e: {  	v0 =	vmax.bf16 v0, v2;
	v2 =	vld [tilespmem:s19+$0xFFFFFFE0]  }
0x2f: {  	v0 =	vmax.bf16 v0, v3;
	v3 =	vld [tilespmem:s19+$0x0]  }
0x30: {  	v0 =	vmax.bf16 v0, v4;
	v4 =	vld [tilespmem:s19+$0x20]  }
0x31: {  	v0 =	vmax.bf16 v0, v5;
	v5 =	vld [tilespmem:s19+$0x40]  }
0x32: {  	v0 =	vmax.bf16 v0, v1;
	v1 =	vld [tilespmem:s19+$0x60]  }
0x33: {  	s31 =	smul.u32 $0x2800, s22;
	v0 =	vmax.bf16 v0, v2;
	v2 =	vld [tilespmem:s19+$0x80]  }
0x34: {  	v0 =	vmax.bf16 v0, v3;
	v3 =	vld [tilespmem:s19+$0xA0]  }
0x35: {  	s21 =	sshrl.u32 s31, $0x2;
	v0 =	vmax.bf16 v0, v4;
	v4 =	vld [tilespmem:s19+$0xC0]  }
0x36: {  	s21 =	sadd.s32 $0x14A10, s21;
	v6 =	vld [tilespmem:s19+$0xE0];
	v5 =	vmax.bf16 v0, v5  }
0x37: {  	v0 =	vmov s21;
	v1 =	vmax.bf16 v5, v1  }
0x38: {  	v1 =	vmax.bf16 v1, v2  }
0x39: {  	v1 =	vmax.bf16 v1, v3  }
0x3a: {  	v1 =	vmax.bf16 v1, v4  }
0x3b: {  	s22 =	simm.s32 $0x0;
	v1 =	vmax.bf16 v1, v6  }
0x3c: {  	[tilespmem:v0+s22+$0xFFFFFFF0 ss:$0x1] =	vst.idx.msk $0xffff, v1  }
0x3d: {  	v1 =	vld [tilespmem:s19+$0xFFFFFF10]  }
0x3e: {  	v2 =	vld [tilespmem:s19+$0xFFFFFF30]  }
0x3f: {  	v3 =	vld [tilespmem:s19+$0xFFFFFF50]  }
0x40: {  	v4 =	vld [tilespmem:s19+$0xFFFFFF70]  }
0x41: {  	v5 =	vld [tilespmem:s19+$0xFFFFFF90]  }
0x42: {  	v61 =	vld [tilespmem:s19+$0xFFFFFFB0]  }
0x43: {  	v7 =	vld [tilespmem:s19+$0xFFFFFFD0];
	v1 =	vmax.bf16 v1, v2  }
0x44: {  	v2 =	vld [tilespmem:s19+$0xFFFFFFF0];
	v1 =	vmax.bf16 v1, v3  }
0x45: {  	v3 =	vld [tilespmem:s19+$0x10];
	v1 =	vmax.bf16 v1, v4  }
0x46: {  	v4 =	vld [tilespmem:s19+$0x30];
	v1 =	vmax.bf16 v1, v5  }
0x47: {  	v5 =	vld [tilespmem:s19+$0x50];
	v1 =	vmax.bf16 v1, v61  }
0x48: {  	v62 =	vld [tilespmem:s19+$0x70];
	v1 =	vmax.bf16 v1, v7  }
0x49: {  	v63 =	vld [tilespmem:s19+$0x90];
	v1 =	vmax.bf16 v1, v2  }
0x4a: {  	v1 =	vmax.bf16 v1, v3  }
0x4b: {  	v8 =	vld [tilespmem:s19+$0xB0];
	v1 =	vmax.bf16 v1, v4  }
0x4c: {  	v1 =	vmax.bf16 v1, v5  }
0x4d: {  	s20 =	smul.u32 $0x2800, s20;
	v2 =	vmax.bf16 v1, v62;
	v1 =	vld [tilespmem:s19+$0xD0]  }
0x4e: {  	v3 =	vmax.bf16 v2, v63;
	v2 =	vld [tilespmem:s19+$0xF0]  }
0x4f: {  	s20 =	sshrl.u32 s20, $0x2  }
0x50: {  	s20 =	sadd.s32 $0x14A00, s20;
	s21 =	simm.s32 $0x80;
	v3 =	vmax.bf16 v3, v8  }
.LBB2_3:
0x51: {  	p2 =	sne.s32 s21, $0x2780  }
0x52: {  	v1 =	vmax.bf16 v3, v1;
	s19 =	sadd.s32 $0x200, s19;
	s23 =	smov.u32 s21;
	s21 =	sadd.s32 $0x80, s21  }
0x53: {  	v1 =	vmax.bf16 v1, v2  }
0x54: {  	[tilespmem:v0+s22+$0x0 ss:$0x1] =	vst.idx.msk $0xffff, v1  }
0x55: {  	v1 =	vld [tilespmem:s19+$0xFFFFFF00]  }
0x56: {  	v2 =	vld [tilespmem:s19+$0xFFFFFF20]  }
0x57: {  	v3 =	vld [tilespmem:s19+$0xFFFFFF40]  }
0x58: {  	v4 =	vld [tilespmem:s19+$0xFFFFFF60]  }
0x59: {  	v5 =	vld [tilespmem:s19+$0xFFFFFF80]  }
0x5a: {  	v6 =	vld [tilespmem:s19+$0xFFFFFFA0]  }
0x5b: {  	v1 =	vmax.bf16 v1, v2;
	v2 =	vld [tilespmem:s19+$0xFFFFFFC0]  }
0x5c: {  	v1 =	vmax.bf16 v1, v3;
	v3 =	vld [tilespmem:s19+$0xFFFFFFE0]  }
0x5d: {  	v1 =	vmax.bf16 v1, v4;
	v4 =	vld [tilespmem:s19+$0x0]  }
0x5e: {  	v1 =	vmax.bf16 v1, v5;
	v5 =	vld [tilespmem:s19+$0x20]  }
0x5f: {  	v1 =	vmax.bf16 v1, v6;
	v6 =	vld [tilespmem:s19+$0x40]  }
0x60: {  	v1 =	vmax.bf16 v1, v2;
	v2 =	vld [tilespmem:s19+$0x60]  }
0x61: {  	v1 =	vmax.bf16 v1, v3;
	v3 =	vld [tilespmem:s19+$0x80]  }
0x62: {  	v1 =	vmax.bf16 v1, v4;
	v4 =	vld [tilespmem:s19+$0xA0]  }
0x63: {  	v1 =	vmax.bf16 v1, v5;
	v5 =	vld [tilespmem:s19+$0xC0]  }
0x64: {  	v1 =	vmax.bf16 v1, v6;
	v6 =	vld [tilespmem:s19+$0xE0]  }
0x65: {  	v1 =	vmax.bf16 v1, v2  }
0x66: {  	v1 =	vmax.bf16 v1, v3  }
0x67: {  	v1 =	vmax.bf16 v1, v4  }
0x68: {  	v1 =	vmax.bf16 v1, v5  }
0x69: {  	s22 =	sshra.s32 s23, $0x2;
	v1 =	vmax.bf16 v1, v6  }
0x6a: {  	[tilespmem:v0+s22+$0xFFFFFFF0 ss:$0x1] =	vst.idx.msk $0xffff, v1  }
0x6b: {  	v1 =	vld [tilespmem:s19+$0xFFFFFF50]  }
0x6c: {  	v2 =	vld [tilespmem:s19+$0xFFFFFF10]  }
0x6d: {  	v3 =	vld [tilespmem:s19+$0xFFFFFF30]  }
0x6e: {  	v4 =	vld [tilespmem:s19+$0xFFFFFF70]  }
0x6f: {  	v5 =	vld [tilespmem:s19+$0xFFFFFF90]  }
0x70: {  	v6 =	vld [tilespmem:s19+$0xFFFFFFB0]  }
0x71: {  	v7 =	vld [tilespmem:s19+$0xFFFFFFD0]  }
0x72: {  	v2 =	vmax.bf16 v2, v3;
	v3 =	vld [tilespmem:s19+$0xFFFFFFF0]  }
0x73: {  	v1 =	vmax.bf16 v2, v1;
	v2 =	vld [tilespmem:s19+$0x10]  }
0x74: {  	v1 =	vmax.bf16 v1, v4;
	v4 =	vld [tilespmem:s19+$0x30]  }
0x75: {  	v1 =	vmax.bf16 v1, v5;
	v5 =	vld [tilespmem:s19+$0x50]  }
0x76: {  	v1 =	vmax.bf16 v1, v6;
	v6 =	vld [tilespmem:s19+$0x70]  }
0x77: {  	v1 =	vmax.bf16 v1, v7;
	v7 =	vld [tilespmem:s19+$0x90]  }
0x78: {  	v1 =	vmax.bf16 v1, v3;
	v3 =	vld [tilespmem:s19+$0xB0]  }
0x79: {  	v2 =	vmax.bf16 v1, v2;
	v1 =	vld [tilespmem:s19+$0xD0]  }
.Ltmp0:
0x7a: {  	v4 =	vmax.bf16 v2, v4;
	v2 =	vld [tilespmem:s19+$0xF0];
	(pc) =	sbr.rel @p2 .LBB2_3-.Ltmp0, $4  }
0x7b: {  	v4 =	vmax.bf16 v4, v5  }
0x7c: {  	v4 =	vmax.bf16 v4, v6  }
0x7d: {  	v4 =	vmax.bf16 v4, v7  }
0x7e: {  	v3 =	vmax.bf16 v4, v3  }
0x7f: {  	s18 =	smul.u32 $0x50, s18;
	_ =	sdelay $0x1  }
0x80: {  	p2 =	sne.s32 s17, s7;
	s18 =	sadd.s32 s5, s18  }
.Ltmp1:
0x81: {  	v1 =	vmax.bf16 v3, v1;
	s18 =	sshll.u32 s18, $0x2;
	(pc) =	sbr.rel @p2 .LBB2_2-.Ltmp1, $4  }
0x82: {  	v1 =	vmax.bf16 v1, v2;
	s18 =	sand.u32 $0xFFFFFC0, s18  }
0x83: {  	[tilespmem:v0+s22+$0x0 ss:$0x1] =	vst.idx.msk $0xffff, v1;
	s18 =	sadd.s32 s6, s18  }
0x84: {  	[hbm4b:s18+s3] =	stream.linear.scatter [tilespmem:s20], [sflag:$0x3], $0xA00, $0x38;
	[tilespmem:$0x15E00] =	vst v63  }
0x85: {  	p1 =	por !p1, !p1;
	s18 =	smov.u32 s17  }
0x86: {  	s16 =	sadd.s32 $0x1, s16  }
0x87: {  	p1 =	sne.s32 s16, s10  }
.Ltmp2:
0x88: {  	_ = 	snop;
	(pc) =	sbr.rel @p1 .LBB2_1-.Ltmp2, $4  }
0x89: {  	_ = 	snop  }
0x8a: {  	_ =	swait.ge [sflag:s15], $0xA00  }
0x8b: {  	[sflag:s15] =	ssyncset.done $0x0  }
0x8c: {  	[sflag:s15] =	ssyncadd.s32 $0xFFFFF600  }
0x8d: {  	_ =	sfence.sel $0x180000  }
0x8e: {  	[bflag:$0x0] =	sbarrier.arrive $0xFFFF  }
0x8f: {  	p0 =	sne.s32 s2, $0x0;
	_ =	strace $0x90000050  }
0x90: {  	s0 =	sadd.s32 @!p0 $0x100000, s0;
	[bflag:$0x2] =	sbarrier.arrive $0xFFFF  }
0x91: {  	[sflag:s0] =	ssyncadd.tile.s32 @!p0 $0x1;
	_ =	shalt  }
.Lfunc_end2:
_tile_overlayer_lowered:
.L_overlay_start_2:
0x92: {  	(tag) =	ssettag $0x2  }
0x93: {  	s0 =	rddreg [dreg:$0x0];
	s2 =	stileid.u32  }
0x94: {  	s1 =	rddreg [dreg:$0x1];
	p0 =	sne.s32 s2, $0x0  }
0x95: {  	s3 =	rddreg [dreg:$0x2];
	[bflag:$0x3] =	sbarrier.arrive $0xFFFF;
	s2 =	simm.s32 @!p0 $0x1C04  }
0x96: {  	[timem:s3], [sflag:s2] =	dma.local @!p0 [hbm:s0], s1  }
0x97: {  	s0 =	simm.s32 @!p0 $0x4  }
0x98: {  	_ =	swait.ge @!p0 [sflag:s0], s1  }
0x99: {  	s1 =	ssub.s32 @!p0 $0x0, s1;
	[sflag:s0] =	ssyncset.done @!p0 $0x0  }
0x9a: {  	[sflag:s0] =	ssyncadd.s32 @!p0 s1  }
0x9b: {  	[bflag:$0x3] =	sbarrier.arrive $0xFFFF  }
0x9c: {  	_ =	shalt  }

// kernel: kernel.25.cloned.1.call-start
scs
__scs_entry_jumppad:
0x0: {  	(pc) =	sbr.rel $0x88, $3  }
0x1: {  	(tag) =	ssettag $0x0;
	lr =	simm.s32 $0x1  }
0x2: {  	[smem:$0x3F91] =	sst lr;
	_ =	strace $0xD0000000  }
0x3: {  	_ = 	snop  }
0x4: {  	_ = 	snop  }
0x5: {  	_ = 	snop  }
0x6: {  	_ = 	snop  }
0x7: {  	_ = 	snop  }
__scs_overlays_trampoline_lowered:
0x8: {  	[smem:$0x3FA0] =	sst s0  }
0x9: {  	[smem:$0x3FA1] =	sst s1  }
0xa: {  	[smem:$0x3FA2] =	sst s2  }
0xb: {  	[smem:$0x3FA3] =	sst s3  }
0xc: {  	[smem:$0x3FA4] =	sst s4  }
0xd: {  	[smem:$0x3FA5] =	sst s5  }
0xe: {  	[smem:$0x3FA6] =	sst s6  }
0xf: {  	[smem:$0x3FA7] =	sst s7  }
0x10: {  	[smem:$0x3FA8] =	sst s8  }
0x11: {  	[smem:$0x3FA9] =	sst s9;
	s0 =	simm.s32 @!p0 $0x0  }
0x12: {  	s1 =	sld [smem:$0x3F8F];
	s0 =	simm.s32 @p0 $0x1  }
0x13: {  	[smem:$0x3FAA] =	sst s0;
	s0 =	simm.s32 @!p1 $0x0  }
0x14: {  	s2 =	sld [smem:$0x3F8E];
	s0 =	simm.s32 @p1 $0x1  }
0x15: {  	[smem:$0x3FAB] =	sst s0;
	s0 =	simm.s32 @!p2 $0x0  }
0x16: {  	s3 =	sld [smem:$0x3FDB];
	s0 =	simm.s32 @p2 $0x1  }
0x17: {  	s4 =	simm.s32 $0x1BF5;
	[smem:$0x3FAD] =	sst s0  }
0x18: {  	s0 =	sld [smem:$0x3F90];
	_ =	swait.ge [sflag:s4], $0x0  }
0x19: {  	s7 =	sld [smem:$0x3F91]  }
0x1a: {  	s8 =	sadd.s32 $0xFFFFE003, lr  }
0x1b: {  	s9 =	sadd.s32 $0xFFFFFEF7, lr;
	s5 =	simm.s32 $0xFFFFFFFF;
	p2 =	slt.u32 s8, $0xFFFFF086  }
0x1c: {  	p1 =	slt.u32 s9, $0xF7A;
	s5 =	simm.s32 @!p2 $0x0  }
0x1d: {  	s5 =	simm.s32 @p1 $0x1;
	p0 =	seq.s32 s7, s2  }
0x1e: {  	s7 =	smul.u32 @!p0 $0xF7A, s2;
	p2 =	seq.s32 @!p0 s5, $0x0  }
0x1f: {  	s9 =	smul.u32 $0xF7A, s1;
	s8 =	simm.s32 @!p0 $0x1BF5;
	p2 =	por !p2, p0  }
0x20: {  	[sflag:s8] =	ssyncset.s32 @!p0 $0xFFFFF086;
	s6 =	sadd.s32 @!p0 s3, s7;
	s7 =	simm.s32 @!p0 $0x108  }
0x21: {  	s3 =	sadd.s32 s3, s9;
	s6 =	sadd.s32 @!p0 $0x88, s6;
	s7 =	simm.s32 @p2 $0x1082  }
0x22: {  	[simem:s7], [sflag:s8] =	dma.local @!p0 [hbm:s6], $0xF7A  }
0x23: {  	s9 =	sor.u32 $0xD0000000, s2;
	s6 =	simm.s32 $0x108;
	_ =	swait.ge @!p0 [sflag:s8], $0x0  }
0x24: {  	s3 =	sadd.s32 $0x88, s3;
	s6 =	simm.s32 @!p1 $0x1082;
	[sflag:s4] =	ssyncset.s32 $0xFFFFF086  }
0x25: {  	[simem:s6], [sflag:s4] =	dma.local [hbm:s3], $0xF7A  }
0x26: {  	[smem:$0x3F91] =	sst s1;
	(tag) =	ssettag s2;
	_ =	strace s9  }
0x27: {  	s1 =	sld [smem:$0x3FA1]  }
0x28: {  	s2 =	sld [smem:$0x3FA2]  }
0x29: {  	s4 =	sld [smem:$0x3FA4]  }
0x2a: {  	p0 =	seq.s32 s5, $0x0;
	s5 =	sld [smem:$0x3FA5]  }
0x2b: {  	s6 =	sld [smem:$0x3FA6]  }
0x2c: {  	s7 =	sld [smem:$0x3FA7]  }
0x2d: {  	s3 =	simm.s32 $0x108;
	s8 =	sld [smem:$0x3FA8]  }
0x2e: {  	s3 =	simm.s32 @!p0 $0x1082;
	s9 =	sld [smem:$0x3FA9]  }
0x2f: {  	lr =	sadd.s32 s0, s3;
	s0 =	sld [smem:$0x3FA0]  }
0x30: {  	s3 =	sld [smem:$0x3FA3]  }
0x31: {  	[smem:$0x3FAC] =	sst s10  }
0x32: {  	s10 =	sld [smem:$0x3FAA];
	_ =	sdelay $0x3  }
0x33: {  	p0 =	seq.s32 s10, $0x1;
	s10 =	sld [smem:$0x3FAC];
	_ =	sdelay $0x3  }
0x34: {  	[smem:$0x3FAC] =	sst s10  }
0x35: {  	s10 =	sld [smem:$0x3FAB];
	_ =	sdelay $0x3  }
0x36: {  	p1 =	seq.s32 s10, $0x1;
	s10 =	sld [smem:$0x3FAC];
	_ =	sdelay $0x3  }
0x37: {  	[smem:$0x3FAC] =	sst s10  }
0x38: {  	s10 =	sld [smem:$0x3FAD]  }
0x39: {  	_ = 	snop;
	(pc) =	sbr.ind lr, $3  }
0x3a: {  	_ = 	snop  }
0x3b: {  	_ = 	snop  }
0x3c: {  	p2 =	seq.s32 s10, $0x1;
	s10 =	sld [smem:$0x3FAC]  }
0x3d: {  	_ =	shalt  }
0x3e: {  	_ =	shalt  }
0x3f: {  	_ =	shalt  }
0x40: {  	_ =	shalt  }
0x41: {  	_ =	shalt  }
0x42: {  	_ =	shalt  }
0x43: {  	_ =	shalt  }
0x44: {  	_ =	shalt  }
0x45: {  	_ =	shalt  }
0x46: {  	_ =	shalt  }
0x47: {  	_ =	shalt  }
0x48: {  	_ =	shalt  }
0x49: {  	_ =	shalt  }
0x4a: {  	_ =	shalt  }
0x4b: {  	_ =	shalt  }
0x4c: {  	_ =	shalt  }
0x4d: {  	_ =	shalt  }
0x4e: {  	_ =	shalt  }
0x4f: {  	_ =	shalt  }
0x50: {  	_ =	shalt  }
0x51: {  	_ =	shalt  }
0x52: {  	_ =	shalt  }
0x53: {  	_ =	shalt  }
0x54: {  	_ =	shalt  }
0x55: {  	_ =	shalt  }
0x56: {  	_ =	shalt  }
0x57: {  	_ =	shalt  }
0x58: {  	_ =	shalt  }
0x59: {  	_ =	shalt  }
0x5a: {  	_ =	shalt  }
0x5b: {  	_ =	shalt  }
0x5c: {  	_ =	shalt  }
0x5d: {  	_ =	shalt  }
0x5e: {  	_ =	shalt  }
0x5f: {  	_ =	shalt  }
0x60: {  	_ =	shalt  }
0x61: {  	_ =	shalt  }
0x62: {  	_ =	shalt  }
0x63: {  	_ =	shalt  }
0x64: {  	_ =	shalt  }
0x65: {  	_ =	shalt  }
0x66: {  	_ =	shalt  }
0x67: {  	_ =	shalt  }
0x68: {  	_ =	shalt  }
0x69: {  	_ =	shalt  }
0x6a: {  	_ =	shalt  }
0x6b: {  	_ =	shalt  }
0x6c: {  	_ =	shalt  }
0x6d: {  	_ =	shalt  }
0x6e: {  	_ =	shalt  }
0x6f: {  	_ =	shalt  }
0x70: {  	_ =	shalt  }
0x71: {  	_ =	shalt  }
0x72: {  	_ =	shalt  }
0x73: {  	_ =	shalt  }
0x74: {  	_ =	shalt  }
0x75: {  	_ =	shalt  }
0x76: {  	_ =	shalt  }
0x77: {  	_ =	shalt  }
0x78: {  	_ =	shalt  }
0x79: {  	_ =	shalt  }
0x7a: {  	_ =	shalt  }
0x7b: {  	_ =	shalt  }
0x7c: {  	_ =	shalt  }
0x7d: {  	_ =	shalt  }
0x7e: {  	_ =	shalt  }
0x7f: {  	_ =	shalt  }
0x80: {  	_ =	shalt  }
0x81: {  	_ =	shalt  }
0x82: {  	_ =	shalt  }
0x83: {  	_ =	shalt  }
0x84: {  	_ =	shalt  }
0x85: {  	_ =	shalt  }
0x86: {  	_ =	shalt  }
0x87: {  	_ =	shalt  }
.Lfunc_end0:
.L_simem_size_0:
called_computation.4_lowered:
.L_overlay_start_0:
0x88: {  	s2 =	sld [smem:$0x3FD9]  }
0x89: {  	s3 =	sld [smem:$0x3FFE];
	_ =	sdelay $0x1  }
0x8a: {  	s1 =	srdreg.scid  }
0x8b: {  	s0 =	sand.u32 $0x1, s1  }
0x8c: {  	s17 =	sshll.u32 s0, $0xA;
	s2 =	sadd.s32 s3, s2  }
0x8d: {  	s2 =	sadd.s32 s2, s17  }
0x8e: {  	[smem:$0x3FB8] =	sst s2  }
0x8f: {  	_ = 	snop  }
0x90: {  	s2 =	sld [smem:$0x3FD0];
	(tm) =	ssettm $0x1  }
0x91: {  	s18 =	sld [smem:$0x3FFB];
	_ =	sdelay $0x3  }
0x92: {  	_ =	strace s18  }
0x93: {  	s3 =	sld [smem:$0x3FFC];
	_ =	sdelay $0x3  }
0x94: {  	_ =	strace s3  }
0x95: {  	s3 =	sld [smem:$0x3FFD];
	_ =	sdelay $0x3  }
0x96: {  	_ =	strace s3  }
0x97: {  	_ =	strace $0x8FFFFFFF  }
0x98: {  	s19 =	sld [smem:$0x3FDB];
	_ =	sdelay $0x1  }
0x99: {  	s4 =	simm.s32 $_scs_section_size  }
0x9a: {  	s5 =	simm.s32 $_size__tile_overlayer_lowered;
	s6 =	simm.s32 $_tile_overlayer_lowered  }
0x9b: {  	s22 =	simm.s32 $0x1BFF;
	s21 =	sshll.u32 s6, $0x1;
	s3 =	sadd.s32 s4, s19  }
0x9c: {  	s7 =	simm.s32 $0x0;
	s20 =	sshll.u32 s5, $0x1;
	s5 =	sadd.s32 s21, s3  }
0x9d: {  	[timem:s7], [sflag:s22] =	dma.local [hbm:s5], s20  }
0x9e: {  	_ =	swait.ge [sflag:s22], s20  }
0x9f: {  	s4 =	ssub.s32 $0x0, s20;
	[sflag:s22] =	ssyncset.done $0x0  }
0xa0: {  	[sflag:s22] =	ssyncadd.s32 s4;
	_ =	sdelay $0x1  }
0xa1: {  	s23 =	simm.s32 $0x1B8B  }
0xa2: {  	_ =	swait.ge [sflag:s23], $0x1  }
0xa3: {  	[sflag:s23] =	ssyncset.done $0x0  }
0xa4: {  	s25 =	simm.s32 $0x1B8E;
	s24 =	sld [smem:$0x3FFE];
	[sflag:s23] =	ssyncadd.s32 $0xFFFFFFFF  }
0xa5: {  	s26 =	simm.s32 $execute0_lowered;
	[smem:$0x3FD2] =	sst s25  }
0xa6: {  	s5 =	sshll.u32 s26, $0x1;
	_ =	strace $0x80000052;
	[dreg:$0x1] =	wrdreg $0xFFFFFFFF  }
0xa7: {  	s28 =	simm.s32 $_size_execute0_lowered;
	s3 =	sadd.s32 s3, s5;
	[dreg:$0x0] =	wrdreg $0x0  }
0xa8: {  	s5 =	sshll.u32 s28, $0x1;
	[dreg:$0x2] =	wrdreg s3  }
0xa9: {  	[dreg:$0x3] =	wrdreg s5  }
0xaa: {  	[dreg:$0x4] =	wrdreg $0xC0  }
0xab: {  	_ =	task [dreg:s7], $0x5FFFF  }
0xac: {  	[dreg:$0x1] =	wrdreg $0xFFFFFFFF  }
0xad: {  	[dreg:$0x0] =	wrdreg $0x60  }
0xae: {  	[dreg:$0x2] =	wrdreg s24  }
0xaf: {  	[dreg:$0x3] =	wrdreg s2  }
0xb0: {  	[dreg:$0x4] =	wrdreg $0x9  }
0xb1: {  	_ =	task.clear_ibuf [dreg:s7], $0x5FFFF;
	_ =	strace $0x90000052  }
0xb2: {  	s29 =	simm.s32 $0x9;
	_ =	strace $0x80000054  }
0xb3: {  	_ =	swait.ge [sflag:s29], $0x1  }
0xb4: {  	[sflag:s29] =	ssyncadd.s32 $0xFFFFFFFF  }
0xb5: {  	_ =	strace $0x90000054  }
0xb6: {  	_ =	sfence  }
0xb7: {  	s30 =	sld [smem:$0x0];
	_ =	sdelay $0x2  }
0xb8: {  	s31 =	sshll.u32 s1, $0xD;
	s1 =	sshrl.u32 s1, $0x2  }
0xb9: {  	s3 =	sand.u32 $0x4000, s31;
	s1 =	sadd.s32 s1, s30  }
0xba: {  	s0 =	sor.u32 s3, s0;
	s1 =	sshll.u32 s1, $0x11  }
0xbb: {  	s0 =	sor.u32 s1, s0  }
0xbc: {  	s0 =	sadd.s32 $0x8F2B, s0  }
0xbd: {  	[sflag:s0] =	ssyncadd.remote.s32 $0x1  }
0xbe: {  	_ =	sfence.sel $0xFFFF  }
0xbf: {  	[dreg:$0x0] =	wrdreg $0xFFFFFFFF;
	(pc) =	sbr.abs _section_cstart, $3  }
0xc0: {  	[dreg:$0x1] =	wrdreg $0xFFFFFFFF  }
0xc1: {  	_ =	task.clear_ibuf [dreg:s7], $0x2FFFF;
	_ =	strace $0x9FFFFFFF  }
0xc2: {  	(tm) =	ssettm $0x7FFFFFFF  }
0xc3: {  	_ =	shalt  }
tec
execute0_lowered:
.L_overlay_start_1:
0x0: {  	(tag) =	ssettag $0x1  }
0x1: {  	s6 =	rddreg [dreg:$0x0]  }
0x2: {  	s1 =	rddreg [dreg:$0x1]  }
0x3: {  	s0 =	rddreg [dreg:$0x2];
	s3 =	simm.s32 $0x0;
	s4 =	srdreg.scid  }
0x4: {  	s2 =	stileid.u32;
	s13 =	simm.s32 $0xA00;
	s14 =	simm.s32 $0x1  }
0x5: {  	s15 =	simm.s32 $0x3;
	s16 =	simm.s32 $0x0;
	s5 =	smul.u32 $0x50, s2  }
0x6: {  	[smem:$0x7FF] =	sst s3;
	s11 =	sand.u32 $0x1, s4;
	s9 =	smul.u32 $0xC30, s2  }
0x7: {  	s4 =	sadd.s32 $0x5400, s6;
	s10 =	smul.u32 $0xC300, s2;
	s6 =	sadd.s32 $0x1E400, s6  }
0x8: {  	_ =	strace $0x80000053;
	s7 =	ssub.s32 $0x2, s11;
	p0 =	seq.s32 s11, $0x0  }
0x9: {  	s8 =	sshrl.u32 s7, $0x1;
	s5 =	sadd.s32 $0xC300, s5;
	s31 =	sshrl.u32 s10, $0x3  }
0xa: {  	s12 =	ssub.s32 s7, s8;
	s5 =	smov.u32 @p0 s9;
	s7 =	simm.s32 $0x27  }
0xb: {  	s9 =	sadd.s32 s4, s31;
	s30 =	sshll.u32 s5, $0x1;
	s7 =	simm.s32 @!p0 $0x1  }
0xc: {  	s9 =	sadd.s32 $0xA0, s9;
	s10 =	smax.u32 s12, $0x1;
	p0 =	sne.s32 s11, $0x0  }
0xd: {  	s11 =	simm.s32 $0x4;
	s12 =	simm.s32 $0x500;
	s8 =	sadd.s32 s4, s30  }
.LBB2_1:
0xe: {  	[tilespmem:s3], [sflag:$0x4] =	stream.linear.gather [hbm4b:s8+s3], $0x500, $0x38;
	[tilespmem:$0x15E00] =	vst v63  }
0xf: {  	_ =	swait.ge [sflag:s11], $0x500  }
0x10: {  	[sflag:s11] =	ssyncset.done $0x0  }
0x11: {  	[sflag:s11] =	ssyncadd.s32 $0xFFFFFB00  }
0x12: {  	[tilespmem:s13], [sflag:$0x1] =	stream.indirect.gather [hbm4b:s1+s12], $0x20, s3, s12, $0xb8;
	[tilespmem:$0x15E00] =	vst v63  }
0x13: {  	s17 =	simm.s32 @!p0 $0x0;
	s18 =	simm.s32 @!p0 $0x500  }
0x14: {  	[tilespmem:s18], [sflag:$0x2] =	stream.linear.gather @!p0 [hbm4b:s9+s17], $0x500, $0x38;
	[tilespmem:$0x15E00] =	vst v63  }
0x15: {  	p1 =	por $0x0, $0x0;
	s18 =	simm.s32 $0x0  }
.LBB2_2:
0x16: {  	s17 =	sadd.s32 $0x1, s18  }
0x17: {  	s20 =	sand.u32 $0x1, s18;
	p2 =	sge.u32 s17, s7  }
0x18: {  	_ =	swait.ge [sflag:s14], $0xA000;
	s23 =	sadd.s32 $0x2, s18;
	s19 =	sxor.u32 @!p2 $0x1, s20  }
0x19: {  	[sflag:s14] =	ssyncset.done $0x0;
	p3 =	sge.u32 s23, s7;
	s21 =	smul.u32 @!p2 $0x1400, s19  }
0x1a: {  	[sflag:s14] =	ssyncadd.s32 $0xFFFF6000;
	s22 =	simm.s32 @!p2 $0x2;
	s19 =	smul.u32 @!p2 $0x28000, s19  }
0x1b: {  	s23 =	smul.u32 @!p3 $0x50, s23;
	_ =	swait.ge @!p2 [sflag:s22], $0x500  }
0x1c: {  	[sflag:s22] =	ssyncset.done @!p2 $0x0;
	s21 =	sshrl.u32 @!p2 s21, $0x2;
	s19 =	sshrl.u32 @!p2 s19, $0x2  }
0x1d: {  	[sflag:s22] =	ssyncadd.s32 @!p2 $0xFFFFFB00;
	s22 =	simm.s32 @!p2 $0x500;
	s19 =	sor.u32 @!p2 $0xA00, s19  }
0x1e: {  	[tilespmem:s19], [sflag:$0x1] =	stream.indirect.gather @!p2 [hbm4b:s1+s22], $0x20, s21, s22, $0xb8;
	[tilespmem:$0x15E00] =	vst v63  }
0x1f: {  	s19 =	smul.u32 @!p3 $0x1400, s20;
	s21 =	sadd.s32 @!p3 s5, s23;
	s22 =	simm.s32 $0x1  }
0x20: {  	s23 =	simm.s32 @!p3 $0x0;
	p2 =	seq.s32 s18, $0x0;
	s21 =	sshll.u32 @!p3 s21, $0x1  }
0x21: {  	s22 =	simm.s32 @!p1 $0x0;
	s19 =	sshrl.u32 @!p3 s19, $0x2;
	s21 =	sadd.s32 @!p3 s4, s21  }
0x22: {  	[tilespmem:s19], [sflag:$0x2] =	stream.linear.gather @!p3 [hbm4b:s21+s23], $0x500, $0x38;
	[tilespmem:$0x15E00] =	vst v63  }
0x23: {  	s30 =	smul.u32 $0x28000, s22;
	s21 =	simm.s32 @!p2 $0x3  }
0x24: {  	_ =	swait.ge @!p2 [sflag:s21], $0xA00  }
0x25: {  	s19 =	sshrl.u32 s30, $0x2;
	[sflag:s21] =	ssyncset.done @!p2 $0x0  }
0x26: {  	s19 =	sor.u32 $0xB00, s19;
	[sflag:s21] =	ssyncadd.s32 @!p2 $0xFFFFF600  }
0x27: {  	v0 =	vld [tilespmem:s19+$0xFFFFFF00]  }
0x28: {  	v1 =	vld [tilespmem:s19+$0xFFFFFF20]  }
0x29: {  	v2 =	vld [tilespmem:s19+$0xFFFFFF40]  }
0x2a: {  	v3 =	vld [tilespmem:s19+$0xFFFFFF60]  }
0x2b: {  	v4 =	vld [tilespmem:s19+$0xFFFFFF80]  }
0x2c: {  	v5 =	vld [tilespmem:s19+$0xFFFFFFA0]  }
0x2d: {  	v0 =	vmax.bf16 v0, v1;
	v1 =	vld [tilespmem:s19+$0xFFFFFFC0]  }
0x2e: {  	v0 =	vmax.bf16 v0, v2;
	v2 =	vld [tilespmem:s19+$0xFFFFFFE0]  }
0x2f: {  	v0 =	vmax.bf16 v0, v3;
	v3 =	vld [tilespmem:s19+$0x0]  }
0x30: {  	v0 =	vmax.bf16 v0, v4;
	v4 =	vld [tilespmem:s19+$0x20]  }
0x31: {  	v0 =	vmax.bf16 v0, v5;
	v5 =	vld [tilespmem:s19+$0x40]  }
0x32: {  	v0 =	vmax.bf16 v0, v1;
	v1 =	vld [tilespmem:s19+$0x60]  }
0x33: {  	s31 =	smul.u32 $0x2800, s22;
	v0 =	vmax.bf16 v0, v2;
	v2 =	vld [tilespmem:s19+$0x80]  }
0x34: {  	v0 =	vmax.bf16 v0, v3;
	v3 =	vld [tilespmem:s19+$0xA0]  }
0x35: {  	s21 =	sshrl.u32 s31, $0x2;
	v0 =	vmax.bf16 v0, v4;
	v4 =	vld [tilespmem:s19+$0xC0]  }
0x36: {  	s21 =	sadd.s32 $0x14A10, s21;
	v6 =	vld [tilespmem:s19+$0xE0];
	v5 =	vmax.bf16 v0, v5  }
0x37: {  	v0 =	vmov s21;
	v1 =	vmax.bf16 v5, v1  }
0x38: {  	v1 =	vmax.bf16 v1, v2  }
0x39: {  	v1 =	vmax.bf16 v1, v3  }
0x3a: {  	v1 =	vmax.bf16 v1, v4  }
0x3b: {  	s22 =	simm.s32 $0x0;
	v1 =	vmax.bf16 v1, v6  }
0x3c: {  	[tilespmem:v0+s22+$0xFFFFFFF0 ss:$0x1] =	vst.idx.msk $0xffff, v1  }
0x3d: {  	v1 =	vld [tilespmem:s19+$0xFFFFFF10]  }
0x3e: {  	v2 =	vld [tilespmem:s19+$0xFFFFFF30]  }
0x3f: {  	v3 =	vld [tilespmem:s19+$0xFFFFFF50]  }
0x40: {  	v4 =	vld [tilespmem:s19+$0xFFFFFF70]  }
0x41: {  	v5 =	vld [tilespmem:s19+$0xFFFFFF90]  }
0x42: {  	v61 =	vld [tilespmem:s19+$0xFFFFFFB0]  }
0x43: {  	v7 =	vld [tilespmem:s19+$0xFFFFFFD0];
	v1 =	vmax.bf16 v1, v2  }
0x44: {  	v2 =	vld [tilespmem:s19+$0xFFFFFFF0];
	v1 =	vmax.bf16 v1, v3  }
0x45: {  	v3 =	vld [tilespmem:s19+$0x10];
	v1 =	vmax.bf16 v1, v4  }
0x46: {  	v4 =	vld [tilespmem:s19+$0x30];
	v1 =	vmax.bf16 v1, v5  }
0x47: {  	v5 =	vld [tilespmem:s19+$0x50];
	v1 =	vmax.bf16 v1, v61  }
0x48: {  	v62 =	vld [tilespmem:s19+$0x70];
	v1 =	vmax.bf16 v1, v7  }
0x49: {  	v63 =	vld [tilespmem:s19+$0x90];
	v1 =	vmax.bf16 v1, v2  }
0x4a: {  	v1 =	vmax.bf16 v1, v3  }
0x4b: {  	v8 =	vld [tilespmem:s19+$0xB0];
	v1 =	vmax.bf16 v1, v4  }
0x4c: {  	v1 =	vmax.bf16 v1, v5  }
0x4d: {  	s20 =	smul.u32 $0x2800, s20;
	v2 =	vmax.bf16 v1, v62;
	v1 =	vld [tilespmem:s19+$0xD0]  }
0x4e: {  	v3 =	vmax.bf16 v2, v63;
	v2 =	vld [tilespmem:s19+$0xF0]  }
0x4f: {  	s20 =	sshrl.u32 s20, $0x2  }
0x50: {  	s20 =	sadd.s32 $0x14A00, s20;
	s21 =	simm.s32 $0x80;
	v3 =	vmax.bf16 v3, v8  }
.LBB2_3:
0x51: {  	p2 =	sne.s32 s21, $0x2780  }
0x52: {  	v1 =	vmax.bf16 v3, v1;
	s19 =	sadd.s32 $0x200, s19;
	s23 =	smov.u32 s21;
	s21 =	sadd.s32 $0x80, s21  }
0x53: {  	v1 =	vmax.bf16 v1, v2  }
0x54: {  	[tilespmem:v0+s22+$0x0 ss:$0x1] =	vst.idx.msk $0xffff, v1  }
0x55: {  	v1 =	vld [tilespmem:s19+$0xFFFFFF00]  }
0x56: {  	v2 =	vld [tilespmem:s19+$0xFFFFFF20]  }
0x57: {  	v3 =	vld [tilespmem:s19+$0xFFFFFF40]  }
0x58: {  	v4 =	vld [tilespmem:s19+$0xFFFFFF60]  }
0x59: {  	v5 =	vld [tilespmem:s19+$0xFFFFFF80]  }
0x5a: {  	v6 =	vld [tilespmem:s19+$0xFFFFFFA0]  }
0x5b: {  	v1 =	vmax.bf16 v1, v2;
	v2 =	vld [tilespmem:s19+$0xFFFFFFC0]  }
0x5c: {  	v1 =	vmax.bf16 v1, v3;
	v3 =	vld [tilespmem:s19+$0xFFFFFFE0]  }
0x5d: {  	v1 =	vmax.bf16 v1, v4;
	v4 =	vld [tilespmem:s19+$0x0]  }
0x5e: {  	v1 =	vmax.bf16 v1, v5;
	v5 =	vld [tilespmem:s19+$0x20]  }
0x5f: {  	v1 =	vmax.bf16 v1, v6;
	v6 =	vld [tilespmem:s19+$0x40]  }
0x60: {  	v1 =	vmax.bf16 v1, v2;
	v2 =	vld [tilespmem:s19+$0x60]  }
0x61: {  	v1 =	vmax.bf16 v1, v3;
	v3 =	vld [tilespmem:s19+$0x80]  }
0x62: {  	v1 =	vmax.bf16 v1, v4;
	v4 =	vld [tilespmem:s19+$0xA0]  }
0x63: {  	v1 =	vmax.bf16 v1, v5;
	v5 =	vld [tilespmem:s19+$0xC0]  }
0x64: {  	v1 =	vmax.bf16 v1, v6;
	v6 =	vld [tilespmem:s19+$0xE0]  }
0x65: {  	v1 =	vmax.bf16 v1, v2  }
0x66: {  	v1 =	vmax.bf16 v1, v3  }
0x67: {  	v1 =	vmax.bf16 v1, v4  }
0x68: {  	v1 =	vmax.bf16 v1, v5  }
0x69: {  	s22 =	sshra.s32 s23, $0x2;
	v1 =	vmax.bf16 v1, v6  }
0x6a: {  	[tilespmem:v0+s22+$0xFFFFFFF0 ss:$0x1] =	vst.idx.msk $0xffff, v1  }
0x6b: {  	v1 =	vld [tilespmem:s19+$0xFFFFFF50]  }
0x6c: {  	v2 =	vld [tilespmem:s19+$0xFFFFFF10]  }
0x6d: {  	v3 =	vld [tilespmem:s19+$0xFFFFFF30]  }
0x6e: {  	v4 =	vld [tilespmem:s19+$0xFFFFFF70]  }
0x6f: {  	v5 =	vld [tilespmem:s19+$0xFFFFFF90]  }
0x70: {  	v6 =	vld [tilespmem:s19+$0xFFFFFFB0]  }
0x71: {  	v7 =	vld [tilespmem:s19+$0xFFFFFFD0]  }
0x72: {  	v2 =	vmax.bf16 v2, v3;
	v3 =	vld [tilespmem:s19+$0xFFFFFFF0]  }
0x73: {  	v1 =	vmax.bf16 v2, v1;
	v2 =	vld [tilespmem:s19+$0x10]  }
0x74: {  	v1 =	vmax.bf16 v1, v4;
	v4 =	vld [tilespmem:s19+$0x30]  }
0x75: {  	v1 =	vmax.bf16 v1, v5;
	v5 =	vld [tilespmem:s19+$0x50]  }
0x76: {  	v1 =	vmax.bf16 v1, v6;
	v6 =	vld [tilespmem:s19+$0x70]  }
0x77: {  	v1 =	vmax.bf16 v1, v7;
	v7 =	vld [tilespmem:s19+$0x90]  }
0x78: {  	v1 =	vmax.bf16 v1, v3;
	v3 =	vld [tilespmem:s19+$0xB0]  }
0x79: {  	v2 =	vmax.bf16 v1, v2;
	v1 =	vld [tilespmem:s19+$0xD0]  }
.Ltmp0:
0x7a: {  	v4 =	vmax.bf16 v2, v4;
	v2 =	vld [tilespmem:s19+$0xF0];
	(pc) =	sbr.rel @p2 .LBB2_3-.Ltmp0, $4  }
0x7b: {  	v4 =	vmax.bf16 v4, v5  }
0x7c: {  	v4 =	vmax.bf16 v4, v6  }
0x7d: {  	v4 =	vmax.bf16 v4, v7  }
0x7e: {  	v3 =	vmax.bf16 v4, v3  }
0x7f: {  	s18 =	smul.u32 $0x50, s18;
	_ =	sdelay $0x1  }
0x80: {  	p2 =	sne.s32 s17, s7;
	s18 =	sadd.s32 s5, s18  }
.Ltmp1:
0x81: {  	v1 =	vmax.bf16 v3, v1;
	s18 =	sshll.u32 s18, $0x2;
	(pc) =	sbr.rel @p2 .LBB2_2-.Ltmp1, $4  }
0x82: {  	v1 =	vmax.bf16 v1, v2;
	s18 =	sand.u32 $0xFFFFFC0, s18  }
0x83: {  	[tilespmem:v0+s22+$0x0 ss:$0x1] =	vst.idx.msk $0xffff, v1;
	s18 =	sadd.s32 s6, s18  }
0x84: {  	[hbm4b:s18+s3] =	stream.linear.scatter [tilespmem:s20], [sflag:$0x3], $0xA00, $0x38;
	[tilespmem:$0x15E00] =	vst v63  }
0x85: {  	p1 =	por !p1, !p1;
	s18 =	smov.u32 s17  }
0x86: {  	s16 =	sadd.s32 $0x1, s16  }
0x87: {  	p1 =	sne.s32 s16, s10  }
.Ltmp2:
0x88: {  	_ = 	snop;
	(pc) =	sbr.rel @p1 .LBB2_1-.Ltmp2, $4  }
0x89: {  	_ = 	snop  }
0x8a: {  	_ =	swait.ge [sflag:s15], $0xA00  }
0x8b: {  	[sflag:s15] =	ssyncset.done $0x0  }
0x8c: {  	[sflag:s15] =	ssyncadd.s32 $0xFFFFF600  }
0x8d: {  	_ =	sfence.sel $0x180000  }
0x8e: {  	[bflag:$0x0] =	sbarrier.arrive $0xFFFF  }
0x8f: {  	p0 =	sne.s32 s2, $0x0;
	_ =	strace $0x90000053  }
0x90: {  	s0 =	sadd.s32 @!p0 $0x100000, s0;
	[bflag:$0x2] =	sbarrier.arrive $0xFFFF  }
0x91: {  	[sflag:s0] =	ssyncadd.tile.s32 @!p0 $0x1;
	_ =	shalt  }
.Lfunc_end2:
_tile_overlayer_lowered:
.L_overlay_start_2:
0x92: {  	(tag) =	ssettag $0x2  }
0x93: {  	s0 =	rddreg [dreg:$0x0];
	s2 =	stileid.u32  }
0x94: {  	s1 =	rddreg [dreg:$0x1];
	p0 =	sne.s32 s2, $0x0  }
0x95: {  	s3 =	rddreg [dreg:$0x2];
	[bflag:$0x3] =	sbarrier.arrive $0xFFFF;
	s2 =	simm.s32 @!p0 $0x1C04  }
0x96: {  	[timem:s3], [sflag:s2] =	dma.local @!p0 [hbm:s0], s1  }
0x97: {  	s0 =	simm.s32 @!p0 $0x4  }
0x98: {  	_ =	swait.ge @!p0 [sflag:s0], s1  }
0x99: {  	s1 =	ssub.s32 @!p0 $0x0, s1;
	[sflag:s0] =	ssyncset.done @!p0 $0x0  }
0x9a: {  	[sflag:s0] =	ssyncadd.s32 @!p0 s1  }
0x9b: {  	[bflag:$0x3] =	sbarrier.arrive $0xFFFF  }
0x9c: {  	_ =	shalt  }

</sc_bundles>
